<compile_context>
chip_gen: v7x
topology: tpu7x:2x2x1
jax: 0.10.2.dev20260603
libtpu: 0.0.44.dev20260713+nightly
codegen_flags: <defaults>
</compile_context>

<pallas_src>
import functools

import numpy as np

import jax
import jax.numpy as jnp
from jax import lax
from jax.experimental import pallas as pl
from jax.experimental.pallas import tpu as pltpu
from jax.experimental.pallas import tpu_sc as plsc

_V = 50
_B = 1024
_D = 64
_K = 20
_KH = _K // 2
_NC = 2
_NS = 16
_NW = _NC * _NS
_BPW = _B // _NW
_LANES = 16
_NJ = _D // _LANES

_OIDX = np.arange(_V, dtype=np.int32)[None, :] * _B + \
    np.arange(_B, dtype=np.int32)[:, None]


def _tree_sum(terms):
    while len(terms) > 1:
        nxt = [terms[i] + terms[i + 1] for i in range(0, len(terms) - 1, 2)]
        if len(terms) % 2:
            nxt.append(terms[-1])
        terms = nxt
    return terms[0]


def _sc_body(table, xr, pos, oidx, out, xb_v, oidx_v, pos_v, rows_v, acc_v,
             gsem0, gsem1, ssem):
    wid = lax.axis_index("s") * _NC + lax.axis_index("c")
    bbase = wid * _BPW
    gsems = (gsem0, gsem1)

    pltpu.sync_copy(xr.at[pl.ds(bbase, _BPW)], xb_v)
    pltpu.sync_copy(oidx.at[pl.ds(bbase, _BPW)], oidx_v)
    pltpu.sync_copy(pos, pos_v)

    def issue(bb, h):
        for d in range(_KH):
            pltpu.async_copy(table.at[xb_v.at[bb, h * _KH + d]],
                             rows_v.at[h, d], gsems[h])

    def gwait(h):
        for d in range(_KH):
            pltpu.make_async_copy(table.at[xb_v.at[0, d]], rows_v.at[h, d],
                                  gsems[h]).wait()

    def swait():
        pltpu.make_async_copy(acc_v.at[0], out.at[oidx_v.at[0]], ssem).wait()

    issue(0, 0)
    issue(0, 1)

    def pair(t, carry):
        for u in range(2):
            bb = 2 * t + u

            gwait(0)

            @pl.when(bb >= 2)
            def _():
                swait()

            def row_lo(rr, carry3, u=u):
                for j in range(_NJ):
                    sl = pl.ds(j * _LANES, _LANES)
                    acc = _tree_sum(
                        [pos_v[rr, sl]] +
                        [rows_v[0, d, rr, sl] for d in range(_KH)])
                    acc_v[u, rr, sl] = acc
                return carry3

            lax.fori_loop(0, _V, row_lo, 0)

            @pl.when(bb + 1 < _BPW)
            def _(bb=bb):
                issue(bb + 1, 0)

            gwait(1)

            def row_hi(rr, carry3, u=u):
                for j in range(_NJ):
                    sl = pl.ds(j * _LANES, _LANES)
                    acc = _tree_sum(
                        [acc_v[u, rr, sl]] +
                        [rows_v[1, d, rr, sl] for d in range(_KH)])
                    acc_v[u, rr, sl] = acc
                return carry3

            lax.fori_loop(0, _V, row_hi, 0)

            @pl.when(bb + 1 < _BPW)
            def _(bb=bb):
                issue(bb + 1, 1)

            pltpu.async_copy(acc_v.at[u], out.at[oidx_v.at[bb]], ssem)
        return carry

    lax.fori_loop(0, _BPW // 2, pair, 0)

    swait()
    swait()


_mesh = plsc.VectorSubcoreMesh(core_axis_name="c", subcore_axis_name="s")

_sc_call = functools.partial(
    pl.kernel,
    out_type=jax.ShapeDtypeStruct((_V * _B, _D), jnp.float32),
    mesh=_mesh,
    scratch_types=[
        pltpu.VMEM((_BPW, _K, _V), jnp.int32),
        pltpu.VMEM((_BPW, _V), jnp.int32),
        pltpu.VMEM((_V, _D), jnp.float32),
        pltpu.VMEM((2, _KH, _V, _D), jnp.float32),
        pltpu.VMEM((2, _V, _D), jnp.float32),
        pltpu.SemaphoreType.DMA,
        pltpu.SemaphoreType.DMA,
        pltpu.SemaphoreType.DMA,
    ],
    compiler_params=pltpu.CompilerParams(use_tc_tiling_on_sc=False),
)(_sc_body)


def kernel(x, emb_diag, emb_pos):
    x = x.astype(jnp.int32)
    out = _sc_call(emb_diag, x, emb_pos, jnp.asarray(_OIDX))
    return out.reshape(_V, _B, _D)

# --- scband reference (transcript-rebuilt; emitter-appended) ---
"""Pipeline reference for scband-embedding-61117384622161 (READ-ONLY COPY).

The authoritative reference and input builder live on the scoring server;
editing this copy changes nothing except your own understanding.
"""

import jax, jax.numpy as jnp
import numpy as np

VOCAB = 100000
MAX_VISITS = 50
EMB_DIM = 64
BATCH = 1024
MAX_DIAG = 20


def setup_inputs(seed: int = 0) -> dict:
    key = jax.random.key(seed)
    k1, k2, k3 = jax.random.split(key, 3)
    x = jax.random.randint(k1, (BATCH, MAX_DIAG, MAX_VISITS), 0, VOCAB)
    emb_diag = jax.random.normal(k2, (VOCAB, EMB_DIM), dtype=jnp.float32) * 0.02
    # padding_idx=0: row 0 initialized to zeros
    emb_diag = emb_diag.at[0].set(0.0)
    emb_pos = jax.random.normal(k3, (MAX_VISITS, EMB_DIM), dtype=jnp.float32) * 0.02
    return {"x": x, "emb_diag": emb_diag, "emb_pos": emb_pos}


def reference(x, emb_diag, emb_pos):
    # x: (B, max_diag, max_visits) int indices
    B = x.shape[0]
    V = x.shape[-1]
    pos = jnp.arange(V)
    pos = jnp.broadcast_to(pos[None, :], (B, V))          # pos.repeat(B, 1)
    pos_emb = jnp.take(emb_pos, pos, axis=0)               # (B, V, D)
    diag = jnp.take(emb_diag, x, axis=0)                   # (B, max_diag, V, D)
    # padding_idx=0 semantics: padded entries contribute zero
    mask = (x != 0)[..., None]
    diag = jnp.where(mask, diag, 0.0)
    emb = diag.sum(axis=1)                                 # (B, V, D)
    emb = emb + pos_emb
    emb = jnp.transpose(emb, (1, 0, 2))                    # (V, B, D)
    return emb

if __name__ == "__main__":
    import jax
    _d = setup_inputs()
    print(jax.jit(kernel)(*tuple(_d.values())))

</pallas_src>

<mosaic_0001>
#map = affine_map<(d0, d1) -> (0, 0)>
#map1 = affine_map<(d0, d1) -> (0, 0, 0)>
module attributes {stable_mosaic.version = 14 : i64} {
  func.func @_sc_body(%arg0: i32, %arg1: i32, %arg2: memref<100000x64xf32, #tpu.memory_space<hbm>>, %arg3: memref<1024x20x50xi32, #tpu.memory_space<hbm>>, %arg4: memref<50x64xf32, #tpu.memory_space<hbm>>, %arg5: memref<1024x50xi32, #tpu.memory_space<hbm>>, %arg6: memref<51200x64xf32, #tpu.memory_space<hbm>>, %arg7: memref<32x20x50xi32, #tpu.memory_space<vmem>>, %arg8: memref<32x50xi32, #tpu.memory_space<vmem>>, %arg9: memref<50x64xf32, #tpu.memory_space<vmem>>, %arg10: memref<2x10x50x64xf32, #tpu.memory_space<vmem>>, %arg11: memref<2x50x64xf32, #tpu.memory_space<vmem>>, %arg12: memref<!tpu.dma_semaphore, #tpu.memory_space<semaphore_mem>>, %arg13: memref<!tpu.dma_semaphore, #tpu.memory_space<semaphore_mem>>, %arg14: memref<!tpu.dma_semaphore, #tpu.memory_space<semaphore_mem>>) attributes {dimension_semantics = [#tpu.dimension_semantics<core_parallel>, #tpu.dimension_semantics<subcore_parallel>], iteration_bounds = array<i64: 2, 16>, scalar_prefetch = 0 : i64, scratch_operands = 8 : i64, tpu.core_type = #tpu.core_type<sc_vector_subcore>, window_params = [{transform_indices = #map}, {transform_indices = #map1}, {transform_indices = #map}, {transform_indices = #map}, {transform_indices = #map}]} {
    %mul3A = arith.constant 2 : i32
    %mul3A_0 = arith.muli %arg1, %mul3A : i32
    %add3A = arith.addi %mul3A_0, %arg0 : i32
    %mul3A_1 = arith.constant 32 : i32
    %mul3A_2 = arith.muli %add3A, %mul3A_1 : i32
    "tpu.region"() ({
      %run_scoped3A = tpu.sem_alloc : memref<!tpu.dma_semaphore, #tpu.memory_space<semaphore_mem>>
      %dma_start3A_310 = arith.constant 0 : i32
      %dma_start3A_311 = arith.constant 0 : i32
      %dma_start3A_312 = tpu.memref_slice %arg3[%mul3A_2, %dma_start3A_310, %dma_start3A_311] : memref<1024x20x50xi32, #tpu.memory_space<hbm>> -> memref<32x20x50xi32, #tpu.memory_space<hbm>>
      %dma_start3A_313 = arith.constant 0 : i32
      %dma_start3A_314 = arith.constant 0 : i32
      %dma_start3A_315 = tpu.memref_slice %arg3[%mul3A_2, %dma_start3A_313, %dma_start3A_314] : memref<1024x20x50xi32, #tpu.memory_space<hbm>> -> memref<32x20x50xi32, #tpu.memory_space<hbm>>
      tpu.enqueue_dma source(%dma_start3A_315 : memref<32x20x50xi32, #tpu.memory_space<hbm>>) target(%arg7 : memref<32x20x50xi32, #tpu.memory_space<vmem>>) target_semaphore(%run_scoped3A : memref<!tpu.dma_semaphore, #tpu.memory_space<semaphore_mem>>)
      %dma_wait3A_316 = arith.constant 0 : i32
      %dma_wait3A_317 = arith.constant 0 : i32
      %dma_wait3A_318 = tpu.memref_slice %arg3[%mul3A_2, %dma_wait3A_316, %dma_wait3A_317] : memref<1024x20x50xi32, #tpu.memory_space<hbm>> -> memref<32x20x50xi32, #tpu.memory_space<hbm>>
      %dma_wait3A_319 = arith.constant 0 : i32
      %dma_wait3A_320 = arith.constant 0 : i32
      %dma_wait3A_321 = tpu.memref_slice %arg3[%mul3A_2, %dma_wait3A_319, %dma_wait3A_320] : memref<1024x20x50xi32, #tpu.memory_space<hbm>> -> memref<32x20x50xi32, #tpu.memory_space<hbm>>
      tpu.wait_dma2 semaphore(%run_scoped3A : memref<!tpu.dma_semaphore, #tpu.memory_space<semaphore_mem>>) src(%dma_wait3A_321 : memref<32x20x50xi32, #tpu.memory_space<hbm>>) dst(%arg7 : memref<32x20x50xi32, #tpu.memory_space<vmem>>)
      tpu.yield
    }) : () -> ()
    "tpu.region"() ({
      %run_scoped3A = tpu.sem_alloc : memref<!tpu.dma_semaphore, #tpu.memory_space<semaphore_mem>>
      %dma_start3A_310 = arith.constant 0 : i32
      %dma_start3A_311 = tpu.memref_slice %arg5[%mul3A_2, %dma_start3A_310] : memref<1024x50xi32, #tpu.memory_space<hbm>> -> memref<32x50xi32, #tpu.memory_space<hbm>>
      %dma_start3A_312 = arith.constant 0 : i32
      %dma_start3A_313 = tpu.memref_slice %arg5[%mul3A_2, %dma_start3A_312] : memref<1024x50xi32, #tpu.memory_space<hbm>> -> memref<32x50xi32, #tpu.memory_space<hbm>>
      tpu.enqueue_dma source(%dma_start3A_313 : memref<32x50xi32, #tpu.memory_space<hbm>>) target(%arg8 : memref<32x50xi32, #tpu.memory_space<vmem>>) target_semaphore(%run_scoped3A : memref<!tpu.dma_semaphore, #tpu.memory_space<semaphore_mem>>)
      %dma_wait3A_314 = arith.constant 0 : i32
      %dma_wait3A_315 = tpu.memref_slice %arg5[%mul3A_2, %dma_wait3A_314] : memref<1024x50xi32, #tpu.memory_space<hbm>> -> memref<32x50xi32, #tpu.memory_space<hbm>>
      %dma_wait3A_316 = arith.constant 0 : i32
      %dma_wait3A_317 = tpu.memref_slice %arg5[%mul3A_2, %dma_wait3A_316] : memref<1024x50xi32, #tpu.memory_space<hbm>> -> memref<32x50xi32, #tpu.memory_space<hbm>>
      tpu.wait_dma2 semaphore(%run_scoped3A : memref<!tpu.dma_semaphore, #tpu.memory_space<semaphore_mem>>) src(%dma_wait3A_317 : memref<32x50xi32, #tpu.memory_space<hbm>>) dst(%arg8 : memref<32x50xi32, #tpu.memory_space<vmem>>)
      tpu.yield
    }) : () -> ()
    "tpu.region"() ({
      %run_scoped3A = tpu.sem_alloc : memref<!tpu.dma_semaphore, #tpu.memory_space<semaphore_mem>>
      tpu.enqueue_dma source(%arg4 : memref<50x64xf32, #tpu.memory_space<hbm>>) target(%arg9 : memref<50x64xf32, #tpu.memory_space<vmem>>) target_semaphore(%run_scoped3A : memref<!tpu.dma_semaphore, #tpu.memory_space<semaphore_mem>>)
      tpu.wait_dma2 semaphore(%run_scoped3A : memref<!tpu.dma_semaphore, #tpu.memory_space<semaphore_mem>>) src(%arg4 : memref<50x64xf32, #tpu.memory_space<hbm>>) dst(%arg9 : memref<50x64xf32, #tpu.memory_space<vmem>>)
      tpu.yield
    }) : () -> ()
    %dma_start3A = arith.constant 0 : i32
    %dma_start3A_3 = arith.constant 0 : i32
    %dma_start3A_4 = arith.constant 0 : i32
    %dma_start3A_5 = arith.constant 0 : i32
    %dma_start3A_6 = arith.constant 0 : i32
    %dma_start3A_7 = arith.constant 0 : i32
    %dma_start3A_8 = tpu.memref_slice %arg10[%dma_start3A_4, %dma_start3A_5, %dma_start3A_6, %dma_start3A_7] : memref<2x10x50x64xf32, #tpu.memory_space<vmem>> -> memref<1x1x50x64xf32, #tpu.memory_space<vmem>>
    %dma_start3A_9 = tpu.memref_squeeze %dma_start3A_8 : memref<1x1x50x64xf32, #tpu.memory_space<vmem>> -> memref<50x64xf32, #tpu.memory_space<vmem>>
    %dma_start3A_10 = arith.constant 0 : i32
    %dma_start3A_11 = tpu.memref_slice %arg7[%dma_start3A, %dma_start3A_3, %dma_start3A_10] : memref<32x20x50xi32, #tpu.memory_space<vmem>> -> memref<1x1x50xi32, #tpu.memory_space<vmem>>
    %dma_start3A_12 = tpu.memref_squeeze %dma_start3A_11 : memref<1x1x50xi32, #tpu.memory_space<vmem>> -> memref<50xi32, #tpu.memory_space<vmem>>
    %dma_start3A_13 = arith.constant 0 : i32
    %dma_start3A_14 = arith.constant 0 : i32
    %dma_start3A_15 = tpu.memref_slice %arg2[%dma_start3A_13, %dma_start3A_14] : memref<100000x64xf32, #tpu.memory_space<hbm>> -> memref<100000x64xf32, #tpu.memory_space<hbm>>
    tpu.enqueue_indirect_dma source(%dma_start3A_15 : memref<100000x64xf32, #tpu.memory_space<hbm>>) target(%dma_start3A_9 : memref<50x64xf32, #tpu.memory_space<vmem>>) offsets(%dma_start3A_12 : memref<50xi32, #tpu.memory_space<vmem>>) semaphore(%arg12 : memref<!tpu.dma_semaphore, #tpu.memory_space<semaphore_mem>>)
    %dma_start3A_16 = arith.constant 0 : i32
    %dma_start3A_17 = arith.constant 1 : i32
    %dma_start3A_18 = arith.constant 0 : i32
    %dma_start3A_19 = arith.constant 1 : i32
    %dma_start3A_20 = arith.constant 0 : i32
    %dma_start3A_21 = arith.constant 0 : i32
    %dma_start3A_22 = tpu.memref_slice %arg10[%dma_start3A_18, %dma_start3A_19, %dma_start3A_20, %dma_start3A_21] : memref<2x10x50x64xf32, #tpu.memory_space<vmem>> -> memref<1x1x50x64xf32, #tpu.memory_space<vmem>>
    %dma_start3A_23 = tpu.memref_squeeze %dma_start3A_22 : memref<1x1x50x64xf32, #tpu.memory_space<vmem>> -> memref<50x64xf32, #tpu.memory_space<vmem>>
    %dma_start3A_24 = arith.constant 0 : i32
    %dma_start3A_25 = tpu.memref_slice %arg7[%dma_start3A_16, %dma_start3A_17, %dma_start3A_24] : memref<32x20x50xi32, #tpu.memory_space<vmem>> -> memref<1x1x50xi32, #tpu.memory_space<vmem>>
    %dma_start3A_26 = tpu.memref_squeeze %dma_start3A_25 : memref<1x1x50xi32, #tpu.memory_space<vmem>> -> memref<50xi32, #tpu.memory_space<vmem>>
    %dma_start3A_27 = arith.constant 0 : i32
    %dma_start3A_28 = arith.constant 0 : i32
    %dma_start3A_29 = tpu.memref_slice %arg2[%dma_start3A_27, %dma_start3A_28] : memref<100000x64xf32, #tpu.memory_space<hbm>> -> memref<100000x64xf32, #tpu.memory_space<hbm>>
    tpu.enqueue_indirect_dma source(%dma_start3A_29 : memref<100000x64xf32, #tpu.memory_space<hbm>>) target(%dma_start3A_23 : memref<50x64xf32, #tpu.memory_space<vmem>>) offsets(%dma_start3A_26 : memref<50xi32, #tpu.memory_space<vmem>>) semaphore(%arg12 : memref<!tpu.dma_semaphore, #tpu.memory_space<semaphore_mem>>)
    %dma_start3A_30 = arith.constant 0 : i32
    %dma_start3A_31 = arith.constant 2 : i32
    %dma_start3A_32 = arith.constant 0 : i32
    %dma_start3A_33 = arith.constant 2 : i32
    %dma_start3A_34 = arith.constant 0 : i32
    %dma_start3A_35 = arith.constant 0 : i32
    %dma_start3A_36 = tpu.memref_slice %arg10[%dma_start3A_32, %dma_start3A_33, %dma_start3A_34, %dma_start3A_35] : memref<2x10x50x64xf32, #tpu.memory_space<vmem>> -> memref<1x1x50x64xf32, #tpu.memory_space<vmem>>
    %dma_start3A_37 = tpu.memref_squeeze %dma_start3A_36 : memref<1x1x50x64xf32, #tpu.memory_space<vmem>> -> memref<50x64xf32, #tpu.memory_space<vmem>>
    %dma_start3A_38 = arith.constant 0 : i32
    %dma_start3A_39 = tpu.memref_slice %arg7[%dma_start3A_30, %dma_start3A_31, %dma_start3A_38] : memref<32x20x50xi32, #tpu.memory_space<vmem>> -> memref<1x1x50xi32, #tpu.memory_space<vmem>>
    %dma_start3A_40 = tpu.memref_squeeze %dma_start3A_39 : memref<1x1x50xi32, #tpu.memory_space<vmem>> -> memref<50xi32, #tpu.memory_space<vmem>>
    %dma_start3A_41 = arith.constant 0 : i32
    %dma_start3A_42 = arith.constant 0 : i32
    %dma_start3A_43 = tpu.memref_slice %arg2[%dma_start3A_41, %dma_start3A_42] : memref<100000x64xf32, #tpu.memory_space<hbm>> -> memref<100000x64xf32, #tpu.memory_space<hbm>>
    tpu.enqueue_indirect_dma source(%dma_start3A_43 : memref<100000x64xf32, #tpu.memory_space<hbm>>) target(%dma_start3A_37 : memref<50x64xf32, #tpu.memory_space<vmem>>) offsets(%dma_start3A_40 : memref<50xi32, #tpu.memory_space<vmem>>) semaphore(%arg12 : memref<!tpu.dma_semaphore, #tpu.memory_space<semaphore_mem>>)
    %dma_start3A_44 = arith.constant 0 : i32
    %dma_start3A_45 = arith.constant 3 : i32
    %dma_start3A_46 = arith.constant 0 : i32
    %dma_start3A_47 = arith.constant 3 : i32
    %dma_start3A_48 = arith.constant 0 : i32
    %dma_start3A_49 = arith.constant 0 : i32
    %dma_start3A_50 = tpu.memref_slice %arg10[%dma_start3A_46, %dma_start3A_47, %dma_start3A_48, %dma_start3A_49] : memref<2x10x50x64xf32, #tpu.memory_space<vmem>> -> memref<1x1x50x64xf32, #tpu.memory_space<vmem>>
    %dma_start3A_51 = tpu.memref_squeeze %dma_start3A_50 : memref<1x1x50x64xf32, #tpu.memory_space<vmem>> -> memref<50x64xf32, #tpu.memory_space<vmem>>
    %dma_start3A_52 = arith.constant 0 : i32
    %dma_start3A_53 = tpu.memref_slice %arg7[%dma_start3A_44, %dma_start3A_45, %dma_start3A_52] : memref<32x20x50xi32, #tpu.memory_space<vmem>> -> memref<1x1x50xi32, #tpu.memory_space<vmem>>
    %dma_start3A_54 = tpu.memref_squeeze %dma_start3A_53 : memref<1x1x50xi32, #tpu.memory_space<vmem>> -> memref<50xi32, #tpu.memory_space<vmem>>
    %dma_start3A_55 = arith.constant 0 : i32
    %dma_start3A_56 = arith.constant 0 : i32
    %dma_start3A_57 = tpu.memref_slice %arg2[%dma_start3A_55, %dma_start3A_56] : memref<100000x64xf32, #tpu.memory_space<hbm>> -> memref<100000x64xf32, #tpu.memory_space<hbm>>
    tpu.enqueue_indirect_dma source(%dma_start3A_57 : memref<100000x64xf32, #tpu.memory_space<hbm>>) target(%dma_start3A_51 : memref<50x64xf32, #tpu.memory_space<vmem>>) offsets(%dma_start3A_54 : memref<50xi32, #tpu.memory_space<vmem>>) semaphore(%arg12 : memref<!tpu.dma_semaphore, #tpu.memory_space<semaphore_mem>>)
    %dma_start3A_58 = arith.constant 0 : i32
    %dma_start3A_59 = arith.constant 4 : i32
    %dma_start3A_60 = arith.constant 0 : i32
    %dma_start3A_61 = arith.constant 4 : i32
    %dma_start3A_62 = arith.constant 0 : i32
    %dma_start3A_63 = arith.constant 0 : i32
    %dma_start3A_64 = tpu.memref_slice %arg10[%dma_start3A_60, %dma_start3A_61, %dma_start3A_62, %dma_start3A_63] : memref<2x10x50x64xf32, #tpu.memory_space<vmem>> -> memref<1x1x50x64xf32, #tpu.memory_space<vmem>>
    %dma_start3A_65 = tpu.memref_squeeze %dma_start3A_64 : memref<1x1x50x64xf32, #tpu.memory_space<vmem>> -> memref<50x64xf32, #tpu.memory_space<vmem>>
    %dma_start3A_66 = arith.constant 0 : i32
    %dma_start3A_67 = tpu.memref_slice %arg7[%dma_start3A_58, %dma_start3A_59, %dma_start3A_66] : memref<32x20x50xi32, #tpu.memory_space<vmem>> -> memref<1x1x50xi32, #tpu.memory_space<vmem>>
    %dma_start3A_68 = tpu.memref_squeeze %dma_start3A_67 : memref<1x1x50xi32, #tpu.memory_space<vmem>> -> memref<50xi32, #tpu.memory_space<vmem>>
    %dma_start3A_69 = arith.constant 0 : i32
    %dma_start3A_70 = arith.constant 0 : i32
    %dma_start3A_71 = tpu.memref_slice %arg2[%dma_start3A_69, %dma_start3A_70] : memref<100000x64xf32, #tpu.memory_space<hbm>> -> memref<100000x64xf32, #tpu.memory_space<hbm>>
    tpu.enqueue_indirect_dma source(%dma_start3A_71 : memref<100000x64xf32, #tpu.memory_space<hbm>>) target(%dma_start3A_65 : memref<50x64xf32, #tpu.memory_space<vmem>>) offsets(%dma_start3A_68 : memref<50xi32, #tpu.memory_space<vmem>>) semaphore(%arg12 : memref<!tpu.dma_semaphore, #tpu.memory_space<semaphore_mem>>)
    %dma_start3A_72 = arith.constant 0 : i32
    %dma_start3A_73 = arith.constant 5 : i32
    %dma_start3A_74 = arith.constant 0 : i32
    %dma_start3A_75 = arith.constant 5 : i32
    %dma_start3A_76 = arith.constant 0 : i32
    %dma_start3A_77 = arith.constant 0 : i32
    %dma_start3A_78 = tpu.memref_slice %arg10[%dma_start3A_74, %dma_start3A_75, %dma_start3A_76, %dma_start3A_77] : memref<2x10x50x64xf32, #tpu.memory_space<vmem>> -> memref<1x1x50x64xf32, #tpu.memory_space<vmem>>
    %dma_start3A_79 = tpu.memref_squeeze %dma_start3A_78 : memref<1x1x50x64xf32, #tpu.memory_space<vmem>> -> memref<50x64xf32, #tpu.memory_space<vmem>>
    %dma_start3A_80 = arith.constant 0 : i32
    %dma_start3A_81 = tpu.memref_slice %arg7[%dma_start3A_72, %dma_start3A_73, %dma_start3A_80] : memref<32x20x50xi32, #tpu.memory_space<vmem>> -> memref<1x1x50xi32, #tpu.memory_space<vmem>>
    %dma_start3A_82 = tpu.memref_squeeze %dma_start3A_81 : memref<1x1x50xi32, #tpu.memory_space<vmem>> -> memref<50xi32, #tpu.memory_space<vmem>>
    %dma_start3A_83 = arith.constant 0 : i32
    %dma_start3A_84 = arith.constant 0 : i32
    %dma_start3A_85 = tpu.memref_slice %arg2[%dma_start3A_83, %dma_start3A_84] : memref<100000x64xf32, #tpu.memory_space<hbm>> -> memref<100000x64xf32, #tpu.memory_space<hbm>>
    tpu.enqueue_indirect_dma source(%dma_start3A_85 : memref<100000x64xf32, #tpu.memory_space<hbm>>) target(%dma_start3A_79 : memref<50x64xf32, #tpu.memory_space<vmem>>) offsets(%dma_start3A_82 : memref<50xi32, #tpu.memory_space<vmem>>) semaphore(%arg12 : memref<!tpu.dma_semaphore, #tpu.memory_space<semaphore_mem>>)
    %dma_start3A_86 = arith.constant 0 : i32
    %dma_start3A_87 = arith.constant 6 : i32
    %dma_start3A_88 = arith.constant 0 : i32
    %dma_start3A_89 = arith.constant 6 : i32
    %dma_start3A_90 = arith.constant 0 : i32
    %dma_start3A_91 = arith.constant 0 : i32
    %dma_start3A_92 = tpu.memref_slice %arg10[%dma_start3A_88, %dma_start3A_89, %dma_start3A_90, %dma_start3A_91] : memref<2x10x50x64xf32, #tpu.memory_space<vmem>> -> memref<1x1x50x64xf32, #tpu.memory_space<vmem>>
    %dma_start3A_93 = tpu.memref_squeeze %dma_start3A_92 : memref<1x1x50x64xf32, #tpu.memory_space<vmem>> -> memref<50x64xf32, #tpu.memory_space<vmem>>
    %dma_start3A_94 = arith.constant 0 : i32
    %dma_start3A_95 = tpu.memref_slice %arg7[%dma_start3A_86, %dma_start3A_87, %dma_start3A_94] : memref<32x20x50xi32, #tpu.memory_space<vmem>> -> memref<1x1x50xi32, #tpu.memory_space<vmem>>
    %dma_start3A_96 = tpu.memref_squeeze %dma_start3A_95 : memref<1x1x50xi32, #tpu.memory_space<vmem>> -> memref<50xi32, #tpu.memory_space<vmem>>
    %dma_start3A_97 = arith.constant 0 : i32
    %dma_start3A_98 = arith.constant 0 : i32
    %dma_start3A_99 = tpu.memref_slice %arg2[%dma_start3A_97, %dma_start3A_98] : memref<100000x64xf32, #tpu.memory_space<hbm>> -> memref<100000x64xf32, #tpu.memory_space<hbm>>
    tpu.enqueue_indirect_dma source(%dma_start3A_99 : memref<100000x64xf32, #tpu.memory_space<hbm>>) target(%dma_start3A_93 : memref<50x64xf32, #tpu.memory_space<vmem>>) offsets(%dma_start3A_96 : memref<50xi32, #tpu.memory_space<vmem>>) semaphore(%arg12 : memref<!tpu.dma_semaphore, #tpu.memory_space<semaphore_mem>>)
    %dma_start3A_100 = arith.constant 0 : i32
    %dma_start3A_101 = arith.constant 7 : i32
    %dma_start3A_102 = arith.constant 0 : i32
    %dma_start3A_103 = arith.constant 7 : i32
    %dma_start3A_104 = arith.constant 0 : i32
    %dma_start3A_105 = arith.constant 0 : i32
    %dma_start3A_106 = tpu.memref_slice %arg10[%dma_start3A_102, %dma_start3A_103, %dma_start3A_104, %dma_start3A_105] : memref<2x10x50x64xf32, #tpu.memory_space<vmem>> -> memref<1x1x50x64xf32, #tpu.memory_space<vmem>>
    %dma_start3A_107 = tpu.memref_squeeze %dma_start3A_106 : memref<1x1x50x64xf32, #tpu.memory_space<vmem>> -> memref<50x64xf32, #tpu.memory_space<vmem>>
    %dma_start3A_108 = arith.constant 0 : i32
    %dma_start3A_109 = tpu.memref_slice %arg7[%dma_start3A_100, %dma_start3A_101, %dma_start3A_108] : memref<32x20x50xi32, #tpu.memory_space<vmem>> -> memref<1x1x50xi32, #tpu.memory_space<vmem>>
    %dma_start3A_110 = tpu.memref_squeeze %dma_start3A_109 : memref<1x1x50xi32, #tpu.memory_space<vmem>> -> memref<50xi32, #tpu.memory_space<vmem>>
    %dma_start3A_111 = arith.constant 0 : i32
    %dma_start3A_112 = arith.constant 0 : i32
    %dma_start3A_113 = tpu.memref_slice %arg2[%dma_start3A_111, %dma_start3A_112] : memref<100000x64xf32, #tpu.memory_space<hbm>> -> memref<100000x64xf32, #tpu.memory_space<hbm>>
    tpu.enqueue_indirect_dma source(%dma_start3A_113 : memref<100000x64xf32, #tpu.memory_space<hbm>>) target(%dma_start3A_107 : memref<50x64xf32, #tpu.memory_space<vmem>>) offsets(%dma_start3A_110 : memref<50xi32, #tpu.memory_space<vmem>>) semaphore(%arg12 : memref<!tpu.dma_semaphore, #tpu.memory_space<semaphore_mem>>)
    %dma_start3A_114 = arith.constant 0 : i32
    %dma_start3A_115 = arith.constant 8 : i32
    %dma_start3A_116 = arith.constant 0 : i32
    %dma_start3A_117 = arith.constant 8 : i32
    %dma_start3A_118 = arith.constant 0 : i32
    %dma_start3A_119 = arith.constant 0 : i32
    %dma_start3A_120 = tpu.memref_slice %arg10[%dma_start3A_116, %dma_start3A_117, %dma_start3A_118, %dma_start3A_119] : memref<2x10x50x64xf32, #tpu.memory_space<vmem>> -> memref<1x1x50x64xf32, #tpu.memory_space<vmem>>
    %dma_start3A_121 = tpu.memref_squeeze %dma_start3A_120 : memref<1x1x50x64xf32, #tpu.memory_space<vmem>> -> memref<50x64xf32, #tpu.memory_space<vmem>>
    %dma_start3A_122 = arith.constant 0 : i32
    %dma_start3A_123 = tpu.memref_slice %arg7[%dma_start3A_114, %dma_start3A_115, %dma_start3A_122] : memref<32x20x50xi32, #tpu.memory_space<vmem>> -> memref<1x1x50xi32, #tpu.memory_space<vmem>>
    %dma_start3A_124 = tpu.memref_squeeze %dma_start3A_123 : memref<1x1x50xi32, #tpu.memory_space<vmem>> -> memref<50xi32, #tpu.memory_space<vmem>>
    %dma_start3A_125 = arith.constant 0 : i32
    %dma_start3A_126 = arith.constant 0 : i32
    %dma_start3A_127 = tpu.memref_slice %arg2[%dma_start3A_125, %dma_start3A_126] : memref<100000x64xf32, #tpu.memory_space<hbm>> -> memref<100000x64xf32, #tpu.memory_space<hbm>>
    tpu.enqueue_indirect_dma source(%dma_start3A_127 : memref<100000x64xf32, #tpu.memory_space<hbm>>) target(%dma_start3A_121 : memref<50x64xf32, #tpu.memory_space<vmem>>) offsets(%dma_start3A_124 : memref<50xi32, #tpu.memory_space<vmem>>) semaphore(%arg12 : memref<!tpu.dma_semaphore, #tpu.memory_space<semaphore_mem>>)
    %dma_start3A_128 = arith.constant 0 : i32
    %dma_start3A_129 = arith.constant 9 : i32
    %dma_start3A_130 = arith.constant 0 : i32
    %dma_start3A_131 = arith.constant 9 : i32
    %dma_start3A_132 = arith.constant 0 : i32
    %dma_start3A_133 = arith.constant 0 : i32
    %dma_start3A_134 = tpu.memref_slice %arg10[%dma_start3A_130, %dma_start3A_131, %dma_start3A_132, %dma_start3A_133] : memref<2x10x50x64xf32, #tpu.memory_space<vmem>> -> memref<1x1x50x64xf32, #tpu.memory_space<vmem>>
    %dma_start3A_135 = tpu.memref_squeeze %dma_start3A_134 : memref<1x1x50x64xf32, #tpu.memory_space<vmem>> -> memref<50x64xf32, #tpu.memory_space<vmem>>
    %dma_start3A_136 = arith.constant 0 : i32
    %dma_start3A_137 = tpu.memref_slice %arg7[%dma_start3A_128, %dma_start3A_129, %dma_start3A_136] : memref<32x20x50xi32, #tpu.memory_space<vmem>> -> memref<1x1x50xi32, #tpu.memory_space<vmem>>
    %dma_start3A_138 = tpu.memref_squeeze %dma_start3A_137 : memref<1x1x50xi32, #tpu.memory_space<vmem>> -> memref<50xi32, #tpu.memory_space<vmem>>
    %dma_start3A_139 = arith.constant 0 : i32
    %dma_start3A_140 = arith.constant 0 : i32
    %dma_start3A_141 = tpu.memref_slice %arg2[%dma_start3A_139, %dma_start3A_140] : memref<100000x64xf32, #tpu.memory_space<hbm>> -> memref<100000x64xf32, #tpu.memory_space<hbm>>
    tpu.enqueue_indirect_dma source(%dma_start3A_141 : memref<100000x64xf32, #tpu.memory_space<hbm>>) target(%dma_start3A_135 : memref<50x64xf32, #tpu.memory_space<vmem>>) offsets(%dma_start3A_138 : memref<50xi32, #tpu.memory_space<vmem>>) semaphore(%arg12 : memref<!tpu.dma_semaphore, #tpu.memory_space<semaphore_mem>>)
    %dma_start3A_142 = arith.constant 0 : i32
    %dma_start3A_143 = arith.constant 10 : i32
    %dma_start3A_144 = arith.constant 1 : i32
    %dma_start3A_145 = arith.constant 0 : i32
    %dma_start3A_146 = arith.constant 0 : i32
    %dma_start3A_147 = arith.constant 0 : i32
    %dma_start3A_148 = tpu.memref_slice %arg10[%dma_start3A_144, %dma_start3A_145, %dma_start3A_146, %dma_start3A_147] : memref<2x10x50x64xf32, #tpu.memory_space<vmem>> -> memref<1x1x50x64xf32, #tpu.memory_space<vmem>>
    %dma_start3A_149 = tpu.memref_squeeze %dma_start3A_148 : memref<1x1x50x64xf32, #tpu.memory_space<vmem>> -> memref<50x64xf32, #tpu.memory_space<vmem>>
    %dma_start3A_150 = arith.constant 0 : i32
    %dma_start3A_151 = tpu.memref_slice %arg7[%dma_start3A_142, %dma_start3A_143, %dma_start3A_150] : memref<32x20x50xi32, #tpu.memory_space<vmem>> -> memref<1x1x50xi32, #tpu.memory_space<vmem>>
    %dma_start3A_152 = tpu.memref_squeeze %dma_start3A_151 : memref<1x1x50xi32, #tpu.memory_space<vmem>> -> memref<50xi32, #tpu.memory_space<vmem>>
    %dma_start3A_153 = arith.constant 0 : i32
    %dma_start3A_154 = arith.constant 0 : i32
    %dma_start3A_155 = tpu.memref_slice %arg2[%dma_start3A_153, %dma_start3A_154] : memref<100000x64xf32, #tpu.memory_space<hbm>> -> memref<100000x64xf32, #tpu.memory_space<hbm>>
    tpu.enqueue_indirect_dma source(%dma_start3A_155 : memref<100000x64xf32, #tpu.memory_space<hbm>>) target(%dma_start3A_149 : memref<50x64xf32, #tpu.memory_space<vmem>>) offsets(%dma_start3A_152 : memref<50xi32, #tpu.memory_space<vmem>>) semaphore(%arg13 : memref<!tpu.dma_semaphore, #tpu.memory_space<semaphore_mem>>)
    %dma_start3A_156 = arith.constant 0 : i32
    %dma_start3A_157 = arith.constant 11 : i32
    %dma_start3A_158 = arith.constant 1 : i32
    %dma_start3A_159 = arith.constant 1 : i32
    %dma_start3A_160 = arith.constant 0 : i32
    %dma_start3A_161 = arith.constant 0 : i32
    %dma_start3A_162 = tpu.memref_slice %arg10[%dma_start3A_158, %dma_start3A_159, %dma_start3A_160, %dma_start3A_161] : memref<2x10x50x64xf32, #tpu.memory_space<vmem>> -> memref<1x1x50x64xf32, #tpu.memory_space<vmem>>
    %dma_start3A_163 = tpu.memref_squeeze %dma_start3A_162 : memref<1x1x50x64xf32, #tpu.memory_space<vmem>> -> memref<50x64xf32, #tpu.memory_space<vmem>>
    %dma_start3A_164 = arith.constant 0 : i32
    %dma_start3A_165 = tpu.memref_slice %arg7[%dma_start3A_156, %dma_start3A_157, %dma_start3A_164] : memref<32x20x50xi32, #tpu.memory_space<vmem>> -> memref<1x1x50xi32, #tpu.memory_space<vmem>>
    %dma_start3A_166 = tpu.memref_squeeze %dma_start3A_165 : memref<1x1x50xi32, #tpu.memory_space<vmem>> -> memref<50xi32, #tpu.memory_space<vmem>>
    %dma_start3A_167 = arith.constant 0 : i32
    %dma_start3A_168 = arith.constant 0 : i32
    %dma_start3A_169 = tpu.memref_slice %arg2[%dma_start3A_167, %dma_start3A_168] : memref<100000x64xf32, #tpu.memory_space<hbm>> -> memref<100000x64xf32, #tpu.memory_space<hbm>>
    tpu.enqueue_indirect_dma source(%dma_start3A_169 : memref<100000x64xf32, #tpu.memory_space<hbm>>) target(%dma_start3A_163 : memref<50x64xf32, #tpu.memory_space<vmem>>) offsets(%dma_start3A_166 : memref<50xi32, #tpu.memory_space<vmem>>) semaphore(%arg13 : memref<!tpu.dma_semaphore, #tpu.memory_space<semaphore_mem>>)
    %dma_start3A_170 = arith.constant 0 : i32
    %dma_start3A_171 = arith.constant 12 : i32
    %dma_start3A_172 = arith.constant 1 : i32
    %dma_start3A_173 = arith.constant 2 : i32
    %dma_start3A_174 = arith.constant 0 : i32
    %dma_start3A_175 = arith.constant 0 : i32
    %dma_start3A_176 = tpu.memref_slice %arg10[%dma_start3A_172, %dma_start3A_173, %dma_start3A_174, %dma_start3A_175] : memref<2x10x50x64xf32, #tpu.memory_space<vmem>> -> memref<1x1x50x64xf32, #tpu.memory_space<vmem>>
    %dma_start3A_177 = tpu.memref_squeeze %dma_start3A_176 : memref<1x1x50x64xf32, #tpu.memory_space<vmem>> -> memref<50x64xf32, #tpu.memory_space<vmem>>
    %dma_start3A_178 = arith.constant 0 : i32
    %dma_start3A_179 = tpu.memref_slice %arg7[%dma_start3A_170, %dma_start3A_171, %dma_start3A_178] : memref<32x20x50xi32, #tpu.memory_space<vmem>> -> memref<1x1x50xi32, #tpu.memory_space<vmem>>
    %dma_start3A_180 = tpu.memref_squeeze %dma_start3A_179 : memref<1x1x50xi32, #tpu.memory_space<vmem>> -> memref<50xi32, #tpu.memory_space<vmem>>
    %dma_start3A_181 = arith.constant 0 : i32
    %dma_start3A_182 = arith.constant 0 : i32
    %dma_start3A_183 = tpu.memref_slice %arg2[%dma_start3A_181, %dma_start3A_182] : memref<100000x64xf32, #tpu.memory_space<hbm>> -> memref<100000x64xf32, #tpu.memory_space<hbm>>
    tpu.enqueue_indirect_dma source(%dma_start3A_183 : memref<100000x64xf32, #tpu.memory_space<hbm>>) target(%dma_start3A_177 : memref<50x64xf32, #tpu.memory_space<vmem>>) offsets(%dma_start3A_180 : memref<50xi32, #tpu.memory_space<vmem>>) semaphore(%arg13 : memref<!tpu.dma_semaphore, #tpu.memory_space<semaphore_mem>>)
    %dma_start3A_184 = arith.constant 0 : i32
    %dma_start3A_185 = arith.constant 13 : i32
    %dma_start3A_186 = arith.constant 1 : i32
    %dma_start3A_187 = arith.constant 3 : i32
    %dma_start3A_188 = arith.constant 0 : i32
    %dma_start3A_189 = arith.constant 0 : i32
    %dma_start3A_190 = tpu.memref_slice %arg10[%dma_start3A_186, %dma_start3A_187, %dma_start3A_188, %dma_start3A_189] : memref<2x10x50x64xf32, #tpu.memory_space<vmem>> -> memref<1x1x50x64xf32, #tpu.memory_space<vmem>>
    %dma_start3A_191 = tpu.memref_squeeze %dma_start3A_190 : memref<1x1x50x64xf32, #tpu.memory_space<vmem>> -> memref<50x64xf32, #tpu.memory_space<vmem>>
    %dma_start3A_192 = arith.constant 0 : i32
    %dma_start3A_193 = tpu.memref_slice %arg7[%dma_start3A_184, %dma_start3A_185, %dma_start3A_192] : memref<32x20x50xi32, #tpu.memory_space<vmem>> -> memref<1x1x50xi32, #tpu.memory_space<vmem>>
    %dma_start3A_194 = tpu.memref_squeeze %dma_start3A_193 : memref<1x1x50xi32, #tpu.memory_space<vmem>> -> memref<50xi32, #tpu.memory_space<vmem>>
    %dma_start3A_195 = arith.constant 0 : i32
    %dma_start3A_196 = arith.constant 0 : i32
    %dma_start3A_197 = tpu.memref_slice %arg2[%dma_start3A_195, %dma_start3A_196] : memref<100000x64xf32, #tpu.memory_space<hbm>> -> memref<100000x64xf32, #tpu.memory_space<hbm>>
    tpu.enqueue_indirect_dma source(%dma_start3A_197 : memref<100000x64xf32, #tpu.memory_space<hbm>>) target(%dma_start3A_191 : memref<50x64xf32, #tpu.memory_space<vmem>>) offsets(%dma_start3A_194 : memref<50xi32, #tpu.memory_space<vmem>>) semaphore(%arg13 : memref<!tpu.dma_semaphore, #tpu.memory_space<semaphore_mem>>)
    %dma_start3A_198 = arith.constant 0 : i32
    %dma_start3A_199 = arith.constant 14 : i32
    %dma_start3A_200 = arith.constant 1 : i32
    %dma_start3A_201 = arith.constant 4 : i32
    %dma_start3A_202 = arith.constant 0 : i32
    %dma_start3A_203 = arith.constant 0 : i32
    %dma_start3A_204 = tpu.memref_slice %arg10[%dma_start3A_200, %dma_start3A_201, %dma_start3A_202, %dma_start3A_203] : memref<2x10x50x64xf32, #tpu.memory_space<vmem>> -> memref<1x1x50x64xf32, #tpu.memory_space<vmem>>
    %dma_start3A_205 = tpu.memref_squeeze %dma_start3A_204 : memref<1x1x50x64xf32, #tpu.memory_space<vmem>> -> memref<50x64xf32, #tpu.memory_space<vmem>>
    %dma_start3A_206 = arith.constant 0 : i32
    %dma_start3A_207 = tpu.memref_slice %arg7[%dma_start3A_198, %dma_start3A_199, %dma_start3A_206] : memref<32x20x50xi32, #tpu.memory_space<vmem>> -> memref<1x1x50xi32, #tpu.memory_space<vmem>>
    %dma_start3A_208 = tpu.memref_squeeze %dma_start3A_207 : memref<1x1x50xi32, #tpu.memory_space<vmem>> -> memref<50xi32, #tpu.memory_space<vmem>>
    %dma_start3A_209 = arith.constant 0 : i32
    %dma_start3A_210 = arith.constant 0 : i32
    %dma_start3A_211 = tpu.memref_slice %arg2[%dma_start3A_209, %dma_start3A_210] : memref<100000x64xf32, #tpu.memory_space<hbm>> -> memref<100000x64xf32, #tpu.memory_space<hbm>>
    tpu.enqueue_indirect_dma source(%dma_start3A_211 : memref<100000x64xf32, #tpu.memory_space<hbm>>) target(%dma_start3A_205 : memref<50x64xf32, #tpu.memory_space<vmem>>) offsets(%dma_start3A_208 : memref<50xi32, #tpu.memory_space<vmem>>) semaphore(%arg13 : memref<!tpu.dma_semaphore, #tpu.memory_space<semaphore_mem>>)
    %dma_start3A_212 = arith.constant 0 : i32
    %dma_start3A_213 = arith.constant 15 : i32
    %dma_start3A_214 = arith.constant 1 : i32
    %dma_start3A_215 = arith.constant 5 : i32
    %dma_start3A_216 = arith.constant 0 : i32
    %dma_start3A_217 = arith.constant 0 : i32
    %dma_start3A_218 = tpu.memref_slice %arg10[%dma_start3A_214, %dma_start3A_215, %dma_start3A_216, %dma_start3A_217] : memref<2x10x50x64xf32, #tpu.memory_space<vmem>> -> memref<1x1x50x64xf32, #tpu.memory_space<vmem>>
    %dma_start3A_219 = tpu.memref_squeeze %dma_start3A_218 : memref<1x1x50x64xf32, #tpu.memory_space<vmem>> -> memref<50x64xf32, #tpu.memory_space<vmem>>
    %dma_start3A_220 = arith.constant 0 : i32
    %dma_start3A_221 = tpu.memref_slice %arg7[%dma_start3A_212, %dma_start3A_213, %dma_start3A_220] : memref<32x20x50xi32, #tpu.memory_space<vmem>> -> memref<1x1x50xi32, #tpu.memory_space<vmem>>
    %dma_start3A_222 = tpu.memref_squeeze %dma_start3A_221 : memref<1x1x50xi32, #tpu.memory_space<vmem>> -> memref<50xi32, #tpu.memory_space<vmem>>
    %dma_start3A_223 = arith.constant 0 : i32
    %dma_start3A_224 = arith.constant 0 : i32
    %dma_start3A_225 = tpu.memref_slice %arg2[%dma_start3A_223, %dma_start3A_224] : memref<100000x64xf32, #tpu.memory_space<hbm>> -> memref<100000x64xf32, #tpu.memory_space<hbm>>
    tpu.enqueue_indirect_dma source(%dma_start3A_225 : memref<100000x64xf32, #tpu.memory_space<hbm>>) target(%dma_start3A_219 : memref<50x64xf32, #tpu.memory_space<vmem>>) offsets(%dma_start3A_222 : memref<50xi32, #tpu.memory_space<vmem>>) semaphore(%arg13 : memref<!tpu.dma_semaphore, #tpu.memory_space<semaphore_mem>>)
    %dma_start3A_226 = arith.constant 0 : i32
    %dma_start3A_227 = arith.constant 16 : i32
    %dma_start3A_228 = arith.constant 1 : i32
    %dma_start3A_229 = arith.constant 6 : i32
    %dma_start3A_230 = arith.constant 0 : i32
    %dma_start3A_231 = arith.constant 0 : i32
    %dma_start3A_232 = tpu.memref_slice %arg10[%dma_start3A_228, %dma_start3A_229, %dma_start3A_230, %dma_start3A_231] : memref<2x10x50x64xf32, #tpu.memory_space<vmem>> -> memref<1x1x50x64xf32, #tpu.memory_space<vmem>>
    %dma_start3A_233 = tpu.memref_squeeze %dma_start3A_232 : memref<1x1x50x64xf32, #tpu.memory_space<vmem>> -> memref<50x64xf32, #tpu.memory_space<vmem>>
    %dma_start3A_234 = arith.constant 0 : i32
    %dma_start3A_235 = tpu.memref_slice %arg7[%dma_start3A_226, %dma_start3A_227, %dma_start3A_234] : memref<32x20x50xi32, #tpu.memory_space<vmem>> -> memref<1x1x50xi32, #tpu.memory_space<vmem>>
    %dma_start3A_236 = tpu.memref_squeeze %dma_start3A_235 : memref<1x1x50xi32, #tpu.memory_space<vmem>> -> memref<50xi32, #tpu.memory_space<vmem>>
    %dma_start3A_237 = arith.constant 0 : i32
    %dma_start3A_238 = arith.constant 0 : i32
    %dma_start3A_239 = tpu.memref_slice %arg2[%dma_start3A_237, %dma_start3A_238] : memref<100000x64xf32, #tpu.memory_space<hbm>> -> memref<100000x64xf32, #tpu.memory_space<hbm>>
    tpu.enqueue_indirect_dma source(%dma_start3A_239 : memref<100000x64xf32, #tpu.memory_space<hbm>>) target(%dma_start3A_233 : memref<50x64xf32, #tpu.memory_space<vmem>>) offsets(%dma_start3A_236 : memref<50xi32, #tpu.memory_space<vmem>>) semaphore(%arg13 : memref<!tpu.dma_semaphore, #tpu.memory_space<semaphore_mem>>)
    %dma_start3A_240 = arith.constant 0 : i32
    %dma_start3A_241 = arith.constant 17 : i32
    %dma_start3A_242 = arith.constant 1 : i32
    %dma_start3A_243 = arith.constant 7 : i32
    %dma_start3A_244 = arith.constant 0 : i32
    %dma_start3A_245 = arith.constant 0 : i32
    %dma_start3A_246 = tpu.memref_slice %arg10[%dma_start3A_242, %dma_start3A_243, %dma_start3A_244, %dma_start3A_245] : memref<2x10x50x64xf32, #tpu.memory_space<vmem>> -> memref<1x1x50x64xf32, #tpu.memory_space<vmem>>
    %dma_start3A_247 = tpu.memref_squeeze %dma_start3A_246 : memref<1x1x50x64xf32, #tpu.memory_space<vmem>> -> memref<50x64xf32, #tpu.memory_space<vmem>>
    %dma_start3A_248 = arith.constant 0 : i32
    %dma_start3A_249 = tpu.memref_slice %arg7[%dma_start3A_240, %dma_start3A_241, %dma_start3A_248] : memref<32x20x50xi32, #tpu.memory_space<vmem>> -> memref<1x1x50xi32, #tpu.memory_space<vmem>>
    %dma_start3A_250 = tpu.memref_squeeze %dma_start3A_249 : memref<1x1x50xi32, #tpu.memory_space<vmem>> -> memref<50xi32, #tpu.memory_space<vmem>>
    %dma_start3A_251 = arith.constant 0 : i32
    %dma_start3A_252 = arith.constant 0 : i32
    %dma_start3A_253 = tpu.memref_slice %arg2[%dma_start3A_251, %dma_start3A_252] : memref<100000x64xf32, #tpu.memory_space<hbm>> -> memref<100000x64xf32, #tpu.memory_space<hbm>>
    tpu.enqueue_indirect_dma source(%dma_start3A_253 : memref<100000x64xf32, #tpu.memory_space<hbm>>) target(%dma_start3A_247 : memref<50x64xf32, #tpu.memory_space<vmem>>) offsets(%dma_start3A_250 : memref<50xi32, #tpu.memory_space<vmem>>) semaphore(%arg13 : memref<!tpu.dma_semaphore, #tpu.memory_space<semaphore_mem>>)
    %dma_start3A_254 = arith.constant 0 : i32
    %dma_start3A_255 = arith.constant 18 : i32
    %dma_start3A_256 = arith.constant 1 : i32
    %dma_start3A_257 = arith.constant 8 : i32
    %dma_start3A_258 = arith.constant 0 : i32
    %dma_start3A_259 = arith.constant 0 : i32
    %dma_start3A_260 = tpu.memref_slice %arg10[%dma_start3A_256, %dma_start3A_257, %dma_start3A_258, %dma_start3A_259] : memref<2x10x50x64xf32, #tpu.memory_space<vmem>> -> memref<1x1x50x64xf32, #tpu.memory_space<vmem>>
    %dma_start3A_261 = tpu.memref_squeeze %dma_start3A_260 : memref<1x1x50x64xf32, #tpu.memory_space<vmem>> -> memref<50x64xf32, #tpu.memory_space<vmem>>
    %dma_start3A_262 = arith.constant 0 : i32
    %dma_start3A_263 = tpu.memref_slice %arg7[%dma_start3A_254, %dma_start3A_255, %dma_start3A_262] : memref<32x20x50xi32, #tpu.memory_space<vmem>> -> memref<1x1x50xi32, #tpu.memory_space<vmem>>
    %dma_start3A_264 = tpu.memref_squeeze %dma_start3A_263 : memref<1x1x50xi32, #tpu.memory_space<vmem>> -> memref<50xi32, #tpu.memory_space<vmem>>
    %dma_start3A_265 = arith.constant 0 : i32
    %dma_start3A_266 = arith.constant 0 : i32
    %dma_start3A_267 = tpu.memref_slice %arg2[%dma_start3A_265, %dma_start3A_266] : memref<100000x64xf32, #tpu.memory_space<hbm>> -> memref<100000x64xf32, #tpu.memory_space<hbm>>
    tpu.enqueue_indirect_dma source(%dma_start3A_267 : memref<100000x64xf32, #tpu.memory_space<hbm>>) target(%dma_start3A_261 : memref<50x64xf32, #tpu.memory_space<vmem>>) offsets(%dma_start3A_264 : memref<50xi32, #tpu.memory_space<vmem>>) semaphore(%arg13 : memref<!tpu.dma_semaphore, #tpu.memory_space<semaphore_mem>>)
    %dma_start3A_268 = arith.constant 0 : i32
    %dma_start3A_269 = arith.constant 19 : i32
    %dma_start3A_270 = arith.constant 1 : i32
    %dma_start3A_271 = arith.constant 9 : i32
    %dma_start3A_272 = arith.constant 0 : i32
    %dma_start3A_273 = arith.constant 0 : i32
    %dma_start3A_274 = tpu.memref_slice %arg10[%dma_start3A_270, %dma_start3A_271, %dma_start3A_272, %dma_start3A_273] : memref<2x10x50x64xf32, #tpu.memory_space<vmem>> -> memref<1x1x50x64xf32, #tpu.memory_space<vmem>>
    %dma_start3A_275 = tpu.memref_squeeze %dma_start3A_274 : memref<1x1x50x64xf32, #tpu.memory_space<vmem>> -> memref<50x64xf32, #tpu.memory_space<vmem>>
    %dma_start3A_276 = arith.constant 0 : i32
    %dma_start3A_277 = tpu.memref_slice %arg7[%dma_start3A_268, %dma_start3A_269, %dma_start3A_276] : memref<32x20x50xi32, #tpu.memory_space<vmem>> -> memref<1x1x50xi32, #tpu.memory_space<vmem>>
    %dma_start3A_278 = tpu.memref_squeeze %dma_start3A_277 : memref<1x1x50xi32, #tpu.memory_space<vmem>> -> memref<50xi32, #tpu.memory_space<vmem>>
    %dma_start3A_279 = arith.constant 0 : i32
    %dma_start3A_280 = arith.constant 0 : i32
    %dma_start3A_281 = tpu.memref_slice %arg2[%dma_start3A_279, %dma_start3A_280] : memref<100000x64xf32, #tpu.memory_space<hbm>> -> memref<100000x64xf32, #tpu.memory_space<hbm>>
    tpu.enqueue_indirect_dma source(%dma_start3A_281 : memref<100000x64xf32, #tpu.memory_space<hbm>>) target(%dma_start3A_275 : memref<50x64xf32, #tpu.memory_space<vmem>>) offsets(%dma_start3A_278 : memref<50xi32, #tpu.memory_space<vmem>>) semaphore(%arg13 : memref<!tpu.dma_semaphore, #tpu.memory_space<semaphore_mem>>)
    %scan3A = arith.constant 0 : i32
    %scan3A_282 = arith.constant 0 : i32
    %scan3A_283 = arith.constant 16 : i32
    %scan3A_284 = arith.addi %scan3A_282, %scan3A_283 : i32
    %scan3A_285 = arith.constant 1 : i32
    scf.for %scan3A_310 = %scan3A_282 to %scan3A_284 step %scan3A_285  : i32 {
      %mul3A_311 = arith.constant 2 : i32
      %mul3A_312 = arith.muli %mul3A_311, %scan3A_310 : i32
      %add3A_313 = arith.constant 0 : i32
      %add3A_314 = arith.addi %mul3A_312, %add3A_313 : i32
      %dma_wait3A_315 = arith.constant 0 : i32
      %dma_wait3A_316 = arith.constant 0 : i32
      %dma_wait3A_317 = arith.constant 0 : i32
      %dma_wait3A_318 = arith.constant 0 : i32
      %dma_wait3A_319 = arith.constant 0 : i32
      %dma_wait3A_320 = arith.constant 0 : i32
      %dma_wait3A_321 = tpu.memref_slice %arg10[%dma_wait3A_317, %dma_wait3A_318, %dma_wait3A_319, %dma_wait3A_320] : memref<2x10x50x64xf32, #tpu.memory_space<vmem>> -> memref<1x1x50x64xf32, #tpu.memory_space<vmem>>
      %dma_wait3A_322 = tpu.memref_squeeze %dma_wait3A_321 : memref<1x1x50x64xf32, #tpu.memory_space<vmem>> -> memref<50x64xf32, #tpu.memory_space<vmem>>
      %dma_wait3A_323 = arith.constant 0 : i32
      %dma_wait3A_324 = tpu.memref_slice %arg7[%dma_wait3A_315, %dma_wait3A_316, %dma_wait3A_323] : memref<32x20x50xi32, #tpu.memory_space<vmem>> -> memref<1x1x50xi32, #tpu.memory_space<vmem>>
      %dma_wait3A_325 = tpu.memref_squeeze %dma_wait3A_324 : memref<1x1x50xi32, #tpu.memory_space<vmem>> -> memref<50xi32, #tpu.memory_space<vmem>>
      %dma_wait3A_326 = arith.constant 0 : i32
      %dma_wait3A_327 = arith.constant 0 : i32
      %dma_wait3A_328 = tpu.memref_slice %arg2[%dma_wait3A_326, %dma_wait3A_327] : memref<100000x64xf32, #tpu.memory_space<hbm>> -> memref<100000x64xf32, #tpu.memory_space<hbm>>
      tpu.wait_indirect_dma semaphore(%arg12 : memref<!tpu.dma_semaphore, #tpu.memory_space<semaphore_mem>>) src(%dma_wait3A_328 : memref<100000x64xf32, #tpu.memory_space<hbm>>) dst(%dma_wait3A_322 : memref<50x64xf32, #tpu.memory_space<vmem>>)
      %dma_wait3A_329 = arith.constant 0 : i32
      %dma_wait3A_330 = arith.constant 1 : i32
      %dma_wait3A_331 = arith.constant 0 : i32
      %dma_wait3A_332 = arith.constant 1 : i32
      %dma_wait3A_333 = arith.constant 0 : i32
      %dma_wait3A_334 = arith.constant 0 : i32
      %dma_wait3A_335 = tpu.memref_slice %arg10[%dma_wait3A_331, %dma_wait3A_332, %dma_wait3A_333, %dma_wait3A_334] : memref<2x10x50x64xf32, #tpu.memory_space<vmem>> -> memref<1x1x50x64xf32, #tpu.memory_space<vmem>>
      %dma_wait3A_336 = tpu.memref_squeeze %dma_wait3A_335 : memref<1x1x50x64xf32, #tpu.memory_space<vmem>> -> memref<50x64xf32, #tpu.memory_space<vmem>>
      %dma_wait3A_337 = arith.constant 0 : i32
      %dma_wait3A_338 = tpu.memref_slice %arg7[%dma_wait3A_329, %dma_wait3A_330, %dma_wait3A_337] : memref<32x20x50xi32, #tpu.memory_space<vmem>> -> memref<1x1x50xi32, #tpu.memory_space<vmem>>
      %dma_wait3A_339 = tpu.memref_squeeze %dma_wait3A_338 : memref<1x1x50xi32, #tpu.memory_space<vmem>> -> memref<50xi32, #tpu.memory_space<vmem>>
      %dma_wait3A_340 = arith.constant 0 : i32
      %dma_wait3A_341 = arith.constant 0 : i32
      %dma_wait3A_342 = tpu.memref_slice %arg2[%dma_wait3A_340, %dma_wait3A_341] : memref<100000x64xf32, #tpu.memory_space<hbm>> -> memref<100000x64xf32, #tpu.memory_space<hbm>>
      tpu.wait_indirect_dma semaphore(%arg12 : memref<!tpu.dma_semaphore, #tpu.memory_space<semaphore_mem>>) src(%dma_wait3A_342 : memref<100000x64xf32, #tpu.memory_space<hbm>>) dst(%dma_wait3A_336 : memref<50x64xf32, #tpu.memory_space<vmem>>)
      %dma_wait3A_343 = arith.constant 0 : i32
      %dma_wait3A_344 = arith.constant 2 : i32
      %dma_wait3A_345 = arith.constant 0 : i32
      %dma_wait3A_346 = arith.constant 2 : i32
      %dma_wait3A_347 = arith.constant 0 : i32
      %dma_wait3A_348 = arith.constant 0 : i32
      %dma_wait3A_349 = tpu.memref_slice %arg10[%dma_wait3A_345, %dma_wait3A_346, %dma_wait3A_347, %dma_wait3A_348] : memref<2x10x50x64xf32, #tpu.memory_space<vmem>> -> memref<1x1x50x64xf32, #tpu.memory_space<vmem>>
      %dma_wait3A_350 = tpu.memref_squeeze %dma_wait3A_349 : memref<1x1x50x64xf32, #tpu.memory_space<vmem>> -> memref<50x64xf32, #tpu.memory_space<vmem>>
      %dma_wait3A_351 = arith.constant 0 : i32
      %dma_wait3A_352 = tpu.memref_slice %arg7[%dma_wait3A_343, %dma_wait3A_344, %dma_wait3A_351] : memref<32x20x50xi32, #tpu.memory_space<vmem>> -> memref<1x1x50xi32, #tpu.memory_space<vmem>>
      %dma_wait3A_353 = tpu.memref_squeeze %dma_wait3A_352 : memref<1x1x50xi32, #tpu.memory_space<vmem>> -> memref<50xi32, #tpu.memory_space<vmem>>
      %dma_wait3A_354 = arith.constant 0 : i32
      %dma_wait3A_355 = arith.constant 0 : i32
      %dma_wait3A_356 = tpu.memref_slice %arg2[%dma_wait3A_354, %dma_wait3A_355] : memref<100000x64xf32, #tpu.memory_space<hbm>> -> memref<100000x64xf32, #tpu.memory_space<hbm>>
      tpu.wait_indirect_dma semaphore(%arg12 : memref<!tpu.dma_semaphore, #tpu.memory_space<semaphore_mem>>) src(%dma_wait3A_356 : memref<100000x64xf32, #tpu.memory_space<hbm>>) dst(%dma_wait3A_350 : memref<50x64xf32, #tpu.memory_space<vmem>>)
      %dma_wait3A_357 = arith.constant 0 : i32
      %dma_wait3A_358 = arith.constant 3 : i32
      %dma_wait3A_359 = arith.constant 0 : i32
      %dma_wait3A_360 = arith.constant 3 : i32
      %dma_wait3A_361 = arith.constant 0 : i32
      %dma_wait3A_362 = arith.constant 0 : i32
      %dma_wait3A_363 = tpu.memref_slice %arg10[%dma_wait3A_359, %dma_wait3A_360, %dma_wait3A_361, %dma_wait3A_362] : memref<2x10x50x64xf32, #tpu.memory_space<vmem>> -> memref<1x1x50x64xf32, #tpu.memory_space<vmem>>
      %dma_wait3A_364 = tpu.memref_squeeze %dma_wait3A_363 : memref<1x1x50x64xf32, #tpu.memory_space<vmem>> -> memref<50x64xf32, #tpu.memory_space<vmem>>
      %dma_wait3A_365 = arith.constant 0 : i32
      %dma_wait3A_366 = tpu.memref_slice %arg7[%dma_wait3A_357, %dma_wait3A_358, %dma_wait3A_365] : memref<32x20x50xi32, #tpu.memory_space<vmem>> -> memref<1x1x50xi32, #tpu.memory_space<vmem>>
      %dma_wait3A_367 = tpu.memref_squeeze %dma_wait3A_366 : memref<1x1x50xi32, #tpu.memory_space<vmem>> -> memref<50xi32, #tpu.memory_space<vmem>>
      %dma_wait3A_368 = arith.constant 0 : i32
      %dma_wait3A_369 = arith.constant 0 : i32
      %dma_wait3A_370 = tpu.memref_slice %arg2[%dma_wait3A_368, %dma_wait3A_369] : memref<100000x64xf32, #tpu.memory_space<hbm>> -> memref<100000x64xf32, #tpu.memory_space<hbm>>
      tpu.wait_indirect_dma semaphore(%arg12 : memref<!tpu.dma_semaphore, #tpu.memory_space<semaphore_mem>>) src(%dma_wait3A_370 : memref<100000x64xf32, #tpu.memory_space<hbm>>) dst(%dma_wait3A_364 : memref<50x64xf32, #tpu.memory_space<vmem>>)
      %dma_wait3A_371 = arith.constant 0 : i32
      %dma_wait3A_372 = arith.constant 4 : i32
      %dma_wait3A_373 = arith.constant 0 : i32
      %dma_wait3A_374 = arith.constant 4 : i32
      %dma_wait3A_375 = arith.constant 0 : i32
      %dma_wait3A_376 = arith.constant 0 : i32
      %dma_wait3A_377 = tpu.memref_slice %arg10[%dma_wait3A_373, %dma_wait3A_374, %dma_wait3A_375, %dma_wait3A_376] : memref<2x10x50x64xf32, #tpu.memory_space<vmem>> -> memref<1x1x50x64xf32, #tpu.memory_space<vmem>>
      %dma_wait3A_378 = tpu.memref_squeeze %dma_wait3A_377 : memref<1x1x50x64xf32, #tpu.memory_space<vmem>> -> memref<50x64xf32, #tpu.memory_space<vmem>>
      %dma_wait3A_379 = arith.constant 0 : i32
      %dma_wait3A_380 = tpu.memref_slice %arg7[%dma_wait3A_371, %dma_wait3A_372, %dma_wait3A_379] : memref<32x20x50xi32, #tpu.memory_space<vmem>> -> memref<1x1x50xi32, #tpu.memory_space<vmem>>
      %dma_wait3A_381 = tpu.memref_squeeze %dma_wait3A_380 : memref<1x1x50xi32, #tpu.memory_space<vmem>> -> memref<50xi32, #tpu.memory_space<vmem>>
      %dma_wait3A_382 = arith.constant 0 : i32
      %dma_wait3A_383 = arith.constant 0 : i32
      %dma_wait3A_384 = tpu.memref_slice %arg2[%dma_wait3A_382, %dma_wait3A_383] : memref<100000x64xf32, #tpu.memory_space<hbm>> -> memref<100000x64xf32, #tpu.memory_space<hbm>>
      tpu.wait_indirect_dma semaphore(%arg12 : memref<!tpu.dma_semaphore, #tpu.memory_space<semaphore_mem>>) src(%dma_wait3A_384 : memref<100000x64xf32, #tpu.memory_space<hbm>>) dst(%dma_wait3A_378 : memref<50x64xf32, #tpu.memory_space<vmem>>)
      %dma_wait3A_385 = arith.constant 0 : i32
      %dma_wait3A_386 = arith.constant 5 : i32
      %dma_wait3A_387 = arith.constant 0 : i32
      %dma_wait3A_388 = arith.constant 5 : i32
      %dma_wait3A_389 = arith.constant 0 : i32
      %dma_wait3A_390 = arith.constant 0 : i32
      %dma_wait3A_391 = tpu.memref_slice %arg10[%dma_wait3A_387, %dma_wait3A_388, %dma_wait3A_389, %dma_wait3A_390] : memref<2x10x50x64xf32, #tpu.memory_space<vmem>> -> memref<1x1x50x64xf32, #tpu.memory_space<vmem>>
      %dma_wait3A_392 = tpu.memref_squeeze %dma_wait3A_391 : memref<1x1x50x64xf32, #tpu.memory_space<vmem>> -> memref<50x64xf32, #tpu.memory_space<vmem>>
      %dma_wait3A_393 = arith.constant 0 : i32
      %dma_wait3A_394 = tpu.memref_slice %arg7[%dma_wait3A_385, %dma_wait3A_386, %dma_wait3A_393] : memref<32x20x50xi32, #tpu.memory_space<vmem>> -> memref<1x1x50xi32, #tpu.memory_space<vmem>>
      %dma_wait3A_395 = tpu.memref_squeeze %dma_wait3A_394 : memref<1x1x50xi32, #tpu.memory_space<vmem>> -> memref<50xi32, #tpu.memory_space<vmem>>
      %dma_wait3A_396 = arith.constant 0 : i32
      %dma_wait3A_397 = arith.constant 0 : i32
      %dma_wait3A_398 = tpu.memref_slice %arg2[%dma_wait3A_396, %dma_wait3A_397] : memref<100000x64xf32, #tpu.memory_space<hbm>> -> memref<100000x64xf32, #tpu.memory_space<hbm>>
      tpu.wait_indirect_dma semaphore(%arg12 : memref<!tpu.dma_semaphore, #tpu.memory_space<semaphore_mem>>) src(%dma_wait3A_398 : memref<100000x64xf32, #tpu.memory_space<hbm>>) dst(%dma_wait3A_392 : memref<50x64xf32, #tpu.memory_space<vmem>>)
      %dma_wait3A_399 = arith.constant 0 : i32
      %dma_wait3A_400 = arith.constant 6 : i32
      %dma_wait3A_401 = arith.constant 0 : i32
      %dma_wait3A_402 = arith.constant 6 : i32
      %dma_wait3A_403 = arith.constant 0 : i32
      %dma_wait3A_404 = arith.constant 0 : i32
      %dma_wait3A_405 = tpu.memref_slice %arg10[%dma_wait3A_401, %dma_wait3A_402, %dma_wait3A_403, %dma_wait3A_404] : memref<2x10x50x64xf32, #tpu.memory_space<vmem>> -> memref<1x1x50x64xf32, #tpu.memory_space<vmem>>
      %dma_wait3A_406 = tpu.memref_squeeze %dma_wait3A_405 : memref<1x1x50x64xf32, #tpu.memory_space<vmem>> -> memref<50x64xf32, #tpu.memory_space<vmem>>
      %dma_wait3A_407 = arith.constant 0 : i32
      %dma_wait3A_408 = tpu.memref_slice %arg7[%dma_wait3A_399, %dma_wait3A_400, %dma_wait3A_407] : memref<32x20x50xi32, #tpu.memory_space<vmem>> -> memref<1x1x50xi32, #tpu.memory_space<vmem>>
      %dma_wait3A_409 = tpu.memref_squeeze %dma_wait3A_408 : memref<1x1x50xi32, #tpu.memory_space<vmem>> -> memref<50xi32, #tpu.memory_space<vmem>>
      %dma_wait3A_410 = arith.constant 0 : i32
      %dma_wait3A_411 = arith.constant 0 : i32
      %dma_wait3A_412 = tpu.memref_slice %arg2[%dma_wait3A_410, %dma_wait3A_411] : memref<100000x64xf32, #tpu.memory_space<hbm>> -> memref<100000x64xf32, #tpu.memory_space<hbm>>
      tpu.wait_indirect_dma semaphore(%arg12 : memref<!tpu.dma_semaphore, #tpu.memory_space<semaphore_mem>>) src(%dma_wait3A_412 : memref<100000x64xf32, #tpu.memory_space<hbm>>) dst(%dma_wait3A_406 : memref<50x64xf32, #tpu.memory_space<vmem>>)
      %dma_wait3A_413 = arith.constant 0 : i32
      %dma_wait3A_414 = arith.constant 7 : i32
      %dma_wait3A_415 = arith.constant 0 : i32
      %dma_wait3A_416 = arith.constant 7 : i32
      %dma_wait3A_417 = arith.constant 0 : i32
      %dma_wait3A_418 = arith.constant 0 : i32
      %dma_wait3A_419 = tpu.memref_slice %arg10[%dma_wait3A_415, %dma_wait3A_416, %dma_wait3A_417, %dma_wait3A_418] : memref<2x10x50x64xf32, #tpu.memory_space<vmem>> -> memref<1x1x50x64xf32, #tpu.memory_space<vmem>>
      %dma_wait3A_420 = tpu.memref_squeeze %dma_wait3A_419 : memref<1x1x50x64xf32, #tpu.memory_space<vmem>> -> memref<50x64xf32, #tpu.memory_space<vmem>>
      %dma_wait3A_421 = arith.constant 0 : i32
      %dma_wait3A_422 = tpu.memref_slice %arg7[%dma_wait3A_413, %dma_wait3A_414, %dma_wait3A_421] : memref<32x20x50xi32, #tpu.memory_space<vmem>> -> memref<1x1x50xi32, #tpu.memory_space<vmem>>
      %dma_wait3A_423 = tpu.memref_squeeze %dma_wait3A_422 : memref<1x1x50xi32, #tpu.memory_space<vmem>> -> memref<50xi32, #tpu.memory_space<vmem>>
      %dma_wait3A_424 = arith.constant 0 : i32
      %dma_wait3A_425 = arith.constant 0 : i32
      %dma_wait3A_426 = tpu.memref_slice %arg2[%dma_wait3A_424, %dma_wait3A_425] : memref<100000x64xf32, #tpu.memory_space<hbm>> -> memref<100000x64xf32, #tpu.memory_space<hbm>>
      tpu.wait_indirect_dma semaphore(%arg12 : memref<!tpu.dma_semaphore, #tpu.memory_space<semaphore_mem>>) src(%dma_wait3A_426 : memref<100000x64xf32, #tpu.memory_space<hbm>>) dst(%dma_wait3A_420 : memref<50x64xf32, #tpu.memory_space<vmem>>)
      %dma_wait3A_427 = arith.constant 0 : i32
      %dma_wait3A_428 = arith.constant 8 : i32
      %dma_wait3A_429 = arith.constant 0 : i32
      %dma_wait3A_430 = arith.constant 8 : i32
      %dma_wait3A_431 = arith.constant 0 : i32
      %dma_wait3A_432 = arith.constant 0 : i32
      %dma_wait3A_433 = tpu.memref_slice %arg10[%dma_wait3A_429, %dma_wait3A_430, %dma_wait3A_431, %dma_wait3A_432] : memref<2x10x50x64xf32, #tpu.memory_space<vmem>> -> memref<1x1x50x64xf32, #tpu.memory_space<vmem>>
      %dma_wait3A_434 = tpu.memref_squeeze %dma_wait3A_433 : memref<1x1x50x64xf32, #tpu.memory_space<vmem>> -> memref<50x64xf32, #tpu.memory_space<vmem>>
      %dma_wait3A_435 = arith.constant 0 : i32
      %dma_wait3A_436 = tpu.memref_slice %arg7[%dma_wait3A_427, %dma_wait3A_428, %dma_wait3A_435] : memref<32x20x50xi32, #tpu.memory_space<vmem>> -> memref<1x1x50xi32, #tpu.memory_space<vmem>>
      %dma_wait3A_437 = tpu.memref_squeeze %dma_wait3A_436 : memref<1x1x50xi32, #tpu.memory_space<vmem>> -> memref<50xi32, #tpu.memory_space<vmem>>
      %dma_wait3A_438 = arith.constant 0 : i32
      %dma_wait3A_439 = arith.constant 0 : i32
      %dma_wait3A_440 = tpu.memref_slice %arg2[%dma_wait3A_438, %dma_wait3A_439] : memref<100000x64xf32, #tpu.memory_space<hbm>> -> memref<100000x64xf32, #tpu.memory_space<hbm>>
      tpu.wait_indirect_dma semaphore(%arg12 : memref<!tpu.dma_semaphore, #tpu.memory_space<semaphore_mem>>) src(%dma_wait3A_440 : memref<100000x64xf32, #tpu.memory_space<hbm>>) dst(%dma_wait3A_434 : memref<50x64xf32, #tpu.memory_space<vmem>>)
      %dma_wait3A_441 = arith.constant 0 : i32
      %dma_wait3A_442 = arith.constant 9 : i32
      %dma_wait3A_443 = arith.constant 0 : i32
      %dma_wait3A_444 = arith.constant 9 : i32
      %dma_wait3A_445 = arith.constant 0 : i32
      %dma_wait3A_446 = arith.constant 0 : i32
      %dma_wait3A_447 = tpu.memref_slice %arg10[%dma_wait3A_443, %dma_wait3A_444, %dma_wait3A_445, %dma_wait3A_446] : memref<2x10x50x64xf32, #tpu.memory_space<vmem>> -> memref<1x1x50x64xf32, #tpu.memory_space<vmem>>
      %dma_wait3A_448 = tpu.memref_squeeze %dma_wait3A_447 : memref<1x1x50x64xf32, #tpu.memory_space<vmem>> -> memref<50x64xf32, #tpu.memory_space<vmem>>
      %dma_wait3A_449 = arith.constant 0 : i32
      %dma_wait3A_450 = tpu.memref_slice %arg7[%dma_wait3A_441, %dma_wait3A_442, %dma_wait3A_449] : memref<32x20x50xi32, #tpu.memory_space<vmem>> -> memref<1x1x50xi32, #tpu.memory_space<vmem>>
      %dma_wait3A_451 = tpu.memref_squeeze %dma_wait3A_450 : memref<1x1x50xi32, #tpu.memory_space<vmem>> -> memref<50xi32, #tpu.memory_space<vmem>>
      %dma_wait3A_452 = arith.constant 0 : i32
      %dma_wait3A_453 = arith.constant 0 : i32
      %dma_wait3A_454 = tpu.memref_slice %arg2[%dma_wait3A_452, %dma_wait3A_453] : memref<100000x64xf32, #tpu.memory_space<hbm>> -> memref<100000x64xf32, #tpu.memory_space<hbm>>
      tpu.wait_indirect_dma semaphore(%arg12 : memref<!tpu.dma_semaphore, #tpu.memory_space<semaphore_mem>>) src(%dma_wait3A_454 : memref<100000x64xf32, #tpu.memory_space<hbm>>) dst(%dma_wait3A_448 : memref<50x64xf32, #tpu.memory_space<vmem>>)
      %ge3A = arith.constant 2 : i32
      %ge3A_455 = arith.cmpi sge, %add3A_314, %ge3A : i32
      %convert_element_type3A = arith.extui %ge3A_455 : i1 to i32
      %cond3A = arith.constant 0 : i32
      %cond3A_456 = arith.cmpi ne, %convert_element_type3A, %cond3A : i32
      scf.if %cond3A_456 {
        %dma_wait3A_959 = arith.constant 0 : i32
        %dma_wait3A_960 = arith.constant 0 : i32
        %dma_wait3A_961 = arith.constant 0 : i32
        %dma_wait3A_962 = arith.constant 0 : i32
        %dma_wait3A_963 = tpu.memref_slice %arg11[%dma_wait3A_959, %dma_wait3A_961, %dma_wait3A_962] : memref<2x50x64xf32, #tpu.memory_space<vmem>> -> memref<1x50x64xf32, #tpu.memory_space<vmem>>
        %dma_wait3A_964 = tpu.memref_squeeze %dma_wait3A_963 : memref<1x50x64xf32, #tpu.memory_space<vmem>> -> memref<50x64xf32, #tpu.memory_space<vmem>>
        %dma_wait3A_965 = arith.constant 0 : i32
        %dma_wait3A_966 = tpu.memref_slice %arg8[%dma_wait3A_960, %dma_wait3A_965] : memref<32x50xi32, #tpu.memory_space<vmem>> -> memref<1x50xi32, #tpu.memory_space<vmem>>
        %dma_wait3A_967 = tpu.memref_squeeze %dma_wait3A_966 : memref<1x50xi32, #tpu.memory_space<vmem>> -> memref<50xi32, #tpu.memory_space<vmem>>
        %dma_wait3A_968 = arith.constant 0 : i32
        %dma_wait3A_969 = arith.constant 0 : i32
        %dma_wait3A_970 = tpu.memref_slice %arg6[%dma_wait3A_968, %dma_wait3A_969] : memref<51200x64xf32, #tpu.memory_space<hbm>> -> memref<51200x64xf32, #tpu.memory_space<hbm>>
        tpu.wait_indirect_dma semaphore(%arg14 : memref<!tpu.dma_semaphore, #tpu.memory_space<semaphore_mem>>) src(%dma_wait3A_964 : memref<50x64xf32, #tpu.memory_space<vmem>>) dst(%dma_wait3A_970 : memref<51200x64xf32, #tpu.memory_space<hbm>>)
      } else {
      }
      %scan3A_457 = arith.constant 0 : i32
      %scan3A_458 = arith.constant 0 : i32
      %scan3A_459 = arith.constant 50 : i32
      %scan3A_460 = arith.addi %scan3A_458, %scan3A_459 : i32
      %scan3A_461 = arith.constant 1 : i32
      scf.for %scan3A_959 = %scan3A_458 to %scan3A_460 step %scan3A_461  : i32 {
        %get3A = arith.index_cast %scan3A_959 : i32 to index
        %get3A_960 = arith.constant 0 : index
        %get3A_961 = tpu.vector_load %arg9[%get3A, %get3A_960] {strides = array<i32>} : memref<50x64xf32, #tpu.memory_space<vmem>>, vector<1x16xf32>,
        %get3A_962 = vector.shape_cast %get3A_961 : vector<1x16xf32> to vector<16xf32>
        %get3A_963 = arith.constant 0 : i32
        %get3A_964 = arith.constant 0 : i32
        %get3A_965 = arith.index_cast %get3A_963 : i32 to index
        %get3A_966 = arith.index_cast %get3A_964 : i32 to index
        %get3A_967 = arith.index_cast %scan3A_959 : i32 to index
        %get3A_968 = arith.constant 0 : index
        %get3A_969 = tpu.vector_load %arg10[%get3A_965, %get3A_966, %get3A_967, %get3A_968] {strides = array<i32>} : memref<2x10x50x64xf32, #tpu.memory_space<vmem>>, vector<1x1x1x16xf32>,
        %get3A_970 = vector.shape_cast %get3A_969 : vector<1x1x1x16xf32> to vector<16xf32>
        %get3A_971 = arith.constant 0 : i32
        %get3A_972 = arith.constant 1 : i32
        %get3A_973 = arith.index_cast %get3A_971 : i32 to index
        %get3A_974 = arith.index_cast %get3A_972 : i32 to index
        %get3A_975 = arith.index_cast %scan3A_959 : i32 to index
        %get3A_976 = arith.constant 0 : index
        %get3A_977 = tpu.vector_load %arg10[%get3A_973, %get3A_974, %get3A_975, %get3A_976] {strides = array<i32>} : memref<2x10x50x64xf32, #tpu.memory_space<vmem>>, vector<1x1x1x16xf32>,
        %get3A_978 = vector.shape_cast %get3A_977 : vector<1x1x1x16xf32> to vector<16xf32>
        %get3A_979 = arith.constant 0 : i32
        %get3A_980 = arith.constant 2 : i32
        %get3A_981 = arith.index_cast %get3A_979 : i32 to index
        %get3A_982 = arith.index_cast %get3A_980 : i32 to index
        %get3A_983 = arith.index_cast %scan3A_959 : i32 to index
        %get3A_984 = arith.constant 0 : index
        %get3A_985 = tpu.vector_load %arg10[%get3A_981, %get3A_982, %get3A_983, %get3A_984] {strides = array<i32>} : memref<2x10x50x64xf32, #tpu.memory_space<vmem>>, vector<1x1x1x16xf32>,
        %get3A_986 = vector.shape_cast %get3A_985 : vector<1x1x1x16xf32> to vector<16xf32>
        %get3A_987 = arith.constant 0 : i32
        %get3A_988 = arith.constant 3 : i32
        %get3A_989 = arith.index_cast %get3A_987 : i32 to index
        %get3A_990 = arith.index_cast %get3A_988 : i32 to index
        %get3A_991 = arith.index_cast %scan3A_959 : i32 to index
        %get3A_992 = arith.constant 0 : index
        %get3A_993 = tpu.vector_load %arg10[%get3A_989, %get3A_990, %get3A_991, %get3A_992] {strides = array<i32>} : memref<2x10x50x64xf32, #tpu.memory_space<vmem>>, vector<1x1x1x16xf32>,
        %get3A_994 = vector.shape_cast %get3A_993 : vector<1x1x1x16xf32> to vector<16xf32>
        %get3A_995 = arith.constant 0 : i32
        %get3A_996 = arith.constant 4 : i32
        %get3A_997 = arith.index_cast %get3A_995 : i32 to index
        %get3A_998 = arith.index_cast %get3A_996 : i32 to index
        %get3A_999 = arith.index_cast %scan3A_959 : i32 to index
        %get3A_1000 = arith.constant 0 : index
        %get3A_1001 = tpu.vector_load %arg10[%get3A_997, %get3A_998, %get3A_999, %get3A_1000] {strides = array<i32>} : memref<2x10x50x64xf32, #tpu.memory_space<vmem>>, vector<1x1x1x16xf32>,
        %get3A_1002 = vector.shape_cast %get3A_1001 : vector<1x1x1x16xf32> to vector<16xf32>
        %get3A_1003 = arith.constant 0 : i32
        %get3A_1004 = arith.constant 5 : i32
        %get3A_1005 = arith.index_cast %get3A_1003 : i32 to index
        %get3A_1006 = arith.index_cast %get3A_1004 : i32 to index
        %get3A_1007 = arith.index_cast %scan3A_959 : i32 to index
        %get3A_1008 = arith.constant 0 : index
        %get3A_1009 = tpu.vector_load %arg10[%get3A_1005, %get3A_1006, %get3A_1007, %get3A_1008] {strides = array<i32>} : memref<2x10x50x64xf32, #tpu.memory_space<vmem>>, vector<1x1x1x16xf32>,
        %get3A_1010 = vector.shape_cast %get3A_1009 : vector<1x1x1x16xf32> to vector<16xf32>
        %get3A_1011 = arith.constant 0 : i32
        %get3A_1012 = arith.constant 6 : i32
        %get3A_1013 = arith.index_cast %get3A_1011 : i32 to index
        %get3A_1014 = arith.index_cast %get3A_1012 : i32 to index
        %get3A_1015 = arith.index_cast %scan3A_959 : i32 to index
        %get3A_1016 = arith.constant 0 : index
        %get3A_1017 = tpu.vector_load %arg10[%get3A_1013, %get3A_1014, %get3A_1015, %get3A_1016] {strides = array<i32>} : memref<2x10x50x64xf32, #tpu.memory_space<vmem>>, vector<1x1x1x16xf32>,
        %get3A_1018 = vector.shape_cast %get3A_1017 : vector<1x1x1x16xf32> to vector<16xf32>
        %get3A_1019 = arith.constant 0 : i32
        %get3A_1020 = arith.constant 7 : i32
        %get3A_1021 = arith.index_cast %get3A_1019 : i32 to index
        %get3A_1022 = arith.index_cast %get3A_1020 : i32 to index
        %get3A_1023 = arith.index_cast %scan3A_959 : i32 to index
        %get3A_1024 = arith.constant 0 : index
        %get3A_1025 = tpu.vector_load %arg10[%get3A_1021, %get3A_1022, %get3A_1023, %get3A_1024] {strides = array<i32>} : memref<2x10x50x64xf32, #tpu.memory_space<vmem>>, vector<1x1x1x16xf32>,
        %get3A_1026 = vector.shape_cast %get3A_1025 : vector<1x1x1x16xf32> to vector<16xf32>
        %get3A_1027 = arith.constant 0 : i32
        %get3A_1028 = arith.constant 8 : i32
        %get3A_1029 = arith.index_cast %get3A_1027 : i32 to index
        %get3A_1030 = arith.index_cast %get3A_1028 : i32 to index
        %get3A_1031 = arith.index_cast %scan3A_959 : i32 to index
        %get3A_1032 = arith.constant 0 : index
        %get3A_1033 = tpu.vector_load %arg10[%get3A_1029, %get3A_1030, %get3A_1031, %get3A_1032] {strides = array<i32>} : memref<2x10x50x64xf32, #tpu.memory_space<vmem>>, vector<1x1x1x16xf32>,
        %get3A_1034 = vector.shape_cast %get3A_1033 : vector<1x1x1x16xf32> to vector<16xf32>
        %get3A_1035 = arith.constant 0 : i32
        %get3A_1036 = arith.constant 9 : i32
        %get3A_1037 = arith.index_cast %get3A_1035 : i32 to index
        %get3A_1038 = arith.index_cast %get3A_1036 : i32 to index
        %get3A_1039 = arith.index_cast %scan3A_959 : i32 to index
        %get3A_1040 = arith.constant 0 : index
        %get3A_1041 = tpu.vector_load %arg10[%get3A_1037, %get3A_1038, %get3A_1039, %get3A_1040] {strides = array<i32>} : memref<2x10x50x64xf32, #tpu.memory_space<vmem>>, vector<1x1x1x16xf32>,
        %get3A_1042 = vector.shape_cast %get3A_1041 : vector<1x1x1x16xf32> to vector<16xf32>
        %add3A_1043 = arith.addf %get3A_962, %get3A_970 : vector<16xf32>
        %add3A_1044 = arith.addf %get3A_978, %get3A_986 : vector<16xf32>
        %add3A_1045 = arith.addf %get3A_994, %get3A_1002 : vector<16xf32>
        %add3A_1046 = arith.addf %get3A_1010, %get3A_1018 : vector<16xf32>
        %add3A_1047 = arith.addf %get3A_1026, %get3A_1034 : vector<16xf32>
        %add3A_1048 = arith.addf %add3A_1043, %add3A_1044 : vector<16xf32>
        %add3A_1049 = arith.addf %add3A_1045, %add3A_1046 : vector<16xf32>
        %add3A_1050 = arith.addf %add3A_1047, %get3A_1042 : vector<16xf32>
        %add3A_1051 = arith.addf %add3A_1048, %add3A_1049 : vector<16xf32>
        %add3A_1052 = arith.addf %add3A_1051, %add3A_1050 : vector<16xf32>
        %swap3A = arith.constant 0 : i32
        %swap3A_1053 = arith.index_cast %swap3A : i32 to index
        %swap3A_1054 = arith.index_cast %scan3A_959 : i32 to index
        %swap3A_1055 = arith.constant 0 : index
        %swap3A_1056 = tpu.vector_load %arg11[%swap3A_1053, %swap3A_1054, %swap3A_1055] {strides = array<i32>} : memref<2x50x64xf32, #tpu.memory_space<vmem>>, vector<1x1x16xf32>,
        %swap3A_1057 = vector.shape_cast %swap3A_1056 : vector<1x1x16xf32> to vector<16xf32>
        %swap3A_1058 = vector.shape_cast %add3A_1052 : vector<16xf32> to vector<1x1x16xf32>
        tpu.vector_store %arg11[%swap3A_1053, %swap3A_1054, %swap3A_1055], %swap3A_1058 {strides = array<i32>} : memref<2x50x64xf32, #tpu.memory_space<vmem>>, vector<1x1x16xf32>,
        %get3A_1059 = arith.index_cast %scan3A_959 : i32 to index
        %get3A_1060 = arith.constant 16 : index
        %get3A_1061 = tpu.vector_load %arg9[%get3A_1059, %get3A_1060] {strides = array<i32>} : memref<50x64xf32, #tpu.memory_space<vmem>>, vector<1x16xf32>,
        %get3A_1062 = vector.shape_cast %get3A_1061 : vector<1x16xf32> to vector<16xf32>
        %get3A_1063 = arith.constant 0 : i32
        %get3A_1064 = arith.constant 0 : i32
        %get3A_1065 = arith.index_cast %get3A_1063 : i32 to index
        %get3A_1066 = arith.index_cast %get3A_1064 : i32 to index
        %get3A_1067 = arith.index_cast %scan3A_959 : i32 to index
        %get3A_1068 = arith.constant 16 : index
        %get3A_1069 = tpu.vector_load %arg10[%get3A_1065, %get3A_1066, %get3A_1067, %get3A_1068] {strides = array<i32>} : memref<2x10x50x64xf32, #tpu.memory_space<vmem>>, vector<1x1x1x16xf32>,
        %get3A_1070 = vector.shape_cast %get3A_1069 : vector<1x1x1x16xf32> to vector<16xf32>
        %get3A_1071 = arith.constant 0 : i32
        %get3A_1072 = arith.constant 1 : i32
        %get3A_1073 = arith.index_cast %get3A_1071 : i32 to index
        %get3A_1074 = arith.index_cast %get3A_1072 : i32 to index
        %get3A_1075 = arith.index_cast %scan3A_959 : i32 to index
        %get3A_1076 = arith.constant 16 : index
        %get3A_1077 = tpu.vector_load %arg10[%get3A_1073, %get3A_1074, %get3A_1075, %get3A_1076] {strides = array<i32>} : memref<2x10x50x64xf32, #tpu.memory_space<vmem>>, vector<1x1x1x16xf32>,
        %get3A_1078 = vector.shape_cast %get3A_1077 : vector<1x1x1x16xf32> to vector<16xf32>
        %get3A_1079 = arith.constant 0 : i32
        %get3A_1080 = arith.constant 2 : i32
        %get3A_1081 = arith.index_cast %get3A_1079 : i32 to index
        %get3A_1082 = arith.index_cast %get3A_1080 : i32 to index
        %get3A_1083 = arith.index_cast %scan3A_959 : i32 to index
        %get3A_1084 = arith.constant 16 : index
        %get3A_1085 = tpu.vector_load %arg10[%get3A_1081, %get3A_1082, %get3A_1083, %get3A_1084] {strides = array<i32>} : memref<2x10x50x64xf32, #tpu.memory_space<vmem>>, vector<1x1x1x16xf32>,
        %get3A_1086 = vector.shape_cast %get3A_1085 : vector<1x1x1x16xf32> to vector<16xf32>
        %get3A_1087 = arith.constant 0 : i32
        %get3A_1088 = arith.constant 3 : i32
        %get3A_1089 = arith.index_cast %get3A_1087 : i32 to index
        %get3A_1090 = arith.index_cast %get3A_1088 : i32 to index
        %get3A_1091 = arith.index_cast %scan3A_959 : i32 to index
        %get3A_1092 = arith.constant 16 : index
        %get3A_1093 = tpu.vector_load %arg10[%get3A_1089, %get3A_1090, %get3A_1091, %get3A_1092] {strides = array<i32>} : memref<2x10x50x64xf32, #tpu.memory_space<vmem>>, vector<1x1x1x16xf32>,
        %get3A_1094 = vector.shape_cast %get3A_1093 : vector<1x1x1x16xf32> to vector<16xf32>
        %get3A_1095 = arith.constant 0 : i32
        %get3A_1096 = arith.constant 4 : i32
        %get3A_1097 = arith.index_cast %get3A_1095 : i32 to index
        %get3A_1098 = arith.index_cast %get3A_1096 : i32 to index
        %get3A_1099 = arith.index_cast %scan3A_959 : i32 to index
        %get3A_1100 = arith.constant 16 : index
        %get3A_1101 = tpu.vector_load %arg10[%get3A_1097, %get3A_1098, %get3A_1099, %get3A_1100] {strides = array<i32>} : memref<2x10x50x64xf32, #tpu.memory_space<vmem>>, vector<1x1x1x16xf32>,
        %get3A_1102 = vector.shape_cast %get3A_1101 : vector<1x1x1x16xf32> to vector<16xf32>
        %get3A_1103 = arith.constant 0 : i32
        %get3A_1104 = arith.constant 5 : i32
        %get3A_1105 = arith.index_cast %get3A_1103 : i32 to index
        %get3A_1106 = arith.index_cast %get3A_1104 : i32 to index
        %get3A_1107 = arith.index_cast %scan3A_959 : i32 to index
        %get3A_1108 = arith.constant 16 : index
        %get3A_1109 = tpu.vector_load %arg10[%get3A_1105, %get3A_1106, %get3A_1107, %get3A_1108] {strides = array<i32>} : memref<2x10x50x64xf32, #tpu.memory_space<vmem>>, vector<1x1x1x16xf32>,
        %get3A_1110 = vector.shape_cast %get3A_1109 : vector<1x1x1x16xf32> to vector<16xf32>
        %get3A_1111 = arith.constant 0 : i32
        %get3A_1112 = arith.constant 6 : i32
        %get3A_1113 = arith.index_cast %get3A_1111 : i32 to index
        %get3A_1114 = arith.index_cast %get3A_1112 : i32 to index
        %get3A_1115 = arith.index_cast %scan3A_959 : i32 to index
        %get3A_1116 = arith.constant 16 : index
        %get3A_1117 = tpu.vector_load %arg10[%get3A_1113, %get3A_1114, %get3A_1115, %get3A_1116] {strides = array<i32>} : memref<2x10x50x64xf32, #tpu.memory_space<vmem>>, vector<1x1x1x16xf32>,
        %get3A_1118 = vector.shape_cast %get3A_1117 : vector<1x1x1x16xf32> to vector<16xf32>
        %get3A_1119 = arith.constant 0 : i32
        %get3A_1120 = arith.constant 7 : i32
        %get3A_1121 = arith.index_cast %get3A_1119 : i32 to index
        %get3A_1122 = arith.index_cast %get3A_1120 : i32 to index
        %get3A_1123 = arith.index_cast %scan3A_959 : i32 to index
        %get3A_1124 = arith.constant 16 : index
        %get3A_1125 = tpu.vector_load %arg10[%get3A_1121, %get3A_1122, %get3A_1123, %get3A_1124] {strides = array<i32>} : memref<2x10x50x64xf32, #tpu.memory_space<vmem>>, vector<1x1x1x16xf32>,
        %get3A_1126 = vector.shape_cast %get3A_1125 : vector<1x1x1x16xf32> to vector<16xf32>
        %get3A_1127 = arith.constant 0 : i32
        %get3A_1128 = arith.constant 8 : i32
        %get3A_1129 = arith.index_cast %get3A_1127 : i32 to index
        %get3A_1130 = arith.index_cast %get3A_1128 : i32 to index
        %get3A_1131 = arith.index_cast %scan3A_959 : i32 to index
        %get3A_1132 = arith.constant 16 : index
        %get3A_1133 = tpu.vector_load %arg10[%get3A_1129, %get3A_1130, %get3A_1131, %get3A_1132] {strides = array<i32>} : memref<2x10x50x64xf32, #tpu.memory_space<vmem>>, vector<1x1x1x16xf32>,
        %get3A_1134 = vector.shape_cast %get3A_1133 : vector<1x1x1x16xf32> to vector<16xf32>
        %get3A_1135 = arith.constant 0 : i32
        %get3A_1136 = arith.constant 9 : i32
        %get3A_1137 = arith.index_cast %get3A_1135 : i32 to index
        %get3A_1138 = arith.index_cast %get3A_1136 : i32 to index
        %get3A_1139 = arith.index_cast %scan3A_959 : i32 to index
        %get3A_1140 = arith.constant 16 : index
        %get3A_1141 = tpu.vector_load %arg10[%get3A_1137, %get3A_1138, %get3A_1139, %get3A_1140] {strides = array<i32>} : memref<2x10x50x64xf32, #tpu.memory_space<vmem>>, vector<1x1x1x16xf32>,
        %get3A_1142 = vector.shape_cast %get3A_1141 : vector<1x1x1x16xf32> to vector<16xf32>
        %add3A_1143 = arith.addf %get3A_1062, %get3A_1070 : vector<16xf32>
        %add3A_1144 = arith.addf %get3A_1078, %get3A_1086 : vector<16xf32>
        %add3A_1145 = arith.addf %get3A_1094, %get3A_1102 : vector<16xf32>
        %add3A_1146 = arith.addf %get3A_1110, %get3A_1118 : vector<16xf32>
        %add3A_1147 = arith.addf %get3A_1126, %get3A_1134 : vector<16xf32>
        %add3A_1148 = arith.addf %add3A_1143, %add3A_1144 : vector<16xf32>
        %add3A_1149 = arith.addf %add3A_1145, %add3A_1146 : vector<16xf32>
        %add3A_1150 = arith.addf %add3A_1147, %get3A_1142 : vector<16xf32>
        %add3A_1151 = arith.addf %add3A_1148, %add3A_1149 : vector<16xf32>
        %add3A_1152 = arith.addf %add3A_1151, %add3A_1150 : vector<16xf32>
        %swap3A_1153 = arith.constant 0 : i32
        %swap3A_1154 = arith.index_cast %swap3A_1153 : i32 to index
        %swap3A_1155 = arith.index_cast %scan3A_959 : i32 to index
        %swap3A_1156 = arith.constant 16 : index
        %swap3A_1157 = tpu.vector_load %arg11[%swap3A_1154, %swap3A_1155, %swap3A_1156] {strides = array<i32>} : memref<2x50x64xf32, #tpu.memory_space<vmem>>, vector<1x1x16xf32>,
        %swap3A_1158 = vector.shape_cast %swap3A_1157 : vector<1x1x16xf32> to vector<16xf32>
        %swap3A_1159 = vector.shape_cast %add3A_1152 : vector<16xf32> to vector<1x1x16xf32>
        tpu.vector_store %arg11[%swap3A_1154, %swap3A_1155, %swap3A_1156], %swap3A_1159 {strides = array<i32>} : memref<2x50x64xf32, #tpu.memory_space<vmem>>, vector<1x1x16xf32>,
        %get3A_1160 = arith.index_cast %scan3A_959 : i32 to index
        %get3A_1161 = arith.constant 32 : index
        %get3A_1162 = tpu.vector_load %arg9[%get3A_1160, %get3A_1161] {strides = array<i32>} : memref<50x64xf32, #tpu.memory_space<vmem>>, vector<1x16xf32>,
        %get3A_1163 = vector.shape_cast %get3A_1162 : vector<1x16xf32> to vector<16xf32>
        %get3A_1164 = arith.constant 0 : i32
        %get3A_1165 = arith.constant 0 : i32
        %get3A_1166 = arith.index_cast %get3A_1164 : i32 to index
        %get3A_1167 = arith.index_cast %get3A_1165 : i32 to index
        %get3A_1168 = arith.index_cast %scan3A_959 : i32 to index
        %get3A_1169 = arith.constant 32 : index
        %get3A_1170 = tpu.vector_load %arg10[%get3A_1166, %get3A_1167, %get3A_1168, %get3A_1169] {strides = array<i32>} : memref<2x10x50x64xf32, #tpu.memory_space<vmem>>, vector<1x1x1x16xf32>,
        %get3A_1171 = vector.shape_cast %get3A_1170 : vector<1x1x1x16xf32> to vector<16xf32>
        %get3A_1172 = arith.constant 0 : i32
        %get3A_1173 = arith.constant 1 : i32
        %get3A_1174 = arith.index_cast %get3A_1172 : i32 to index
        %get3A_1175 = arith.index_cast %get3A_1173 : i32 to index
        %get3A_1176 = arith.index_cast %scan3A_959 : i32 to index
        %get3A_1177 = arith.constant 32 : index
        %get3A_1178 = tpu.vector_load %arg10[%get3A_1174, %get3A_1175, %get3A_1176, %get3A_1177] {strides = array<i32>} : memref<2x10x50x64xf32, #tpu.memory_space<vmem>>, vector<1x1x1x16xf32>,
        %get3A_1179 = vector.shape_cast %get3A_1178 : vector<1x1x1x16xf32> to vector<16xf32>
        %get3A_1180 = arith.constant 0 : i32
        %get3A_1181 = arith.constant 2 : i32
        %get3A_1182 = arith.index_cast %get3A_1180 : i32 to index
        %get3A_1183 = arith.index_cast %get3A_1181 : i32 to index
        %get3A_1184 = arith.index_cast %scan3A_959 : i32 to index
        %get3A_1185 = arith.constant 32 : index
        %get3A_1186 = tpu.vector_load %arg10[%get3A_1182, %get3A_1183, %get3A_1184, %get3A_1185] {strides = array<i32>} : memref<2x10x50x64xf32, #tpu.memory_space<vmem>>, vector<1x1x1x16xf32>,
        %get3A_1187 = vector.shape_cast %get3A_1186 : vector<1x1x1x16xf32> to vector<16xf32>
        %get3A_1188 = arith.constant 0 : i32
        %get3A_1189 = arith.constant 3 : i32
        %get3A_1190 = arith.index_cast %get3A_1188 : i32 to index
        %get3A_1191 = arith.index_cast %get3A_1189 : i32 to index
        %get3A_1192 = arith.index_cast %scan3A_959 : i32 to index
        %get3A_1193 = arith.constant 32 : index
        %get3A_1194 = tpu.vector_load %arg10[%get3A_1190, %get3A_1191, %get3A_1192, %get3A_1193] {strides = array<i32>} : memref<2x10x50x64xf32, #tpu.memory_space<vmem>>, vector<1x1x1x16xf32>,
        %get3A_1195 = vector.shape_cast %get3A_1194 : vector<1x1x1x16xf32> to vector<16xf32>
        %get3A_1196 = arith.constant 0 : i32
        %get3A_1197 = arith.constant 4 : i32
        %get3A_1198 = arith.index_cast %get3A_1196 : i32 to index
        %get3A_1199 = arith.index_cast %get3A_1197 : i32 to index
        %get3A_1200 = arith.index_cast %scan3A_959 : i32 to index
        %get3A_1201 = arith.constant 32 : index
        %get3A_1202 = tpu.vector_load %arg10[%get3A_1198, %get3A_1199, %get3A_1200, %get3A_1201] {strides = array<i32>} : memref<2x10x50x64xf32, #tpu.memory_space<vmem>>, vector<1x1x1x16xf32>,
        %get3A_1203 = vector.shape_cast %get3A_1202 : vector<1x1x1x16xf32> to vector<16xf32>
        %get3A_1204 = arith.constant 0 : i32
        %get3A_1205 = arith.constant 5 : i32
        %get3A_1206 = arith.index_cast %get3A_1204 : i32 to index
        %get3A_1207 = arith.index_cast %get3A_1205 : i32 to index
        %get3A_1208 = arith.index_cast %scan3A_959 : i32 to index
        %get3A_1209 = arith.constant 32 : index
        %get3A_1210 = tpu.vector_load %arg10[%get3A_1206, %get3A_1207, %get3A_1208, %get3A_1209] {strides = array<i32>} : memref<2x10x50x64xf32, #tpu.memory_space<vmem>>, vector<1x1x1x16xf32>,
        %get3A_1211 = vector.shape_cast %get3A_1210 : vector<1x1x1x16xf32> to vector<16xf32>
        %get3A_1212 = arith.constant 0 : i32
        %get3A_1213 = arith.constant 6 : i32
        %get3A_1214 = arith.index_cast %get3A_1212 : i32 to index
        %get3A_1215 = arith.index_cast %get3A_1213 : i32 to index
        %get3A_1216 = arith.index_cast %scan3A_959 : i32 to index
        %get3A_1217 = arith.constant 32 : index
        %get3A_1218 = tpu.vector_load %arg10[%get3A_1214, %get3A_1215, %get3A_1216, %get3A_1217] {strides = array<i32>} : memref<2x10x50x64xf32, #tpu.memory_space<vmem>>, vector<1x1x1x16xf32>,
        %get3A_1219 = vector.shape_cast %get3A_1218 : vector<1x1x1x16xf32> to vector<16xf32>
        %get3A_1220 = arith.constant 0 : i32
        %get3A_1221 = arith.constant 7 : i32
        %get3A_1222 = arith.index_cast %get3A_1220 : i32 to index
        %get3A_1223 = arith.index_cast %get3A_1221 : i32 to index
        %get3A_1224 = arith.index_cast %scan3A_959 : i32 to index
        %get3A_1225 = arith.constant 32 : index
        %get3A_1226 = tpu.vector_load %arg10[%get3A_1222, %get3A_1223, %get3A_1224, %get3A_1225] {strides = array<i32>} : memref<2x10x50x64xf32, #tpu.memory_space<vmem>>, vector<1x1x1x16xf32>,
        %get3A_1227 = vector.shape_cast %get3A_1226 : vector<1x1x1x16xf32> to vector<16xf32>
        %get3A_1228 = arith.constant 0 : i32
        %get3A_1229 = arith.constant 8 : i32
        %get3A_1230 = arith.index_cast %get3A_1228 : i32 to index
        %get3A_1231 = arith.index_cast %get3A_1229 : i32 to index
        %get3A_1232 = arith.index_cast %scan3A_959 : i32 to index
        %get3A_1233 = arith.constant 32 : index
        %get3A_1234 = tpu.vector_load %arg10[%get3A_1230, %get3A_1231, %get3A_1232, %get3A_1233] {strides = array<i32>} : memref<2x10x50x64xf32, #tpu.memory_space<vmem>>, vector<1x1x1x16xf32>,
        %get3A_1235 = vector.shape_cast %get3A_1234 : vector<1x1x1x16xf32> to vector<16xf32>
        %get3A_1236 = arith.constant 0 : i32
        %get3A_1237 = arith.constant 9 : i32
        %get3A_1238 = arith.index_cast %get3A_1236 : i32 to index
        %get3A_1239 = arith.index_cast %get3A_1237 : i32 to index
        %get3A_1240 = arith.index_cast %scan3A_959 : i32 to index
        %get3A_1241 = arith.constant 32 : index
        %get3A_1242 = tpu.vector_load %arg10[%get3A_1238, %get3A_1239, %get3A_1240, %get3A_1241] {strides = array<i32>} : memref<2x10x50x64xf32, #tpu.memory_space<vmem>>, vector<1x1x1x16xf32>,
        %get3A_1243 = vector.shape_cast %get3A_1242 : vector<1x1x1x16xf32> to vector<16xf32>
        %add3A_1244 = arith.addf %get3A_1163, %get3A_1171 : vector<16xf32>
        %add3A_1245 = arith.addf %get3A_1179, %get3A_1187 : vector<16xf32>
        %add3A_1246 = arith.addf %get3A_1195, %get3A_1203 : vector<16xf32>
        %add3A_1247 = arith.addf %get3A_1211, %get3A_1219 : vector<16xf32>
        %add3A_1248 = arith.addf %get3A_1227, %get3A_1235 : vector<16xf32>
        %add3A_1249 = arith.addf %add3A_1244, %add3A_1245 : vector<16xf32>
        %add3A_1250 = arith.addf %add3A_1246, %add3A_1247 : vector<16xf32>
        %add3A_1251 = arith.addf %add3A_1248, %get3A_1243 : vector<16xf32>
        %add3A_1252 = arith.addf %add3A_1249, %add3A_1250 : vector<16xf32>
        %add3A_1253 = arith.addf %add3A_1252, %add3A_1251 : vector<16xf32>
        %swap3A_1254 = arith.constant 0 : i32
        %swap3A_1255 = arith.index_cast %swap3A_1254 : i32 to index
        %swap3A_1256 = arith.index_cast %scan3A_959 : i32 to index
        %swap3A_1257 = arith.constant 32 : index
        %swap3A_1258 = tpu.vector_load %arg11[%swap3A_1255, %swap3A_1256, %swap3A_1257] {strides = array<i32>} : memref<2x50x64xf32, #tpu.memory_space<vmem>>, vector<1x1x16xf32>,
        %swap3A_1259 = vector.shape_cast %swap3A_1258 : vector<1x1x16xf32> to vector<16xf32>
        %swap3A_1260 = vector.shape_cast %add3A_1253 : vector<16xf32> to vector<1x1x16xf32>
        tpu.vector_store %arg11[%swap3A_1255, %swap3A_1256, %swap3A_1257], %swap3A_1260 {strides = array<i32>} : memref<2x50x64xf32, #tpu.memory_space<vmem>>, vector<1x1x16xf32>,
        %get3A_1261 = arith.index_cast %scan3A_959 : i32 to index
        %get3A_1262 = arith.constant 48 : index
        %get3A_1263 = tpu.vector_load %arg9[%get3A_1261, %get3A_1262] {strides = array<i32>} : memref<50x64xf32, #tpu.memory_space<vmem>>, vector<1x16xf32>,
        %get3A_1264 = vector.shape_cast %get3A_1263 : vector<1x16xf32> to vector<16xf32>
        %get3A_1265 = arith.constant 0 : i32
        %get3A_1266 = arith.constant 0 : i32
        %get3A_1267 = arith.index_cast %get3A_1265 : i32 to index
        %get3A_1268 = arith.index_cast %get3A_1266 : i32 to index
        %get3A_1269 = arith.index_cast %scan3A_959 : i32 to index
        %get3A_1270 = arith.constant 48 : index
        %get3A_1271 = tpu.vector_load %arg10[%get3A_1267, %get3A_1268, %get3A_1269, %get3A_1270] {strides = array<i32>} : memref<2x10x50x64xf32, #tpu.memory_space<vmem>>, vector<1x1x1x16xf32>,
        %get3A_1272 = vector.shape_cast %get3A_1271 : vector<1x1x1x16xf32> to vector<16xf32>
        %get3A_1273 = arith.constant 0 : i32
        %get3A_1274 = arith.constant 1 : i32
        %get3A_1275 = arith.index_cast %get3A_1273 : i32 to index
        %get3A_1276 = arith.index_cast %get3A_1274 : i32 to index
        %get3A_1277 = arith.index_cast %scan3A_959 : i32 to index
        %get3A_1278 = arith.constant 48 : index
        %get3A_1279 = tpu.vector_load %arg10[%get3A_1275, %get3A_1276, %get3A_1277, %get3A_1278] {strides = array<i32>} : memref<2x10x50x64xf32, #tpu.memory_space<vmem>>, vector<1x1x1x16xf32>,
        %get3A_1280 = vector.shape_cast %get3A_1279 : vector<1x1x1x16xf32> to vector<16xf32>
        %get3A_1281 = arith.constant 0 : i32
        %get3A_1282 = arith.constant 2 : i32
        %get3A_1283 = arith.index_cast %get3A_1281 : i32 to index
        %get3A_1284 = arith.index_cast %get3A_1282 : i32 to index
        %get3A_1285 = arith.index_cast %scan3A_959 : i32 to index
        %get3A_1286 = arith.constant 48 : index
        %get3A_1287 = tpu.vector_load %arg10[%get3A_1283, %get3A_1284, %get3A_1285, %get3A_1286] {strides = array<i32>} : memref<2x10x50x64xf32, #tpu.memory_space<vmem>>, vector<1x1x1x16xf32>,
        %get3A_1288 = vector.shape_cast %get3A_1287 : vector<1x1x1x16xf32> to vector<16xf32>
        %get3A_1289 = arith.constant 0 : i32
        %get3A_1290 = arith.constant 3 : i32
        %get3A_1291 = arith.index_cast %get3A_1289 : i32 to index
        %get3A_1292 = arith.index_cast %get3A_1290 : i32 to index
        %get3A_1293 = arith.index_cast %scan3A_959 : i32 to index
        %get3A_1294 = arith.constant 48 : index
        %get3A_1295 = tpu.vector_load %arg10[%get3A_1291, %get3A_1292, %get3A_1293, %get3A_1294] {strides = array<i32>} : memref<2x10x50x64xf32, #tpu.memory_space<vmem>>, vector<1x1x1x16xf32>,
        %get3A_1296 = vector.shape_cast %get3A_1295 : vector<1x1x1x16xf32> to vector<16xf32>
        %get3A_1297 = arith.constant 0 : i32
        %get3A_1298 = arith.constant 4 : i32
        %get3A_1299 = arith.index_cast %get3A_1297 : i32 to index
        %get3A_1300 = arith.index_cast %get3A_1298 : i32 to index
        %get3A_1301 = arith.index_cast %scan3A_959 : i32 to index
        %get3A_1302 = arith.constant 48 : index
        %get3A_1303 = tpu.vector_load %arg10[%get3A_1299, %get3A_1300, %get3A_1301, %get3A_1302] {strides = array<i32>} : memref<2x10x50x64xf32, #tpu.memory_space<vmem>>, vector<1x1x1x16xf32>,
        %get3A_1304 = vector.shape_cast %get3A_1303 : vector<1x1x1x16xf32> to vector<16xf32>
        %get3A_1305 = arith.constant 0 : i32
        %get3A_1306 = arith.constant 5 : i32
        %get3A_1307 = arith.index_cast %get3A_1305 : i32 to index
        %get3A_1308 = arith.index_cast %get3A_1306 : i32 to index
        %get3A_1309 = arith.index_cast %scan3A_959 : i32 to index
        %get3A_1310 = arith.constant 48 : index
        %get3A_1311 = tpu.vector_load %arg10[%get3A_1307, %get3A_1308, %get3A_1309, %get3A_1310] {strides = array<i32>} : memref<2x10x50x64xf32, #tpu.memory_space<vmem>>, vector<1x1x1x16xf32>,
        %get3A_1312 = vector.shape_cast %get3A_1311 : vector<1x1x1x16xf32> to vector<16xf32>
        %get3A_1313 = arith.constant 0 : i32
        %get3A_1314 = arith.constant 6 : i32
        %get3A_1315 = arith.index_cast %get3A_1313 : i32 to index
        %get3A_1316 = arith.index_cast %get3A_1314 : i32 to index
        %get3A_1317 = arith.index_cast %scan3A_959 : i32 to index
        %get3A_1318 = arith.constant 48 : index
        %get3A_1319 = tpu.vector_load %arg10[%get3A_1315, %get3A_1316, %get3A_1317, %get3A_1318] {strides = array<i32>} : memref<2x10x50x64xf32, #tpu.memory_space<vmem>>, vector<1x1x1x16xf32>,
        %get3A_1320 = vector.shape_cast %get3A_1319 : vector<1x1x1x16xf32> to vector<16xf32>
        %get3A_1321 = arith.constant 0 : i32
        %get3A_1322 = arith.constant 7 : i32
        %get3A_1323 = arith.index_cast %get3A_1321 : i32 to index
        %get3A_1324 = arith.index_cast %get3A_1322 : i32 to index
        %get3A_1325 = arith.index_cast %scan3A_959 : i32 to index
        %get3A_1326 = arith.constant 48 : index
        %get3A_1327 = tpu.vector_load %arg10[%get3A_1323, %get3A_1324, %get3A_1325, %get3A_1326] {strides = array<i32>} : memref<2x10x50x64xf32, #tpu.memory_space<vmem>>, vector<1x1x1x16xf32>,
        %get3A_1328 = vector.shape_cast %get3A_1327 : vector<1x1x1x16xf32> to vector<16xf32>
        %get3A_1329 = arith.constant 0 : i32
        %get3A_1330 = arith.constant 8 : i32
        %get3A_1331 = arith.index_cast %get3A_1329 : i32 to index
        %get3A_1332 = arith.index_cast %get3A_1330 : i32 to index
        %get3A_1333 = arith.index_cast %scan3A_959 : i32 to index
        %get3A_1334 = arith.constant 48 : index
        %get3A_1335 = tpu.vector_load %arg10[%get3A_1331, %get3A_1332, %get3A_1333, %get3A_1334] {strides = array<i32>} : memref<2x10x50x64xf32, #tpu.memory_space<vmem>>, vector<1x1x1x16xf32>,
        %get3A_1336 = vector.shape_cast %get3A_1335 : vector<1x1x1x16xf32> to vector<16xf32>
        %get3A_1337 = arith.constant 0 : i32
        %get3A_1338 = arith.constant 9 : i32
        %get3A_1339 = arith.index_cast %get3A_1337 : i32 to index
        %get3A_1340 = arith.index_cast %get3A_1338 : i32 to index
        %get3A_1341 = arith.index_cast %scan3A_959 : i32 to index
        %get3A_1342 = arith.constant 48 : index
        %get3A_1343 = tpu.vector_load %arg10[%get3A_1339, %get3A_1340, %get3A_1341, %get3A_1342] {strides = array<i32>} : memref<2x10x50x64xf32, #tpu.memory_space<vmem>>, vector<1x1x1x16xf32>,
        %get3A_1344 = vector.shape_cast %get3A_1343 : vector<1x1x1x16xf32> to vector<16xf32>
        %add3A_1345 = arith.addf %get3A_1264, %get3A_1272 : vector<16xf32>
        %add3A_1346 = arith.addf %get3A_1280, %get3A_1288 : vector<16xf32>
        %add3A_1347 = arith.addf %get3A_1296, %get3A_1304 : vector<16xf32>
        %add3A_1348 = arith.addf %get3A_1312, %get3A_1320 : vector<16xf32>
        %add3A_1349 = arith.addf %get3A_1328, %get3A_1336 : vector<16xf32>
        %add3A_1350 = arith.addf %add3A_1345, %add3A_1346 : vector<16xf32>
        %add3A_1351 = arith.addf %add3A_1347, %add3A_1348 : vector<16xf32>
        %add3A_1352 = arith.addf %add3A_1349, %get3A_1344 : vector<16xf32>
        %add3A_1353 = arith.addf %add3A_1350, %add3A_1351 : vector<16xf32>
        %add3A_1354 = arith.addf %add3A_1353, %add3A_1352 : vector<16xf32>
        %swap3A_1355 = arith.constant 0 : i32
        %swap3A_1356 = arith.index_cast %swap3A_1355 : i32 to index
        %swap3A_1357 = arith.index_cast %scan3A_959 : i32 to index
        %swap3A_1358 = arith.constant 48 : index
        %swap3A_1359 = tpu.vector_load %arg11[%swap3A_1356, %swap3A_1357, %swap3A_1358] {strides = array<i32>} : memref<2x50x64xf32, #tpu.memory_space<vmem>>, vector<1x1x16xf32>,
        %swap3A_1360 = vector.shape_cast %swap3A_1359 : vector<1x1x16xf32> to vector<16xf32>
        %swap3A_1361 = vector.shape_cast %add3A_1354 : vector<16xf32> to vector<1x1x16xf32>
        tpu.vector_store %arg11[%swap3A_1356, %swap3A_1357, %swap3A_1358], %swap3A_1361 {strides = array<i32>} : memref<2x50x64xf32, #tpu.memory_space<vmem>>, vector<1x1x16xf32>,
      }
      %scan3A_462 = arith.constant 50 : i32
      %add3A_463 = arith.constant 1 : i32
      %add3A_464 = arith.addi %add3A_314, %add3A_463 : i32
      %lt3A = arith.constant 32 : i32
      %lt3A_465 = arith.cmpi slt, %add3A_464, %lt3A : i32
      %convert_element_type3A_466 = arith.extui %lt3A_465 : i1 to i32
      %cond3A_467 = arith.constant 0 : i32
      %cond3A_468 = arith.cmpi ne, %convert_element_type3A_466, %cond3A_467 : i32
      scf.if %cond3A_468 {
        %add3A_959 = arith.constant 1 : i32
        %add3A_960 = arith.addi %add3A_314, %add3A_959 : i32
        %dma_start3A_961 = arith.constant 0 : i32
        %dma_start3A_962 = arith.constant 0 : i32
        %dma_start3A_963 = arith.constant 0 : i32
        %dma_start3A_964 = arith.constant 0 : i32
        %dma_start3A_965 = arith.constant 0 : i32
        %dma_start3A_966 = tpu.memref_slice %arg10[%dma_start3A_962, %dma_start3A_963, %dma_start3A_964, %dma_start3A_965] : memref<2x10x50x64xf32, #tpu.memory_space<vmem>> -> memref<1x1x50x64xf32, #tpu.memory_space<vmem>>
        %dma_start3A_967 = tpu.memref_squeeze %dma_start3A_966 : memref<1x1x50x64xf32, #tpu.memory_space<vmem>> -> memref<50x64xf32, #tpu.memory_space<vmem>>
        %dma_start3A_968 = arith.constant 0 : i32
        %dma_start3A_969 = tpu.memref_slice %arg7[%add3A_960, %dma_start3A_961, %dma_start3A_968] : memref<32x20x50xi32, #tpu.memory_space<vmem>> -> memref<1x1x50xi32, #tpu.memory_space<vmem>>
        %dma_start3A_970 = tpu.memref_squeeze %dma_start3A_969 : memref<1x1x50xi32, #tpu.memory_space<vmem>> -> memref<50xi32, #tpu.memory_space<vmem>>
        %dma_start3A_971 = arith.constant 0 : i32
        %dma_start3A_972 = arith.constant 0 : i32
        %dma_start3A_973 = tpu.memref_slice %arg2[%dma_start3A_971, %dma_start3A_972] : memref<100000x64xf32, #tpu.memory_space<hbm>> -> memref<100000x64xf32, #tpu.memory_space<hbm>>
        tpu.enqueue_indirect_dma source(%dma_start3A_973 : memref<100000x64xf32, #tpu.memory_space<hbm>>) target(%dma_start3A_967 : memref<50x64xf32, #tpu.memory_space<vmem>>) offsets(%dma_start3A_970 : memref<50xi32, #tpu.memory_space<vmem>>) semaphore(%arg12 : memref<!tpu.dma_semaphore, #tpu.memory_space<semaphore_mem>>)
        %dma_start3A_974 = arith.constant 1 : i32
        %dma_start3A_975 = arith.constant 0 : i32
        %dma_start3A_976 = arith.constant 1 : i32
        %dma_start3A_977 = arith.constant 0 : i32
        %dma_start3A_978 = arith.constant 0 : i32
        %dma_start3A_979 = tpu.memref_slice %arg10[%dma_start3A_975, %dma_start3A_976, %dma_start3A_977, %dma_start3A_978] : memref<2x10x50x64xf32, #tpu.memory_space<vmem>> -> memref<1x1x50x64xf32, #tpu.memory_space<vmem>>
        %dma_start3A_980 = tpu.memref_squeeze %dma_start3A_979 : memref<1x1x50x64xf32, #tpu.memory_space<vmem>> -> memref<50x64xf32, #tpu.memory_space<vmem>>
        %dma_start3A_981 = arith.constant 0 : i32
        %dma_start3A_982 = tpu.memref_slice %arg7[%add3A_960, %dma_start3A_974, %dma_start3A_981] : memref<32x20x50xi32, #tpu.memory_space<vmem>> -> memref<1x1x50xi32, #tpu.memory_space<vmem>>
        %dma_start3A_983 = tpu.memref_squeeze %dma_start3A_982 : memref<1x1x50xi32, #tpu.memory_space<vmem>> -> memref<50xi32, #tpu.memory_space<vmem>>
        %dma_start3A_984 = arith.constant 0 : i32
        %dma_start3A_985 = arith.constant 0 : i32
        %dma_start3A_986 = tpu.memref_slice %arg2[%dma_start3A_984, %dma_start3A_985] : memref<100000x64xf32, #tpu.memory_space<hbm>> -> memref<100000x64xf32, #tpu.memory_space<hbm>>
        tpu.enqueue_indirect_dma source(%dma_start3A_986 : memref<100000x64xf32, #tpu.memory_space<hbm>>) target(%dma_start3A_980 : memref<50x64xf32, #tpu.memory_space<vmem>>) offsets(%dma_start3A_983 : memref<50xi32, #tpu.memory_space<vmem>>) semaphore(%arg12 : memref<!tpu.dma_semaphore, #tpu.memory_space<semaphore_mem>>)
        %dma_start3A_987 = arith.constant 2 : i32
        %dma_start3A_988 = arith.constant 0 : i32
        %dma_start3A_989 = arith.constant 2 : i32
        %dma_start3A_990 = arith.constant 0 : i32
        %dma_start3A_991 = arith.constant 0 : i32
        %dma_start3A_992 = tpu.memref_slice %arg10[%dma_start3A_988, %dma_start3A_989, %dma_start3A_990, %dma_start3A_991] : memref<2x10x50x64xf32, #tpu.memory_space<vmem>> -> memref<1x1x50x64xf32, #tpu.memory_space<vmem>>
        %dma_start3A_993 = tpu.memref_squeeze %dma_start3A_992 : memref<1x1x50x64xf32, #tpu.memory_space<vmem>> -> memref<50x64xf32, #tpu.memory_space<vmem>>
        %dma_start3A_994 = arith.constant 0 : i32
        %dma_start3A_995 = tpu.memref_slice %arg7[%add3A_960, %dma_start3A_987, %dma_start3A_994] : memref<32x20x50xi32, #tpu.memory_space<vmem>> -> memref<1x1x50xi32, #tpu.memory_space<vmem>>
        %dma_start3A_996 = tpu.memref_squeeze %dma_start3A_995 : memref<1x1x50xi32, #tpu.memory_space<vmem>> -> memref<50xi32, #tpu.memory_space<vmem>>
        %dma_start3A_997 = arith.constant 0 : i32
        %dma_start3A_998 = arith.constant 0 : i32
        %dma_start3A_999 = tpu.memref_slice %arg2[%dma_start3A_997, %dma_start3A_998] : memref<100000x64xf32, #tpu.memory_space<hbm>> -> memref<100000x64xf32, #tpu.memory_space<hbm>>
        tpu.enqueue_indirect_dma source(%dma_start3A_999 : memref<100000x64xf32, #tpu.memory_space<hbm>>) target(%dma_start3A_993 : memref<50x64xf32, #tpu.memory_space<vmem>>) offsets(%dma_start3A_996 : memref<50xi32, #tpu.memory_space<vmem>>) semaphore(%arg12 : memref<!tpu.dma_semaphore, #tpu.memory_space<semaphore_mem>>)
        %dma_start3A_1000 = arith.constant 3 : i32
        %dma_start3A_1001 = arith.constant 0 : i32
        %dma_start3A_1002 = arith.constant 3 : i32
        %dma_start3A_1003 = arith.constant 0 : i32
        %dma_start3A_1004 = arith.constant 0 : i32
        %dma_start3A_1005 = tpu.memref_slice %arg10[%dma_start3A_1001, %dma_start3A_1002, %dma_start3A_1003, %dma_start3A_1004] : memref<2x10x50x64xf32, #tpu.memory_space<vmem>> -> memref<1x1x50x64xf32, #tpu.memory_space<vmem>>
        %dma_start3A_1006 = tpu.memref_squeeze %dma_start3A_1005 : memref<1x1x50x64xf32, #tpu.memory_space<vmem>> -> memref<50x64xf32, #tpu.memory_space<vmem>>
        %dma_start3A_1007 = arith.constant 0 : i32
        %dma_start3A_1008 = tpu.memref_slice %arg7[%add3A_960, %dma_start3A_1000, %dma_start3A_1007] : memref<32x20x50xi32, #tpu.memory_space<vmem>> -> memref<1x1x50xi32, #tpu.memory_space<vmem>>
        %dma_start3A_1009 = tpu.memref_squeeze %dma_start3A_1008 : memref<1x1x50xi32, #tpu.memory_space<vmem>> -> memref<50xi32, #tpu.memory_space<vmem>>
        %dma_start3A_1010 = arith.constant 0 : i32
        %dma_start3A_1011 = arith.constant 0 : i32
        %dma_start3A_1012 = tpu.memref_slice %arg2[%dma_start3A_1010, %dma_start3A_1011] : memref<100000x64xf32, #tpu.memory_space<hbm>> -> memref<100000x64xf32, #tpu.memory_space<hbm>>
        tpu.enqueue_indirect_dma source(%dma_start3A_1012 : memref<100000x64xf32, #tpu.memory_space<hbm>>) target(%dma_start3A_1006 : memref<50x64xf32, #tpu.memory_space<vmem>>) offsets(%dma_start3A_1009 : memref<50xi32, #tpu.memory_space<vmem>>) semaphore(%arg12 : memref<!tpu.dma_semaphore, #tpu.memory_space<semaphore_mem>>)
        %dma_start3A_1013 = arith.constant 4 : i32
        %dma_start3A_1014 = arith.constant 0 : i32
        %dma_start3A_1015 = arith.constant 4 : i32
        %dma_start3A_1016 = arith.constant 0 : i32
        %dma_start3A_1017 = arith.constant 0 : i32
        %dma_start3A_1018 = tpu.memref_slice %arg10[%dma_start3A_1014, %dma_start3A_1015, %dma_start3A_1016, %dma_start3A_1017] : memref<2x10x50x64xf32, #tpu.memory_space<vmem>> -> memref<1x1x50x64xf32, #tpu.memory_space<vmem>>
        %dma_start3A_1019 = tpu.memref_squeeze %dma_start3A_1018 : memref<1x1x50x64xf32, #tpu.memory_space<vmem>> -> memref<50x64xf32, #tpu.memory_space<vmem>>
        %dma_start3A_1020 = arith.constant 0 : i32
        %dma_start3A_1021 = tpu.memref_slice %arg7[%add3A_960, %dma_start3A_1013, %dma_start3A_1020] : memref<32x20x50xi32, #tpu.memory_space<vmem>> -> memref<1x1x50xi32, #tpu.memory_space<vmem>>
        %dma_start3A_1022 = tpu.memref_squeeze %dma_start3A_1021 : memref<1x1x50xi32, #tpu.memory_space<vmem>> -> memref<50xi32, #tpu.memory_space<vmem>>
        %dma_start3A_1023 = arith.constant 0 : i32
        %dma_start3A_1024 = arith.constant 0 : i32
        %dma_start3A_1025 = tpu.memref_slice %arg2[%dma_start3A_1023, %dma_start3A_1024] : memref<100000x64xf32, #tpu.memory_space<hbm>> -> memref<100000x64xf32, #tpu.memory_space<hbm>>
        tpu.enqueue_indirect_dma source(%dma_start3A_1025 : memref<100000x64xf32, #tpu.memory_space<hbm>>) target(%dma_start3A_1019 : memref<50x64xf32, #tpu.memory_space<vmem>>) offsets(%dma_start3A_1022 : memref<50xi32, #tpu.memory_space<vmem>>) semaphore(%arg12 : memref<!tpu.dma_semaphore, #tpu.memory_space<semaphore_mem>>)
        %dma_start3A_1026 = arith.constant 5 : i32
        %dma_start3A_1027 = arith.constant 0 : i32
        %dma_start3A_1028 = arith.constant 5 : i32
        %dma_start3A_1029 = arith.constant 0 : i32
        %dma_start3A_1030 = arith.constant 0 : i32
        %dma_start3A_1031 = tpu.memref_slice %arg10[%dma_start3A_1027, %dma_start3A_1028, %dma_start3A_1029, %dma_start3A_1030] : memref<2x10x50x64xf32, #tpu.memory_space<vmem>> -> memref<1x1x50x64xf32, #tpu.memory_space<vmem>>
        %dma_start3A_1032 = tpu.memref_squeeze %dma_start3A_1031 : memref<1x1x50x64xf32, #tpu.memory_space<vmem>> -> memref<50x64xf32, #tpu.memory_space<vmem>>
        %dma_start3A_1033 = arith.constant 0 : i32
        %dma_start3A_1034 = tpu.memref_slice %arg7[%add3A_960, %dma_start3A_1026, %dma_start3A_1033] : memref<32x20x50xi32, #tpu.memory_space<vmem>> -> memref<1x1x50xi32, #tpu.memory_space<vmem>>
        %dma_start3A_1035 = tpu.memref_squeeze %dma_start3A_1034 : memref<1x1x50xi32, #tpu.memory_space<vmem>> -> memref<50xi32, #tpu.memory_space<vmem>>
        %dma_start3A_1036 = arith.constant 0 : i32
        %dma_start3A_1037 = arith.constant 0 : i32
        %dma_start3A_1038 = tpu.memref_slice %arg2[%dma_start3A_1036, %dma_start3A_1037] : memref<100000x64xf32, #tpu.memory_space<hbm>> -> memref<100000x64xf32, #tpu.memory_space<hbm>>
        tpu.enqueue_indirect_dma source(%dma_start3A_1038 : memref<100000x64xf32, #tpu.memory_space<hbm>>) target(%dma_start3A_1032 : memref<50x64xf32, #tpu.memory_space<vmem>>) offsets(%dma_start3A_1035 : memref<50xi32, #tpu.memory_space<vmem>>) semaphore(%arg12 : memref<!tpu.dma_semaphore, #tpu.memory_space<semaphore_mem>>)
        %dma_start3A_1039 = arith.constant 6 : i32
        %dma_start3A_1040 = arith.constant 0 : i32
        %dma_start3A_1041 = arith.constant 6 : i32
        %dma_start3A_1042 = arith.constant 0 : i32
        %dma_start3A_1043 = arith.constant 0 : i32
        %dma_start3A_1044 = tpu.memref_slice %arg10[%dma_start3A_1040, %dma_start3A_1041, %dma_start3A_1042, %dma_start3A_1043] : memref<2x10x50x64xf32, #tpu.memory_space<vmem>> -> memref<1x1x50x64xf32, #tpu.memory_space<vmem>>
        %dma_start3A_1045 = tpu.memref_squeeze %dma_start3A_1044 : memref<1x1x50x64xf32, #tpu.memory_space<vmem>> -> memref<50x64xf32, #tpu.memory_space<vmem>>
        %dma_start3A_1046 = arith.constant 0 : i32
        %dma_start3A_1047 = tpu.memref_slice %arg7[%add3A_960, %dma_start3A_1039, %dma_start3A_1046] : memref<32x20x50xi32, #tpu.memory_space<vmem>> -> memref<1x1x50xi32, #tpu.memory_space<vmem>>
        %dma_start3A_1048 = tpu.memref_squeeze %dma_start3A_1047 : memref<1x1x50xi32, #tpu.memory_space<vmem>> -> memref<50xi32, #tpu.memory_space<vmem>>
        %dma_start3A_1049 = arith.constant 0 : i32
        %dma_start3A_1050 = arith.constant 0 : i32
        %dma_start3A_1051 = tpu.memref_slice %arg2[%dma_start3A_1049, %dma_start3A_1050] : memref<100000x64xf32, #tpu.memory_space<hbm>> -> memref<100000x64xf32, #tpu.memory_space<hbm>>
        tpu.enqueue_indirect_dma source(%dma_start3A_1051 : memref<100000x64xf32, #tpu.memory_space<hbm>>) target(%dma_start3A_1045 : memref<50x64xf32, #tpu.memory_space<vmem>>) offsets(%dma_start3A_1048 : memref<50xi32, #tpu.memory_space<vmem>>) semaphore(%arg12 : memref<!tpu.dma_semaphore, #tpu.memory_space<semaphore_mem>>)
        %dma_start3A_1052 = arith.constant 7 : i32
        %dma_start3A_1053 = arith.constant 0 : i32
        %dma_start3A_1054 = arith.constant 7 : i32
        %dma_start3A_1055 = arith.constant 0 : i32
        %dma_start3A_1056 = arith.constant 0 : i32
        %dma_start3A_1057 = tpu.memref_slice %arg10[%dma_start3A_1053, %dma_start3A_1054, %dma_start3A_1055, %dma_start3A_1056] : memref<2x10x50x64xf32, #tpu.memory_space<vmem>> -> memref<1x1x50x64xf32, #tpu.memory_space<vmem>>
        %dma_start3A_1058 = tpu.memref_squeeze %dma_start3A_1057 : memref<1x1x50x64xf32, #tpu.memory_space<vmem>> -> memref<50x64xf32, #tpu.memory_space<vmem>>
        %dma_start3A_1059 = arith.constant 0 : i32
        %dma_start3A_1060 = tpu.memref_slice %arg7[%add3A_960, %dma_start3A_1052, %dma_start3A_1059] : memref<32x20x50xi32, #tpu.memory_space<vmem>> -> memref<1x1x50xi32, #tpu.memory_space<vmem>>
        %dma_start3A_1061 = tpu.memref_squeeze %dma_start3A_1060 : memref<1x1x50xi32, #tpu.memory_space<vmem>> -> memref<50xi32, #tpu.memory_space<vmem>>
        %dma_start3A_1062 = arith.constant 0 : i32
        %dma_start3A_1063 = arith.constant 0 : i32
        %dma_start3A_1064 = tpu.memref_slice %arg2[%dma_start3A_1062, %dma_start3A_1063] : memref<100000x64xf32, #tpu.memory_space<hbm>> -> memref<100000x64xf32, #tpu.memory_space<hbm>>
        tpu.enqueue_indirect_dma source(%dma_start3A_1064 : memref<100000x64xf32, #tpu.memory_space<hbm>>) target(%dma_start3A_1058 : memref<50x64xf32, #tpu.memory_space<vmem>>) offsets(%dma_start3A_1061 : memref<50xi32, #tpu.memory_space<vmem>>) semaphore(%arg12 : memref<!tpu.dma_semaphore, #tpu.memory_space<semaphore_mem>>)
        %dma_start3A_1065 = arith.constant 8 : i32
        %dma_start3A_1066 = arith.constant 0 : i32
        %dma_start3A_1067 = arith.constant 8 : i32
        %dma_start3A_1068 = arith.constant 0 : i32
        %dma_start3A_1069 = arith.constant 0 : i32
        %dma_start3A_1070 = tpu.memref_slice %arg10[%dma_start3A_1066, %dma_start3A_1067, %dma_start3A_1068, %dma_start3A_1069] : memref<2x10x50x64xf32, #tpu.memory_space<vmem>> -> memref<1x1x50x64xf32, #tpu.memory_space<vmem>>
        %dma_start3A_1071 = tpu.memref_squeeze %dma_start3A_1070 : memref<1x1x50x64xf32, #tpu.memory_space<vmem>> -> memref<50x64xf32, #tpu.memory_space<vmem>>
        %dma_start3A_1072 = arith.constant 0 : i32
        %dma_start3A_1073 = tpu.memref_slice %arg7[%add3A_960, %dma_start3A_1065, %dma_start3A_1072] : memref<32x20x50xi32, #tpu.memory_space<vmem>> -> memref<1x1x50xi32, #tpu.memory_space<vmem>>
        %dma_start3A_1074 = tpu.memref_squeeze %dma_start3A_1073 : memref<1x1x50xi32, #tpu.memory_space<vmem>> -> memref<50xi32, #tpu.memory_space<vmem>>
        %dma_start3A_1075 = arith.constant 0 : i32
        %dma_start3A_1076 = arith.constant 0 : i32
        %dma_start3A_1077 = tpu.memref_slice %arg2[%dma_start3A_1075, %dma_start3A_1076] : memref<100000x64xf32, #tpu.memory_space<hbm>> -> memref<100000x64xf32, #tpu.memory_space<hbm>>
        tpu.enqueue_indirect_dma source(%dma_start3A_1077 : memref<100000x64xf32, #tpu.memory_space<hbm>>) target(%dma_start3A_1071 : memref<50x64xf32, #tpu.memory_space<vmem>>) offsets(%dma_start3A_1074 : memref<50xi32, #tpu.memory_space<vmem>>) semaphore(%arg12 : memref<!tpu.dma_semaphore, #tpu.memory_space<semaphore_mem>>)
        %dma_start3A_1078 = arith.constant 9 : i32
        %dma_start3A_1079 = arith.constant 0 : i32
        %dma_start3A_1080 = arith.constant 9 : i32
        %dma_start3A_1081 = arith.constant 0 : i32
        %dma_start3A_1082 = arith.constant 0 : i32
        %dma_start3A_1083 = tpu.memref_slice %arg10[%dma_start3A_1079, %dma_start3A_1080, %dma_start3A_1081, %dma_start3A_1082] : memref<2x10x50x64xf32, #tpu.memory_space<vmem>> -> memref<1x1x50x64xf32, #tpu.memory_space<vmem>>
        %dma_start3A_1084 = tpu.memref_squeeze %dma_start3A_1083 : memref<1x1x50x64xf32, #tpu.memory_space<vmem>> -> memref<50x64xf32, #tpu.memory_space<vmem>>
        %dma_start3A_1085 = arith.constant 0 : i32
        %dma_start3A_1086 = tpu.memref_slice %arg7[%add3A_960, %dma_start3A_1078, %dma_start3A_1085] : memref<32x20x50xi32, #tpu.memory_space<vmem>> -> memref<1x1x50xi32, #tpu.memory_space<vmem>>
        %dma_start3A_1087 = tpu.memref_squeeze %dma_start3A_1086 : memref<1x1x50xi32, #tpu.memory_space<vmem>> -> memref<50xi32, #tpu.memory_space<vmem>>
        %dma_start3A_1088 = arith.constant 0 : i32
        %dma_start3A_1089 = arith.constant 0 : i32
        %dma_start3A_1090 = tpu.memref_slice %arg2[%dma_start3A_1088, %dma_start3A_1089] : memref<100000x64xf32, #tpu.memory_space<hbm>> -> memref<100000x64xf32, #tpu.memory_space<hbm>>
        tpu.enqueue_indirect_dma source(%dma_start3A_1090 : memref<100000x64xf32, #tpu.memory_space<hbm>>) target(%dma_start3A_1084 : memref<50x64xf32, #tpu.memory_space<vmem>>) offsets(%dma_start3A_1087 : memref<50xi32, #tpu.memory_space<vmem>>) semaphore(%arg12 : memref<!tpu.dma_semaphore, #tpu.memory_space<semaphore_mem>>)
      } else {
      }
      %dma_wait3A_469 = arith.constant 0 : i32
      %dma_wait3A_470 = arith.constant 0 : i32
      %dma_wait3A_471 = arith.constant 1 : i32
      %dma_wait3A_472 = arith.constant 0 : i32
      %dma_wait3A_473 = arith.constant 0 : i32
      %dma_wait3A_474 = arith.constant 0 : i32
      %dma_wait3A_475 = tpu.memref_slice %arg10[%dma_wait3A_471, %dma_wait3A_472, %dma_wait3A_473, %dma_wait3A_474] : memref<2x10x50x64xf32, #tpu.memory_space<vmem>> -> memref<1x1x50x64xf32, #tpu.memory_space<vmem>>
      %dma_wait3A_476 = tpu.memref_squeeze %dma_wait3A_475 : memref<1x1x50x64xf32, #tpu.memory_space<vmem>> -> memref<50x64xf32, #tpu.memory_space<vmem>>
      %dma_wait3A_477 = arith.constant 0 : i32
      %dma_wait3A_478 = tpu.memref_slice %arg7[%dma_wait3A_469, %dma_wait3A_470, %dma_wait3A_477] : memref<32x20x50xi32, #tpu.memory_space<vmem>> -> memref<1x1x50xi32, #tpu.memory_space<vmem>>
      %dma_wait3A_479 = tpu.memref_squeeze %dma_wait3A_478 : memref<1x1x50xi32, #tpu.memory_space<vmem>> -> memref<50xi32, #tpu.memory_space<vmem>>
      %dma_wait3A_480 = arith.constant 0 : i32
      %dma_wait3A_481 = arith.constant 0 : i32
      %dma_wait3A_482 = tpu.memref_slice %arg2[%dma_wait3A_480, %dma_wait3A_481] : memref<100000x64xf32, #tpu.memory_space<hbm>> -> memref<100000x64xf32, #tpu.memory_space<hbm>>
      tpu.wait_indirect_dma semaphore(%arg13 : memref<!tpu.dma_semaphore, #tpu.memory_space<semaphore_mem>>) src(%dma_wait3A_482 : memref<100000x64xf32, #tpu.memory_space<hbm>>) dst(%dma_wait3A_476 : memref<50x64xf32, #tpu.memory_space<vmem>>)
      %dma_wait3A_483 = arith.constant 0 : i32
      %dma_wait3A_484 = arith.constant 1 : i32
      %dma_wait3A_485 = arith.constant 1 : i32
      %dma_wait3A_486 = arith.constant 1 : i32
      %dma_wait3A_487 = arith.constant 0 : i32
      %dma_wait3A_488 = arith.constant 0 : i32
      %dma_wait3A_489 = tpu.memref_slice %arg10[%dma_wait3A_485, %dma_wait3A_486, %dma_wait3A_487, %dma_wait3A_488] : memref<2x10x50x64xf32, #tpu.memory_space<vmem>> -> memref<1x1x50x64xf32, #tpu.memory_space<vmem>>
      %dma_wait3A_490 = tpu.memref_squeeze %dma_wait3A_489 : memref<1x1x50x64xf32, #tpu.memory_space<vmem>> -> memref<50x64xf32, #tpu.memory_space<vmem>>
      %dma_wait3A_491 = arith.constant 0 : i32
      %dma_wait3A_492 = tpu.memref_slice %arg7[%dma_wait3A_483, %dma_wait3A_484, %dma_wait3A_491] : memref<32x20x50xi32, #tpu.memory_space<vmem>> -> memref<1x1x50xi32, #tpu.memory_space<vmem>>
      %dma_wait3A_493 = tpu.memref_squeeze %dma_wait3A_492 : memref<1x1x50xi32, #tpu.memory_space<vmem>> -> memref<50xi32, #tpu.memory_space<vmem>>
      %dma_wait3A_494 = arith.constant 0 : i32
      %dma_wait3A_495 = arith.constant 0 : i32
      %dma_wait3A_496 = tpu.memref_slice %arg2[%dma_wait3A_494, %dma_wait3A_495] : memref<100000x64xf32, #tpu.memory_space<hbm>> -> memref<100000x64xf32, #tpu.memory_space<hbm>>
      tpu.wait_indirect_dma semaphore(%arg13 : memref<!tpu.dma_semaphore, #tpu.memory_space<semaphore_mem>>) src(%dma_wait3A_496 : memref<100000x64xf32, #tpu.memory_space<hbm>>) dst(%dma_wait3A_490 : memref<50x64xf32, #tpu.memory_space<vmem>>)
      %dma_wait3A_497 = arith.constant 0 : i32
      %dma_wait3A_498 = arith.constant 2 : i32
      %dma_wait3A_499 = arith.constant 1 : i32
      %dma_wait3A_500 = arith.constant 2 : i32
      %dma_wait3A_501 = arith.constant 0 : i32
      %dma_wait3A_502 = arith.constant 0 : i32
      %dma_wait3A_503 = tpu.memref_slice %arg10[%dma_wait3A_499, %dma_wait3A_500, %dma_wait3A_501, %dma_wait3A_502] : memref<2x10x50x64xf32, #tpu.memory_space<vmem>> -> memref<1x1x50x64xf32, #tpu.memory_space<vmem>>
      %dma_wait3A_504 = tpu.memref_squeeze %dma_wait3A_503 : memref<1x1x50x64xf32, #tpu.memory_space<vmem>> -> memref<50x64xf32, #tpu.memory_space<vmem>>
      %dma_wait3A_505 = arith.constant 0 : i32
      %dma_wait3A_506 = tpu.memref_slice %arg7[%dma_wait3A_497, %dma_wait3A_498, %dma_wait3A_505] : memref<32x20x50xi32, #tpu.memory_space<vmem>> -> memref<1x1x50xi32, #tpu.memory_space<vmem>>
      %dma_wait3A_507 = tpu.memref_squeeze %dma_wait3A_506 : memref<1x1x50xi32, #tpu.memory_space<vmem>> -> memref<50xi32, #tpu.memory_space<vmem>>
      %dma_wait3A_508 = arith.constant 0 : i32
      %dma_wait3A_509 = arith.constant 0 : i32
      %dma_wait3A_510 = tpu.memref_slice %arg2[%dma_wait3A_508, %dma_wait3A_509] : memref<100000x64xf32, #tpu.memory_space<hbm>> -> memref<100000x64xf32, #tpu.memory_space<hbm>>
      tpu.wait_indirect_dma semaphore(%arg13 : memref<!tpu.dma_semaphore, #tpu.memory_space<semaphore_mem>>) src(%dma_wait3A_510 : memref<100000x64xf32, #tpu.memory_space<hbm>>) dst(%dma_wait3A_504 : memref<50x64xf32, #tpu.memory_space<vmem>>)
      %dma_wait3A_511 = arith.constant 0 : i32
      %dma_wait3A_512 = arith.constant 3 : i32
      %dma_wait3A_513 = arith.constant 1 : i32
      %dma_wait3A_514 = arith.constant 3 : i32
      %dma_wait3A_515 = arith.constant 0 : i32
      %dma_wait3A_516 = arith.constant 0 : i32
      %dma_wait3A_517 = tpu.memref_slice %arg10[%dma_wait3A_513, %dma_wait3A_514, %dma_wait3A_515, %dma_wait3A_516] : memref<2x10x50x64xf32, #tpu.memory_space<vmem>> -> memref<1x1x50x64xf32, #tpu.memory_space<vmem>>
      %dma_wait3A_518 = tpu.memref_squeeze %dma_wait3A_517 : memref<1x1x50x64xf32, #tpu.memory_space<vmem>> -> memref<50x64xf32, #tpu.memory_space<vmem>>
      %dma_wait3A_519 = arith.constant 0 : i32
      %dma_wait3A_520 = tpu.memref_slice %arg7[%dma_wait3A_511, %dma_wait3A_512, %dma_wait3A_519] : memref<32x20x50xi32, #tpu.memory_space<vmem>> -> memref<1x1x50xi32, #tpu.memory_space<vmem>>
      %dma_wait3A_521 = tpu.memref_squeeze %dma_wait3A_520 : memref<1x1x50xi32, #tpu.memory_space<vmem>> -> memref<50xi32, #tpu.memory_space<vmem>>
      %dma_wait3A_522 = arith.constant 0 : i32
      %dma_wait3A_523 = arith.constant 0 : i32
      %dma_wait3A_524 = tpu.memref_slice %arg2[%dma_wait3A_522, %dma_wait3A_523] : memref<100000x64xf32, #tpu.memory_space<hbm>> -> memref<100000x64xf32, #tpu.memory_space<hbm>>
      tpu.wait_indirect_dma semaphore(%arg13 : memref<!tpu.dma_semaphore, #tpu.memory_space<semaphore_mem>>) src(%dma_wait3A_524 : memref<100000x64xf32, #tpu.memory_space<hbm>>) dst(%dma_wait3A_518 : memref<50x64xf32, #tpu.memory_space<vmem>>)
      %dma_wait3A_525 = arith.constant 0 : i32
      %dma_wait3A_526 = arith.constant 4 : i32
      %dma_wait3A_527 = arith.constant 1 : i32
      %dma_wait3A_528 = arith.constant 4 : i32
      %dma_wait3A_529 = arith.constant 0 : i32
      %dma_wait3A_530 = arith.constant 0 : i32
      %dma_wait3A_531 = tpu.memref_slice %arg10[%dma_wait3A_527, %dma_wait3A_528, %dma_wait3A_529, %dma_wait3A_530] : memref<2x10x50x64xf32, #tpu.memory_space<vmem>> -> memref<1x1x50x64xf32, #tpu.memory_space<vmem>>
      %dma_wait3A_532 = tpu.memref_squeeze %dma_wait3A_531 : memref<1x1x50x64xf32, #tpu.memory_space<vmem>> -> memref<50x64xf32, #tpu.memory_space<vmem>>
      %dma_wait3A_533 = arith.constant 0 : i32
      %dma_wait3A_534 = tpu.memref_slice %arg7[%dma_wait3A_525, %dma_wait3A_526, %dma_wait3A_533] : memref<32x20x50xi32, #tpu.memory_space<vmem>> -> memref<1x1x50xi32, #tpu.memory_space<vmem>>
      %dma_wait3A_535 = tpu.memref_squeeze %dma_wait3A_534 : memref<1x1x50xi32, #tpu.memory_space<vmem>> -> memref<50xi32, #tpu.memory_space<vmem>>
      %dma_wait3A_536 = arith.constant 0 : i32
      %dma_wait3A_537 = arith.constant 0 : i32
      %dma_wait3A_538 = tpu.memref_slice %arg2[%dma_wait3A_536, %dma_wait3A_537] : memref<100000x64xf32, #tpu.memory_space<hbm>> -> memref<100000x64xf32, #tpu.memory_space<hbm>>
      tpu.wait_indirect_dma semaphore(%arg13 : memref<!tpu.dma_semaphore, #tpu.memory_space<semaphore_mem>>) src(%dma_wait3A_538 : memref<100000x64xf32, #tpu.memory_space<hbm>>) dst(%dma_wait3A_532 : memref<50x64xf32, #tpu.memory_space<vmem>>)
      %dma_wait3A_539 = arith.constant 0 : i32
      %dma_wait3A_540 = arith.constant 5 : i32
      %dma_wait3A_541 = arith.constant 1 : i32
      %dma_wait3A_542 = arith.constant 5 : i32
      %dma_wait3A_543 = arith.constant 0 : i32
      %dma_wait3A_544 = arith.constant 0 : i32
      %dma_wait3A_545 = tpu.memref_slice %arg10[%dma_wait3A_541, %dma_wait3A_542, %dma_wait3A_543, %dma_wait3A_544] : memref<2x10x50x64xf32, #tpu.memory_space<vmem>> -> memref<1x1x50x64xf32, #tpu.memory_space<vmem>>
      %dma_wait3A_546 = tpu.memref_squeeze %dma_wait3A_545 : memref<1x1x50x64xf32, #tpu.memory_space<vmem>> -> memref<50x64xf32, #tpu.memory_space<vmem>>
      %dma_wait3A_547 = arith.constant 0 : i32
      %dma_wait3A_548 = tpu.memref_slice %arg7[%dma_wait3A_539, %dma_wait3A_540, %dma_wait3A_547] : memref<32x20x50xi32, #tpu.memory_space<vmem>> -> memref<1x1x50xi32, #tpu.memory_space<vmem>>
      %dma_wait3A_549 = tpu.memref_squeeze %dma_wait3A_548 : memref<1x1x50xi32, #tpu.memory_space<vmem>> -> memref<50xi32, #tpu.memory_space<vmem>>
      %dma_wait3A_550 = arith.constant 0 : i32
      %dma_wait3A_551 = arith.constant 0 : i32
      %dma_wait3A_552 = tpu.memref_slice %arg2[%dma_wait3A_550, %dma_wait3A_551] : memref<100000x64xf32, #tpu.memory_space<hbm>> -> memref<100000x64xf32, #tpu.memory_space<hbm>>
      tpu.wait_indirect_dma semaphore(%arg13 : memref<!tpu.dma_semaphore, #tpu.memory_space<semaphore_mem>>) src(%dma_wait3A_552 : memref<100000x64xf32, #tpu.memory_space<hbm>>) dst(%dma_wait3A_546 : memref<50x64xf32, #tpu.memory_space<vmem>>)
      %dma_wait3A_553 = arith.constant 0 : i32
      %dma_wait3A_554 = arith.constant 6 : i32
      %dma_wait3A_555 = arith.constant 1 : i32
      %dma_wait3A_556 = arith.constant 6 : i32
      %dma_wait3A_557 = arith.constant 0 : i32
      %dma_wait3A_558 = arith.constant 0 : i32
      %dma_wait3A_559 = tpu.memref_slice %arg10[%dma_wait3A_555, %dma_wait3A_556, %dma_wait3A_557, %dma_wait3A_558] : memref<2x10x50x64xf32, #tpu.memory_space<vmem>> -> memref<1x1x50x64xf32, #tpu.memory_space<vmem>>
      %dma_wait3A_560 = tpu.memref_squeeze %dma_wait3A_559 : memref<1x1x50x64xf32, #tpu.memory_space<vmem>> -> memref<50x64xf32, #tpu.memory_space<vmem>>
      %dma_wait3A_561 = arith.constant 0 : i32
      %dma_wait3A_562 = tpu.memref_slice %arg7[%dma_wait3A_553, %dma_wait3A_554, %dma_wait3A_561] : memref<32x20x50xi32, #tpu.memory_space<vmem>> -> memref<1x1x50xi32, #tpu.memory_space<vmem>>
      %dma_wait3A_563 = tpu.memref_squeeze %dma_wait3A_562 : memref<1x1x50xi32, #tpu.memory_space<vmem>> -> memref<50xi32, #tpu.memory_space<vmem>>
      %dma_wait3A_564 = arith.constant 0 : i32
      %dma_wait3A_565 = arith.constant 0 : i32
      %dma_wait3A_566 = tpu.memref_slice %arg2[%dma_wait3A_564, %dma_wait3A_565] : memref<100000x64xf32, #tpu.memory_space<hbm>> -> memref<100000x64xf32, #tpu.memory_space<hbm>>
      tpu.wait_indirect_dma semaphore(%arg13 : memref<!tpu.dma_semaphore, #tpu.memory_space<semaphore_mem>>) src(%dma_wait3A_566 : memref<100000x64xf32, #tpu.memory_space<hbm>>) dst(%dma_wait3A_560 : memref<50x64xf32, #tpu.memory_space<vmem>>)
      %dma_wait3A_567 = arith.constant 0 : i32
      %dma_wait3A_568 = arith.constant 7 : i32
      %dma_wait3A_569 = arith.constant 1 : i32
      %dma_wait3A_570 = arith.constant 7 : i32
      %dma_wait3A_571 = arith.constant 0 : i32
      %dma_wait3A_572 = arith.constant 0 : i32
      %dma_wait3A_573 = tpu.memref_slice %arg10[%dma_wait3A_569, %dma_wait3A_570, %dma_wait3A_571, %dma_wait3A_572] : memref<2x10x50x64xf32, #tpu.memory_space<vmem>> -> memref<1x1x50x64xf32, #tpu.memory_space<vmem>>
      %dma_wait3A_574 = tpu.memref_squeeze %dma_wait3A_573 : memref<1x1x50x64xf32, #tpu.memory_space<vmem>> -> memref<50x64xf32, #tpu.memory_space<vmem>>
      %dma_wait3A_575 = arith.constant 0 : i32
      %dma_wait3A_576 = tpu.memref_slice %arg7[%dma_wait3A_567, %dma_wait3A_568, %dma_wait3A_575] : memref<32x20x50xi32, #tpu.memory_space<vmem>> -> memref<1x1x50xi32, #tpu.memory_space<vmem>>
      %dma_wait3A_577 = tpu.memref_squeeze %dma_wait3A_576 : memref<1x1x50xi32, #tpu.memory_space<vmem>> -> memref<50xi32, #tpu.memory_space<vmem>>
      %dma_wait3A_578 = arith.constant 0 : i32
      %dma_wait3A_579 = arith.constant 0 : i32
      %dma_wait3A_580 = tpu.memref_slice %arg2[%dma_wait3A_578, %dma_wait3A_579] : memref<100000x64xf32, #tpu.memory_space<hbm>> -> memref<100000x64xf32, #tpu.memory_space<hbm>>
      tpu.wait_indirect_dma semaphore(%arg13 : memref<!tpu.dma_semaphore, #tpu.memory_space<semaphore_mem>>) src(%dma_wait3A_580 : memref<100000x64xf32, #tpu.memory_space<hbm>>) dst(%dma_wait3A_574 : memref<50x64xf32, #tpu.memory_space<vmem>>)
      %dma_wait3A_581 = arith.constant 0 : i32
      %dma_wait3A_582 = arith.constant 8 : i32
      %dma_wait3A_583 = arith.constant 1 : i32
      %dma_wait3A_584 = arith.constant 8 : i32
      %dma_wait3A_585 = arith.constant 0 : i32
      %dma_wait3A_586 = arith.constant 0 : i32
      %dma_wait3A_587 = tpu.memref_slice %arg10[%dma_wait3A_583, %dma_wait3A_584, %dma_wait3A_585, %dma_wait3A_586] : memref<2x10x50x64xf32, #tpu.memory_space<vmem>> -> memref<1x1x50x64xf32, #tpu.memory_space<vmem>>
      %dma_wait3A_588 = tpu.memref_squeeze %dma_wait3A_587 : memref<1x1x50x64xf32, #tpu.memory_space<vmem>> -> memref<50x64xf32, #tpu.memory_space<vmem>>
      %dma_wait3A_589 = arith.constant 0 : i32
      %dma_wait3A_590 = tpu.memref_slice %arg7[%dma_wait3A_581, %dma_wait3A_582, %dma_wait3A_589] : memref<32x20x50xi32, #tpu.memory_space<vmem>> -> memref<1x1x50xi32, #tpu.memory_space<vmem>>
      %dma_wait3A_591 = tpu.memref_squeeze %dma_wait3A_590 : memref<1x1x50xi32, #tpu.memory_space<vmem>> -> memref<50xi32, #tpu.memory_space<vmem>>
      %dma_wait3A_592 = arith.constant 0 : i32
      %dma_wait3A_593 = arith.constant 0 : i32
      %dma_wait3A_594 = tpu.memref_slice %arg2[%dma_wait3A_592, %dma_wait3A_593] : memref<100000x64xf32, #tpu.memory_space<hbm>> -> memref<100000x64xf32, #tpu.memory_space<hbm>>
      tpu.wait_indirect_dma semaphore(%arg13 : memref<!tpu.dma_semaphore, #tpu.memory_space<semaphore_mem>>) src(%dma_wait3A_594 : memref<100000x64xf32, #tpu.memory_space<hbm>>) dst(%dma_wait3A_588 : memref<50x64xf32, #tpu.memory_space<vmem>>)
      %dma_wait3A_595 = arith.constant 0 : i32
      %dma_wait3A_596 = arith.constant 9 : i32
      %dma_wait3A_597 = arith.constant 1 : i32
      %dma_wait3A_598 = arith.constant 9 : i32
      %dma_wait3A_599 = arith.constant 0 : i32
      %dma_wait3A_600 = arith.constant 0 : i32
      %dma_wait3A_601 = tpu.memref_slice %arg10[%dma_wait3A_597, %dma_wait3A_598, %dma_wait3A_599, %dma_wait3A_600] : memref<2x10x50x64xf32, #tpu.memory_space<vmem>> -> memref<1x1x50x64xf32, #tpu.memory_space<vmem>>
      %dma_wait3A_602 = tpu.memref_squeeze %dma_wait3A_601 : memref<1x1x50x64xf32, #tpu.memory_space<vmem>> -> memref<50x64xf32, #tpu.memory_space<vmem>>
      %dma_wait3A_603 = arith.constant 0 : i32
      %dma_wait3A_604 = tpu.memref_slice %arg7[%dma_wait3A_595, %dma_wait3A_596, %dma_wait3A_603] : memref<32x20x50xi32, #tpu.memory_space<vmem>> -> memref<1x1x50xi32, #tpu.memory_space<vmem>>
      %dma_wait3A_605 = tpu.memref_squeeze %dma_wait3A_604 : memref<1x1x50xi32, #tpu.memory_space<vmem>> -> memref<50xi32, #tpu.memory_space<vmem>>
      %dma_wait3A_606 = arith.constant 0 : i32
      %dma_wait3A_607 = arith.constant 0 : i32
      %dma_wait3A_608 = tpu.memref_slice %arg2[%dma_wait3A_606, %dma_wait3A_607] : memref<100000x64xf32, #tpu.memory_space<hbm>> -> memref<100000x64xf32, #tpu.memory_space<hbm>>
      tpu.wait_indirect_dma semaphore(%arg13 : memref<!tpu.dma_semaphore, #tpu.memory_space<semaphore_mem>>) src(%dma_wait3A_608 : memref<100000x64xf32, #tpu.memory_space<hbm>>) dst(%dma_wait3A_602 : memref<50x64xf32, #tpu.memory_space<vmem>>)
      %scan3A_609 = arith.constant 0 : i32
      %scan3A_610 = arith.constant 0 : i32
      %scan3A_611 = arith.constant 50 : i32
      %scan3A_612 = arith.addi %scan3A_610, %scan3A_611 : i32
      %scan3A_613 = arith.constant 1 : i32
      scf.for %scan3A_959 = %scan3A_610 to %scan3A_612 step %scan3A_613  : i32 {
        %get3A = arith.constant 0 : i32
        %get3A_960 = arith.index_cast %get3A : i32 to index
        %get3A_961 = arith.index_cast %scan3A_959 : i32 to index
        %get3A_962 = arith.constant 0 : index
        %get3A_963 = tpu.vector_load %arg11[%get3A_960, %get3A_961, %get3A_962] {strides = array<i32>} : memref<2x50x64xf32, #tpu.memory_space<vmem>>, vector<1x1x16xf32>,
        %get3A_964 = vector.shape_cast %get3A_963 : vector<1x1x16xf32> to vector<16xf32>
        %get3A_965 = arith.constant 1 : i32
        %get3A_966 = arith.constant 0 : i32
        %get3A_967 = arith.index_cast %get3A_965 : i32 to index
        %get3A_968 = arith.index_cast %get3A_966 : i32 to index
        %get3A_969 = arith.index_cast %scan3A_959 : i32 to index
        %get3A_970 = arith.constant 0 : index
        %get3A_971 = tpu.vector_load %arg10[%get3A_967, %get3A_968, %get3A_969, %get3A_970] {strides = array<i32>} : memref<2x10x50x64xf32, #tpu.memory_space<vmem>>, vector<1x1x1x16xf32>,
        %get3A_972 = vector.shape_cast %get3A_971 : vector<1x1x1x16xf32> to vector<16xf32>
        %get3A_973 = arith.constant 1 : i32
        %get3A_974 = arith.constant 1 : i32
        %get3A_975 = arith.index_cast %get3A_973 : i32 to index
        %get3A_976 = arith.index_cast %get3A_974 : i32 to index
        %get3A_977 = arith.index_cast %scan3A_959 : i32 to index
        %get3A_978 = arith.constant 0 : index
        %get3A_979 = tpu.vector_load %arg10[%get3A_975, %get3A_976, %get3A_977, %get3A_978] {strides = array<i32>} : memref<2x10x50x64xf32, #tpu.memory_space<vmem>>, vector<1x1x1x16xf32>,
        %get3A_980 = vector.shape_cast %get3A_979 : vector<1x1x1x16xf32> to vector<16xf32>
        %get3A_981 = arith.constant 1 : i32
        %get3A_982 = arith.constant 2 : i32
        %get3A_983 = arith.index_cast %get3A_981 : i32 to index
        %get3A_984 = arith.index_cast %get3A_982 : i32 to index
        %get3A_985 = arith.index_cast %scan3A_959 : i32 to index
        %get3A_986 = arith.constant 0 : index
        %get3A_987 = tpu.vector_load %arg10[%get3A_983, %get3A_984, %get3A_985, %get3A_986] {strides = array<i32>} : memref<2x10x50x64xf32, #tpu.memory_space<vmem>>, vector<1x1x1x16xf32>,
        %get3A_988 = vector.shape_cast %get3A_987 : vector<1x1x1x16xf32> to vector<16xf32>
        %get3A_989 = arith.constant 1 : i32
        %get3A_990 = arith.constant 3 : i32
        %get3A_991 = arith.index_cast %get3A_989 : i32 to index
        %get3A_992 = arith.index_cast %get3A_990 : i32 to index
        %get3A_993 = arith.index_cast %scan3A_959 : i32 to index
        %get3A_994 = arith.constant 0 : index
        %get3A_995 = tpu.vector_load %arg10[%get3A_991, %get3A_992, %get3A_993, %get3A_994] {strides = array<i32>} : memref<2x10x50x64xf32, #tpu.memory_space<vmem>>, vector<1x1x1x16xf32>,
        %get3A_996 = vector.shape_cast %get3A_995 : vector<1x1x1x16xf32> to vector<16xf32>
        %get3A_997 = arith.constant 1 : i32
        %get3A_998 = arith.constant 4 : i32
        %get3A_999 = arith.index_cast %get3A_997 : i32 to index
        %get3A_1000 = arith.index_cast %get3A_998 : i32 to index
        %get3A_1001 = arith.index_cast %scan3A_959 : i32 to index
        %get3A_1002 = arith.constant 0 : index
        %get3A_1003 = tpu.vector_load %arg10[%get3A_999, %get3A_1000, %get3A_1001, %get3A_1002] {strides = array<i32>} : memref<2x10x50x64xf32, #tpu.memory_space<vmem>>, vector<1x1x1x16xf32>,
        %get3A_1004 = vector.shape_cast %get3A_1003 : vector<1x1x1x16xf32> to vector<16xf32>
        %get3A_1005 = arith.constant 1 : i32
        %get3A_1006 = arith.constant 5 : i32
        %get3A_1007 = arith.index_cast %get3A_1005 : i32 to index
        %get3A_1008 = arith.index_cast %get3A_1006 : i32 to index
        %get3A_1009 = arith.index_cast %scan3A_959 : i32 to index
        %get3A_1010 = arith.constant 0 : index
        %get3A_1011 = tpu.vector_load %arg10[%get3A_1007, %get3A_1008, %get3A_1009, %get3A_1010] {strides = array<i32>} : memref<2x10x50x64xf32, #tpu.memory_space<vmem>>, vector<1x1x1x16xf32>,
        %get3A_1012 = vector.shape_cast %get3A_1011 : vector<1x1x1x16xf32> to vector<16xf32>
        %get3A_1013 = arith.constant 1 : i32
        %get3A_1014 = arith.constant 6 : i32
        %get3A_1015 = arith.index_cast %get3A_1013 : i32 to index
        %get3A_1016 = arith.index_cast %get3A_1014 : i32 to index
        %get3A_1017 = arith.index_cast %scan3A_959 : i32 to index
        %get3A_1018 = arith.constant 0 : index
        %get3A_1019 = tpu.vector_load %arg10[%get3A_1015, %get3A_1016, %get3A_1017, %get3A_1018] {strides = array<i32>} : memref<2x10x50x64xf32, #tpu.memory_space<vmem>>, vector<1x1x1x16xf32>,
        %get3A_1020 = vector.shape_cast %get3A_1019 : vector<1x1x1x16xf32> to vector<16xf32>
        %get3A_1021 = arith.constant 1 : i32
        %get3A_1022 = arith.constant 7 : i32
        %get3A_1023 = arith.index_cast %get3A_1021 : i32 to index
        %get3A_1024 = arith.index_cast %get3A_1022 : i32 to index
        %get3A_1025 = arith.index_cast %scan3A_959 : i32 to index
        %get3A_1026 = arith.constant 0 : index
        %get3A_1027 = tpu.vector_load %arg10[%get3A_1023, %get3A_1024, %get3A_1025, %get3A_1026] {strides = array<i32>} : memref<2x10x50x64xf32, #tpu.memory_space<vmem>>, vector<1x1x1x16xf32>,
        %get3A_1028 = vector.shape_cast %get3A_1027 : vector<1x1x1x16xf32> to vector<16xf32>
        %get3A_1029 = arith.constant 1 : i32
        %get3A_1030 = arith.constant 8 : i32
        %get3A_1031 = arith.index_cast %get3A_1029 : i32 to index
        %get3A_1032 = arith.index_cast %get3A_1030 : i32 to index
        %get3A_1033 = arith.index_cast %scan3A_959 : i32 to index
        %get3A_1034 = arith.constant 0 : index
        %get3A_1035 = tpu.vector_load %arg10[%get3A_1031, %get3A_1032, %get3A_1033, %get3A_1034] {strides = array<i32>} : memref<2x10x50x64xf32, #tpu.memory_space<vmem>>, vector<1x1x1x16xf32>,
        %get3A_1036 = vector.shape_cast %get3A_1035 : vector<1x1x1x16xf32> to vector<16xf32>
        %get3A_1037 = arith.constant 1 : i32
        %get3A_1038 = arith.constant 9 : i32
        %get3A_1039 = arith.index_cast %get3A_1037 : i32 to index
        %get3A_1040 = arith.index_cast %get3A_1038 : i32 to index
        %get3A_1041 = arith.index_cast %scan3A_959 : i32 to index
        %get3A_1042 = arith.constant 0 : index
        %get3A_1043 = tpu.vector_load %arg10[%get3A_1039, %get3A_1040, %get3A_1041, %get3A_1042] {strides = array<i32>} : memref<2x10x50x64xf32, #tpu.memory_space<vmem>>, vector<1x1x1x16xf32>,
        %get3A_1044 = vector.shape_cast %get3A_1043 : vector<1x1x1x16xf32> to vector<16xf32>
        %add3A_1045 = arith.addf %get3A_964, %get3A_972 : vector<16xf32>
        %add3A_1046 = arith.addf %get3A_980, %get3A_988 : vector<16xf32>
        %add3A_1047 = arith.addf %get3A_996, %get3A_1004 : vector<16xf32>
        %add3A_1048 = arith.addf %get3A_1012, %get3A_1020 : vector<16xf32>
        %add3A_1049 = arith.addf %get3A_1028, %get3A_1036 : vector<16xf32>
        %add3A_1050 = arith.addf %add3A_1045, %add3A_1046 : vector<16xf32>
        %add3A_1051 = arith.addf %add3A_1047, %add3A_1048 : vector<16xf32>
        %add3A_1052 = arith.addf %add3A_1049, %get3A_1044 : vector<16xf32>
        %add3A_1053 = arith.addf %add3A_1050, %add3A_1051 : vector<16xf32>
        %add3A_1054 = arith.addf %add3A_1053, %add3A_1052 : vector<16xf32>
        %swap3A = arith.constant 0 : i32
        %swap3A_1055 = arith.index_cast %swap3A : i32 to index
        %swap3A_1056 = arith.index_cast %scan3A_959 : i32 to index
        %swap3A_1057 = arith.constant 0 : index
        %swap3A_1058 = tpu.vector_load %arg11[%swap3A_1055, %swap3A_1056, %swap3A_1057] {strides = array<i32>} : memref<2x50x64xf32, #tpu.memory_space<vmem>>, vector<1x1x16xf32>,
        %swap3A_1059 = vector.shape_cast %swap3A_1058 : vector<1x1x16xf32> to vector<16xf32>
        %swap3A_1060 = vector.shape_cast %add3A_1054 : vector<16xf32> to vector<1x1x16xf32>
        tpu.vector_store %arg11[%swap3A_1055, %swap3A_1056, %swap3A_1057], %swap3A_1060 {strides = array<i32>} : memref<2x50x64xf32, #tpu.memory_space<vmem>>, vector<1x1x16xf32>,
        %get3A_1061 = arith.constant 0 : i32
        %get3A_1062 = arith.index_cast %get3A_1061 : i32 to index
        %get3A_1063 = arith.index_cast %scan3A_959 : i32 to index
        %get3A_1064 = arith.constant 16 : index
        %get3A_1065 = tpu.vector_load %arg11[%get3A_1062, %get3A_1063, %get3A_1064] {strides = array<i32>} : memref<2x50x64xf32, #tpu.memory_space<vmem>>, vector<1x1x16xf32>,
        %get3A_1066 = vector.shape_cast %get3A_1065 : vector<1x1x16xf32> to vector<16xf32>
        %get3A_1067 = arith.constant 1 : i32
        %get3A_1068 = arith.constant 0 : i32
        %get3A_1069 = arith.index_cast %get3A_1067 : i32 to index
        %get3A_1070 = arith.index_cast %get3A_1068 : i32 to index
        %get3A_1071 = arith.index_cast %scan3A_959 : i32 to index
        %get3A_1072 = arith.constant 16 : index
        %get3A_1073 = tpu.vector_load %arg10[%get3A_1069, %get3A_1070, %get3A_1071, %get3A_1072] {strides = array<i32>} : memref<2x10x50x64xf32, #tpu.memory_space<vmem>>, vector<1x1x1x16xf32>,
        %get3A_1074 = vector.shape_cast %get3A_1073 : vector<1x1x1x16xf32> to vector<16xf32>
        %get3A_1075 = arith.constant 1 : i32
        %get3A_1076 = arith.constant 1 : i32
        %get3A_1077 = arith.index_cast %get3A_1075 : i32 to index
        %get3A_1078 = arith.index_cast %get3A_1076 : i32 to index
        %get3A_1079 = arith.index_cast %scan3A_959 : i32 to index
        %get3A_1080 = arith.constant 16 : index
        %get3A_1081 = tpu.vector_load %arg10[%get3A_1077, %get3A_1078, %get3A_1079, %get3A_1080] {strides = array<i32>} : memref<2x10x50x64xf32, #tpu.memory_space<vmem>>, vector<1x1x1x16xf32>,
        %get3A_1082 = vector.shape_cast %get3A_1081 : vector<1x1x1x16xf32> to vector<16xf32>
        %get3A_1083 = arith.constant 1 : i32
        %get3A_1084 = arith.constant 2 : i32
        %get3A_1085 = arith.index_cast %get3A_1083 : i32 to index
        %get3A_1086 = arith.index_cast %get3A_1084 : i32 to index
        %get3A_1087 = arith.index_cast %scan3A_959 : i32 to index
        %get3A_1088 = arith.constant 16 : index
        %get3A_1089 = tpu.vector_load %arg10[%get3A_1085, %get3A_1086, %get3A_1087, %get3A_1088] {strides = array<i32>} : memref<2x10x50x64xf32, #tpu.memory_space<vmem>>, vector<1x1x1x16xf32>,
        %get3A_1090 = vector.shape_cast %get3A_1089 : vector<1x1x1x16xf32> to vector<16xf32>
        %get3A_1091 = arith.constant 1 : i32
        %get3A_1092 = arith.constant 3 : i32
        %get3A_1093 = arith.index_cast %get3A_1091 : i32 to index
        %get3A_1094 = arith.index_cast %get3A_1092 : i32 to index
        %get3A_1095 = arith.index_cast %scan3A_959 : i32 to index
        %get3A_1096 = arith.constant 16 : index
        %get3A_1097 = tpu.vector_load %arg10[%get3A_1093, %get3A_1094, %get3A_1095, %get3A_1096] {strides = array<i32>} : memref<2x10x50x64xf32, #tpu.memory_space<vmem>>, vector<1x1x1x16xf32>,
        %get3A_1098 = vector.shape_cast %get3A_1097 : vector<1x1x1x16xf32> to vector<16xf32>
        %get3A_1099 = arith.constant 1 : i32
        %get3A_1100 = arith.constant 4 : i32
        %get3A_1101 = arith.index_cast %get3A_1099 : i32 to index
        %get3A_1102 = arith.index_cast %get3A_1100 : i32 to index
        %get3A_1103 = arith.index_cast %scan3A_959 : i32 to index
        %get3A_1104 = arith.constant 16 : index
        %get3A_1105 = tpu.vector_load %arg10[%get3A_1101, %get3A_1102, %get3A_1103, %get3A_1104] {strides = array<i32>} : memref<2x10x50x64xf32, #tpu.memory_space<vmem>>, vector<1x1x1x16xf32>,
        %get3A_1106 = vector.shape_cast %get3A_1105 : vector<1x1x1x16xf32> to vector<16xf32>
        %get3A_1107 = arith.constant 1 : i32
        %get3A_1108 = arith.constant 5 : i32
        %get3A_1109 = arith.index_cast %get3A_1107 : i32 to index
        %get3A_1110 = arith.index_cast %get3A_1108 : i32 to index
        %get3A_1111 = arith.index_cast %scan3A_959 : i32 to index
        %get3A_1112 = arith.constant 16 : index
        %get3A_1113 = tpu.vector_load %arg10[%get3A_1109, %get3A_1110, %get3A_1111, %get3A_1112] {strides = array<i32>} : memref<2x10x50x64xf32, #tpu.memory_space<vmem>>, vector<1x1x1x16xf32>,
        %get3A_1114 = vector.shape_cast %get3A_1113 : vector<1x1x1x16xf32> to vector<16xf32>
        %get3A_1115 = arith.constant 1 : i32
        %get3A_1116 = arith.constant 6 : i32
        %get3A_1117 = arith.index_cast %get3A_1115 : i32 to index
        %get3A_1118 = arith.index_cast %get3A_1116 : i32 to index
        %get3A_1119 = arith.index_cast %scan3A_959 : i32 to index
        %get3A_1120 = arith.constant 16 : index
        %get3A_1121 = tpu.vector_load %arg10[%get3A_1117, %get3A_1118, %get3A_1119, %get3A_1120] {strides = array<i32>} : memref<2x10x50x64xf32, #tpu.memory_space<vmem>>, vector<1x1x1x16xf32>,
        %get3A_1122 = vector.shape_cast %get3A_1121 : vector<1x1x1x16xf32> to vector<16xf32>
        %get3A_1123 = arith.constant 1 : i32
        %get3A_1124 = arith.constant 7 : i32
        %get3A_1125 = arith.index_cast %get3A_1123 : i32 to index
        %get3A_1126 = arith.index_cast %get3A_1124 : i32 to index
        %get3A_1127 = arith.index_cast %scan3A_959 : i32 to index
        %get3A_1128 = arith.constant 16 : index
        %get3A_1129 = tpu.vector_load %arg10[%get3A_1125, %get3A_1126, %get3A_1127, %get3A_1128] {strides = array<i32>} : memref<2x10x50x64xf32, #tpu.memory_space<vmem>>, vector<1x1x1x16xf32>,
        %get3A_1130 = vector.shape_cast %get3A_1129 : vector<1x1x1x16xf32> to vector<16xf32>
        %get3A_1131 = arith.constant 1 : i32
        %get3A_1132 = arith.constant 8 : i32
        %get3A_1133 = arith.index_cast %get3A_1131 : i32 to index
        %get3A_1134 = arith.index_cast %get3A_1132 : i32 to index
        %get3A_1135 = arith.index_cast %scan3A_959 : i32 to index
        %get3A_1136 = arith.constant 16 : index
        %get3A_1137 = tpu.vector_load %arg10[%get3A_1133, %get3A_1134, %get3A_1135, %get3A_1136] {strides = array<i32>} : memref<2x10x50x64xf32, #tpu.memory_space<vmem>>, vector<1x1x1x16xf32>,
        %get3A_1138 = vector.shape_cast %get3A_1137 : vector<1x1x1x16xf32> to vector<16xf32>
        %get3A_1139 = arith.constant 1 : i32
        %get3A_1140 = arith.constant 9 : i32
        %get3A_1141 = arith.index_cast %get3A_1139 : i32 to index
        %get3A_1142 = arith.index_cast %get3A_1140 : i32 to index
        %get3A_1143 = arith.index_cast %scan3A_959 : i32 to index
        %get3A_1144 = arith.constant 16 : index
        %get3A_1145 = tpu.vector_load %arg10[%get3A_1141, %get3A_1142, %get3A_1143, %get3A_1144] {strides = array<i32>} : memref<2x10x50x64xf32, #tpu.memory_space<vmem>>, vector<1x1x1x16xf32>,
        %get3A_1146 = vector.shape_cast %get3A_1145 : vector<1x1x1x16xf32> to vector<16xf32>
        %add3A_1147 = arith.addf %get3A_1066, %get3A_1074 : vector<16xf32>
        %add3A_1148 = arith.addf %get3A_1082, %get3A_1090 : vector<16xf32>
        %add3A_1149 = arith.addf %get3A_1098, %get3A_1106 : vector<16xf32>
        %add3A_1150 = arith.addf %get3A_1114, %get3A_1122 : vector<16xf32>
        %add3A_1151 = arith.addf %get3A_1130, %get3A_1138 : vector<16xf32>
        %add3A_1152 = arith.addf %add3A_1147, %add3A_1148 : vector<16xf32>
        %add3A_1153 = arith.addf %add3A_1149, %add3A_1150 : vector<16xf32>
        %add3A_1154 = arith.addf %add3A_1151, %get3A_1146 : vector<16xf32>
        %add3A_1155 = arith.addf %add3A_1152, %add3A_1153 : vector<16xf32>
        %add3A_1156 = arith.addf %add3A_1155, %add3A_1154 : vector<16xf32>
        %swap3A_1157 = arith.constant 0 : i32
        %swap3A_1158 = arith.index_cast %swap3A_1157 : i32 to index
        %swap3A_1159 = arith.index_cast %scan3A_959 : i32 to index
        %swap3A_1160 = arith.constant 16 : index
        %swap3A_1161 = tpu.vector_load %arg11[%swap3A_1158, %swap3A_1159, %swap3A_1160] {strides = array<i32>} : memref<2x50x64xf32, #tpu.memory_space<vmem>>, vector<1x1x16xf32>,
        %swap3A_1162 = vector.shape_cast %swap3A_1161 : vector<1x1x16xf32> to vector<16xf32>
        %swap3A_1163 = vector.shape_cast %add3A_1156 : vector<16xf32> to vector<1x1x16xf32>
        tpu.vector_store %arg11[%swap3A_1158, %swap3A_1159, %swap3A_1160], %swap3A_1163 {strides = array<i32>} : memref<2x50x64xf32, #tpu.memory_space<vmem>>, vector<1x1x16xf32>,
        %get3A_1164 = arith.constant 0 : i32
        %get3A_1165 = arith.index_cast %get3A_1164 : i32 to index
        %get3A_1166 = arith.index_cast %scan3A_959 : i32 to index
        %get3A_1167 = arith.constant 32 : index
        %get3A_1168 = tpu.vector_load %arg11[%get3A_1165, %get3A_1166, %get3A_1167] {strides = array<i32>} : memref<2x50x64xf32, #tpu.memory_space<vmem>>, vector<1x1x16xf32>,
        %get3A_1169 = vector.shape_cast %get3A_1168 : vector<1x1x16xf32> to vector<16xf32>
        %get3A_1170 = arith.constant 1 : i32
        %get3A_1171 = arith.constant 0 : i32
        %get3A_1172 = arith.index_cast %get3A_1170 : i32 to index
        %get3A_1173 = arith.index_cast %get3A_1171 : i32 to index
        %get3A_1174 = arith.index_cast %scan3A_959 : i32 to index
        %get3A_1175 = arith.constant 32 : index
        %get3A_1176 = tpu.vector_load %arg10[%get3A_1172, %get3A_1173, %get3A_1174, %get3A_1175] {strides = array<i32>} : memref<2x10x50x64xf32, #tpu.memory_space<vmem>>, vector<1x1x1x16xf32>,
        %get3A_1177 = vector.shape_cast %get3A_1176 : vector<1x1x1x16xf32> to vector<16xf32>
        %get3A_1178 = arith.constant 1 : i32
        %get3A_1179 = arith.constant 1 : i32
        %get3A_1180 = arith.index_cast %get3A_1178 : i32 to index
        %get3A_1181 = arith.index_cast %get3A_1179 : i32 to index
        %get3A_1182 = arith.index_cast %scan3A_959 : i32 to index
        %get3A_1183 = arith.constant 32 : index
        %get3A_1184 = tpu.vector_load %arg10[%get3A_1180, %get3A_1181, %get3A_1182, %get3A_1183] {strides = array<i32>} : memref<2x10x50x64xf32, #tpu.memory_space<vmem>>, vector<1x1x1x16xf32>,
        %get3A_1185 = vector.shape_cast %get3A_1184 : vector<1x1x1x16xf32> to vector<16xf32>
        %get3A_1186 = arith.constant 1 : i32
        %get3A_1187 = arith.constant 2 : i32
        %get3A_1188 = arith.index_cast %get3A_1186 : i32 to index
        %get3A_1189 = arith.index_cast %get3A_1187 : i32 to index
        %get3A_1190 = arith.index_cast %scan3A_959 : i32 to index
        %get3A_1191 = arith.constant 32 : index
        %get3A_1192 = tpu.vector_load %arg10[%get3A_1188, %get3A_1189, %get3A_1190, %get3A_1191] {strides = array<i32>} : memref<2x10x50x64xf32, #tpu.memory_space<vmem>>, vector<1x1x1x16xf32>,
        %get3A_1193 = vector.shape_cast %get3A_1192 : vector<1x1x1x16xf32> to vector<16xf32>
        %get3A_1194 = arith.constant 1 : i32
        %get3A_1195 = arith.constant 3 : i32
        %get3A_1196 = arith.index_cast %get3A_1194 : i32 to index
        %get3A_1197 = arith.index_cast %get3A_1195 : i32 to index
        %get3A_1198 = arith.index_cast %scan3A_959 : i32 to index
        %get3A_1199 = arith.constant 32 : index
        %get3A_1200 = tpu.vector_load %arg10[%get3A_1196, %get3A_1197, %get3A_1198, %get3A_1199] {strides = array<i32>} : memref<2x10x50x64xf32, #tpu.memory_space<vmem>>, vector<1x1x1x16xf32>,
        %get3A_1201 = vector.shape_cast %get3A_1200 : vector<1x1x1x16xf32> to vector<16xf32>
        %get3A_1202 = arith.constant 1 : i32
        %get3A_1203 = arith.constant 4 : i32
        %get3A_1204 = arith.index_cast %get3A_1202 : i32 to index
        %get3A_1205 = arith.index_cast %get3A_1203 : i32 to index
        %get3A_1206 = arith.index_cast %scan3A_959 : i32 to index
        %get3A_1207 = arith.constant 32 : index
        %get3A_1208 = tpu.vector_load %arg10[%get3A_1204, %get3A_1205, %get3A_1206, %get3A_1207] {strides = array<i32>} : memref<2x10x50x64xf32, #tpu.memory_space<vmem>>, vector<1x1x1x16xf32>,
        %get3A_1209 = vector.shape_cast %get3A_1208 : vector<1x1x1x16xf32> to vector<16xf32>
        %get3A_1210 = arith.constant 1 : i32
        %get3A_1211 = arith.constant 5 : i32
        %get3A_1212 = arith.index_cast %get3A_1210 : i32 to index
        %get3A_1213 = arith.index_cast %get3A_1211 : i32 to index
        %get3A_1214 = arith.index_cast %scan3A_959 : i32 to index
        %get3A_1215 = arith.constant 32 : index
        %get3A_1216 = tpu.vector_load %arg10[%get3A_1212, %get3A_1213, %get3A_1214, %get3A_1215] {strides = array<i32>} : memref<2x10x50x64xf32, #tpu.memory_space<vmem>>, vector<1x1x1x16xf32>,
        %get3A_1217 = vector.shape_cast %get3A_1216 : vector<1x1x1x16xf32> to vector<16xf32>
        %get3A_1218 = arith.constant 1 : i32
        %get3A_1219 = arith.constant 6 : i32
        %get3A_1220 = arith.index_cast %get3A_1218 : i32 to index
        %get3A_1221 = arith.index_cast %get3A_1219 : i32 to index
        %get3A_1222 = arith.index_cast %scan3A_959 : i32 to index
        %get3A_1223 = arith.constant 32 : index
        %get3A_1224 = tpu.vector_load %arg10[%get3A_1220, %get3A_1221, %get3A_1222, %get3A_1223] {strides = array<i32>} : memref<2x10x50x64xf32, #tpu.memory_space<vmem>>, vector<1x1x1x16xf32>,
        %get3A_1225 = vector.shape_cast %get3A_1224 : vector<1x1x1x16xf32> to vector<16xf32>
        %get3A_1226 = arith.constant 1 : i32
        %get3A_1227 = arith.constant 7 : i32
        %get3A_1228 = arith.index_cast %get3A_1226 : i32 to index
        %get3A_1229 = arith.index_cast %get3A_1227 : i32 to index
        %get3A_1230 = arith.index_cast %scan3A_959 : i32 to index
        %get3A_1231 = arith.constant 32 : index
        %get3A_1232 = tpu.vector_load %arg10[%get3A_1228, %get3A_1229, %get3A_1230, %get3A_1231] {strides = array<i32>} : memref<2x10x50x64xf32, #tpu.memory_space<vmem>>, vector<1x1x1x16xf32>,
        %get3A_1233 = vector.shape_cast %get3A_1232 : vector<1x1x1x16xf32> to vector<16xf32>
        %get3A_1234 = arith.constant 1 : i32
        %get3A_1235 = arith.constant 8 : i32
        %get3A_1236 = arith.index_cast %get3A_1234 : i32 to index
        %get3A_1237 = arith.index_cast %get3A_1235 : i32 to index
        %get3A_1238 = arith.index_cast %scan3A_959 : i32 to index
        %get3A_1239 = arith.constant 32 : index
        %get3A_1240 = tpu.vector_load %arg10[%get3A_1236, %get3A_1237, %get3A_1238, %get3A_1239] {strides = array<i32>} : memref<2x10x50x64xf32, #tpu.memory_space<vmem>>, vector<1x1x1x16xf32>,
        %get3A_1241 = vector.shape_cast %get3A_1240 : vector<1x1x1x16xf32> to vector<16xf32>
        %get3A_1242 = arith.constant 1 : i32
        %get3A_1243 = arith.constant 9 : i32
        %get3A_1244 = arith.index_cast %get3A_1242 : i32 to index
        %get3A_1245 = arith.index_cast %get3A_1243 : i32 to index
        %get3A_1246 = arith.index_cast %scan3A_959 : i32 to index
        %get3A_1247 = arith.constant 32 : index
        %get3A_1248 = tpu.vector_load %arg10[%get3A_1244, %get3A_1245, %get3A_1246, %get3A_1247] {strides = array<i32>} : memref<2x10x50x64xf32, #tpu.memory_space<vmem>>, vector<1x1x1x16xf32>,
        %get3A_1249 = vector.shape_cast %get3A_1248 : vector<1x1x1x16xf32> to vector<16xf32>
        %add3A_1250 = arith.addf %get3A_1169, %get3A_1177 : vector<16xf32>
        %add3A_1251 = arith.addf %get3A_1185, %get3A_1193 : vector<16xf32>
        %add3A_1252 = arith.addf %get3A_1201, %get3A_1209 : vector<16xf32>
        %add3A_1253 = arith.addf %get3A_1217, %get3A_1225 : vector<16xf32>
        %add3A_1254 = arith.addf %get3A_1233, %get3A_1241 : vector<16xf32>
        %add3A_1255 = arith.addf %add3A_1250, %add3A_1251 : vector<16xf32>
        %add3A_1256 = arith.addf %add3A_1252, %add3A_1253 : vector<16xf32>
        %add3A_1257 = arith.addf %add3A_1254, %get3A_1249 : vector<16xf32>
        %add3A_1258 = arith.addf %add3A_1255, %add3A_1256 : vector<16xf32>
        %add3A_1259 = arith.addf %add3A_1258, %add3A_1257 : vector<16xf32>
        %swap3A_1260 = arith.constant 0 : i32
        %swap3A_1261 = arith.index_cast %swap3A_1260 : i32 to index
        %swap3A_1262 = arith.index_cast %scan3A_959 : i32 to index
        %swap3A_1263 = arith.constant 32 : index
        %swap3A_1264 = tpu.vector_load %arg11[%swap3A_1261, %swap3A_1262, %swap3A_1263] {strides = array<i32>} : memref<2x50x64xf32, #tpu.memory_space<vmem>>, vector<1x1x16xf32>,
        %swap3A_1265 = vector.shape_cast %swap3A_1264 : vector<1x1x16xf32> to vector<16xf32>
        %swap3A_1266 = vector.shape_cast %add3A_1259 : vector<16xf32> to vector<1x1x16xf32>
        tpu.vector_store %arg11[%swap3A_1261, %swap3A_1262, %swap3A_1263], %swap3A_1266 {strides = array<i32>} : memref<2x50x64xf32, #tpu.memory_space<vmem>>, vector<1x1x16xf32>,
        %get3A_1267 = arith.constant 0 : i32
        %get3A_1268 = arith.index_cast %get3A_1267 : i32 to index
        %get3A_1269 = arith.index_cast %scan3A_959 : i32 to index
        %get3A_1270 = arith.constant 48 : index
        %get3A_1271 = tpu.vector_load %arg11[%get3A_1268, %get3A_1269, %get3A_1270] {strides = array<i32>} : memref<2x50x64xf32, #tpu.memory_space<vmem>>, vector<1x1x16xf32>,
        %get3A_1272 = vector.shape_cast %get3A_1271 : vector<1x1x16xf32> to vector<16xf32>
        %get3A_1273 = arith.constant 1 : i32
        %get3A_1274 = arith.constant 0 : i32
        %get3A_1275 = arith.index_cast %get3A_1273 : i32 to index
        %get3A_1276 = arith.index_cast %get3A_1274 : i32 to index
        %get3A_1277 = arith.index_cast %scan3A_959 : i32 to index
        %get3A_1278 = arith.constant 48 : index
        %get3A_1279 = tpu.vector_load %arg10[%get3A_1275, %get3A_1276, %get3A_1277, %get3A_1278] {strides = array<i32>} : memref<2x10x50x64xf32, #tpu.memory_space<vmem>>, vector<1x1x1x16xf32>,
        %get3A_1280 = vector.shape_cast %get3A_1279 : vector<1x1x1x16xf32> to vector<16xf32>
        %get3A_1281 = arith.constant 1 : i32
        %get3A_1282 = arith.constant 1 : i32
        %get3A_1283 = arith.index_cast %get3A_1281 : i32 to index
        %get3A_1284 = arith.index_cast %get3A_1282 : i32 to index
        %get3A_1285 = arith.index_cast %scan3A_959 : i32 to index
        %get3A_1286 = arith.constant 48 : index
        %get3A_1287 = tpu.vector_load %arg10[%get3A_1283, %get3A_1284, %get3A_1285, %get3A_1286] {strides = array<i32>} : memref<2x10x50x64xf32, #tpu.memory_space<vmem>>, vector<1x1x1x16xf32>,
        %get3A_1288 = vector.shape_cast %get3A_1287 : vector<1x1x1x16xf32> to vector<16xf32>
        %get3A_1289 = arith.constant 1 : i32
        %get3A_1290 = arith.constant 2 : i32
        %get3A_1291 = arith.index_cast %get3A_1289 : i32 to index
        %get3A_1292 = arith.index_cast %get3A_1290 : i32 to index
        %get3A_1293 = arith.index_cast %scan3A_959 : i32 to index
        %get3A_1294 = arith.constant 48 : index
        %get3A_1295 = tpu.vector_load %arg10[%get3A_1291, %get3A_1292, %get3A_1293, %get3A_1294] {strides = array<i32>} : memref<2x10x50x64xf32, #tpu.memory_space<vmem>>, vector<1x1x1x16xf32>,
        %get3A_1296 = vector.shape_cast %get3A_1295 : vector<1x1x1x16xf32> to vector<16xf32>
        %get3A_1297 = arith.constant 1 : i32
        %get3A_1298 = arith.constant 3 : i32
        %get3A_1299 = arith.index_cast %get3A_1297 : i32 to index
        %get3A_1300 = arith.index_cast %get3A_1298 : i32 to index
        %get3A_1301 = arith.index_cast %scan3A_959 : i32 to index
        %get3A_1302 = arith.constant 48 : index
        %get3A_1303 = tpu.vector_load %arg10[%get3A_1299, %get3A_1300, %get3A_1301, %get3A_1302] {strides = array<i32>} : memref<2x10x50x64xf32, #tpu.memory_space<vmem>>, vector<1x1x1x16xf32>,
        %get3A_1304 = vector.shape_cast %get3A_1303 : vector<1x1x1x16xf32> to vector<16xf32>
        %get3A_1305 = arith.constant 1 : i32
        %get3A_1306 = arith.constant 4 : i32
        %get3A_1307 = arith.index_cast %get3A_1305 : i32 to index
        %get3A_1308 = arith.index_cast %get3A_1306 : i32 to index
        %get3A_1309 = arith.index_cast %scan3A_959 : i32 to index
        %get3A_1310 = arith.constant 48 : index
        %get3A_1311 = tpu.vector_load %arg10[%get3A_1307, %get3A_1308, %get3A_1309, %get3A_1310] {strides = array<i32>} : memref<2x10x50x64xf32, #tpu.memory_space<vmem>>, vector<1x1x1x16xf32>,
        %get3A_1312 = vector.shape_cast %get3A_1311 : vector<1x1x1x16xf32> to vector<16xf32>
        %get3A_1313 = arith.constant 1 : i32
        %get3A_1314 = arith.constant 5 : i32
        %get3A_1315 = arith.index_cast %get3A_1313 : i32 to index
        %get3A_1316 = arith.index_cast %get3A_1314 : i32 to index
        %get3A_1317 = arith.index_cast %scan3A_959 : i32 to index
        %get3A_1318 = arith.constant 48 : index
        %get3A_1319 = tpu.vector_load %arg10[%get3A_1315, %get3A_1316, %get3A_1317, %get3A_1318] {strides = array<i32>} : memref<2x10x50x64xf32, #tpu.memory_space<vmem>>, vector<1x1x1x16xf32>,
        %get3A_1320 = vector.shape_cast %get3A_1319 : vector<1x1x1x16xf32> to vector<16xf32>
        %get3A_1321 = arith.constant 1 : i32
        %get3A_1322 = arith.constant 6 : i32
        %get3A_1323 = arith.index_cast %get3A_1321 : i32 to index
        %get3A_1324 = arith.index_cast %get3A_1322 : i32 to index
        %get3A_1325 = arith.index_cast %scan3A_959 : i32 to index
        %get3A_1326 = arith.constant 48 : index
        %get3A_1327 = tpu.vector_load %arg10[%get3A_1323, %get3A_1324, %get3A_1325, %get3A_1326] {strides = array<i32>} : memref<2x10x50x64xf32, #tpu.memory_space<vmem>>, vector<1x1x1x16xf32>,
        %get3A_1328 = vector.shape_cast %get3A_1327 : vector<1x1x1x16xf32> to vector<16xf32>
        %get3A_1329 = arith.constant 1 : i32
        %get3A_1330 = arith.constant 7 : i32
        %get3A_1331 = arith.index_cast %get3A_1329 : i32 to index
        %get3A_1332 = arith.index_cast %get3A_1330 : i32 to index
        %get3A_1333 = arith.index_cast %scan3A_959 : i32 to index
        %get3A_1334 = arith.constant 48 : index
        %get3A_1335 = tpu.vector_load %arg10[%get3A_1331, %get3A_1332, %get3A_1333, %get3A_1334] {strides = array<i32>} : memref<2x10x50x64xf32, #tpu.memory_space<vmem>>, vector<1x1x1x16xf32>,
        %get3A_1336 = vector.shape_cast %get3A_1335 : vector<1x1x1x16xf32> to vector<16xf32>
        %get3A_1337 = arith.constant 1 : i32
        %get3A_1338 = arith.constant 8 : i32
        %get3A_1339 = arith.index_cast %get3A_1337 : i32 to index
        %get3A_1340 = arith.index_cast %get3A_1338 : i32 to index
        %get3A_1341 = arith.index_cast %scan3A_959 : i32 to index
        %get3A_1342 = arith.constant 48 : index
        %get3A_1343 = tpu.vector_load %arg10[%get3A_1339, %get3A_1340, %get3A_1341, %get3A_1342] {strides = array<i32>} : memref<2x10x50x64xf32, #tpu.memory_space<vmem>>, vector<1x1x1x16xf32>,
        %get3A_1344 = vector.shape_cast %get3A_1343 : vector<1x1x1x16xf32> to vector<16xf32>
        %get3A_1345 = arith.constant 1 : i32
        %get3A_1346 = arith.constant 9 : i32
        %get3A_1347 = arith.index_cast %get3A_1345 : i32 to index
        %get3A_1348 = arith.index_cast %get3A_1346 : i32 to index
        %get3A_1349 = arith.index_cast %scan3A_959 : i32 to index
        %get3A_1350 = arith.constant 48 : index
        %get3A_1351 = tpu.vector_load %arg10[%get3A_1347, %get3A_1348, %get3A_1349, %get3A_1350] {strides = array<i32>} : memref<2x10x50x64xf32, #tpu.memory_space<vmem>>, vector<1x1x1x16xf32>,
        %get3A_1352 = vector.shape_cast %get3A_1351 : vector<1x1x1x16xf32> to vector<16xf32>
        %add3A_1353 = arith.addf %get3A_1272, %get3A_1280 : vector<16xf32>
        %add3A_1354 = arith.addf %get3A_1288, %get3A_1296 : vector<16xf32>
        %add3A_1355 = arith.addf %get3A_1304, %get3A_1312 : vector<16xf32>
        %add3A_1356 = arith.addf %get3A_1320, %get3A_1328 : vector<16xf32>
        %add3A_1357 = arith.addf %get3A_1336, %get3A_1344 : vector<16xf32>
        %add3A_1358 = arith.addf %add3A_1353, %add3A_1354 : vector<16xf32>
        %add3A_1359 = arith.addf %add3A_1355, %add3A_1356 : vector<16xf32>
        %add3A_1360 = arith.addf %add3A_1357, %get3A_1352 : vector<16xf32>
        %add3A_1361 = arith.addf %add3A_1358, %add3A_1359 : vector<16xf32>
        %add3A_1362 = arith.addf %add3A_1361, %add3A_1360 : vector<16xf32>
        %swap3A_1363 = arith.constant 0 : i32
        %swap3A_1364 = arith.index_cast %swap3A_1363 : i32 to index
        %swap3A_1365 = arith.index_cast %scan3A_959 : i32 to index
        %swap3A_1366 = arith.constant 48 : index
        %swap3A_1367 = tpu.vector_load %arg11[%swap3A_1364, %swap3A_1365, %swap3A_1366] {strides = array<i32>} : memref<2x50x64xf32, #tpu.memory_space<vmem>>, vector<1x1x16xf32>,
        %swap3A_1368 = vector.shape_cast %swap3A_1367 : vector<1x1x16xf32> to vector<16xf32>
        %swap3A_1369 = vector.shape_cast %add3A_1362 : vector<16xf32> to vector<1x1x16xf32>
        tpu.vector_store %arg11[%swap3A_1364, %swap3A_1365, %swap3A_1366], %swap3A_1369 {strides = array<i32>} : memref<2x50x64xf32, #tpu.memory_space<vmem>>, vector<1x1x16xf32>,
      }
      %scan3A_614 = arith.constant 50 : i32
      %add3A_615 = arith.constant 1 : i32
      %add3A_616 = arith.addi %add3A_314, %add3A_615 : i32
      %lt3A_617 = arith.constant 32 : i32
      %lt3A_618 = arith.cmpi slt, %add3A_616, %lt3A_617 : i32
      %convert_element_type3A_619 = arith.extui %lt3A_618 : i1 to i32
      %cond3A_620 = arith.constant 0 : i32
      %cond3A_621 = arith.cmpi ne, %convert_element_type3A_619, %cond3A_620 : i32
      scf.if %cond3A_621 {
        %add3A_959 = arith.constant 1 : i32
        %add3A_960 = arith.addi %add3A_314, %add3A_959 : i32
        %dma_start3A_961 = arith.constant 10 : i32
        %dma_start3A_962 = arith.constant 1 : i32
        %dma_start3A_963 = arith.constant 0 : i32
        %dma_start3A_964 = arith.constant 0 : i32
        %dma_start3A_965 = arith.constant 0 : i32
        %dma_start3A_966 = tpu.memref_slice %arg10[%dma_start3A_962, %dma_start3A_963, %dma_start3A_964, %dma_start3A_965] : memref<2x10x50x64xf32, #tpu.memory_space<vmem>> -> memref<1x1x50x64xf32, #tpu.memory_space<vmem>>
        %dma_start3A_967 = tpu.memref_squeeze %dma_start3A_966 : memref<1x1x50x64xf32, #tpu.memory_space<vmem>> -> memref<50x64xf32, #tpu.memory_space<vmem>>
        %dma_start3A_968 = arith.constant 0 : i32
        %dma_start3A_969 = tpu.memref_slice %arg7[%add3A_960, %dma_start3A_961, %dma_start3A_968] : memref<32x20x50xi32, #tpu.memory_space<vmem>> -> memref<1x1x50xi32, #tpu.memory_space<vmem>>
        %dma_start3A_970 = tpu.memref_squeeze %dma_start3A_969 : memref<1x1x50xi32, #tpu.memory_space<vmem>> -> memref<50xi32, #tpu.memory_space<vmem>>
        %dma_start3A_971 = arith.constant 0 : i32
        %dma_start3A_972 = arith.constant 0 : i32
        %dma_start3A_973 = tpu.memref_slice %arg2[%dma_start3A_971, %dma_start3A_972] : memref<100000x64xf32, #tpu.memory_space<hbm>> -> memref<100000x64xf32, #tpu.memory_space<hbm>>
        tpu.enqueue_indirect_dma source(%dma_start3A_973 : memref<100000x64xf32, #tpu.memory_space<hbm>>) target(%dma_start3A_967 : memref<50x64xf32, #tpu.memory_space<vmem>>) offsets(%dma_start3A_970 : memref<50xi32, #tpu.memory_space<vmem>>) semaphore(%arg13 : memref<!tpu.dma_semaphore, #tpu.memory_space<semaphore_mem>>)
        %dma_start3A_974 = arith.constant 11 : i32
        %dma_start3A_975 = arith.constant 1 : i32
        %dma_start3A_976 = arith.constant 1 : i32
        %dma_start3A_977 = arith.constant 0 : i32
        %dma_start3A_978 = arith.constant 0 : i32
        %dma_start3A_979 = tpu.memref_slice %arg10[%dma_start3A_975, %dma_start3A_976, %dma_start3A_977, %dma_start3A_978] : memref<2x10x50x64xf32, #tpu.memory_space<vmem>> -> memref<1x1x50x64xf32, #tpu.memory_space<vmem>>
        %dma_start3A_980 = tpu.memref_squeeze %dma_start3A_979 : memref<1x1x50x64xf32, #tpu.memory_space<vmem>> -> memref<50x64xf32, #tpu.memory_space<vmem>>
        %dma_start3A_981 = arith.constant 0 : i32
        %dma_start3A_982 = tpu.memref_slice %arg7[%add3A_960, %dma_start3A_974, %dma_start3A_981] : memref<32x20x50xi32, #tpu.memory_space<vmem>> -> memref<1x1x50xi32, #tpu.memory_space<vmem>>
        %dma_start3A_983 = tpu.memref_squeeze %dma_start3A_982 : memref<1x1x50xi32, #tpu.memory_space<vmem>> -> memref<50xi32, #tpu.memory_space<vmem>>
        %dma_start3A_984 = arith.constant 0 : i32
        %dma_start3A_985 = arith.constant 0 : i32
        %dma_start3A_986 = tpu.memref_slice %arg2[%dma_start3A_984, %dma_start3A_985] : memref<100000x64xf32, #tpu.memory_space<hbm>> -> memref<100000x64xf32, #tpu.memory_space<hbm>>
        tpu.enqueue_indirect_dma source(%dma_start3A_986 : memref<100000x64xf32, #tpu.memory_space<hbm>>) target(%dma_start3A_980 : memref<50x64xf32, #tpu.memory_space<vmem>>) offsets(%dma_start3A_983 : memref<50xi32, #tpu.memory_space<vmem>>) semaphore(%arg13 : memref<!tpu.dma_semaphore, #tpu.memory_space<semaphore_mem>>)
        %dma_start3A_987 = arith.constant 12 : i32
        %dma_start3A_988 = arith.constant 1 : i32
        %dma_start3A_989 = arith.constant 2 : i32
        %dma_start3A_990 = arith.constant 0 : i32
        %dma_start3A_991 = arith.constant 0 : i32
        %dma_start3A_992 = tpu.memref_slice %arg10[%dma_start3A_988, %dma_start3A_989, %dma_start3A_990, %dma_start3A_991] : memref<2x10x50x64xf32, #tpu.memory_space<vmem>> -> memref<1x1x50x64xf32, #tpu.memory_space<vmem>>
        %dma_start3A_993 = tpu.memref_squeeze %dma_start3A_992 : memref<1x1x50x64xf32, #tpu.memory_space<vmem>> -> memref<50x64xf32, #tpu.memory_space<vmem>>
        %dma_start3A_994 = arith.constant 0 : i32
        %dma_start3A_995 = tpu.memref_slice %arg7[%add3A_960, %dma_start3A_987, %dma_start3A_994] : memref<32x20x50xi32, #tpu.memory_space<vmem>> -> memref<1x1x50xi32, #tpu.memory_space<vmem>>
        %dma_start3A_996 = tpu.memref_squeeze %dma_start3A_995 : memref<1x1x50xi32, #tpu.memory_space<vmem>> -> memref<50xi32, #tpu.memory_space<vmem>>
        %dma_start3A_997 = arith.constant 0 : i32
        %dma_start3A_998 = arith.constant 0 : i32
        %dma_start3A_999 = tpu.memref_slice %arg2[%dma_start3A_997, %dma_start3A_998] : memref<100000x64xf32, #tpu.memory_space<hbm>> -> memref<100000x64xf32, #tpu.memory_space<hbm>>
        tpu.enqueue_indirect_dma source(%dma_start3A_999 : memref<100000x64xf32, #tpu.memory_space<hbm>>) target(%dma_start3A_993 : memref<50x64xf32, #tpu.memory_space<vmem>>) offsets(%dma_start3A_996 : memref<50xi32, #tpu.memory_space<vmem>>) semaphore(%arg13 : memref<!tpu.dma_semaphore, #tpu.memory_space<semaphore_mem>>)
        %dma_start3A_1000 = arith.constant 13 : i32
        %dma_start3A_1001 = arith.constant 1 : i32
        %dma_start3A_1002 = arith.constant 3 : i32
        %dma_start3A_1003 = arith.constant 0 : i32
        %dma_start3A_1004 = arith.constant 0 : i32
        %dma_start3A_1005 = tpu.memref_slice %arg10[%dma_start3A_1001, %dma_start3A_1002, %dma_start3A_1003, %dma_start3A_1004] : memref<2x10x50x64xf32, #tpu.memory_space<vmem>> -> memref<1x1x50x64xf32, #tpu.memory_space<vmem>>
        %dma_start3A_1006 = tpu.memref_squeeze %dma_start3A_1005 : memref<1x1x50x64xf32, #tpu.memory_space<vmem>> -> memref<50x64xf32, #tpu.memory_space<vmem>>
        %dma_start3A_1007 = arith.constant 0 : i32
        %dma_start3A_1008 = tpu.memref_slice %arg7[%add3A_960, %dma_start3A_1000, %dma_start3A_1007] : memref<32x20x50xi32, #tpu.memory_space<vmem>> -> memref<1x1x50xi32, #tpu.memory_space<vmem>>
        %dma_start3A_1009 = tpu.memref_squeeze %dma_start3A_1008 : memref<1x1x50xi32, #tpu.memory_space<vmem>> -> memref<50xi32, #tpu.memory_space<vmem>>
        %dma_start3A_1010 = arith.constant 0 : i32
        %dma_start3A_1011 = arith.constant 0 : i32
        %dma_start3A_1012 = tpu.memref_slice %arg2[%dma_start3A_1010, %dma_start3A_1011] : memref<100000x64xf32, #tpu.memory_space<hbm>> -> memref<100000x64xf32, #tpu.memory_space<hbm>>
        tpu.enqueue_indirect_dma source(%dma_start3A_1012 : memref<100000x64xf32, #tpu.memory_space<hbm>>) target(%dma_start3A_1006 : memref<50x64xf32, #tpu.memory_space<vmem>>) offsets(%dma_start3A_1009 : memref<50xi32, #tpu.memory_space<vmem>>) semaphore(%arg13 : memref<!tpu.dma_semaphore, #tpu.memory_space<semaphore_mem>>)
        %dma_start3A_1013 = arith.constant 14 : i32
        %dma_start3A_1014 = arith.constant 1 : i32
        %dma_start3A_1015 = arith.constant 4 : i32
        %dma_start3A_1016 = arith.constant 0 : i32
        %dma_start3A_1017 = arith.constant 0 : i32
        %dma_start3A_1018 = tpu.memref_slice %arg10[%dma_start3A_1014, %dma_start3A_1015, %dma_start3A_1016, %dma_start3A_1017] : memref<2x10x50x64xf32, #tpu.memory_space<vmem>> -> memref<1x1x50x64xf32, #tpu.memory_space<vmem>>
        %dma_start3A_1019 = tpu.memref_squeeze %dma_start3A_1018 : memref<1x1x50x64xf32, #tpu.memory_space<vmem>> -> memref<50x64xf32, #tpu.memory_space<vmem>>
        %dma_start3A_1020 = arith.constant 0 : i32
        %dma_start3A_1021 = tpu.memref_slice %arg7[%add3A_960, %dma_start3A_1013, %dma_start3A_1020] : memref<32x20x50xi32, #tpu.memory_space<vmem>> -> memref<1x1x50xi32, #tpu.memory_space<vmem>>
        %dma_start3A_1022 = tpu.memref_squeeze %dma_start3A_1021 : memref<1x1x50xi32, #tpu.memory_space<vmem>> -> memref<50xi32, #tpu.memory_space<vmem>>
        %dma_start3A_1023 = arith.constant 0 : i32
        %dma_start3A_1024 = arith.constant 0 : i32
        %dma_start3A_1025 = tpu.memref_slice %arg2[%dma_start3A_1023, %dma_start3A_1024] : memref<100000x64xf32, #tpu.memory_space<hbm>> -> memref<100000x64xf32, #tpu.memory_space<hbm>>
        tpu.enqueue_indirect_dma source(%dma_start3A_1025 : memref<100000x64xf32, #tpu.memory_space<hbm>>) target(%dma_start3A_1019 : memref<50x64xf32, #tpu.memory_space<vmem>>) offsets(%dma_start3A_1022 : memref<50xi32, #tpu.memory_space<vmem>>) semaphore(%arg13 : memref<!tpu.dma_semaphore, #tpu.memory_space<semaphore_mem>>)
        %dma_start3A_1026 = arith.constant 15 : i32
        %dma_start3A_1027 = arith.constant 1 : i32
        %dma_start3A_1028 = arith.constant 5 : i32
        %dma_start3A_1029 = arith.constant 0 : i32
        %dma_start3A_1030 = arith.constant 0 : i32
        %dma_start3A_1031 = tpu.memref_slice %arg10[%dma_start3A_1027, %dma_start3A_1028, %dma_start3A_1029, %dma_start3A_1030] : memref<2x10x50x64xf32, #tpu.memory_space<vmem>> -> memref<1x1x50x64xf32, #tpu.memory_space<vmem>>
        %dma_start3A_1032 = tpu.memref_squeeze %dma_start3A_1031 : memref<1x1x50x64xf32, #tpu.memory_space<vmem>> -> memref<50x64xf32, #tpu.memory_space<vmem>>
        %dma_start3A_1033 = arith.constant 0 : i32
        %dma_start3A_1034 = tpu.memref_slice %arg7[%add3A_960, %dma_start3A_1026, %dma_start3A_1033] : memref<32x20x50xi32, #tpu.memory_space<vmem>> -> memref<1x1x50xi32, #tpu.memory_space<vmem>>
        %dma_start3A_1035 = tpu.memref_squeeze %dma_start3A_1034 : memref<1x1x50xi32, #tpu.memory_space<vmem>> -> memref<50xi32, #tpu.memory_space<vmem>>
        %dma_start3A_1036 = arith.constant 0 : i32
        %dma_start3A_1037 = arith.constant 0 : i32
        %dma_start3A_1038 = tpu.memref_slice %arg2[%dma_start3A_1036, %dma_start3A_1037] : memref<100000x64xf32, #tpu.memory_space<hbm>> -> memref<100000x64xf32, #tpu.memory_space<hbm>>
        tpu.enqueue_indirect_dma source(%dma_start3A_1038 : memref<100000x64xf32, #tpu.memory_space<hbm>>) target(%dma_start3A_1032 : memref<50x64xf32, #tpu.memory_space<vmem>>) offsets(%dma_start3A_1035 : memref<50xi32, #tpu.memory_space<vmem>>) semaphore(%arg13 : memref<!tpu.dma_semaphore, #tpu.memory_space<semaphore_mem>>)
        %dma_start3A_1039 = arith.constant 16 : i32
        %dma_start3A_1040 = arith.constant 1 : i32
        %dma_start3A_1041 = arith.constant 6 : i32
        %dma_start3A_1042 = arith.constant 0 : i32
        %dma_start3A_1043 = arith.constant 0 : i32
        %dma_start3A_1044 = tpu.memref_slice %arg10[%dma_start3A_1040, %dma_start3A_1041, %dma_start3A_1042, %dma_start3A_1043] : memref<2x10x50x64xf32, #tpu.memory_space<vmem>> -> memref<1x1x50x64xf32, #tpu.memory_space<vmem>>
        %dma_start3A_1045 = tpu.memref_squeeze %dma_start3A_1044 : memref<1x1x50x64xf32, #tpu.memory_space<vmem>> -> memref<50x64xf32, #tpu.memory_space<vmem>>
        %dma_start3A_1046 = arith.constant 0 : i32
        %dma_start3A_1047 = tpu.memref_slice %arg7[%add3A_960, %dma_start3A_1039, %dma_start3A_1046] : memref<32x20x50xi32, #tpu.memory_space<vmem>> -> memref<1x1x50xi32, #tpu.memory_space<vmem>>
        %dma_start3A_1048 = tpu.memref_squeeze %dma_start3A_1047 : memref<1x1x50xi32, #tpu.memory_space<vmem>> -> memref<50xi32, #tpu.memory_space<vmem>>
        %dma_start3A_1049 = arith.constant 0 : i32
        %dma_start3A_1050 = arith.constant 0 : i32
        %dma_start3A_1051 = tpu.memref_slice %arg2[%dma_start3A_1049, %dma_start3A_1050] : memref<100000x64xf32, #tpu.memory_space<hbm>> -> memref<100000x64xf32, #tpu.memory_space<hbm>>
        tpu.enqueue_indirect_dma source(%dma_start3A_1051 : memref<100000x64xf32, #tpu.memory_space<hbm>>) target(%dma_start3A_1045 : memref<50x64xf32, #tpu.memory_space<vmem>>) offsets(%dma_start3A_1048 : memref<50xi32, #tpu.memory_space<vmem>>) semaphore(%arg13 : memref<!tpu.dma_semaphore, #tpu.memory_space<semaphore_mem>>)
        %dma_start3A_1052 = arith.constant 17 : i32
        %dma_start3A_1053 = arith.constant 1 : i32
        %dma_start3A_1054 = arith.constant 7 : i32
        %dma_start3A_1055 = arith.constant 0 : i32
        %dma_start3A_1056 = arith.constant 0 : i32
        %dma_start3A_1057 = tpu.memref_slice %arg10[%dma_start3A_1053, %dma_start3A_1054, %dma_start3A_1055, %dma_start3A_1056] : memref<2x10x50x64xf32, #tpu.memory_space<vmem>> -> memref<1x1x50x64xf32, #tpu.memory_space<vmem>>
        %dma_start3A_1058 = tpu.memref_squeeze %dma_start3A_1057 : memref<1x1x50x64xf32, #tpu.memory_space<vmem>> -> memref<50x64xf32, #tpu.memory_space<vmem>>
        %dma_start3A_1059 = arith.constant 0 : i32
        %dma_start3A_1060 = tpu.memref_slice %arg7[%add3A_960, %dma_start3A_1052, %dma_start3A_1059] : memref<32x20x50xi32, #tpu.memory_space<vmem>> -> memref<1x1x50xi32, #tpu.memory_space<vmem>>
        %dma_start3A_1061 = tpu.memref_squeeze %dma_start3A_1060 : memref<1x1x50xi32, #tpu.memory_space<vmem>> -> memref<50xi32, #tpu.memory_space<vmem>>
        %dma_start3A_1062 = arith.constant 0 : i32
        %dma_start3A_1063 = arith.constant 0 : i32
        %dma_start3A_1064 = tpu.memref_slice %arg2[%dma_start3A_1062, %dma_start3A_1063] : memref<100000x64xf32, #tpu.memory_space<hbm>> -> memref<100000x64xf32, #tpu.memory_space<hbm>>
        tpu.enqueue_indirect_dma source(%dma_start3A_1064 : memref<100000x64xf32, #tpu.memory_space<hbm>>) target(%dma_start3A_1058 : memref<50x64xf32, #tpu.memory_space<vmem>>) offsets(%dma_start3A_1061 : memref<50xi32, #tpu.memory_space<vmem>>) semaphore(%arg13 : memref<!tpu.dma_semaphore, #tpu.memory_space<semaphore_mem>>)
        %dma_start3A_1065 = arith.constant 18 : i32
        %dma_start3A_1066 = arith.constant 1 : i32
        %dma_start3A_1067 = arith.constant 8 : i32
        %dma_start3A_1068 = arith.constant 0 : i32
        %dma_start3A_1069 = arith.constant 0 : i32
        %dma_start3A_1070 = tpu.memref_slice %arg10[%dma_start3A_1066, %dma_start3A_1067, %dma_start3A_1068, %dma_start3A_1069] : memref<2x10x50x64xf32, #tpu.memory_space<vmem>> -> memref<1x1x50x64xf32, #tpu.memory_space<vmem>>
        %dma_start3A_1071 = tpu.memref_squeeze %dma_start3A_1070 : memref<1x1x50x64xf32, #tpu.memory_space<vmem>> -> memref<50x64xf32, #tpu.memory_space<vmem>>
        %dma_start3A_1072 = arith.constant 0 : i32
        %dma_start3A_1073 = tpu.memref_slice %arg7[%add3A_960, %dma_start3A_1065, %dma_start3A_1072] : memref<32x20x50xi32, #tpu.memory_space<vmem>> -> memref<1x1x50xi32, #tpu.memory_space<vmem>>
        %dma_start3A_1074 = tpu.memref_squeeze %dma_start3A_1073 : memref<1x1x50xi32, #tpu.memory_space<vmem>> -> memref<50xi32, #tpu.memory_space<vmem>>
        %dma_start3A_1075 = arith.constant 0 : i32
        %dma_start3A_1076 = arith.constant 0 : i32
        %dma_start3A_1077 = tpu.memref_slice %arg2[%dma_start3A_1075, %dma_start3A_1076] : memref<100000x64xf32, #tpu.memory_space<hbm>> -> memref<100000x64xf32, #tpu.memory_space<hbm>>
        tpu.enqueue_indirect_dma source(%dma_start3A_1077 : memref<100000x64xf32, #tpu.memory_space<hbm>>) target(%dma_start3A_1071 : memref<50x64xf32, #tpu.memory_space<vmem>>) offsets(%dma_start3A_1074 : memref<50xi32, #tpu.memory_space<vmem>>) semaphore(%arg13 : memref<!tpu.dma_semaphore, #tpu.memory_space<semaphore_mem>>)
        %dma_start3A_1078 = arith.constant 19 : i32
        %dma_start3A_1079 = arith.constant 1 : i32
        %dma_start3A_1080 = arith.constant 9 : i32
        %dma_start3A_1081 = arith.constant 0 : i32
        %dma_start3A_1082 = arith.constant 0 : i32
        %dma_start3A_1083 = tpu.memref_slice %arg10[%dma_start3A_1079, %dma_start3A_1080, %dma_start3A_1081, %dma_start3A_1082] : memref<2x10x50x64xf32, #tpu.memory_space<vmem>> -> memref<1x1x50x64xf32, #tpu.memory_space<vmem>>
        %dma_start3A_1084 = tpu.memref_squeeze %dma_start3A_1083 : memref<1x1x50x64xf32, #tpu.memory_space<vmem>> -> memref<50x64xf32, #tpu.memory_space<vmem>>
        %dma_start3A_1085 = arith.constant 0 : i32
        %dma_start3A_1086 = tpu.memref_slice %arg7[%add3A_960, %dma_start3A_1078, %dma_start3A_1085] : memref<32x20x50xi32, #tpu.memory_space<vmem>> -> memref<1x1x50xi32, #tpu.memory_space<vmem>>
        %dma_start3A_1087 = tpu.memref_squeeze %dma_start3A_1086 : memref<1x1x50xi32, #tpu.memory_space<vmem>> -> memref<50xi32, #tpu.memory_space<vmem>>
        %dma_start3A_1088 = arith.constant 0 : i32
        %dma_start3A_1089 = arith.constant 0 : i32
        %dma_start3A_1090 = tpu.memref_slice %arg2[%dma_start3A_1088, %dma_start3A_1089] : memref<100000x64xf32, #tpu.memory_space<hbm>> -> memref<100000x64xf32, #tpu.memory_space<hbm>>
        tpu.enqueue_indirect_dma source(%dma_start3A_1090 : memref<100000x64xf32, #tpu.memory_space<hbm>>) target(%dma_start3A_1084 : memref<50x64xf32, #tpu.memory_space<vmem>>) offsets(%dma_start3A_1087 : memref<50xi32, #tpu.memory_space<vmem>>) semaphore(%arg13 : memref<!tpu.dma_semaphore, #tpu.memory_space<semaphore_mem>>)
      } else {
      }
      %dma_start3A_622 = arith.constant 0 : i32
      %dma_start3A_623 = arith.constant 0 : i32
      %dma_start3A_624 = arith.constant 0 : i32
      %dma_start3A_625 = tpu.memref_slice %arg11[%dma_start3A_622, %dma_start3A_623, %dma_start3A_624] : memref<2x50x64xf32, #tpu.memory_space<vmem>> -> memref<1x50x64xf32, #tpu.memory_space<vmem>>
      %dma_start3A_626 = tpu.memref_squeeze %dma_start3A_625 : memref<1x50x64xf32, #tpu.memory_space<vmem>> -> memref<50x64xf32, #tpu.memory_space<vmem>>
      %dma_start3A_627 = arith.constant 0 : i32
      %dma_start3A_628 = tpu.memref_slice %arg8[%add3A_314, %dma_start3A_627] : memref<32x50xi32, #tpu.memory_space<vmem>> -> memref<1x50xi32, #tpu.memory_space<vmem>>
      %dma_start3A_629 = tpu.memref_squeeze %dma_start3A_628 : memref<1x50xi32, #tpu.memory_space<vmem>> -> memref<50xi32, #tpu.memory_space<vmem>>
      %dma_start3A_630 = arith.constant 0 : i32
      %dma_start3A_631 = arith.constant 0 : i32
      %dma_start3A_632 = tpu.memref_slice %arg6[%dma_start3A_630, %dma_start3A_631] : memref<51200x64xf32, #tpu.memory_space<hbm>> -> memref<51200x64xf32, #tpu.memory_space<hbm>>
      tpu.enqueue_indirect_dma source(%dma_start3A_626 : memref<50x64xf32, #tpu.memory_space<vmem>>) target(%dma_start3A_632 : memref<51200x64xf32, #tpu.memory_space<hbm>>) offsets(%dma_start3A_629 : memref<50xi32, #tpu.memory_space<vmem>>) semaphore(%arg14 : memref<!tpu.dma_semaphore, #tpu.memory_space<semaphore_mem>>)
      %mul3A_633 = arith.constant 2 : i32
      %mul3A_634 = arith.muli %mul3A_633, %scan3A_310 : i32
      %add3A_635 = arith.constant 1 : i32
      %add3A_636 = arith.addi %mul3A_634, %add3A_635 : i32
      %dma_wait3A_637 = arith.constant 0 : i32
      %dma_wait3A_638 = arith.constant 0 : i32
      %dma_wait3A_639 = arith.constant 0 : i32
      %dma_wait3A_640 = arith.constant 0 : i32
      %dma_wait3A_641 = arith.constant 0 : i32
      %dma_wait3A_642 = arith.constant 0 : i32
      %dma_wait3A_643 = tpu.memref_slice %arg10[%dma_wait3A_639, %dma_wait3A_640, %dma_wait3A_641, %dma_wait3A_642] : memref<2x10x50x64xf32, #tpu.memory_space<vmem>> -> memref<1x1x50x64xf32, #tpu.memory_space<vmem>>
      %dma_wait3A_644 = tpu.memref_squeeze %dma_wait3A_643 : memref<1x1x50x64xf32, #tpu.memory_space<vmem>> -> memref<50x64xf32, #tpu.memory_space<vmem>>
      %dma_wait3A_645 = arith.constant 0 : i32
      %dma_wait3A_646 = tpu.memref_slice %arg7[%dma_wait3A_637, %dma_wait3A_638, %dma_wait3A_645] : memref<32x20x50xi32, #tpu.memory_space<vmem>> -> memref<1x1x50xi32, #tpu.memory_space<vmem>>
      %dma_wait3A_647 = tpu.memref_squeeze %dma_wait3A_646 : memref<1x1x50xi32, #tpu.memory_space<vmem>> -> memref<50xi32, #tpu.memory_space<vmem>>
      %dma_wait3A_648 = arith.constant 0 : i32
      %dma_wait3A_649 = arith.constant 0 : i32
      %dma_wait3A_650 = tpu.memref_slice %arg2[%dma_wait3A_648, %dma_wait3A_649] : memref<100000x64xf32, #tpu.memory_space<hbm>> -> memref<100000x64xf32, #tpu.memory_space<hbm>>
      tpu.wait_indirect_dma semaphore(%arg12 : memref<!tpu.dma_semaphore, #tpu.memory_space<semaphore_mem>>) src(%dma_wait3A_650 : memref<100000x64xf32, #tpu.memory_space<hbm>>) dst(%dma_wait3A_644 : memref<50x64xf32, #tpu.memory_space<vmem>>)
      %dma_wait3A_651 = arith.constant 0 : i32
      %dma_wait3A_652 = arith.constant 1 : i32
      %dma_wait3A_653 = arith.constant 0 : i32
      %dma_wait3A_654 = arith.constant 1 : i32
      %dma_wait3A_655 = arith.constant 0 : i32
      %dma_wait3A_656 = arith.constant 0 : i32
      %dma_wait3A_657 = tpu.memref_slice %arg10[%dma_wait3A_653, %dma_wait3A_654, %dma_wait3A_655, %dma_wait3A_656] : memref<2x10x50x64xf32, #tpu.memory_space<vmem>> -> memref<1x1x50x64xf32, #tpu.memory_space<vmem>>
      %dma_wait3A_658 = tpu.memref_squeeze %dma_wait3A_657 : memref<1x1x50x64xf32, #tpu.memory_space<vmem>> -> memref<50x64xf32, #tpu.memory_space<vmem>>
      %dma_wait3A_659 = arith.constant 0 : i32
      %dma_wait3A_660 = tpu.memref_slice %arg7[%dma_wait3A_651, %dma_wait3A_652, %dma_wait3A_659] : memref<32x20x50xi32, #tpu.memory_space<vmem>> -> memref<1x1x50xi32, #tpu.memory_space<vmem>>
      %dma_wait3A_661 = tpu.memref_squeeze %dma_wait3A_660 : memref<1x1x50xi32, #tpu.memory_space<vmem>> -> memref<50xi32, #tpu.memory_space<vmem>>
      %dma_wait3A_662 = arith.constant 0 : i32
      %dma_wait3A_663 = arith.constant 0 : i32
      %dma_wait3A_664 = tpu.memref_slice %arg2[%dma_wait3A_662, %dma_wait3A_663] : memref<100000x64xf32, #tpu.memory_space<hbm>> -> memref<100000x64xf32, #tpu.memory_space<hbm>>
      tpu.wait_indirect_dma semaphore(%arg12 : memref<!tpu.dma_semaphore, #tpu.memory_space<semaphore_mem>>) src(%dma_wait3A_664 : memref<100000x64xf32, #tpu.memory_space<hbm>>) dst(%dma_wait3A_658 : memref<50x64xf32, #tpu.memory_space<vmem>>)
      %dma_wait3A_665 = arith.constant 0 : i32
      %dma_wait3A_666 = arith.constant 2 : i32
      %dma_wait3A_667 = arith.constant 0 : i32
      %dma_wait3A_668 = arith.constant 2 : i32
      %dma_wait3A_669 = arith.constant 0 : i32
      %dma_wait3A_670 = arith.constant 0 : i32
      %dma_wait3A_671 = tpu.memref_slice %arg10[%dma_wait3A_667, %dma_wait3A_668, %dma_wait3A_669, %dma_wait3A_670] : memref<2x10x50x64xf32, #tpu.memory_space<vmem>> -> memref<1x1x50x64xf32, #tpu.memory_space<vmem>>
      %dma_wait3A_672 = tpu.memref_squeeze %dma_wait3A_671 : memref<1x1x50x64xf32, #tpu.memory_space<vmem>> -> memref<50x64xf32, #tpu.memory_space<vmem>>
      %dma_wait3A_673 = arith.constant 0 : i32
      %dma_wait3A_674 = tpu.memref_slice %arg7[%dma_wait3A_665, %dma_wait3A_666, %dma_wait3A_673] : memref<32x20x50xi32, #tpu.memory_space<vmem>> -> memref<1x1x50xi32, #tpu.memory_space<vmem>>
      %dma_wait3A_675 = tpu.memref_squeeze %dma_wait3A_674 : memref<1x1x50xi32, #tpu.memory_space<vmem>> -> memref<50xi32, #tpu.memory_space<vmem>>
      %dma_wait3A_676 = arith.constant 0 : i32
      %dma_wait3A_677 = arith.constant 0 : i32
      %dma_wait3A_678 = tpu.memref_slice %arg2[%dma_wait3A_676, %dma_wait3A_677] : memref<100000x64xf32, #tpu.memory_space<hbm>> -> memref<100000x64xf32, #tpu.memory_space<hbm>>
      tpu.wait_indirect_dma semaphore(%arg12 : memref<!tpu.dma_semaphore, #tpu.memory_space<semaphore_mem>>) src(%dma_wait3A_678 : memref<100000x64xf32, #tpu.memory_space<hbm>>) dst(%dma_wait3A_672 : memref<50x64xf32, #tpu.memory_space<vmem>>)
      %dma_wait3A_679 = arith.constant 0 : i32
      %dma_wait3A_680 = arith.constant 3 : i32
      %dma_wait3A_681 = arith.constant 0 : i32
      %dma_wait3A_682 = arith.constant 3 : i32
      %dma_wait3A_683 = arith.constant 0 : i32
      %dma_wait3A_684 = arith.constant 0 : i32
      %dma_wait3A_685 = tpu.memref_slice %arg10[%dma_wait3A_681, %dma_wait3A_682, %dma_wait3A_683, %dma_wait3A_684] : memref<2x10x50x64xf32, #tpu.memory_space<vmem>> -> memref<1x1x50x64xf32, #tpu.memory_space<vmem>>
      %dma_wait3A_686 = tpu.memref_squeeze %dma_wait3A_685 : memref<1x1x50x64xf32, #tpu.memory_space<vmem>> -> memref<50x64xf32, #tpu.memory_space<vmem>>
      %dma_wait3A_687 = arith.constant 0 : i32
      %dma_wait3A_688 = tpu.memref_slice %arg7[%dma_wait3A_679, %dma_wait3A_680, %dma_wait3A_687] : memref<32x20x50xi32, #tpu.memory_space<vmem>> -> memref<1x1x50xi32, #tpu.memory_space<vmem>>
      %dma_wait3A_689 = tpu.memref_squeeze %dma_wait3A_688 : memref<1x1x50xi32, #tpu.memory_space<vmem>> -> memref<50xi32, #tpu.memory_space<vmem>>
      %dma_wait3A_690 = arith.constant 0 : i32
      %dma_wait3A_691 = arith.constant 0 : i32
      %dma_wait3A_692 = tpu.memref_slice %arg2[%dma_wait3A_690, %dma_wait3A_691] : memref<100000x64xf32, #tpu.memory_space<hbm>> -> memref<100000x64xf32, #tpu.memory_space<hbm>>
      tpu.wait_indirect_dma semaphore(%arg12 : memref<!tpu.dma_semaphore, #tpu.memory_space<semaphore_mem>>) src(%dma_wait3A_692 : memref<100000x64xf32, #tpu.memory_space<hbm>>) dst(%dma_wait3A_686 : memref<50x64xf32, #tpu.memory_space<vmem>>)
      %dma_wait3A_693 = arith.constant 0 : i32
      %dma_wait3A_694 = arith.constant 4 : i32
      %dma_wait3A_695 = arith.constant 0 : i32
      %dma_wait3A_696 = arith.constant 4 : i32
      %dma_wait3A_697 = arith.constant 0 : i32
      %dma_wait3A_698 = arith.constant 0 : i32
      %dma_wait3A_699 = tpu.memref_slice %arg10[%dma_wait3A_695, %dma_wait3A_696, %dma_wait3A_697, %dma_wait3A_698] : memref<2x10x50x64xf32, #tpu.memory_space<vmem>> -> memref<1x1x50x64xf32, #tpu.memory_space<vmem>>
      %dma_wait3A_700 = tpu.memref_squeeze %dma_wait3A_699 : memref<1x1x50x64xf32, #tpu.memory_space<vmem>> -> memref<50x64xf32, #tpu.memory_space<vmem>>
      %dma_wait3A_701 = arith.constant 0 : i32
      %dma_wait3A_702 = tpu.memref_slice %arg7[%dma_wait3A_693, %dma_wait3A_694, %dma_wait3A_701] : memref<32x20x50xi32, #tpu.memory_space<vmem>> -> memref<1x1x50xi32, #tpu.memory_space<vmem>>
      %dma_wait3A_703 = tpu.memref_squeeze %dma_wait3A_702 : memref<1x1x50xi32, #tpu.memory_space<vmem>> -> memref<50xi32, #tpu.memory_space<vmem>>
      %dma_wait3A_704 = arith.constant 0 : i32
      %dma_wait3A_705 = arith.constant 0 : i32
      %dma_wait3A_706 = tpu.memref_slice %arg2[%dma_wait3A_704, %dma_wait3A_705] : memref<100000x64xf32, #tpu.memory_space<hbm>> -> memref<100000x64xf32, #tpu.memory_space<hbm>>
      tpu.wait_indirect_dma semaphore(%arg12 : memref<!tpu.dma_semaphore, #tpu.memory_space<semaphore_mem>>) src(%dma_wait3A_706 : memref<100000x64xf32, #tpu.memory_space<hbm>>) dst(%dma_wait3A_700 : memref<50x64xf32, #tpu.memory_space<vmem>>)
      %dma_wait3A_707 = arith.constant 0 : i32
      %dma_wait3A_708 = arith.constant 5 : i32
      %dma_wait3A_709 = arith.constant 0 : i32
      %dma_wait3A_710 = arith.constant 5 : i32
      %dma_wait3A_711 = arith.constant 0 : i32
      %dma_wait3A_712 = arith.constant 0 : i32
      %dma_wait3A_713 = tpu.memref_slice %arg10[%dma_wait3A_709, %dma_wait3A_710, %dma_wait3A_711, %dma_wait3A_712] : memref<2x10x50x64xf32, #tpu.memory_space<vmem>> -> memref<1x1x50x64xf32, #tpu.memory_space<vmem>>
      %dma_wait3A_714 = tpu.memref_squeeze %dma_wait3A_713 : memref<1x1x50x64xf32, #tpu.memory_space<vmem>> -> memref<50x64xf32, #tpu.memory_space<vmem>>
      %dma_wait3A_715 = arith.constant 0 : i32
      %dma_wait3A_716 = tpu.memref_slice %arg7[%dma_wait3A_707, %dma_wait3A_708, %dma_wait3A_715] : memref<32x20x50xi32, #tpu.memory_space<vmem>> -> memref<1x1x50xi32, #tpu.memory_space<vmem>>
      %dma_wait3A_717 = tpu.memref_squeeze %dma_wait3A_716 : memref<1x1x50xi32, #tpu.memory_space<vmem>> -> memref<50xi32, #tpu.memory_space<vmem>>
      %dma_wait3A_718 = arith.constant 0 : i32
      %dma_wait3A_719 = arith.constant 0 : i32
      %dma_wait3A_720 = tpu.memref_slice %arg2[%dma_wait3A_718, %dma_wait3A_719] : memref<100000x64xf32, #tpu.memory_space<hbm>> -> memref<100000x64xf32, #tpu.memory_space<hbm>>
      tpu.wait_indirect_dma semaphore(%arg12 : memref<!tpu.dma_semaphore, #tpu.memory_space<semaphore_mem>>) src(%dma_wait3A_720 : memref<100000x64xf32, #tpu.memory_space<hbm>>) dst(%dma_wait3A_714 : memref<50x64xf32, #tpu.memory_space<vmem>>)
      %dma_wait3A_721 = arith.constant 0 : i32
      %dma_wait3A_722 = arith.constant 6 : i32
      %dma_wait3A_723 = arith.constant 0 : i32
      %dma_wait3A_724 = arith.constant 6 : i32
      %dma_wait3A_725 = arith.constant 0 : i32
      %dma_wait3A_726 = arith.constant 0 : i32
      %dma_wait3A_727 = tpu.memref_slice %arg10[%dma_wait3A_723, %dma_wait3A_724, %dma_wait3A_725, %dma_wait3A_726] : memref<2x10x50x64xf32, #tpu.memory_space<vmem>> -> memref<1x1x50x64xf32, #tpu.memory_space<vmem>>
      %dma_wait3A_728 = tpu.memref_squeeze %dma_wait3A_727 : memref<1x1x50x64xf32, #tpu.memory_space<vmem>> -> memref<50x64xf32, #tpu.memory_space<vmem>>
      %dma_wait3A_729 = arith.constant 0 : i32
      %dma_wait3A_730 = tpu.memref_slice %arg7[%dma_wait3A_721, %dma_wait3A_722, %dma_wait3A_729] : memref<32x20x50xi32, #tpu.memory_space<vmem>> -> memref<1x1x50xi32, #tpu.memory_space<vmem>>
      %dma_wait3A_731 = tpu.memref_squeeze %dma_wait3A_730 : memref<1x1x50xi32, #tpu.memory_space<vmem>> -> memref<50xi32, #tpu.memory_space<vmem>>
      %dma_wait3A_732 = arith.constant 0 : i32
      %dma_wait3A_733 = arith.constant 0 : i32
      %dma_wait3A_734 = tpu.memref_slice %arg2[%dma_wait3A_732, %dma_wait3A_733] : memref<100000x64xf32, #tpu.memory_space<hbm>> -> memref<100000x64xf32, #tpu.memory_space<hbm>>
      tpu.wait_indirect_dma semaphore(%arg12 : memref<!tpu.dma_semaphore, #tpu.memory_space<semaphore_mem>>) src(%dma_wait3A_734 : memref<100000x64xf32, #tpu.memory_space<hbm>>) dst(%dma_wait3A_728 : memref<50x64xf32, #tpu.memory_space<vmem>>)
      %dma_wait3A_735 = arith.constant 0 : i32
      %dma_wait3A_736 = arith.constant 7 : i32
      %dma_wait3A_737 = arith.constant 0 : i32
      %dma_wait3A_738 = arith.constant 7 : i32
      %dma_wait3A_739 = arith.constant 0 : i32
      %dma_wait3A_740 = arith.constant 0 : i32
      %dma_wait3A_741 = tpu.memref_slice %arg10[%dma_wait3A_737, %dma_wait3A_738, %dma_wait3A_739, %dma_wait3A_740] : memref<2x10x50x64xf32, #tpu.memory_space<vmem>> -> memref<1x1x50x64xf32, #tpu.memory_space<vmem>>
      %dma_wait3A_742 = tpu.memref_squeeze %dma_wait3A_741 : memref<1x1x50x64xf32, #tpu.memory_space<vmem>> -> memref<50x64xf32, #tpu.memory_space<vmem>>
      %dma_wait3A_743 = arith.constant 0 : i32
      %dma_wait3A_744 = tpu.memref_slice %arg7[%dma_wait3A_735, %dma_wait3A_736, %dma_wait3A_743] : memref<32x20x50xi32, #tpu.memory_space<vmem>> -> memref<1x1x50xi32, #tpu.memory_space<vmem>>
      %dma_wait3A_745 = tpu.memref_squeeze %dma_wait3A_744 : memref<1x1x50xi32, #tpu.memory_space<vmem>> -> memref<50xi32, #tpu.memory_space<vmem>>
      %dma_wait3A_746 = arith.constant 0 : i32
      %dma_wait3A_747 = arith.constant 0 : i32
      %dma_wait3A_748 = tpu.memref_slice %arg2[%dma_wait3A_746, %dma_wait3A_747] : memref<100000x64xf32, #tpu.memory_space<hbm>> -> memref<100000x64xf32, #tpu.memory_space<hbm>>
      tpu.wait_indirect_dma semaphore(%arg12 : memref<!tpu.dma_semaphore, #tpu.memory_space<semaphore_mem>>) src(%dma_wait3A_748 : memref<100000x64xf32, #tpu.memory_space<hbm>>) dst(%dma_wait3A_742 : memref<50x64xf32, #tpu.memory_space<vmem>>)
      %dma_wait3A_749 = arith.constant 0 : i32
      %dma_wait3A_750 = arith.constant 8 : i32
      %dma_wait3A_751 = arith.constant 0 : i32
      %dma_wait3A_752 = arith.constant 8 : i32
      %dma_wait3A_753 = arith.constant 0 : i32
      %dma_wait3A_754 = arith.constant 0 : i32
      %dma_wait3A_755 = tpu.memref_slice %arg10[%dma_wait3A_751, %dma_wait3A_752, %dma_wait3A_753, %dma_wait3A_754] : memref<2x10x50x64xf32, #tpu.memory_space<vmem>> -> memref<1x1x50x64xf32, #tpu.memory_space<vmem>>
      %dma_wait3A_756 = tpu.memref_squeeze %dma_wait3A_755 : memref<1x1x50x64xf32, #tpu.memory_space<vmem>> -> memref<50x64xf32, #tpu.memory_space<vmem>>
      %dma_wait3A_757 = arith.constant 0 : i32
      %dma_wait3A_758 = tpu.memref_slice %arg7[%dma_wait3A_749, %dma_wait3A_750, %dma_wait3A_757] : memref<32x20x50xi32, #tpu.memory_space<vmem>> -> memref<1x1x50xi32, #tpu.memory_space<vmem>>
      %dma_wait3A_759 = tpu.memref_squeeze %dma_wait3A_758 : memref<1x1x50xi32, #tpu.memory_space<vmem>> -> memref<50xi32, #tpu.memory_space<vmem>>
      %dma_wait3A_760 = arith.constant 0 : i32
      %dma_wait3A_761 = arith.constant 0 : i32
      %dma_wait3A_762 = tpu.memref_slice %arg2[%dma_wait3A_760, %dma_wait3A_761] : memref<100000x64xf32, #tpu.memory_space<hbm>> -> memref<100000x64xf32, #tpu.memory_space<hbm>>
      tpu.wait_indirect_dma semaphore(%arg12 : memref<!tpu.dma_semaphore, #tpu.memory_space<semaphore_mem>>) src(%dma_wait3A_762 : memref<100000x64xf32, #tpu.memory_space<hbm>>) dst(%dma_wait3A_756 : memref<50x64xf32, #tpu.memory_space<vmem>>)
      %dma_wait3A_763 = arith.constant 0 : i32
      %dma_wait3A_764 = arith.constant 9 : i32
      %dma_wait3A_765 = arith.constant 0 : i32
      %dma_wait3A_766 = arith.constant 9 : i32
      %dma_wait3A_767 = arith.constant 0 : i32
      %dma_wait3A_768 = arith.constant 0 : i32
      %dma_wait3A_769 = tpu.memref_slice %arg10[%dma_wait3A_765, %dma_wait3A_766, %dma_wait3A_767, %dma_wait3A_768] : memref<2x10x50x64xf32, #tpu.memory_space<vmem>> -> memref<1x1x50x64xf32, #tpu.memory_space<vmem>>
      %dma_wait3A_770 = tpu.memref_squeeze %dma_wait3A_769 : memref<1x1x50x64xf32, #tpu.memory_space<vmem>> -> memref<50x64xf32, #tpu.memory_space<vmem>>
      %dma_wait3A_771 = arith.constant 0 : i32
      %dma_wait3A_772 = tpu.memref_slice %arg7[%dma_wait3A_763, %dma_wait3A_764, %dma_wait3A_771] : memref<32x20x50xi32, #tpu.memory_space<vmem>> -> memref<1x1x50xi32, #tpu.memory_space<vmem>>
      %dma_wait3A_773 = tpu.memref_squeeze %dma_wait3A_772 : memref<1x1x50xi32, #tpu.memory_space<vmem>> -> memref<50xi32, #tpu.memory_space<vmem>>
      %dma_wait3A_774 = arith.constant 0 : i32
      %dma_wait3A_775 = arith.constant 0 : i32
      %dma_wait3A_776 = tpu.memref_slice %arg2[%dma_wait3A_774, %dma_wait3A_775] : memref<100000x64xf32, #tpu.memory_space<hbm>> -> memref<100000x64xf32, #tpu.memory_space<hbm>>
      tpu.wait_indirect_dma semaphore(%arg12 : memref<!tpu.dma_semaphore, #tpu.memory_space<semaphore_mem>>) src(%dma_wait3A_776 : memref<100000x64xf32, #tpu.memory_space<hbm>>) dst(%dma_wait3A_770 : memref<50x64xf32, #tpu.memory_space<vmem>>)
      %ge3A_777 = arith.constant 2 : i32
      %ge3A_778 = arith.cmpi sge, %add3A_636, %ge3A_777 : i32
      %convert_element_type3A_779 = arith.extui %ge3A_778 : i1 to i32
      %cond3A_780 = arith.constant 0 : i32
      %cond3A_781 = arith.cmpi ne, %convert_element_type3A_779, %cond3A_780 : i32
      scf.if %cond3A_781 {
        %dma_wait3A_959 = arith.constant 0 : i32
        %dma_wait3A_960 = arith.constant 0 : i32
        %dma_wait3A_961 = arith.constant 0 : i32
        %dma_wait3A_962 = arith.constant 0 : i32
        %dma_wait3A_963 = tpu.memref_slice %arg11[%dma_wait3A_959, %dma_wait3A_961, %dma_wait3A_962] : memref<2x50x64xf32, #tpu.memory_space<vmem>> -> memref<1x50x64xf32, #tpu.memory_space<vmem>>
        %dma_wait3A_964 = tpu.memref_squeeze %dma_wait3A_963 : memref<1x50x64xf32, #tpu.memory_space<vmem>> -> memref<50x64xf32, #tpu.memory_space<vmem>>
        %dma_wait3A_965 = arith.constant 0 : i32
        %dma_wait3A_966 = tpu.memref_slice %arg8[%dma_wait3A_960, %dma_wait3A_965] : memref<32x50xi32, #tpu.memory_space<vmem>> -> memref<1x50xi32, #tpu.memory_space<vmem>>
        %dma_wait3A_967 = tpu.memref_squeeze %dma_wait3A_966 : memref<1x50xi32, #tpu.memory_space<vmem>> -> memref<50xi32, #tpu.memory_space<vmem>>
        %dma_wait3A_968 = arith.constant 0 : i32
        %dma_wait3A_969 = arith.constant 0 : i32
        %dma_wait3A_970 = tpu.memref_slice %arg6[%dma_wait3A_968, %dma_wait3A_969] : memref<51200x64xf32, #tpu.memory_space<hbm>> -> memref<51200x64xf32, #tpu.memory_space<hbm>>
        tpu.wait_indirect_dma semaphore(%arg14 : memref<!tpu.dma_semaphore, #tpu.memory_space<semaphore_mem>>) src(%dma_wait3A_964 : memref<50x64xf32, #tpu.memory_space<vmem>>) dst(%dma_wait3A_970 : memref<51200x64xf32, #tpu.memory_space<hbm>>)
      } else {
      }
      %scan3A_782 = arith.constant 0 : i32
      %scan3A_783 = arith.constant 0 : i32
      %scan3A_784 = arith.constant 50 : i32
      %scan3A_785 = arith.addi %scan3A_783, %scan3A_784 : i32
      %scan3A_786 = arith.constant 1 : i32
      scf.for %scan3A_959 = %scan3A_783 to %scan3A_785 step %scan3A_786  : i32 {
        %get3A = arith.index_cast %scan3A_959 : i32 to index
        %get3A_960 = arith.constant 0 : index
        %get3A_961 = tpu.vector_load %arg9[%get3A, %get3A_960] {strides = array<i32>} : memref<50x64xf32, #tpu.memory_space<vmem>>, vector<1x16xf32>,
        %get3A_962 = vector.shape_cast %get3A_961 : vector<1x16xf32> to vector<16xf32>
        %get3A_963 = arith.constant 0 : i32
        %get3A_964 = arith.constant 0 : i32
        %get3A_965 = arith.index_cast %get3A_963 : i32 to index
        %get3A_966 = arith.index_cast %get3A_964 : i32 to index
        %get3A_967 = arith.index_cast %scan3A_959 : i32 to index
        %get3A_968 = arith.constant 0 : index
        %get3A_969 = tpu.vector_load %arg10[%get3A_965, %get3A_966, %get3A_967, %get3A_968] {strides = array<i32>} : memref<2x10x50x64xf32, #tpu.memory_space<vmem>>, vector<1x1x1x16xf32>,
        %get3A_970 = vector.shape_cast %get3A_969 : vector<1x1x1x16xf32> to vector<16xf32>
        %get3A_971 = arith.constant 0 : i32
        %get3A_972 = arith.constant 1 : i32
        %get3A_973 = arith.index_cast %get3A_971 : i32 to index
        %get3A_974 = arith.index_cast %get3A_972 : i32 to index
        %get3A_975 = arith.index_cast %scan3A_959 : i32 to index
        %get3A_976 = arith.constant 0 : index
        %get3A_977 = tpu.vector_load %arg10[%get3A_973, %get3A_974, %get3A_975, %get3A_976] {strides = array<i32>} : memref<2x10x50x64xf32, #tpu.memory_space<vmem>>, vector<1x1x1x16xf32>,
        %get3A_978 = vector.shape_cast %get3A_977 : vector<1x1x1x16xf32> to vector<16xf32>
        %get3A_979 = arith.constant 0 : i32
        %get3A_980 = arith.constant 2 : i32
        %get3A_981 = arith.index_cast %get3A_979 : i32 to index
        %get3A_982 = arith.index_cast %get3A_980 : i32 to index
        %get3A_983 = arith.index_cast %scan3A_959 : i32 to index
        %get3A_984 = arith.constant 0 : index
        %get3A_985 = tpu.vector_load %arg10[%get3A_981, %get3A_982, %get3A_983, %get3A_984] {strides = array<i32>} : memref<2x10x50x64xf32, #tpu.memory_space<vmem>>, vector<1x1x1x16xf32>,
        %get3A_986 = vector.shape_cast %get3A_985 : vector<1x1x1x16xf32> to vector<16xf32>
        %get3A_987 = arith.constant 0 : i32
        %get3A_988 = arith.constant 3 : i32
        %get3A_989 = arith.index_cast %get3A_987 : i32 to index
        %get3A_990 = arith.index_cast %get3A_988 : i32 to index
        %get3A_991 = arith.index_cast %scan3A_959 : i32 to index
        %get3A_992 = arith.constant 0 : index
        %get3A_993 = tpu.vector_load %arg10[%get3A_989, %get3A_990, %get3A_991, %get3A_992] {strides = array<i32>} : memref<2x10x50x64xf32, #tpu.memory_space<vmem>>, vector<1x1x1x16xf32>,
        %get3A_994 = vector.shape_cast %get3A_993 : vector<1x1x1x16xf32> to vector<16xf32>
        %get3A_995 = arith.constant 0 : i32
        %get3A_996 = arith.constant 4 : i32
        %get3A_997 = arith.index_cast %get3A_995 : i32 to index
        %get3A_998 = arith.index_cast %get3A_996 : i32 to index
        %get3A_999 = arith.index_cast %scan3A_959 : i32 to index
        %get3A_1000 = arith.constant 0 : index
        %get3A_1001 = tpu.vector_load %arg10[%get3A_997, %get3A_998, %get3A_999, %get3A_1000] {strides = array<i32>} : memref<2x10x50x64xf32, #tpu.memory_space<vmem>>, vector<1x1x1x16xf32>,
        %get3A_1002 = vector.shape_cast %get3A_1001 : vector<1x1x1x16xf32> to vector<16xf32>
        %get3A_1003 = arith.constant 0 : i32
        %get3A_1004 = arith.constant 5 : i32
        %get3A_1005 = arith.index_cast %get3A_1003 : i32 to index
        %get3A_1006 = arith.index_cast %get3A_1004 : i32 to index
        %get3A_1007 = arith.index_cast %scan3A_959 : i32 to index
        %get3A_1008 = arith.constant 0 : index
        %get3A_1009 = tpu.vector_load %arg10[%get3A_1005, %get3A_1006, %get3A_1007, %get3A_1008] {strides = array<i32>} : memref<2x10x50x64xf32, #tpu.memory_space<vmem>>, vector<1x1x1x16xf32>,
        %get3A_1010 = vector.shape_cast %get3A_1009 : vector<1x1x1x16xf32> to vector<16xf32>
        %get3A_1011 = arith.constant 0 : i32
        %get3A_1012 = arith.constant 6 : i32
        %get3A_1013 = arith.index_cast %get3A_1011 : i32 to index
        %get3A_1014 = arith.index_cast %get3A_1012 : i32 to index
        %get3A_1015 = arith.index_cast %scan3A_959 : i32 to index
        %get3A_1016 = arith.constant 0 : index
        %get3A_1017 = tpu.vector_load %arg10[%get3A_1013, %get3A_1014, %get3A_1015, %get3A_1016] {strides = array<i32>} : memref<2x10x50x64xf32, #tpu.memory_space<vmem>>, vector<1x1x1x16xf32>,
        %get3A_1018 = vector.shape_cast %get3A_1017 : vector<1x1x1x16xf32> to vector<16xf32>
        %get3A_1019 = arith.constant 0 : i32
        %get3A_1020 = arith.constant 7 : i32
        %get3A_1021 = arith.index_cast %get3A_1019 : i32 to index
        %get3A_1022 = arith.index_cast %get3A_1020 : i32 to index
        %get3A_1023 = arith.index_cast %scan3A_959 : i32 to index
        %get3A_1024 = arith.constant 0 : index
        %get3A_1025 = tpu.vector_load %arg10[%get3A_1021, %get3A_1022, %get3A_1023, %get3A_1024] {strides = array<i32>} : memref<2x10x50x64xf32, #tpu.memory_space<vmem>>, vector<1x1x1x16xf32>,
        %get3A_1026 = vector.shape_cast %get3A_1025 : vector<1x1x1x16xf32> to vector<16xf32>
        %get3A_1027 = arith.constant 0 : i32
        %get3A_1028 = arith.constant 8 : i32
        %get3A_1029 = arith.index_cast %get3A_1027 : i32 to index
        %get3A_1030 = arith.index_cast %get3A_1028 : i32 to index
        %get3A_1031 = arith.index_cast %scan3A_959 : i32 to index
        %get3A_1032 = arith.constant 0 : index
        %get3A_1033 = tpu.vector_load %arg10[%get3A_1029, %get3A_1030, %get3A_1031, %get3A_1032] {strides = array<i32>} : memref<2x10x50x64xf32, #tpu.memory_space<vmem>>, vector<1x1x1x16xf32>,
        %get3A_1034 = vector.shape_cast %get3A_1033 : vector<1x1x1x16xf32> to vector<16xf32>
        %get3A_1035 = arith.constant 0 : i32
        %get3A_1036 = arith.constant 9 : i32
        %get3A_1037 = arith.index_cast %get3A_1035 : i32 to index
        %get3A_1038 = arith.index_cast %get3A_1036 : i32 to index
        %get3A_1039 = arith.index_cast %scan3A_959 : i32 to index
        %get3A_1040 = arith.constant 0 : index
        %get3A_1041 = tpu.vector_load %arg10[%get3A_1037, %get3A_1038, %get3A_1039, %get3A_1040] {strides = array<i32>} : memref<2x10x50x64xf32, #tpu.memory_space<vmem>>, vector<1x1x1x16xf32>,
        %get3A_1042 = vector.shape_cast %get3A_1041 : vector<1x1x1x16xf32> to vector<16xf32>
        %add3A_1043 = arith.addf %get3A_962, %get3A_970 : vector<16xf32>
        %add3A_1044 = arith.addf %get3A_978, %get3A_986 : vector<16xf32>
        %add3A_1045 = arith.addf %get3A_994, %get3A_1002 : vector<16xf32>
        %add3A_1046 = arith.addf %get3A_1010, %get3A_1018 : vector<16xf32>
        %add3A_1047 = arith.addf %get3A_1026, %get3A_1034 : vector<16xf32>
        %add3A_1048 = arith.addf %add3A_1043, %add3A_1044 : vector<16xf32>
        %add3A_1049 = arith.addf %add3A_1045, %add3A_1046 : vector<16xf32>
        %add3A_1050 = arith.addf %add3A_1047, %get3A_1042 : vector<16xf32>
        %add3A_1051 = arith.addf %add3A_1048, %add3A_1049 : vector<16xf32>
        %add3A_1052 = arith.addf %add3A_1051, %add3A_1050 : vector<16xf32>
        %swap3A = arith.constant 1 : i32
        %swap3A_1053 = arith.index_cast %swap3A : i32 to index
        %swap3A_1054 = arith.index_cast %scan3A_959 : i32 to index
        %swap3A_1055 = arith.constant 0 : index
        %swap3A_1056 = tpu.vector_load %arg11[%swap3A_1053, %swap3A_1054, %swap3A_1055] {strides = array<i32>} : memref<2x50x64xf32, #tpu.memory_space<vmem>>, vector<1x1x16xf32>,
        %swap3A_1057 = vector.shape_cast %swap3A_1056 : vector<1x1x16xf32> to vector<16xf32>
        %swap3A_1058 = vector.shape_cast %add3A_1052 : vector<16xf32> to vector<1x1x16xf32>
        tpu.vector_store %arg11[%swap3A_1053, %swap3A_1054, %swap3A_1055], %swap3A_1058 {strides = array<i32>} : memref<2x50x64xf32, #tpu.memory_space<vmem>>, vector<1x1x16xf32>,
        %get3A_1059 = arith.index_cast %scan3A_959 : i32 to index
        %get3A_1060 = arith.constant 16 : index
        %get3A_1061 = tpu.vector_load %arg9[%get3A_1059, %get3A_1060] {strides = array<i32>} : memref<50x64xf32, #tpu.memory_space<vmem>>, vector<1x16xf32>,
        %get3A_1062 = vector.shape_cast %get3A_1061 : vector<1x16xf32> to vector<16xf32>
        %get3A_1063 = arith.constant 0 : i32
        %get3A_1064 = arith.constant 0 : i32
        %get3A_1065 = arith.index_cast %get3A_1063 : i32 to index
        %get3A_1066 = arith.index_cast %get3A_1064 : i32 to index
        %get3A_1067 = arith.index_cast %scan3A_959 : i32 to index
        %get3A_1068 = arith.constant 16 : index
        %get3A_1069 = tpu.vector_load %arg10[%get3A_1065, %get3A_1066, %get3A_1067, %get3A_1068] {strides = array<i32>} : memref<2x10x50x64xf32, #tpu.memory_space<vmem>>, vector<1x1x1x16xf32>,
        %get3A_1070 = vector.shape_cast %get3A_1069 : vector<1x1x1x16xf32> to vector<16xf32>
        %get3A_1071 = arith.constant 0 : i32
        %get3A_1072 = arith.constant 1 : i32
        %get3A_1073 = arith.index_cast %get3A_1071 : i32 to index
        %get3A_1074 = arith.index_cast %get3A_1072 : i32 to index
        %get3A_1075 = arith.index_cast %scan3A_959 : i32 to index
        %get3A_1076 = arith.constant 16 : index
        %get3A_1077 = tpu.vector_load %arg10[%get3A_1073, %get3A_1074, %get3A_1075, %get3A_1076] {strides = array<i32>} : memref<2x10x50x64xf32, #tpu.memory_space<vmem>>, vector<1x1x1x16xf32>,
        %get3A_1078 = vector.shape_cast %get3A_1077 : vector<1x1x1x16xf32> to vector<16xf32>
        %get3A_1079 = arith.constant 0 : i32
        %get3A_1080 = arith.constant 2 : i32
        %get3A_1081 = arith.index_cast %get3A_1079 : i32 to index
        %get3A_1082 = arith.index_cast %get3A_1080 : i32 to index
        %get3A_1083 = arith.index_cast %scan3A_959 : i32 to index
        %get3A_1084 = arith.constant 16 : index
        %get3A_1085 = tpu.vector_load %arg10[%get3A_1081, %get3A_1082, %get3A_1083, %get3A_1084] {strides = array<i32>} : memref<2x10x50x64xf32, #tpu.memory_space<vmem>>, vector<1x1x1x16xf32>,
        %get3A_1086 = vector.shape_cast %get3A_1085 : vector<1x1x1x16xf32> to vector<16xf32>
        %get3A_1087 = arith.constant 0 : i32
        %get3A_1088 = arith.constant 3 : i32
        %get3A_1089 = arith.index_cast %get3A_1087 : i32 to index
        %get3A_1090 = arith.index_cast %get3A_1088 : i32 to index
        %get3A_1091 = arith.index_cast %scan3A_959 : i32 to index
        %get3A_1092 = arith.constant 16 : index
        %get3A_1093 = tpu.vector_load %arg10[%get3A_1089, %get3A_1090, %get3A_1091, %get3A_1092] {strides = array<i32>} : memref<2x10x50x64xf32, #tpu.memory_space<vmem>>, vector<1x1x1x16xf32>,
        %get3A_1094 = vector.shape_cast %get3A_1093 : vector<1x1x1x16xf32> to vector<16xf32>
        %get3A_1095 = arith.constant 0 : i32
        %get3A_1096 = arith.constant 4 : i32
        %get3A_1097 = arith.index_cast %get3A_1095 : i32 to index
        %get3A_1098 = arith.index_cast %get3A_1096 : i32 to index
        %get3A_1099 = arith.index_cast %scan3A_959 : i32 to index
        %get3A_1100 = arith.constant 16 : index
        %get3A_1101 = tpu.vector_load %arg10[%get3A_1097, %get3A_1098, %get3A_1099, %get3A_1100] {strides = array<i32>} : memref<2x10x50x64xf32, #tpu.memory_space<vmem>>, vector<1x1x1x16xf32>,
        %get3A_1102 = vector.shape_cast %get3A_1101 : vector<1x1x1x16xf32> to vector<16xf32>
        %get3A_1103 = arith.constant 0 : i32
        %get3A_1104 = arith.constant 5 : i32
        %get3A_1105 = arith.index_cast %get3A_1103 : i32 to index
        %get3A_1106 = arith.index_cast %get3A_1104 : i32 to index
        %get3A_1107 = arith.index_cast %scan3A_959 : i32 to index
        %get3A_1108 = arith.constant 16 : index
        %get3A_1109 = tpu.vector_load %arg10[%get3A_1105, %get3A_1106, %get3A_1107, %get3A_1108] {strides = array<i32>} : memref<2x10x50x64xf32, #tpu.memory_space<vmem>>, vector<1x1x1x16xf32>,
        %get3A_1110 = vector.shape_cast %get3A_1109 : vector<1x1x1x16xf32> to vector<16xf32>
        %get3A_1111 = arith.constant 0 : i32
        %get3A_1112 = arith.constant 6 : i32
        %get3A_1113 = arith.index_cast %get3A_1111 : i32 to index
        %get3A_1114 = arith.index_cast %get3A_1112 : i32 to index
        %get3A_1115 = arith.index_cast %scan3A_959 : i32 to index
        %get3A_1116 = arith.constant 16 : index
        %get3A_1117 = tpu.vector_load %arg10[%get3A_1113, %get3A_1114, %get3A_1115, %get3A_1116] {strides = array<i32>} : memref<2x10x50x64xf32, #tpu.memory_space<vmem>>, vector<1x1x1x16xf32>,
        %get3A_1118 = vector.shape_cast %get3A_1117 : vector<1x1x1x16xf32> to vector<16xf32>
        %get3A_1119 = arith.constant 0 : i32
        %get3A_1120 = arith.constant 7 : i32
        %get3A_1121 = arith.index_cast %get3A_1119 : i32 to index
        %get3A_1122 = arith.index_cast %get3A_1120 : i32 to index
        %get3A_1123 = arith.index_cast %scan3A_959 : i32 to index
        %get3A_1124 = arith.constant 16 : index
        %get3A_1125 = tpu.vector_load %arg10[%get3A_1121, %get3A_1122, %get3A_1123, %get3A_1124] {strides = array<i32>} : memref<2x10x50x64xf32, #tpu.memory_space<vmem>>, vector<1x1x1x16xf32>,
        %get3A_1126 = vector.shape_cast %get3A_1125 : vector<1x1x1x16xf32> to vector<16xf32>
        %get3A_1127 = arith.constant 0 : i32
        %get3A_1128 = arith.constant 8 : i32
        %get3A_1129 = arith.index_cast %get3A_1127 : i32 to index
        %get3A_1130 = arith.index_cast %get3A_1128 : i32 to index
        %get3A_1131 = arith.index_cast %scan3A_959 : i32 to index
        %get3A_1132 = arith.constant 16 : index
        %get3A_1133 = tpu.vector_load %arg10[%get3A_1129, %get3A_1130, %get3A_1131, %get3A_1132] {strides = array<i32>} : memref<2x10x50x64xf32, #tpu.memory_space<vmem>>, vector<1x1x1x16xf32>,
        %get3A_1134 = vector.shape_cast %get3A_1133 : vector<1x1x1x16xf32> to vector<16xf32>
        %get3A_1135 = arith.constant 0 : i32
        %get3A_1136 = arith.constant 9 : i32
        %get3A_1137 = arith.index_cast %get3A_1135 : i32 to index
        %get3A_1138 = arith.index_cast %get3A_1136 : i32 to index
        %get3A_1139 = arith.index_cast %scan3A_959 : i32 to index
        %get3A_1140 = arith.constant 16 : index
        %get3A_1141 = tpu.vector_load %arg10[%get3A_1137, %get3A_1138, %get3A_1139, %get3A_1140] {strides = array<i32>} : memref<2x10x50x64xf32, #tpu.memory_space<vmem>>, vector<1x1x1x16xf32>,
        %get3A_1142 = vector.shape_cast %get3A_1141 : vector<1x1x1x16xf32> to vector<16xf32>
        %add3A_1143 = arith.addf %get3A_1062, %get3A_1070 : vector<16xf32>
        %add3A_1144 = arith.addf %get3A_1078, %get3A_1086 : vector<16xf32>
        %add3A_1145 = arith.addf %get3A_1094, %get3A_1102 : vector<16xf32>
        %add3A_1146 = arith.addf %get3A_1110, %get3A_1118 : vector<16xf32>
        %add3A_1147 = arith.addf %get3A_1126, %get3A_1134 : vector<16xf32>
        %add3A_1148 = arith.addf %add3A_1143, %add3A_1144 : vector<16xf32>
        %add3A_1149 = arith.addf %add3A_1145, %add3A_1146 : vector<16xf32>
        %add3A_1150 = arith.addf %add3A_1147, %get3A_1142 : vector<16xf32>
        %add3A_1151 = arith.addf %add3A_1148, %add3A_1149 : vector<16xf32>
        %add3A_1152 = arith.addf %add3A_1151, %add3A_1150 : vector<16xf32>
        %swap3A_1153 = arith.constant 1 : i32
        %swap3A_1154 = arith.index_cast %swap3A_1153 : i32 to index
        %swap3A_1155 = arith.index_cast %scan3A_959 : i32 to index
        %swap3A_1156 = arith.constant 16 : index
        %swap3A_1157 = tpu.vector_load %arg11[%swap3A_1154, %swap3A_1155, %swap3A_1156] {strides = array<i32>} : memref<2x50x64xf32, #tpu.memory_space<vmem>>, vector<1x1x16xf32>,
        %swap3A_1158 = vector.shape_cast %swap3A_1157 : vector<1x1x16xf32> to vector<16xf32>
        %swap3A_1159 = vector.shape_cast %add3A_1152 : vector<16xf32> to vector<1x1x16xf32>
        tpu.vector_store %arg11[%swap3A_1154, %swap3A_1155, %swap3A_1156], %swap3A_1159 {strides = array<i32>} : memref<2x50x64xf32, #tpu.memory_space<vmem>>, vector<1x1x16xf32>,
        %get3A_1160 = arith.index_cast %scan3A_959 : i32 to index
        %get3A_1161 = arith.constant 32 : index
        %get3A_1162 = tpu.vector_load %arg9[%get3A_1160, %get3A_1161] {strides = array<i32>} : memref<50x64xf32, #tpu.memory_space<vmem>>, vector<1x16xf32>,
        %get3A_1163 = vector.shape_cast %get3A_1162 : vector<1x16xf32> to vector<16xf32>
        %get3A_1164 = arith.constant 0 : i32
        %get3A_1165 = arith.constant 0 : i32
        %get3A_1166 = arith.index_cast %get3A_1164 : i32 to index
        %get3A_1167 = arith.index_cast %get3A_1165 : i32 to index
        %get3A_1168 = arith.index_cast %scan3A_959 : i32 to index
        %get3A_1169 = arith.constant 32 : index
        %get3A_1170 = tpu.vector_load %arg10[%get3A_1166, %get3A_1167, %get3A_1168, %get3A_1169] {strides = array<i32>} : memref<2x10x50x64xf32, #tpu.memory_space<vmem>>, vector<1x1x1x16xf32>,
        %get3A_1171 = vector.shape_cast %get3A_1170 : vector<1x1x1x16xf32> to vector<16xf32>
        %get3A_1172 = arith.constant 0 : i32
        %get3A_1173 = arith.constant 1 : i32
        %get3A_1174 = arith.index_cast %get3A_1172 : i32 to index
        %get3A_1175 = arith.index_cast %get3A_1173 : i32 to index
        %get3A_1176 = arith.index_cast %scan3A_959 : i32 to index
        %get3A_1177 = arith.constant 32 : index
        %get3A_1178 = tpu.vector_load %arg10[%get3A_1174, %get3A_1175, %get3A_1176, %get3A_1177] {strides = array<i32>} : memref<2x10x50x64xf32, #tpu.memory_space<vmem>>, vector<1x1x1x16xf32>,
        %get3A_1179 = vector.shape_cast %get3A_1178 : vector<1x1x1x16xf32> to vector<16xf32>
        %get3A_1180 = arith.constant 0 : i32
        %get3A_1181 = arith.constant 2 : i32
        %get3A_1182 = arith.index_cast %get3A_1180 : i32 to index
        %get3A_1183 = arith.index_cast %get3A_1181 : i32 to index
        %get3A_1184 = arith.index_cast %scan3A_959 : i32 to index
        %get3A_1185 = arith.constant 32 : index
        %get3A_1186 = tpu.vector_load %arg10[%get3A_1182, %get3A_1183, %get3A_1184, %get3A_1185] {strides = array<i32>} : memref<2x10x50x64xf32, #tpu.memory_space<vmem>>, vector<1x1x1x16xf32>,
        %get3A_1187 = vector.shape_cast %get3A_1186 : vector<1x1x1x16xf32> to vector<16xf32>
        %get3A_1188 = arith.constant 0 : i32
        %get3A_1189 = arith.constant 3 : i32
        %get3A_1190 = arith.index_cast %get3A_1188 : i32 to index
        %get3A_1191 = arith.index_cast %get3A_1189 : i32 to index
        %get3A_1192 = arith.index_cast %scan3A_959 : i32 to index
        %get3A_1193 = arith.constant 32 : index
        %get3A_1194 = tpu.vector_load %arg10[%get3A_1190, %get3A_1191, %get3A_1192, %get3A_1193] {strides = array<i32>} : memref<2x10x50x64xf32, #tpu.memory_space<vmem>>, vector<1x1x1x16xf32>,
        %get3A_1195 = vector.shape_cast %get3A_1194 : vector<1x1x1x16xf32> to vector<16xf32>
        %get3A_1196 = arith.constant 0 : i32
        %get3A_1197 = arith.constant 4 : i32
        %get3A_1198 = arith.index_cast %get3A_1196 : i32 to index
        %get3A_1199 = arith.index_cast %get3A_1197 : i32 to index
        %get3A_1200 = arith.index_cast %scan3A_959 : i32 to index
        %get3A_1201 = arith.constant 32 : index
        %get3A_1202 = tpu.vector_load %arg10[%get3A_1198, %get3A_1199, %get3A_1200, %get3A_1201] {strides = array<i32>} : memref<2x10x50x64xf32, #tpu.memory_space<vmem>>, vector<1x1x1x16xf32>,
        %get3A_1203 = vector.shape_cast %get3A_1202 : vector<1x1x1x16xf32> to vector<16xf32>
        %get3A_1204 = arith.constant 0 : i32
        %get3A_1205 = arith.constant 5 : i32
        %get3A_1206 = arith.index_cast %get3A_1204 : i32 to index
        %get3A_1207 = arith.index_cast %get3A_1205 : i32 to index
        %get3A_1208 = arith.index_cast %scan3A_959 : i32 to index
        %get3A_1209 = arith.constant 32 : index
        %get3A_1210 = tpu.vector_load %arg10[%get3A_1206, %get3A_1207, %get3A_1208, %get3A_1209] {strides = array<i32>} : memref<2x10x50x64xf32, #tpu.memory_space<vmem>>, vector<1x1x1x16xf32>,
        %get3A_1211 = vector.shape_cast %get3A_1210 : vector<1x1x1x16xf32> to vector<16xf32>
        %get3A_1212 = arith.constant 0 : i32
        %get3A_1213 = arith.constant 6 : i32
        %get3A_1214 = arith.index_cast %get3A_1212 : i32 to index
        %get3A_1215 = arith.index_cast %get3A_1213 : i32 to index
        %get3A_1216 = arith.index_cast %scan3A_959 : i32 to index
        %get3A_1217 = arith.constant 32 : index
        %get3A_1218 = tpu.vector_load %arg10[%get3A_1214, %get3A_1215, %get3A_1216, %get3A_1217] {strides = array<i32>} : memref<2x10x50x64xf32, #tpu.memory_space<vmem>>, vector<1x1x1x16xf32>,
        %get3A_1219 = vector.shape_cast %get3A_1218 : vector<1x1x1x16xf32> to vector<16xf32>
        %get3A_1220 = arith.constant 0 : i32
        %get3A_1221 = arith.constant 7 : i32
        %get3A_1222 = arith.index_cast %get3A_1220 : i32 to index
        %get3A_1223 = arith.index_cast %get3A_1221 : i32 to index
        %get3A_1224 = arith.index_cast %scan3A_959 : i32 to index
        %get3A_1225 = arith.constant 32 : index
        %get3A_1226 = tpu.vector_load %arg10[%get3A_1222, %get3A_1223, %get3A_1224, %get3A_1225] {strides = array<i32>} : memref<2x10x50x64xf32, #tpu.memory_space<vmem>>, vector<1x1x1x16xf32>,
        %get3A_1227 = vector.shape_cast %get3A_1226 : vector<1x1x1x16xf32> to vector<16xf32>
        %get3A_1228 = arith.constant 0 : i32
        %get3A_1229 = arith.constant 8 : i32
        %get3A_1230 = arith.index_cast %get3A_1228 : i32 to index
        %get3A_1231 = arith.index_cast %get3A_1229 : i32 to index
        %get3A_1232 = arith.index_cast %scan3A_959 : i32 to index
        %get3A_1233 = arith.constant 32 : index
        %get3A_1234 = tpu.vector_load %arg10[%get3A_1230, %get3A_1231, %get3A_1232, %get3A_1233] {strides = array<i32>} : memref<2x10x50x64xf32, #tpu.memory_space<vmem>>, vector<1x1x1x16xf32>,
        %get3A_1235 = vector.shape_cast %get3A_1234 : vector<1x1x1x16xf32> to vector<16xf32>
        %get3A_1236 = arith.constant 0 : i32
        %get3A_1237 = arith.constant 9 : i32
        %get3A_1238 = arith.index_cast %get3A_1236 : i32 to index
        %get3A_1239 = arith.index_cast %get3A_1237 : i32 to index
        %get3A_1240 = arith.index_cast %scan3A_959 : i32 to index
        %get3A_1241 = arith.constant 32 : index
        %get3A_1242 = tpu.vector_load %arg10[%get3A_1238, %get3A_1239, %get3A_1240, %get3A_1241] {strides = array<i32>} : memref<2x10x50x64xf32, #tpu.memory_space<vmem>>, vector<1x1x1x16xf32>,
        %get3A_1243 = vector.shape_cast %get3A_1242 : vector<1x1x1x16xf32> to vector<16xf32>
        %add3A_1244 = arith.addf %get3A_1163, %get3A_1171 : vector<16xf32>
        %add3A_1245 = arith.addf %get3A_1179, %get3A_1187 : vector<16xf32>
        %add3A_1246 = arith.addf %get3A_1195, %get3A_1203 : vector<16xf32>
        %add3A_1247 = arith.addf %get3A_1211, %get3A_1219 : vector<16xf32>
        %add3A_1248 = arith.addf %get3A_1227, %get3A_1235 : vector<16xf32>
        %add3A_1249 = arith.addf %add3A_1244, %add3A_1245 : vector<16xf32>
        %add3A_1250 = arith.addf %add3A_1246, %add3A_1247 : vector<16xf32>
        %add3A_1251 = arith.addf %add3A_1248, %get3A_1243 : vector<16xf32>
        %add3A_1252 = arith.addf %add3A_1249, %add3A_1250 : vector<16xf32>
        %add3A_1253 = arith.addf %add3A_1252, %add3A_1251 : vector<16xf32>
        %swap3A_1254 = arith.constant 1 : i32
        %swap3A_1255 = arith.index_cast %swap3A_1254 : i32 to index
        %swap3A_1256 = arith.index_cast %scan3A_959 : i32 to index
        %swap3A_1257 = arith.constant 32 : index
        %swap3A_1258 = tpu.vector_load %arg11[%swap3A_1255, %swap3A_1256, %swap3A_1257] {strides = array<i32>} : memref<2x50x64xf32, #tpu.memory_space<vmem>>, vector<1x1x16xf32>,
        %swap3A_1259 = vector.shape_cast %swap3A_1258 : vector<1x1x16xf32> to vector<16xf32>
        %swap3A_1260 = vector.shape_cast %add3A_1253 : vector<16xf32> to vector<1x1x16xf32>
        tpu.vector_store %arg11[%swap3A_1255, %swap3A_1256, %swap3A_1257], %swap3A_1260 {strides = array<i32>} : memref<2x50x64xf32, #tpu.memory_space<vmem>>, vector<1x1x16xf32>,
        %get3A_1261 = arith.index_cast %scan3A_959 : i32 to index
        %get3A_1262 = arith.constant 48 : index
        %get3A_1263 = tpu.vector_load %arg9[%get3A_1261, %get3A_1262] {strides = array<i32>} : memref<50x64xf32, #tpu.memory_space<vmem>>, vector<1x16xf32>,
        %get3A_1264 = vector.shape_cast %get3A_1263 : vector<1x16xf32> to vector<16xf32>
        %get3A_1265 = arith.constant 0 : i32
        %get3A_1266 = arith.constant 0 : i32
        %get3A_1267 = arith.index_cast %get3A_1265 : i32 to index
        %get3A_1268 = arith.index_cast %get3A_1266 : i32 to index
        %get3A_1269 = arith.index_cast %scan3A_959 : i32 to index
        %get3A_1270 = arith.constant 48 : index
        %get3A_1271 = tpu.vector_load %arg10[%get3A_1267, %get3A_1268, %get3A_1269, %get3A_1270] {strides = array<i32>} : memref<2x10x50x64xf32, #tpu.memory_space<vmem>>, vector<1x1x1x16xf32>,
        %get3A_1272 = vector.shape_cast %get3A_1271 : vector<1x1x1x16xf32> to vector<16xf32>
        %get3A_1273 = arith.constant 0 : i32
        %get3A_1274 = arith.constant 1 : i32
        %get3A_1275 = arith.index_cast %get3A_1273 : i32 to index
        %get3A_1276 = arith.index_cast %get3A_1274 : i32 to index
        %get3A_1277 = arith.index_cast %scan3A_959 : i32 to index
        %get3A_1278 = arith.constant 48 : index
        %get3A_1279 = tpu.vector_load %arg10[%get3A_1275, %get3A_1276, %get3A_1277, %get3A_1278] {strides = array<i32>} : memref<2x10x50x64xf32, #tpu.memory_space<vmem>>, vector<1x1x1x16xf32>,
        %get3A_1280 = vector.shape_cast %get3A_1279 : vector<1x1x1x16xf32> to vector<16xf32>
        %get3A_1281 = arith.constant 0 : i32
        %get3A_1282 = arith.constant 2 : i32
        %get3A_1283 = arith.index_cast %get3A_1281 : i32 to index
        %get3A_1284 = arith.index_cast %get3A_1282 : i32 to index
        %get3A_1285 = arith.index_cast %scan3A_959 : i32 to index
        %get3A_1286 = arith.constant 48 : index
        %get3A_1287 = tpu.vector_load %arg10[%get3A_1283, %get3A_1284, %get3A_1285, %get3A_1286] {strides = array<i32>} : memref<2x10x50x64xf32, #tpu.memory_space<vmem>>, vector<1x1x1x16xf32>,
        %get3A_1288 = vector.shape_cast %get3A_1287 : vector<1x1x1x16xf32> to vector<16xf32>
        %get3A_1289 = arith.constant 0 : i32
        %get3A_1290 = arith.constant 3 : i32
        %get3A_1291 = arith.index_cast %get3A_1289 : i32 to index
        %get3A_1292 = arith.index_cast %get3A_1290 : i32 to index
        %get3A_1293 = arith.index_cast %scan3A_959 : i32 to index
        %get3A_1294 = arith.constant 48 : index
        %get3A_1295 = tpu.vector_load %arg10[%get3A_1291, %get3A_1292, %get3A_1293, %get3A_1294] {strides = array<i32>} : memref<2x10x50x64xf32, #tpu.memory_space<vmem>>, vector<1x1x1x16xf32>,
        %get3A_1296 = vector.shape_cast %get3A_1295 : vector<1x1x1x16xf32> to vector<16xf32>
        %get3A_1297 = arith.constant 0 : i32
        %get3A_1298 = arith.constant 4 : i32
        %get3A_1299 = arith.index_cast %get3A_1297 : i32 to index
        %get3A_1300 = arith.index_cast %get3A_1298 : i32 to index
        %get3A_1301 = arith.index_cast %scan3A_959 : i32 to index
        %get3A_1302 = arith.constant 48 : index
        %get3A_1303 = tpu.vector_load %arg10[%get3A_1299, %get3A_1300, %get3A_1301, %get3A_1302] {strides = array<i32>} : memref<2x10x50x64xf32, #tpu.memory_space<vmem>>, vector<1x1x1x16xf32>,
        %get3A_1304 = vector.shape_cast %get3A_1303 : vector<1x1x1x16xf32> to vector<16xf32>
        %get3A_1305 = arith.constant 0 : i32
        %get3A_1306 = arith.constant 5 : i32
        %get3A_1307 = arith.index_cast %get3A_1305 : i32 to index
        %get3A_1308 = arith.index_cast %get3A_1306 : i32 to index
        %get3A_1309 = arith.index_cast %scan3A_959 : i32 to index
        %get3A_1310 = arith.constant 48 : index
        %get3A_1311 = tpu.vector_load %arg10[%get3A_1307, %get3A_1308, %get3A_1309, %get3A_1310] {strides = array<i32>} : memref<2x10x50x64xf32, #tpu.memory_space<vmem>>, vector<1x1x1x16xf32>,
        %get3A_1312 = vector.shape_cast %get3A_1311 : vector<1x1x1x16xf32> to vector<16xf32>
        %get3A_1313 = arith.constant 0 : i32
        %get3A_1314 = arith.constant 6 : i32
        %get3A_1315 = arith.index_cast %get3A_1313 : i32 to index
        %get3A_1316 = arith.index_cast %get3A_1314 : i32 to index
        %get3A_1317 = arith.index_cast %scan3A_959 : i32 to index
        %get3A_1318 = arith.constant 48 : index
        %get3A_1319 = tpu.vector_load %arg10[%get3A_1315, %get3A_1316, %get3A_1317, %get3A_1318] {strides = array<i32>} : memref<2x10x50x64xf32, #tpu.memory_space<vmem>>, vector<1x1x1x16xf32>,
        %get3A_1320 = vector.shape_cast %get3A_1319 : vector<1x1x1x16xf32> to vector<16xf32>
        %get3A_1321 = arith.constant 0 : i32
        %get3A_1322 = arith.constant 7 : i32
        %get3A_1323 = arith.index_cast %get3A_1321 : i32 to index
        %get3A_1324 = arith.index_cast %get3A_1322 : i32 to index
        %get3A_1325 = arith.index_cast %scan3A_959 : i32 to index
        %get3A_1326 = arith.constant 48 : index
        %get3A_1327 = tpu.vector_load %arg10[%get3A_1323, %get3A_1324, %get3A_1325, %get3A_1326] {strides = array<i32>} : memref<2x10x50x64xf32, #tpu.memory_space<vmem>>, vector<1x1x1x16xf32>,
        %get3A_1328 = vector.shape_cast %get3A_1327 : vector<1x1x1x16xf32> to vector<16xf32>
        %get3A_1329 = arith.constant 0 : i32
        %get3A_1330 = arith.constant 8 : i32
        %get3A_1331 = arith.index_cast %get3A_1329 : i32 to index
        %get3A_1332 = arith.index_cast %get3A_1330 : i32 to index
        %get3A_1333 = arith.index_cast %scan3A_959 : i32 to index
        %get3A_1334 = arith.constant 48 : index
        %get3A_1335 = tpu.vector_load %arg10[%get3A_1331, %get3A_1332, %get3A_1333, %get3A_1334] {strides = array<i32>} : memref<2x10x50x64xf32, #tpu.memory_space<vmem>>, vector<1x1x1x16xf32>,
        %get3A_1336 = vector.shape_cast %get3A_1335 : vector<1x1x1x16xf32> to vector<16xf32>
        %get3A_1337 = arith.constant 0 : i32
        %get3A_1338 = arith.constant 9 : i32
        %get3A_1339 = arith.index_cast %get3A_1337 : i32 to index
        %get3A_1340 = arith.index_cast %get3A_1338 : i32 to index
        %get3A_1341 = arith.index_cast %scan3A_959 : i32 to index
        %get3A_1342 = arith.constant 48 : index
        %get3A_1343 = tpu.vector_load %arg10[%get3A_1339, %get3A_1340, %get3A_1341, %get3A_1342] {strides = array<i32>} : memref<2x10x50x64xf32, #tpu.memory_space<vmem>>, vector<1x1x1x16xf32>,
        %get3A_1344 = vector.shape_cast %get3A_1343 : vector<1x1x1x16xf32> to vector<16xf32>
        %add3A_1345 = arith.addf %get3A_1264, %get3A_1272 : vector<16xf32>
        %add3A_1346 = arith.addf %get3A_1280, %get3A_1288 : vector<16xf32>
        %add3A_1347 = arith.addf %get3A_1296, %get3A_1304 : vector<16xf32>
        %add3A_1348 = arith.addf %get3A_1312, %get3A_1320 : vector<16xf32>
        %add3A_1349 = arith.addf %get3A_1328, %get3A_1336 : vector<16xf32>
        %add3A_1350 = arith.addf %add3A_1345, %add3A_1346 : vector<16xf32>
        %add3A_1351 = arith.addf %add3A_1347, %add3A_1348 : vector<16xf32>
        %add3A_1352 = arith.addf %add3A_1349, %get3A_1344 : vector<16xf32>
        %add3A_1353 = arith.addf %add3A_1350, %add3A_1351 : vector<16xf32>
        %add3A_1354 = arith.addf %add3A_1353, %add3A_1352 : vector<16xf32>
        %swap3A_1355 = arith.constant 1 : i32
        %swap3A_1356 = arith.index_cast %swap3A_1355 : i32 to index
        %swap3A_1357 = arith.index_cast %scan3A_959 : i32 to index
        %swap3A_1358 = arith.constant 48 : index
        %swap3A_1359 = tpu.vector_load %arg11[%swap3A_1356, %swap3A_1357, %swap3A_1358] {strides = array<i32>} : memref<2x50x64xf32, #tpu.memory_space<vmem>>, vector<1x1x16xf32>,
        %swap3A_1360 = vector.shape_cast %swap3A_1359 : vector<1x1x16xf32> to vector<16xf32>
        %swap3A_1361 = vector.shape_cast %add3A_1354 : vector<16xf32> to vector<1x1x16xf32>
        tpu.vector_store %arg11[%swap3A_1356, %swap3A_1357, %swap3A_1358], %swap3A_1361 {strides = array<i32>} : memref<2x50x64xf32, #tpu.memory_space<vmem>>, vector<1x1x16xf32>,
      }
      %scan3A_787 = arith.constant 50 : i32
      %add3A_788 = arith.constant 1 : i32
      %add3A_789 = arith.addi %add3A_636, %add3A_788 : i32
      %lt3A_790 = arith.constant 32 : i32
      %lt3A_791 = arith.cmpi slt, %add3A_789, %lt3A_790 : i32
      %convert_element_type3A_792 = arith.extui %lt3A_791 : i1 to i32
      %cond3A_793 = arith.constant 0 : i32
      %cond3A_794 = arith.cmpi ne, %convert_element_type3A_792, %cond3A_793 : i32
      scf.if %cond3A_794 {
        %add3A_959 = arith.constant 1 : i32
        %add3A_960 = arith.addi %add3A_636, %add3A_959 : i32
        %dma_start3A_961 = arith.constant 0 : i32
        %dma_start3A_962 = arith.constant 0 : i32
        %dma_start3A_963 = arith.constant 0 : i32
        %dma_start3A_964 = arith.constant 0 : i32
        %dma_start3A_965 = arith.constant 0 : i32
        %dma_start3A_966 = tpu.memref_slice %arg10[%dma_start3A_962, %dma_start3A_963, %dma_start3A_964, %dma_start3A_965] : memref<2x10x50x64xf32, #tpu.memory_space<vmem>> -> memref<1x1x50x64xf32, #tpu.memory_space<vmem>>
        %dma_start3A_967 = tpu.memref_squeeze %dma_start3A_966 : memref<1x1x50x64xf32, #tpu.memory_space<vmem>> -> memref<50x64xf32, #tpu.memory_space<vmem>>
        %dma_start3A_968 = arith.constant 0 : i32
        %dma_start3A_969 = tpu.memref_slice %arg7[%add3A_960, %dma_start3A_961, %dma_start3A_968] : memref<32x20x50xi32, #tpu.memory_space<vmem>> -> memref<1x1x50xi32, #tpu.memory_space<vmem>>
        %dma_start3A_970 = tpu.memref_squeeze %dma_start3A_969 : memref<1x1x50xi32, #tpu.memory_space<vmem>> -> memref<50xi32, #tpu.memory_space<vmem>>
        %dma_start3A_971 = arith.constant 0 : i32
        %dma_start3A_972 = arith.constant 0 : i32
        %dma_start3A_973 = tpu.memref_slice %arg2[%dma_start3A_971, %dma_start3A_972] : memref<100000x64xf32, #tpu.memory_space<hbm>> -> memref<100000x64xf32, #tpu.memory_space<hbm>>
        tpu.enqueue_indirect_dma source(%dma_start3A_973 : memref<100000x64xf32, #tpu.memory_space<hbm>>) target(%dma_start3A_967 : memref<50x64xf32, #tpu.memory_space<vmem>>) offsets(%dma_start3A_970 : memref<50xi32, #tpu.memory_space<vmem>>) semaphore(%arg12 : memref<!tpu.dma_semaphore, #tpu.memory_space<semaphore_mem>>)
        %dma_start3A_974 = arith.constant 1 : i32
        %dma_start3A_975 = arith.constant 0 : i32
        %dma_start3A_976 = arith.constant 1 : i32
        %dma_start3A_977 = arith.constant 0 : i32
        %dma_start3A_978 = arith.constant 0 : i32
        %dma_start3A_979 = tpu.memref_slice %arg10[%dma_start3A_975, %dma_start3A_976, %dma_start3A_977, %dma_start3A_978] : memref<2x10x50x64xf32, #tpu.memory_space<vmem>> -> memref<1x1x50x64xf32, #tpu.memory_space<vmem>>
        %dma_start3A_980 = tpu.memref_squeeze %dma_start3A_979 : memref<1x1x50x64xf32, #tpu.memory_space<vmem>> -> memref<50x64xf32, #tpu.memory_space<vmem>>
        %dma_start3A_981 = arith.constant 0 : i32
        %dma_start3A_982 = tpu.memref_slice %arg7[%add3A_960, %dma_start3A_974, %dma_start3A_981] : memref<32x20x50xi32, #tpu.memory_space<vmem>> -> memref<1x1x50xi32, #tpu.memory_space<vmem>>
        %dma_start3A_983 = tpu.memref_squeeze %dma_start3A_982 : memref<1x1x50xi32, #tpu.memory_space<vmem>> -> memref<50xi32, #tpu.memory_space<vmem>>
        %dma_start3A_984 = arith.constant 0 : i32
        %dma_start3A_985 = arith.constant 0 : i32
        %dma_start3A_986 = tpu.memref_slice %arg2[%dma_start3A_984, %dma_start3A_985] : memref<100000x64xf32, #tpu.memory_space<hbm>> -> memref<100000x64xf32, #tpu.memory_space<hbm>>
        tpu.enqueue_indirect_dma source(%dma_start3A_986 : memref<100000x64xf32, #tpu.memory_space<hbm>>) target(%dma_start3A_980 : memref<50x64xf32, #tpu.memory_space<vmem>>) offsets(%dma_start3A_983 : memref<50xi32, #tpu.memory_space<vmem>>) semaphore(%arg12 : memref<!tpu.dma_semaphore, #tpu.memory_space<semaphore_mem>>)
        %dma_start3A_987 = arith.constant 2 : i32
        %dma_start3A_988 = arith.constant 0 : i32
        %dma_start3A_989 = arith.constant 2 : i32
        %dma_start3A_990 = arith.constant 0 : i32
        %dma_start3A_991 = arith.constant 0 : i32
        %dma_start3A_992 = tpu.memref_slice %arg10[%dma_start3A_988, %dma_start3A_989, %dma_start3A_990, %dma_start3A_991] : memref<2x10x50x64xf32, #tpu.memory_space<vmem>> -> memref<1x1x50x64xf32, #tpu.memory_space<vmem>>
        %dma_start3A_993 = tpu.memref_squeeze %dma_start3A_992 : memref<1x1x50x64xf32, #tpu.memory_space<vmem>> -> memref<50x64xf32, #tpu.memory_space<vmem>>
        %dma_start3A_994 = arith.constant 0 : i32
        %dma_start3A_995 = tpu.memref_slice %arg7[%add3A_960, %dma_start3A_987, %dma_start3A_994] : memref<32x20x50xi32, #tpu.memory_space<vmem>> -> memref<1x1x50xi32, #tpu.memory_space<vmem>>
        %dma_start3A_996 = tpu.memref_squeeze %dma_start3A_995 : memref<1x1x50xi32, #tpu.memory_space<vmem>> -> memref<50xi32, #tpu.memory_space<vmem>>
        %dma_start3A_997 = arith.constant 0 : i32
        %dma_start3A_998 = arith.constant 0 : i32
        %dma_start3A_999 = tpu.memref_slice %arg2[%dma_start3A_997, %dma_start3A_998] : memref<100000x64xf32, #tpu.memory_space<hbm>> -> memref<100000x64xf32, #tpu.memory_space<hbm>>
        tpu.enqueue_indirect_dma source(%dma_start3A_999 : memref<100000x64xf32, #tpu.memory_space<hbm>>) target(%dma_start3A_993 : memref<50x64xf32, #tpu.memory_space<vmem>>) offsets(%dma_start3A_996 : memref<50xi32, #tpu.memory_space<vmem>>) semaphore(%arg12 : memref<!tpu.dma_semaphore, #tpu.memory_space<semaphore_mem>>)
        %dma_start3A_1000 = arith.constant 3 : i32
        %dma_start3A_1001 = arith.constant 0 : i32
        %dma_start3A_1002 = arith.constant 3 : i32
        %dma_start3A_1003 = arith.constant 0 : i32
        %dma_start3A_1004 = arith.constant 0 : i32
        %dma_start3A_1005 = tpu.memref_slice %arg10[%dma_start3A_1001, %dma_start3A_1002, %dma_start3A_1003, %dma_start3A_1004] : memref<2x10x50x64xf32, #tpu.memory_space<vmem>> -> memref<1x1x50x64xf32, #tpu.memory_space<vmem>>
        %dma_start3A_1006 = tpu.memref_squeeze %dma_start3A_1005 : memref<1x1x50x64xf32, #tpu.memory_space<vmem>> -> memref<50x64xf32, #tpu.memory_space<vmem>>
        %dma_start3A_1007 = arith.constant 0 : i32
        %dma_start3A_1008 = tpu.memref_slice %arg7[%add3A_960, %dma_start3A_1000, %dma_start3A_1007] : memref<32x20x50xi32, #tpu.memory_space<vmem>> -> memref<1x1x50xi32, #tpu.memory_space<vmem>>
        %dma_start3A_1009 = tpu.memref_squeeze %dma_start3A_1008 : memref<1x1x50xi32, #tpu.memory_space<vmem>> -> memref<50xi32, #tpu.memory_space<vmem>>
        %dma_start3A_1010 = arith.constant 0 : i32
        %dma_start3A_1011 = arith.constant 0 : i32
        %dma_start3A_1012 = tpu.memref_slice %arg2[%dma_start3A_1010, %dma_start3A_1011] : memref<100000x64xf32, #tpu.memory_space<hbm>> -> memref<100000x64xf32, #tpu.memory_space<hbm>>
        tpu.enqueue_indirect_dma source(%dma_start3A_1012 : memref<100000x64xf32, #tpu.memory_space<hbm>>) target(%dma_start3A_1006 : memref<50x64xf32, #tpu.memory_space<vmem>>) offsets(%dma_start3A_1009 : memref<50xi32, #tpu.memory_space<vmem>>) semaphore(%arg12 : memref<!tpu.dma_semaphore, #tpu.memory_space<semaphore_mem>>)
        %dma_start3A_1013 = arith.constant 4 : i32
        %dma_start3A_1014 = arith.constant 0 : i32
        %dma_start3A_1015 = arith.constant 4 : i32
        %dma_start3A_1016 = arith.constant 0 : i32
        %dma_start3A_1017 = arith.constant 0 : i32
        %dma_start3A_1018 = tpu.memref_slice %arg10[%dma_start3A_1014, %dma_start3A_1015, %dma_start3A_1016, %dma_start3A_1017] : memref<2x10x50x64xf32, #tpu.memory_space<vmem>> -> memref<1x1x50x64xf32, #tpu.memory_space<vmem>>
        %dma_start3A_1019 = tpu.memref_squeeze %dma_start3A_1018 : memref<1x1x50x64xf32, #tpu.memory_space<vmem>> -> memref<50x64xf32, #tpu.memory_space<vmem>>
        %dma_start3A_1020 = arith.constant 0 : i32
        %dma_start3A_1021 = tpu.memref_slice %arg7[%add3A_960, %dma_start3A_1013, %dma_start3A_1020] : memref<32x20x50xi32, #tpu.memory_space<vmem>> -> memref<1x1x50xi32, #tpu.memory_space<vmem>>
        %dma_start3A_1022 = tpu.memref_squeeze %dma_start3A_1021 : memref<1x1x50xi32, #tpu.memory_space<vmem>> -> memref<50xi32, #tpu.memory_space<vmem>>
        %dma_start3A_1023 = arith.constant 0 : i32
        %dma_start3A_1024 = arith.constant 0 : i32
        %dma_start3A_1025 = tpu.memref_slice %arg2[%dma_start3A_1023, %dma_start3A_1024] : memref<100000x64xf32, #tpu.memory_space<hbm>> -> memref<100000x64xf32, #tpu.memory_space<hbm>>
        tpu.enqueue_indirect_dma source(%dma_start3A_1025 : memref<100000x64xf32, #tpu.memory_space<hbm>>) target(%dma_start3A_1019 : memref<50x64xf32, #tpu.memory_space<vmem>>) offsets(%dma_start3A_1022 : memref<50xi32, #tpu.memory_space<vmem>>) semaphore(%arg12 : memref<!tpu.dma_semaphore, #tpu.memory_space<semaphore_mem>>)
        %dma_start3A_1026 = arith.constant 5 : i32
        %dma_start3A_1027 = arith.constant 0 : i32
        %dma_start3A_1028 = arith.constant 5 : i32
        %dma_start3A_1029 = arith.constant 0 : i32
        %dma_start3A_1030 = arith.constant 0 : i32
        %dma_start3A_1031 = tpu.memref_slice %arg10[%dma_start3A_1027, %dma_start3A_1028, %dma_start3A_1029, %dma_start3A_1030] : memref<2x10x50x64xf32, #tpu.memory_space<vmem>> -> memref<1x1x50x64xf32, #tpu.memory_space<vmem>>
        %dma_start3A_1032 = tpu.memref_squeeze %dma_start3A_1031 : memref<1x1x50x64xf32, #tpu.memory_space<vmem>> -> memref<50x64xf32, #tpu.memory_space<vmem>>
        %dma_start3A_1033 = arith.constant 0 : i32
        %dma_start3A_1034 = tpu.memref_slice %arg7[%add3A_960, %dma_start3A_1026, %dma_start3A_1033] : memref<32x20x50xi32, #tpu.memory_space<vmem>> -> memref<1x1x50xi32, #tpu.memory_space<vmem>>
        %dma_start3A_1035 = tpu.memref_squeeze %dma_start3A_1034 : memref<1x1x50xi32, #tpu.memory_space<vmem>> -> memref<50xi32, #tpu.memory_space<vmem>>
        %dma_start3A_1036 = arith.constant 0 : i32
        %dma_start3A_1037 = arith.constant 0 : i32
        %dma_start3A_1038 = tpu.memref_slice %arg2[%dma_start3A_1036, %dma_start3A_1037] : memref<100000x64xf32, #tpu.memory_space<hbm>> -> memref<100000x64xf32, #tpu.memory_space<hbm>>
        tpu.enqueue_indirect_dma source(%dma_start3A_1038 : memref<100000x64xf32, #tpu.memory_space<hbm>>) target(%dma_start3A_1032 : memref<50x64xf32, #tpu.memory_space<vmem>>) offsets(%dma_start3A_1035 : memref<50xi32, #tpu.memory_space<vmem>>) semaphore(%arg12 : memref<!tpu.dma_semaphore, #tpu.memory_space<semaphore_mem>>)
        %dma_start3A_1039 = arith.constant 6 : i32
        %dma_start3A_1040 = arith.constant 0 : i32
        %dma_start3A_1041 = arith.constant 6 : i32
        %dma_start3A_1042 = arith.constant 0 : i32
        %dma_start3A_1043 = arith.constant 0 : i32
        %dma_start3A_1044 = tpu.memref_slice %arg10[%dma_start3A_1040, %dma_start3A_1041, %dma_start3A_1042, %dma_start3A_1043] : memref<2x10x50x64xf32, #tpu.memory_space<vmem>> -> memref<1x1x50x64xf32, #tpu.memory_space<vmem>>
        %dma_start3A_1045 = tpu.memref_squeeze %dma_start3A_1044 : memref<1x1x50x64xf32, #tpu.memory_space<vmem>> -> memref<50x64xf32, #tpu.memory_space<vmem>>
        %dma_start3A_1046 = arith.constant 0 : i32
        %dma_start3A_1047 = tpu.memref_slice %arg7[%add3A_960, %dma_start3A_1039, %dma_start3A_1046] : memref<32x20x50xi32, #tpu.memory_space<vmem>> -> memref<1x1x50xi32, #tpu.memory_space<vmem>>
        %dma_start3A_1048 = tpu.memref_squeeze %dma_start3A_1047 : memref<1x1x50xi32, #tpu.memory_space<vmem>> -> memref<50xi32, #tpu.memory_space<vmem>>
        %dma_start3A_1049 = arith.constant 0 : i32
        %dma_start3A_1050 = arith.constant 0 : i32
        %dma_start3A_1051 = tpu.memref_slice %arg2[%dma_start3A_1049, %dma_start3A_1050] : memref<100000x64xf32, #tpu.memory_space<hbm>> -> memref<100000x64xf32, #tpu.memory_space<hbm>>
        tpu.enqueue_indirect_dma source(%dma_start3A_1051 : memref<100000x64xf32, #tpu.memory_space<hbm>>) target(%dma_start3A_1045 : memref<50x64xf32, #tpu.memory_space<vmem>>) offsets(%dma_start3A_1048 : memref<50xi32, #tpu.memory_space<vmem>>) semaphore(%arg12 : memref<!tpu.dma_semaphore, #tpu.memory_space<semaphore_mem>>)
        %dma_start3A_1052 = arith.constant 7 : i32
        %dma_start3A_1053 = arith.constant 0 : i32
        %dma_start3A_1054 = arith.constant 7 : i32
        %dma_start3A_1055 = arith.constant 0 : i32
        %dma_start3A_1056 = arith.constant 0 : i32
        %dma_start3A_1057 = tpu.memref_slice %arg10[%dma_start3A_1053, %dma_start3A_1054, %dma_start3A_1055, %dma_start3A_1056] : memref<2x10x50x64xf32, #tpu.memory_space<vmem>> -> memref<1x1x50x64xf32, #tpu.memory_space<vmem>>
        %dma_start3A_1058 = tpu.memref_squeeze %dma_start3A_1057 : memref<1x1x50x64xf32, #tpu.memory_space<vmem>> -> memref<50x64xf32, #tpu.memory_space<vmem>>
        %dma_start3A_1059 = arith.constant 0 : i32
        %dma_start3A_1060 = tpu.memref_slice %arg7[%add3A_960, %dma_start3A_1052, %dma_start3A_1059] : memref<32x20x50xi32, #tpu.memory_space<vmem>> -> memref<1x1x50xi32, #tpu.memory_space<vmem>>
        %dma_start3A_1061 = tpu.memref_squeeze %dma_start3A_1060 : memref<1x1x50xi32, #tpu.memory_space<vmem>> -> memref<50xi32, #tpu.memory_space<vmem>>
        %dma_start3A_1062 = arith.constant 0 : i32
        %dma_start3A_1063 = arith.constant 0 : i32
        %dma_start3A_1064 = tpu.memref_slice %arg2[%dma_start3A_1062, %dma_start3A_1063] : memref<100000x64xf32, #tpu.memory_space<hbm>> -> memref<100000x64xf32, #tpu.memory_space<hbm>>
        tpu.enqueue_indirect_dma source(%dma_start3A_1064 : memref<100000x64xf32, #tpu.memory_space<hbm>>) target(%dma_start3A_1058 : memref<50x64xf32, #tpu.memory_space<vmem>>) offsets(%dma_start3A_1061 : memref<50xi32, #tpu.memory_space<vmem>>) semaphore(%arg12 : memref<!tpu.dma_semaphore, #tpu.memory_space<semaphore_mem>>)
        %dma_start3A_1065 = arith.constant 8 : i32
        %dma_start3A_1066 = arith.constant 0 : i32
        %dma_start3A_1067 = arith.constant 8 : i32
        %dma_start3A_1068 = arith.constant 0 : i32
        %dma_start3A_1069 = arith.constant 0 : i32
        %dma_start3A_1070 = tpu.memref_slice %arg10[%dma_start3A_1066, %dma_start3A_1067, %dma_start3A_1068, %dma_start3A_1069] : memref<2x10x50x64xf32, #tpu.memory_space<vmem>> -> memref<1x1x50x64xf32, #tpu.memory_space<vmem>>
        %dma_start3A_1071 = tpu.memref_squeeze %dma_start3A_1070 : memref<1x1x50x64xf32, #tpu.memory_space<vmem>> -> memref<50x64xf32, #tpu.memory_space<vmem>>
        %dma_start3A_1072 = arith.constant 0 : i32
        %dma_start3A_1073 = tpu.memref_slice %arg7[%add3A_960, %dma_start3A_1065, %dma_start3A_1072] : memref<32x20x50xi32, #tpu.memory_space<vmem>> -> memref<1x1x50xi32, #tpu.memory_space<vmem>>
        %dma_start3A_1074 = tpu.memref_squeeze %dma_start3A_1073 : memref<1x1x50xi32, #tpu.memory_space<vmem>> -> memref<50xi32, #tpu.memory_space<vmem>>
        %dma_start3A_1075 = arith.constant 0 : i32
        %dma_start3A_1076 = arith.constant 0 : i32
        %dma_start3A_1077 = tpu.memref_slice %arg2[%dma_start3A_1075, %dma_start3A_1076] : memref<100000x64xf32, #tpu.memory_space<hbm>> -> memref<100000x64xf32, #tpu.memory_space<hbm>>
        tpu.enqueue_indirect_dma source(%dma_start3A_1077 : memref<100000x64xf32, #tpu.memory_space<hbm>>) target(%dma_start3A_1071 : memref<50x64xf32, #tpu.memory_space<vmem>>) offsets(%dma_start3A_1074 : memref<50xi32, #tpu.memory_space<vmem>>) semaphore(%arg12 : memref<!tpu.dma_semaphore, #tpu.memory_space<semaphore_mem>>)
        %dma_start3A_1078 = arith.constant 9 : i32
        %dma_start3A_1079 = arith.constant 0 : i32
        %dma_start3A_1080 = arith.constant 9 : i32
        %dma_start3A_1081 = arith.constant 0 : i32
        %dma_start3A_1082 = arith.constant 0 : i32
        %dma_start3A_1083 = tpu.memref_slice %arg10[%dma_start3A_1079, %dma_start3A_1080, %dma_start3A_1081, %dma_start3A_1082] : memref<2x10x50x64xf32, #tpu.memory_space<vmem>> -> memref<1x1x50x64xf32, #tpu.memory_space<vmem>>
        %dma_start3A_1084 = tpu.memref_squeeze %dma_start3A_1083 : memref<1x1x50x64xf32, #tpu.memory_space<vmem>> -> memref<50x64xf32, #tpu.memory_space<vmem>>
        %dma_start3A_1085 = arith.constant 0 : i32
        %dma_start3A_1086 = tpu.memref_slice %arg7[%add3A_960, %dma_start3A_1078, %dma_start3A_1085] : memref<32x20x50xi32, #tpu.memory_space<vmem>> -> memref<1x1x50xi32, #tpu.memory_space<vmem>>
        %dma_start3A_1087 = tpu.memref_squeeze %dma_start3A_1086 : memref<1x1x50xi32, #tpu.memory_space<vmem>> -> memref<50xi32, #tpu.memory_space<vmem>>
        %dma_start3A_1088 = arith.constant 0 : i32
        %dma_start3A_1089 = arith.constant 0 : i32
        %dma_start3A_1090 = tpu.memref_slice %arg2[%dma_start3A_1088, %dma_start3A_1089] : memref<100000x64xf32, #tpu.memory_space<hbm>> -> memref<100000x64xf32, #tpu.memory_space<hbm>>
        tpu.enqueue_indirect_dma source(%dma_start3A_1090 : memref<100000x64xf32, #tpu.memory_space<hbm>>) target(%dma_start3A_1084 : memref<50x64xf32, #tpu.memory_space<vmem>>) offsets(%dma_start3A_1087 : memref<50xi32, #tpu.memory_space<vmem>>) semaphore(%arg12 : memref<!tpu.dma_semaphore, #tpu.memory_space<semaphore_mem>>)
      } else {
      }
      %dma_wait3A_795 = arith.constant 0 : i32
      %dma_wait3A_796 = arith.constant 0 : i32
      %dma_wait3A_797 = arith.constant 1 : i32
      %dma_wait3A_798 = arith.constant 0 : i32
      %dma_wait3A_799 = arith.constant 0 : i32
      %dma_wait3A_800 = arith.constant 0 : i32
      %dma_wait3A_801 = tpu.memref_slice %arg10[%dma_wait3A_797, %dma_wait3A_798, %dma_wait3A_799, %dma_wait3A_800] : memref<2x10x50x64xf32, #tpu.memory_space<vmem>> -> memref<1x1x50x64xf32, #tpu.memory_space<vmem>>
      %dma_wait3A_802 = tpu.memref_squeeze %dma_wait3A_801 : memref<1x1x50x64xf32, #tpu.memory_space<vmem>> -> memref<50x64xf32, #tpu.memory_space<vmem>>
      %dma_wait3A_803 = arith.constant 0 : i32
      %dma_wait3A_804 = tpu.memref_slice %arg7[%dma_wait3A_795, %dma_wait3A_796, %dma_wait3A_803] : memref<32x20x50xi32, #tpu.memory_space<vmem>> -> memref<1x1x50xi32, #tpu.memory_space<vmem>>
      %dma_wait3A_805 = tpu.memref_squeeze %dma_wait3A_804 : memref<1x1x50xi32, #tpu.memory_space<vmem>> -> memref<50xi32, #tpu.memory_space<vmem>>
      %dma_wait3A_806 = arith.constant 0 : i32
      %dma_wait3A_807 = arith.constant 0 : i32
      %dma_wait3A_808 = tpu.memref_slice %arg2[%dma_wait3A_806, %dma_wait3A_807] : memref<100000x64xf32, #tpu.memory_space<hbm>> -> memref<100000x64xf32, #tpu.memory_space<hbm>>
      tpu.wait_indirect_dma semaphore(%arg13 : memref<!tpu.dma_semaphore, #tpu.memory_space<semaphore_mem>>) src(%dma_wait3A_808 : memref<100000x64xf32, #tpu.memory_space<hbm>>) dst(%dma_wait3A_802 : memref<50x64xf32, #tpu.memory_space<vmem>>)
      %dma_wait3A_809 = arith.constant 0 : i32
      %dma_wait3A_810 = arith.constant 1 : i32
      %dma_wait3A_811 = arith.constant 1 : i32
      %dma_wait3A_812 = arith.constant 1 : i32
      %dma_wait3A_813 = arith.constant 0 : i32
      %dma_wait3A_814 = arith.constant 0 : i32
      %dma_wait3A_815 = tpu.memref_slice %arg10[%dma_wait3A_811, %dma_wait3A_812, %dma_wait3A_813, %dma_wait3A_814] : memref<2x10x50x64xf32, #tpu.memory_space<vmem>> -> memref<1x1x50x64xf32, #tpu.memory_space<vmem>>
      %dma_wait3A_816 = tpu.memref_squeeze %dma_wait3A_815 : memref<1x1x50x64xf32, #tpu.memory_space<vmem>> -> memref<50x64xf32, #tpu.memory_space<vmem>>
      %dma_wait3A_817 = arith.constant 0 : i32
      %dma_wait3A_818 = tpu.memref_slice %arg7[%dma_wait3A_809, %dma_wait3A_810, %dma_wait3A_817] : memref<32x20x50xi32, #tpu.memory_space<vmem>> -> memref<1x1x50xi32, #tpu.memory_space<vmem>>
      %dma_wait3A_819 = tpu.memref_squeeze %dma_wait3A_818 : memref<1x1x50xi32, #tpu.memory_space<vmem>> -> memref<50xi32, #tpu.memory_space<vmem>>
      %dma_wait3A_820 = arith.constant 0 : i32
      %dma_wait3A_821 = arith.constant 0 : i32
      %dma_wait3A_822 = tpu.memref_slice %arg2[%dma_wait3A_820, %dma_wait3A_821] : memref<100000x64xf32, #tpu.memory_space<hbm>> -> memref<100000x64xf32, #tpu.memory_space<hbm>>
      tpu.wait_indirect_dma semaphore(%arg13 : memref<!tpu.dma_semaphore, #tpu.memory_space<semaphore_mem>>) src(%dma_wait3A_822 : memref<100000x64xf32, #tpu.memory_space<hbm>>) dst(%dma_wait3A_816 : memref<50x64xf32, #tpu.memory_space<vmem>>)
      %dma_wait3A_823 = arith.constant 0 : i32
      %dma_wait3A_824 = arith.constant 2 : i32
      %dma_wait3A_825 = arith.constant 1 : i32
      %dma_wait3A_826 = arith.constant 2 : i32
      %dma_wait3A_827 = arith.constant 0 : i32
      %dma_wait3A_828 = arith.constant 0 : i32
      %dma_wait3A_829 = tpu.memref_slice %arg10[%dma_wait3A_825, %dma_wait3A_826, %dma_wait3A_827, %dma_wait3A_828] : memref<2x10x50x64xf32, #tpu.memory_space<vmem>> -> memref<1x1x50x64xf32, #tpu.memory_space<vmem>>
      %dma_wait3A_830 = tpu.memref_squeeze %dma_wait3A_829 : memref<1x1x50x64xf32, #tpu.memory_space<vmem>> -> memref<50x64xf32, #tpu.memory_space<vmem>>
      %dma_wait3A_831 = arith.constant 0 : i32
      %dma_wait3A_832 = tpu.memref_slice %arg7[%dma_wait3A_823, %dma_wait3A_824, %dma_wait3A_831] : memref<32x20x50xi32, #tpu.memory_space<vmem>> -> memref<1x1x50xi32, #tpu.memory_space<vmem>>
      %dma_wait3A_833 = tpu.memref_squeeze %dma_wait3A_832 : memref<1x1x50xi32, #tpu.memory_space<vmem>> -> memref<50xi32, #tpu.memory_space<vmem>>
      %dma_wait3A_834 = arith.constant 0 : i32
      %dma_wait3A_835 = arith.constant 0 : i32
      %dma_wait3A_836 = tpu.memref_slice %arg2[%dma_wait3A_834, %dma_wait3A_835] : memref<100000x64xf32, #tpu.memory_space<hbm>> -> memref<100000x64xf32, #tpu.memory_space<hbm>>
      tpu.wait_indirect_dma semaphore(%arg13 : memref<!tpu.dma_semaphore, #tpu.memory_space<semaphore_mem>>) src(%dma_wait3A_836 : memref<100000x64xf32, #tpu.memory_space<hbm>>) dst(%dma_wait3A_830 : memref<50x64xf32, #tpu.memory_space<vmem>>)
      %dma_wait3A_837 = arith.constant 0 : i32
      %dma_wait3A_838 = arith.constant 3 : i32
      %dma_wait3A_839 = arith.constant 1 : i32
      %dma_wait3A_840 = arith.constant 3 : i32
      %dma_wait3A_841 = arith.constant 0 : i32
      %dma_wait3A_842 = arith.constant 0 : i32
      %dma_wait3A_843 = tpu.memref_slice %arg10[%dma_wait3A_839, %dma_wait3A_840, %dma_wait3A_841, %dma_wait3A_842] : memref<2x10x50x64xf32, #tpu.memory_space<vmem>> -> memref<1x1x50x64xf32, #tpu.memory_space<vmem>>
      %dma_wait3A_844 = tpu.memref_squeeze %dma_wait3A_843 : memref<1x1x50x64xf32, #tpu.memory_space<vmem>> -> memref<50x64xf32, #tpu.memory_space<vmem>>
      %dma_wait3A_845 = arith.constant 0 : i32
      %dma_wait3A_846 = tpu.memref_slice %arg7[%dma_wait3A_837, %dma_wait3A_838, %dma_wait3A_845] : memref<32x20x50xi32, #tpu.memory_space<vmem>> -> memref<1x1x50xi32, #tpu.memory_space<vmem>>
      %dma_wait3A_847 = tpu.memref_squeeze %dma_wait3A_846 : memref<1x1x50xi32, #tpu.memory_space<vmem>> -> memref<50xi32, #tpu.memory_space<vmem>>
      %dma_wait3A_848 = arith.constant 0 : i32
      %dma_wait3A_849 = arith.constant 0 : i32
      %dma_wait3A_850 = tpu.memref_slice %arg2[%dma_wait3A_848, %dma_wait3A_849] : memref<100000x64xf32, #tpu.memory_space<hbm>> -> memref<100000x64xf32, #tpu.memory_space<hbm>>
      tpu.wait_indirect_dma semaphore(%arg13 : memref<!tpu.dma_semaphore, #tpu.memory_space<semaphore_mem>>) src(%dma_wait3A_850 : memref<100000x64xf32, #tpu.memory_space<hbm>>) dst(%dma_wait3A_844 : memref<50x64xf32, #tpu.memory_space<vmem>>)
      %dma_wait3A_851 = arith.constant 0 : i32
      %dma_wait3A_852 = arith.constant 4 : i32
      %dma_wait3A_853 = arith.constant 1 : i32
      %dma_wait3A_854 = arith.constant 4 : i32
      %dma_wait3A_855 = arith.constant 0 : i32
      %dma_wait3A_856 = arith.constant 0 : i32
      %dma_wait3A_857 = tpu.memref_slice %arg10[%dma_wait3A_853, %dma_wait3A_854, %dma_wait3A_855, %dma_wait3A_856] : memref<2x10x50x64xf32, #tpu.memory_space<vmem>> -> memref<1x1x50x64xf32, #tpu.memory_space<vmem>>
      %dma_wait3A_858 = tpu.memref_squeeze %dma_wait3A_857 : memref<1x1x50x64xf32, #tpu.memory_space<vmem>> -> memref<50x64xf32, #tpu.memory_space<vmem>>
      %dma_wait3A_859 = arith.constant 0 : i32
      %dma_wait3A_860 = tpu.memref_slice %arg7[%dma_wait3A_851, %dma_wait3A_852, %dma_wait3A_859] : memref<32x20x50xi32, #tpu.memory_space<vmem>> -> memref<1x1x50xi32, #tpu.memory_space<vmem>>
      %dma_wait3A_861 = tpu.memref_squeeze %dma_wait3A_860 : memref<1x1x50xi32, #tpu.memory_space<vmem>> -> memref<50xi32, #tpu.memory_space<vmem>>
      %dma_wait3A_862 = arith.constant 0 : i32
      %dma_wait3A_863 = arith.constant 0 : i32
      %dma_wait3A_864 = tpu.memref_slice %arg2[%dma_wait3A_862, %dma_wait3A_863] : memref<100000x64xf32, #tpu.memory_space<hbm>> -> memref<100000x64xf32, #tpu.memory_space<hbm>>
      tpu.wait_indirect_dma semaphore(%arg13 : memref<!tpu.dma_semaphore, #tpu.memory_space<semaphore_mem>>) src(%dma_wait3A_864 : memref<100000x64xf32, #tpu.memory_space<hbm>>) dst(%dma_wait3A_858 : memref<50x64xf32, #tpu.memory_space<vmem>>)
      %dma_wait3A_865 = arith.constant 0 : i32
      %dma_wait3A_866 = arith.constant 5 : i32
      %dma_wait3A_867 = arith.constant 1 : i32
      %dma_wait3A_868 = arith.constant 5 : i32
      %dma_wait3A_869 = arith.constant 0 : i32
      %dma_wait3A_870 = arith.constant 0 : i32
      %dma_wait3A_871 = tpu.memref_slice %arg10[%dma_wait3A_867, %dma_wait3A_868, %dma_wait3A_869, %dma_wait3A_870] : memref<2x10x50x64xf32, #tpu.memory_space<vmem>> -> memref<1x1x50x64xf32, #tpu.memory_space<vmem>>
      %dma_wait3A_872 = tpu.memref_squeeze %dma_wait3A_871 : memref<1x1x50x64xf32, #tpu.memory_space<vmem>> -> memref<50x64xf32, #tpu.memory_space<vmem>>
      %dma_wait3A_873 = arith.constant 0 : i32
      %dma_wait3A_874 = tpu.memref_slice %arg7[%dma_wait3A_865, %dma_wait3A_866, %dma_wait3A_873] : memref<32x20x50xi32, #tpu.memory_space<vmem>> -> memref<1x1x50xi32, #tpu.memory_space<vmem>>
      %dma_wait3A_875 = tpu.memref_squeeze %dma_wait3A_874 : memref<1x1x50xi32, #tpu.memory_space<vmem>> -> memref<50xi32, #tpu.memory_space<vmem>>
      %dma_wait3A_876 = arith.constant 0 : i32
      %dma_wait3A_877 = arith.constant 0 : i32
      %dma_wait3A_878 = tpu.memref_slice %arg2[%dma_wait3A_876, %dma_wait3A_877] : memref<100000x64xf32, #tpu.memory_space<hbm>> -> memref<100000x64xf32, #tpu.memory_space<hbm>>
      tpu.wait_indirect_dma semaphore(%arg13 : memref<!tpu.dma_semaphore, #tpu.memory_space<semaphore_mem>>) src(%dma_wait3A_878 : memref<100000x64xf32, #tpu.memory_space<hbm>>) dst(%dma_wait3A_872 : memref<50x64xf32, #tpu.memory_space<vmem>>)
      %dma_wait3A_879 = arith.constant 0 : i32
      %dma_wait3A_880 = arith.constant 6 : i32
      %dma_wait3A_881 = arith.constant 1 : i32
      %dma_wait3A_882 = arith.constant 6 : i32
      %dma_wait3A_883 = arith.constant 0 : i32
      %dma_wait3A_884 = arith.constant 0 : i32
      %dma_wait3A_885 = tpu.memref_slice %arg10[%dma_wait3A_881, %dma_wait3A_882, %dma_wait3A_883, %dma_wait3A_884] : memref<2x10x50x64xf32, #tpu.memory_space<vmem>> -> memref<1x1x50x64xf32, #tpu.memory_space<vmem>>
      %dma_wait3A_886 = tpu.memref_squeeze %dma_wait3A_885 : memref<1x1x50x64xf32, #tpu.memory_space<vmem>> -> memref<50x64xf32, #tpu.memory_space<vmem>>
      %dma_wait3A_887 = arith.constant 0 : i32
      %dma_wait3A_888 = tpu.memref_slice %arg7[%dma_wait3A_879, %dma_wait3A_880, %dma_wait3A_887] : memref<32x20x50xi32, #tpu.memory_space<vmem>> -> memref<1x1x50xi32, #tpu.memory_space<vmem>>
      %dma_wait3A_889 = tpu.memref_squeeze %dma_wait3A_888 : memref<1x1x50xi32, #tpu.memory_space<vmem>> -> memref<50xi32, #tpu.memory_space<vmem>>
      %dma_wait3A_890 = arith.constant 0 : i32
      %dma_wait3A_891 = arith.constant 0 : i32
      %dma_wait3A_892 = tpu.memref_slice %arg2[%dma_wait3A_890, %dma_wait3A_891] : memref<100000x64xf32, #tpu.memory_space<hbm>> -> memref<100000x64xf32, #tpu.memory_space<hbm>>
      tpu.wait_indirect_dma semaphore(%arg13 : memref<!tpu.dma_semaphore, #tpu.memory_space<semaphore_mem>>) src(%dma_wait3A_892 : memref<100000x64xf32, #tpu.memory_space<hbm>>) dst(%dma_wait3A_886 : memref<50x64xf32, #tpu.memory_space<vmem>>)
      %dma_wait3A_893 = arith.constant 0 : i32
      %dma_wait3A_894 = arith.constant 7 : i32
      %dma_wait3A_895 = arith.constant 1 : i32
      %dma_wait3A_896 = arith.constant 7 : i32
      %dma_wait3A_897 = arith.constant 0 : i32
      %dma_wait3A_898 = arith.constant 0 : i32
      %dma_wait3A_899 = tpu.memref_slice %arg10[%dma_wait3A_895, %dma_wait3A_896, %dma_wait3A_897, %dma_wait3A_898] : memref<2x10x50x64xf32, #tpu.memory_space<vmem>> -> memref<1x1x50x64xf32, #tpu.memory_space<vmem>>
      %dma_wait3A_900 = tpu.memref_squeeze %dma_wait3A_899 : memref<1x1x50x64xf32, #tpu.memory_space<vmem>> -> memref<50x64xf32, #tpu.memory_space<vmem>>
      %dma_wait3A_901 = arith.constant 0 : i32
      %dma_wait3A_902 = tpu.memref_slice %arg7[%dma_wait3A_893, %dma_wait3A_894, %dma_wait3A_901] : memref<32x20x50xi32, #tpu.memory_space<vmem>> -> memref<1x1x50xi32, #tpu.memory_space<vmem>>
      %dma_wait3A_903 = tpu.memref_squeeze %dma_wait3A_902 : memref<1x1x50xi32, #tpu.memory_space<vmem>> -> memref<50xi32, #tpu.memory_space<vmem>>
      %dma_wait3A_904 = arith.constant 0 : i32
      %dma_wait3A_905 = arith.constant 0 : i32
      %dma_wait3A_906 = tpu.memref_slice %arg2[%dma_wait3A_904, %dma_wait3A_905] : memref<100000x64xf32, #tpu.memory_space<hbm>> -> memref<100000x64xf32, #tpu.memory_space<hbm>>
      tpu.wait_indirect_dma semaphore(%arg13 : memref<!tpu.dma_semaphore, #tpu.memory_space<semaphore_mem>>) src(%dma_wait3A_906 : memref<100000x64xf32, #tpu.memory_space<hbm>>) dst(%dma_wait3A_900 : memref<50x64xf32, #tpu.memory_space<vmem>>)
      %dma_wait3A_907 = arith.constant 0 : i32
      %dma_wait3A_908 = arith.constant 8 : i32
      %dma_wait3A_909 = arith.constant 1 : i32
      %dma_wait3A_910 = arith.constant 8 : i32
      %dma_wait3A_911 = arith.constant 0 : i32
      %dma_wait3A_912 = arith.constant 0 : i32
      %dma_wait3A_913 = tpu.memref_slice %arg10[%dma_wait3A_909, %dma_wait3A_910, %dma_wait3A_911, %dma_wait3A_912] : memref<2x10x50x64xf32, #tpu.memory_space<vmem>> -> memref<1x1x50x64xf32, #tpu.memory_space<vmem>>
      %dma_wait3A_914 = tpu.memref_squeeze %dma_wait3A_913 : memref<1x1x50x64xf32, #tpu.memory_space<vmem>> -> memref<50x64xf32, #tpu.memory_space<vmem>>
      %dma_wait3A_915 = arith.constant 0 : i32
      %dma_wait3A_916 = tpu.memref_slice %arg7[%dma_wait3A_907, %dma_wait3A_908, %dma_wait3A_915] : memref<32x20x50xi32, #tpu.memory_space<vmem>> -> memref<1x1x50xi32, #tpu.memory_space<vmem>>
      %dma_wait3A_917 = tpu.memref_squeeze %dma_wait3A_916 : memref<1x1x50xi32, #tpu.memory_space<vmem>> -> memref<50xi32, #tpu.memory_space<vmem>>
      %dma_wait3A_918 = arith.constant 0 : i32
      %dma_wait3A_919 = arith.constant 0 : i32
      %dma_wait3A_920 = tpu.memref_slice %arg2[%dma_wait3A_918, %dma_wait3A_919] : memref<100000x64xf32, #tpu.memory_space<hbm>> -> memref<100000x64xf32, #tpu.memory_space<hbm>>
      tpu.wait_indirect_dma semaphore(%arg13 : memref<!tpu.dma_semaphore, #tpu.memory_space<semaphore_mem>>) src(%dma_wait3A_920 : memref<100000x64xf32, #tpu.memory_space<hbm>>) dst(%dma_wait3A_914 : memref<50x64xf32, #tpu.memory_space<vmem>>)
      %dma_wait3A_921 = arith.constant 0 : i32
      %dma_wait3A_922 = arith.constant 9 : i32
      %dma_wait3A_923 = arith.constant 1 : i32
      %dma_wait3A_924 = arith.constant 9 : i32
      %dma_wait3A_925 = arith.constant 0 : i32
      %dma_wait3A_926 = arith.constant 0 : i32
      %dma_wait3A_927 = tpu.memref_slice %arg10[%dma_wait3A_923, %dma_wait3A_924, %dma_wait3A_925, %dma_wait3A_926] : memref<2x10x50x64xf32, #tpu.memory_space<vmem>> -> memref<1x1x50x64xf32, #tpu.memory_space<vmem>>
      %dma_wait3A_928 = tpu.memref_squeeze %dma_wait3A_927 : memref<1x1x50x64xf32, #tpu.memory_space<vmem>> -> memref<50x64xf32, #tpu.memory_space<vmem>>
      %dma_wait3A_929 = arith.constant 0 : i32
      %dma_wait3A_930 = tpu.memref_slice %arg7[%dma_wait3A_921, %dma_wait3A_922, %dma_wait3A_929] : memref<32x20x50xi32, #tpu.memory_space<vmem>> -> memref<1x1x50xi32, #tpu.memory_space<vmem>>
      %dma_wait3A_931 = tpu.memref_squeeze %dma_wait3A_930 : memref<1x1x50xi32, #tpu.memory_space<vmem>> -> memref<50xi32, #tpu.memory_space<vmem>>
      %dma_wait3A_932 = arith.constant 0 : i32
      %dma_wait3A_933 = arith.constant 0 : i32
      %dma_wait3A_934 = tpu.memref_slice %arg2[%dma_wait3A_932, %dma_wait3A_933] : memref<100000x64xf32, #tpu.memory_space<hbm>> -> memref<100000x64xf32, #tpu.memory_space<hbm>>
      tpu.wait_indirect_dma semaphore(%arg13 : memref<!tpu.dma_semaphore, #tpu.memory_space<semaphore_mem>>) src(%dma_wait3A_934 : memref<100000x64xf32, #tpu.memory_space<hbm>>) dst(%dma_wait3A_928 : memref<50x64xf32, #tpu.memory_space<vmem>>)
      %scan3A_935 = arith.constant 0 : i32
      %scan3A_936 = arith.constant 0 : i32
      %scan3A_937 = arith.constant 50 : i32
      %scan3A_938 = arith.addi %scan3A_936, %scan3A_937 : i32
      %scan3A_939 = arith.constant 1 : i32
      scf.for %scan3A_959 = %scan3A_936 to %scan3A_938 step %scan3A_939  : i32 {
        %get3A = arith.constant 1 : i32
        %get3A_960 = arith.index_cast %get3A : i32 to index
        %get3A_961 = arith.index_cast %scan3A_959 : i32 to index
        %get3A_962 = arith.constant 0 : index
        %get3A_963 = tpu.vector_load %arg11[%get3A_960, %get3A_961, %get3A_962] {strides = array<i32>} : memref<2x50x64xf32, #tpu.memory_space<vmem>>, vector<1x1x16xf32>,
        %get3A_964 = vector.shape_cast %get3A_963 : vector<1x1x16xf32> to vector<16xf32>
        %get3A_965 = arith.constant 1 : i32
        %get3A_966 = arith.constant 0 : i32
        %get3A_967 = arith.index_cast %get3A_965 : i32 to index
        %get3A_968 = arith.index_cast %get3A_966 : i32 to index
        %get3A_969 = arith.index_cast %scan3A_959 : i32 to index
        %get3A_970 = arith.constant 0 : index
        %get3A_971 = tpu.vector_load %arg10[%get3A_967, %get3A_968, %get3A_969, %get3A_970] {strides = array<i32>} : memref<2x10x50x64xf32, #tpu.memory_space<vmem>>, vector<1x1x1x16xf32>,
        %get3A_972 = vector.shape_cast %get3A_971 : vector<1x1x1x16xf32> to vector<16xf32>
        %get3A_973 = arith.constant 1 : i32
        %get3A_974 = arith.constant 1 : i32
        %get3A_975 = arith.index_cast %get3A_973 : i32 to index
        %get3A_976 = arith.index_cast %get3A_974 : i32 to index
        %get3A_977 = arith.index_cast %scan3A_959 : i32 to index
        %get3A_978 = arith.constant 0 : index
        %get3A_979 = tpu.vector_load %arg10[%get3A_975, %get3A_976, %get3A_977, %get3A_978] {strides = array<i32>} : memref<2x10x50x64xf32, #tpu.memory_space<vmem>>, vector<1x1x1x16xf32>,
        %get3A_980 = vector.shape_cast %get3A_979 : vector<1x1x1x16xf32> to vector<16xf32>
        %get3A_981 = arith.constant 1 : i32
        %get3A_982 = arith.constant 2 : i32
        %get3A_983 = arith.index_cast %get3A_981 : i32 to index
        %get3A_984 = arith.index_cast %get3A_982 : i32 to index
        %get3A_985 = arith.index_cast %scan3A_959 : i32 to index
        %get3A_986 = arith.constant 0 : index
        %get3A_987 = tpu.vector_load %arg10[%get3A_983, %get3A_984, %get3A_985, %get3A_986] {strides = array<i32>} : memref<2x10x50x64xf32, #tpu.memory_space<vmem>>, vector<1x1x1x16xf32>,
        %get3A_988 = vector.shape_cast %get3A_987 : vector<1x1x1x16xf32> to vector<16xf32>
        %get3A_989 = arith.constant 1 : i32
        %get3A_990 = arith.constant 3 : i32
        %get3A_991 = arith.index_cast %get3A_989 : i32 to index
        %get3A_992 = arith.index_cast %get3A_990 : i32 to index
        %get3A_993 = arith.index_cast %scan3A_959 : i32 to index
        %get3A_994 = arith.constant 0 : index
        %get3A_995 = tpu.vector_load %arg10[%get3A_991, %get3A_992, %get3A_993, %get3A_994] {strides = array<i32>} : memref<2x10x50x64xf32, #tpu.memory_space<vmem>>, vector<1x1x1x16xf32>,
        %get3A_996 = vector.shape_cast %get3A_995 : vector<1x1x1x16xf32> to vector<16xf32>
        %get3A_997 = arith.constant 1 : i32
        %get3A_998 = arith.constant 4 : i32
        %get3A_999 = arith.index_cast %get3A_997 : i32 to index
        %get3A_1000 = arith.index_cast %get3A_998 : i32 to index
        %get3A_1001 = arith.index_cast %scan3A_959 : i32 to index
        %get3A_1002 = arith.constant 0 : index
        %get3A_1003 = tpu.vector_load %arg10[%get3A_999, %get3A_1000, %get3A_1001, %get3A_1002] {strides = array<i32>} : memref<2x10x50x64xf32, #tpu.memory_space<vmem>>, vector<1x1x1x16xf32>,
        %get3A_1004 = vector.shape_cast %get3A_1003 : vector<1x1x1x16xf32> to vector<16xf32>
        %get3A_1005 = arith.constant 1 : i32
        %get3A_1006 = arith.constant 5 : i32
        %get3A_1007 = arith.index_cast %get3A_1005 : i32 to index
        %get3A_1008 = arith.index_cast %get3A_1006 : i32 to index
        %get3A_1009 = arith.index_cast %scan3A_959 : i32 to index
        %get3A_1010 = arith.constant 0 : index
        %get3A_1011 = tpu.vector_load %arg10[%get3A_1007, %get3A_1008, %get3A_1009, %get3A_1010] {strides = array<i32>} : memref<2x10x50x64xf32, #tpu.memory_space<vmem>>, vector<1x1x1x16xf32>,
        %get3A_1012 = vector.shape_cast %get3A_1011 : vector<1x1x1x16xf32> to vector<16xf32>
        %get3A_1013 = arith.constant 1 : i32
        %get3A_1014 = arith.constant 6 : i32
        %get3A_1015 = arith.index_cast %get3A_1013 : i32 to index
        %get3A_1016 = arith.index_cast %get3A_1014 : i32 to index
        %get3A_1017 = arith.index_cast %scan3A_959 : i32 to index
        %get3A_1018 = arith.constant 0 : index
        %get3A_1019 = tpu.vector_load %arg10[%get3A_1015, %get3A_1016, %get3A_1017, %get3A_1018] {strides = array<i32>} : memref<2x10x50x64xf32, #tpu.memory_space<vmem>>, vector<1x1x1x16xf32>,
        %get3A_1020 = vector.shape_cast %get3A_1019 : vector<1x1x1x16xf32> to vector<16xf32>
        %get3A_1021 = arith.constant 1 : i32
        %get3A_1022 = arith.constant 7 : i32
        %get3A_1023 = arith.index_cast %get3A_1021 : i32 to index
        %get3A_1024 = arith.index_cast %get3A_1022 : i32 to index
        %get3A_1025 = arith.index_cast %scan3A_959 : i32 to index
        %get3A_1026 = arith.constant 0 : index
        %get3A_1027 = tpu.vector_load %arg10[%get3A_1023, %get3A_1024, %get3A_1025, %get3A_1026] {strides = array<i32>} : memref<2x10x50x64xf32, #tpu.memory_space<vmem>>, vector<1x1x1x16xf32>,
        %get3A_1028 = vector.shape_cast %get3A_1027 : vector<1x1x1x16xf32> to vector<16xf32>
        %get3A_1029 = arith.constant 1 : i32
        %get3A_1030 = arith.constant 8 : i32
        %get3A_1031 = arith.index_cast %get3A_1029 : i32 to index
        %get3A_1032 = arith.index_cast %get3A_1030 : i32 to index
        %get3A_1033 = arith.index_cast %scan3A_959 : i32 to index
        %get3A_1034 = arith.constant 0 : index
        %get3A_1035 = tpu.vector_load %arg10[%get3A_1031, %get3A_1032, %get3A_1033, %get3A_1034] {strides = array<i32>} : memref<2x10x50x64xf32, #tpu.memory_space<vmem>>, vector<1x1x1x16xf32>,
        %get3A_1036 = vector.shape_cast %get3A_1035 : vector<1x1x1x16xf32> to vector<16xf32>
        %get3A_1037 = arith.constant 1 : i32
        %get3A_1038 = arith.constant 9 : i32
        %get3A_1039 = arith.index_cast %get3A_1037 : i32 to index
        %get3A_1040 = arith.index_cast %get3A_1038 : i32 to index
        %get3A_1041 = arith.index_cast %scan3A_959 : i32 to index
        %get3A_1042 = arith.constant 0 : index
        %get3A_1043 = tpu.vector_load %arg10[%get3A_1039, %get3A_1040, %get3A_1041, %get3A_1042] {strides = array<i32>} : memref<2x10x50x64xf32, #tpu.memory_space<vmem>>, vector<1x1x1x16xf32>,
        %get3A_1044 = vector.shape_cast %get3A_1043 : vector<1x1x1x16xf32> to vector<16xf32>
        %add3A_1045 = arith.addf %get3A_964, %get3A_972 : vector<16xf32>
        %add3A_1046 = arith.addf %get3A_980, %get3A_988 : vector<16xf32>
        %add3A_1047 = arith.addf %get3A_996, %get3A_1004 : vector<16xf32>
        %add3A_1048 = arith.addf %get3A_1012, %get3A_1020 : vector<16xf32>
        %add3A_1049 = arith.addf %get3A_1028, %get3A_1036 : vector<16xf32>
        %add3A_1050 = arith.addf %add3A_1045, %add3A_1046 : vector<16xf32>
        %add3A_1051 = arith.addf %add3A_1047, %add3A_1048 : vector<16xf32>
        %add3A_1052 = arith.addf %add3A_1049, %get3A_1044 : vector<16xf32>
        %add3A_1053 = arith.addf %add3A_1050, %add3A_1051 : vector<16xf32>
        %add3A_1054 = arith.addf %add3A_1053, %add3A_1052 : vector<16xf32>
        %swap3A = arith.constant 1 : i32
        %swap3A_1055 = arith.index_cast %swap3A : i32 to index
        %swap3A_1056 = arith.index_cast %scan3A_959 : i32 to index
        %swap3A_1057 = arith.constant 0 : index
        %swap3A_1058 = tpu.vector_load %arg11[%swap3A_1055, %swap3A_1056, %swap3A_1057] {strides = array<i32>} : memref<2x50x64xf32, #tpu.memory_space<vmem>>, vector<1x1x16xf32>,
        %swap3A_1059 = vector.shape_cast %swap3A_1058 : vector<1x1x16xf32> to vector<16xf32>
        %swap3A_1060 = vector.shape_cast %add3A_1054 : vector<16xf32> to vector<1x1x16xf32>
        tpu.vector_store %arg11[%swap3A_1055, %swap3A_1056, %swap3A_1057], %swap3A_1060 {strides = array<i32>} : memref<2x50x64xf32, #tpu.memory_space<vmem>>, vector<1x1x16xf32>,
        %get3A_1061 = arith.constant 1 : i32
        %get3A_1062 = arith.index_cast %get3A_1061 : i32 to index
        %get3A_1063 = arith.index_cast %scan3A_959 : i32 to index
        %get3A_1064 = arith.constant 16 : index
        %get3A_1065 = tpu.vector_load %arg11[%get3A_1062, %get3A_1063, %get3A_1064] {strides = array<i32>} : memref<2x50x64xf32, #tpu.memory_space<vmem>>, vector<1x1x16xf32>,
        %get3A_1066 = vector.shape_cast %get3A_1065 : vector<1x1x16xf32> to vector<16xf32>
        %get3A_1067 = arith.constant 1 : i32
        %get3A_1068 = arith.constant 0 : i32
        %get3A_1069 = arith.index_cast %get3A_1067 : i32 to index
        %get3A_1070 = arith.index_cast %get3A_1068 : i32 to index
        %get3A_1071 = arith.index_cast %scan3A_959 : i32 to index
        %get3A_1072 = arith.constant 16 : index
        %get3A_1073 = tpu.vector_load %arg10[%get3A_1069, %get3A_1070, %get3A_1071, %get3A_1072] {strides = array<i32>} : memref<2x10x50x64xf32, #tpu.memory_space<vmem>>, vector<1x1x1x16xf32>,
        %get3A_1074 = vector.shape_cast %get3A_1073 : vector<1x1x1x16xf32> to vector<16xf32>
        %get3A_1075 = arith.constant 1 : i32
        %get3A_1076 = arith.constant 1 : i32
        %get3A_1077 = arith.index_cast %get3A_1075 : i32 to index
        %get3A_1078 = arith.index_cast %get3A_1076 : i32 to index
        %get3A_1079 = arith.index_cast %scan3A_959 : i32 to index
        %get3A_1080 = arith.constant 16 : index
        %get3A_1081 = tpu.vector_load %arg10[%get3A_1077, %get3A_1078, %get3A_1079, %get3A_1080] {strides = array<i32>} : memref<2x10x50x64xf32, #tpu.memory_space<vmem>>, vector<1x1x1x16xf32>,
        %get3A_1082 = vector.shape_cast %get3A_1081 : vector<1x1x1x16xf32> to vector<16xf32>
        %get3A_1083 = arith.constant 1 : i32
        %get3A_1084 = arith.constant 2 : i32
        %get3A_1085 = arith.index_cast %get3A_1083 : i32 to index
        %get3A_1086 = arith.index_cast %get3A_1084 : i32 to index
        %get3A_1087 = arith.index_cast %scan3A_959 : i32 to index
        %get3A_1088 = arith.constant 16 : index
        %get3A_1089 = tpu.vector_load %arg10[%get3A_1085, %get3A_1086, %get3A_1087, %get3A_1088] {strides = array<i32>} : memref<2x10x50x64xf32, #tpu.memory_space<vmem>>, vector<1x1x1x16xf32>,
        %get3A_1090 = vector.shape_cast %get3A_1089 : vector<1x1x1x16xf32> to vector<16xf32>
        %get3A_1091 = arith.constant 1 : i32
        %get3A_1092 = arith.constant 3 : i32
        %get3A_1093 = arith.index_cast %get3A_1091 : i32 to index
        %get3A_1094 = arith.index_cast %get3A_1092 : i32 to index
        %get3A_1095 = arith.index_cast %scan3A_959 : i32 to index
        %get3A_1096 = arith.constant 16 : index
        %get3A_1097 = tpu.vector_load %arg10[%get3A_1093, %get3A_1094, %get3A_1095, %get3A_1096] {strides = array<i32>} : memref<2x10x50x64xf32, #tpu.memory_space<vmem>>, vector<1x1x1x16xf32>,
        %get3A_1098 = vector.shape_cast %get3A_1097 : vector<1x1x1x16xf32> to vector<16xf32>
        %get3A_1099 = arith.constant 1 : i32
        %get3A_1100 = arith.constant 4 : i32
        %get3A_1101 = arith.index_cast %get3A_1099 : i32 to index
        %get3A_1102 = arith.index_cast %get3A_1100 : i32 to index
        %get3A_1103 = arith.index_cast %scan3A_959 : i32 to index
        %get3A_1104 = arith.constant 16 : index
        %get3A_1105 = tpu.vector_load %arg10[%get3A_1101, %get3A_1102, %get3A_1103, %get3A_1104] {strides = array<i32>} : memref<2x10x50x64xf32, #tpu.memory_space<vmem>>, vector<1x1x1x16xf32>,
        %get3A_1106 = vector.shape_cast %get3A_1105 : vector<1x1x1x16xf32> to vector<16xf32>
        %get3A_1107 = arith.constant 1 : i32
        %get3A_1108 = arith.constant 5 : i32
        %get3A_1109 = arith.index_cast %get3A_1107 : i32 to index
        %get3A_1110 = arith.index_cast %get3A_1108 : i32 to index
        %get3A_1111 = arith.index_cast %scan3A_959 : i32 to index
        %get3A_1112 = arith.constant 16 : index
        %get3A_1113 = tpu.vector_load %arg10[%get3A_1109, %get3A_1110, %get3A_1111, %get3A_1112] {strides = array<i32>} : memref<2x10x50x64xf32, #tpu.memory_space<vmem>>, vector<1x1x1x16xf32>,
        %get3A_1114 = vector.shape_cast %get3A_1113 : vector<1x1x1x16xf32> to vector<16xf32>
        %get3A_1115 = arith.constant 1 : i32
        %get3A_1116 = arith.constant 6 : i32
        %get3A_1117 = arith.index_cast %get3A_1115 : i32 to index
        %get3A_1118 = arith.index_cast %get3A_1116 : i32 to index
        %get3A_1119 = arith.index_cast %scan3A_959 : i32 to index
        %get3A_1120 = arith.constant 16 : index
        %get3A_1121 = tpu.vector_load %arg10[%get3A_1117, %get3A_1118, %get3A_1119, %get3A_1120] {strides = array<i32>} : memref<2x10x50x64xf32, #tpu.memory_space<vmem>>, vector<1x1x1x16xf32>,
        %get3A_1122 = vector.shape_cast %get3A_1121 : vector<1x1x1x16xf32> to vector<16xf32>
        %get3A_1123 = arith.constant 1 : i32
        %get3A_1124 = arith.constant 7 : i32
        %get3A_1125 = arith.index_cast %get3A_1123 : i32 to index
        %get3A_1126 = arith.index_cast %get3A_1124 : i32 to index
        %get3A_1127 = arith.index_cast %scan3A_959 : i32 to index
        %get3A_1128 = arith.constant 16 : index
        %get3A_1129 = tpu.vector_load %arg10[%get3A_1125, %get3A_1126, %get3A_1127, %get3A_1128] {strides = array<i32>} : memref<2x10x50x64xf32, #tpu.memory_space<vmem>>, vector<1x1x1x16xf32>,
        %get3A_1130 = vector.shape_cast %get3A_1129 : vector<1x1x1x16xf32> to vector<16xf32>
        %get3A_1131 = arith.constant 1 : i32
        %get3A_1132 = arith.constant 8 : i32
        %get3A_1133 = arith.index_cast %get3A_1131 : i32 to index
        %get3A_1134 = arith.index_cast %get3A_1132 : i32 to index
        %get3A_1135 = arith.index_cast %scan3A_959 : i32 to index
        %get3A_1136 = arith.constant 16 : index
        %get3A_1137 = tpu.vector_load %arg10[%get3A_1133, %get3A_1134, %get3A_1135, %get3A_1136] {strides = array<i32>} : memref<2x10x50x64xf32, #tpu.memory_space<vmem>>, vector<1x1x1x16xf32>,
        %get3A_1138 = vector.shape_cast %get3A_1137 : vector<1x1x1x16xf32> to vector<16xf32>
        %get3A_1139 = arith.constant 1 : i32
        %get3A_1140 = arith.constant 9 : i32
        %get3A_1141 = arith.index_cast %get3A_1139 : i32 to index
        %get3A_1142 = arith.index_cast %get3A_1140 : i32 to index
        %get3A_1143 = arith.index_cast %scan3A_959 : i32 to index
        %get3A_1144 = arith.constant 16 : index
        %get3A_1145 = tpu.vector_load %arg10[%get3A_1141, %get3A_1142, %get3A_1143, %get3A_1144] {strides = array<i32>} : memref<2x10x50x64xf32, #tpu.memory_space<vmem>>, vector<1x1x1x16xf32>,
        %get3A_1146 = vector.shape_cast %get3A_1145 : vector<1x1x1x16xf32> to vector<16xf32>
        %add3A_1147 = arith.addf %get3A_1066, %get3A_1074 : vector<16xf32>
        %add3A_1148 = arith.addf %get3A_1082, %get3A_1090 : vector<16xf32>
        %add3A_1149 = arith.addf %get3A_1098, %get3A_1106 : vector<16xf32>
        %add3A_1150 = arith.addf %get3A_1114, %get3A_1122 : vector<16xf32>
        %add3A_1151 = arith.addf %get3A_1130, %get3A_1138 : vector<16xf32>
        %add3A_1152 = arith.addf %add3A_1147, %add3A_1148 : vector<16xf32>
        %add3A_1153 = arith.addf %add3A_1149, %add3A_1150 : vector<16xf32>
        %add3A_1154 = arith.addf %add3A_1151, %get3A_1146 : vector<16xf32>
        %add3A_1155 = arith.addf %add3A_1152, %add3A_1153 : vector<16xf32>
        %add3A_1156 = arith.addf %add3A_1155, %add3A_1154 : vector<16xf32>
        %swap3A_1157 = arith.constant 1 : i32
        %swap3A_1158 = arith.index_cast %swap3A_1157 : i32 to index
        %swap3A_1159 = arith.index_cast %scan3A_959 : i32 to index
        %swap3A_1160 = arith.constant 16 : index
        %swap3A_1161 = tpu.vector_load %arg11[%swap3A_1158, %swap3A_1159, %swap3A_1160] {strides = array<i32>} : memref<2x50x64xf32, #tpu.memory_space<vmem>>, vector<1x1x16xf32>,
        %swap3A_1162 = vector.shape_cast %swap3A_1161 : vector<1x1x16xf32> to vector<16xf32>
        %swap3A_1163 = vector.shape_cast %add3A_1156 : vector<16xf32> to vector<1x1x16xf32>
        tpu.vector_store %arg11[%swap3A_1158, %swap3A_1159, %swap3A_1160], %swap3A_1163 {strides = array<i32>} : memref<2x50x64xf32, #tpu.memory_space<vmem>>, vector<1x1x16xf32>,
        %get3A_1164 = arith.constant 1 : i32
        %get3A_1165 = arith.index_cast %get3A_1164 : i32 to index
        %get3A_1166 = arith.index_cast %scan3A_959 : i32 to index
        %get3A_1167 = arith.constant 32 : index
        %get3A_1168 = tpu.vector_load %arg11[%get3A_1165, %get3A_1166, %get3A_1167] {strides = array<i32>} : memref<2x50x64xf32, #tpu.memory_space<vmem>>, vector<1x1x16xf32>,
        %get3A_1169 = vector.shape_cast %get3A_1168 : vector<1x1x16xf32> to vector<16xf32>
        %get3A_1170 = arith.constant 1 : i32
        %get3A_1171 = arith.constant 0 : i32
        %get3A_1172 = arith.index_cast %get3A_1170 : i32 to index
        %get3A_1173 = arith.index_cast %get3A_1171 : i32 to index
        %get3A_1174 = arith.index_cast %scan3A_959 : i32 to index
        %get3A_1175 = arith.constant 32 : index
        %get3A_1176 = tpu.vector_load %arg10[%get3A_1172, %get3A_1173, %get3A_1174, %get3A_1175] {strides = array<i32>} : memref<2x10x50x64xf32, #tpu.memory_space<vmem>>, vector<1x1x1x16xf32>,
        %get3A_1177 = vector.shape_cast %get3A_1176 : vector<1x1x1x16xf32> to vector<16xf32>
        %get3A_1178 = arith.constant 1 : i32
        %get3A_1179 = arith.constant 1 : i32
        %get3A_1180 = arith.index_cast %get3A_1178 : i32 to index
        %get3A_1181 = arith.index_cast %get3A_1179 : i32 to index
        %get3A_1182 = arith.index_cast %scan3A_959 : i32 to index
        %get3A_1183 = arith.constant 32 : index
        %get3A_1184 = tpu.vector_load %arg10[%get3A_1180, %get3A_1181, %get3A_1182, %get3A_1183] {strides = array<i32>} : memref<2x10x50x64xf32, #tpu.memory_space<vmem>>, vector<1x1x1x16xf32>,
        %get3A_1185 = vector.shape_cast %get3A_1184 : vector<1x1x1x16xf32> to vector<16xf32>
        %get3A_1186 = arith.constant 1 : i32
        %get3A_1187 = arith.constant 2 : i32
        %get3A_1188 = arith.index_cast %get3A_1186 : i32 to index
        %get3A_1189 = arith.index_cast %get3A_1187 : i32 to index
        %get3A_1190 = arith.index_cast %scan3A_959 : i32 to index
        %get3A_1191 = arith.constant 32 : index
        %get3A_1192 = tpu.vector_load %arg10[%get3A_1188, %get3A_1189, %get3A_1190, %get3A_1191] {strides = array<i32>} : memref<2x10x50x64xf32, #tpu.memory_space<vmem>>, vector<1x1x1x16xf32>,
        %get3A_1193 = vector.shape_cast %get3A_1192 : vector<1x1x1x16xf32> to vector<16xf32>
        %get3A_1194 = arith.constant 1 : i32
        %get3A_1195 = arith.constant 3 : i32
        %get3A_1196 = arith.index_cast %get3A_1194 : i32 to index
        %get3A_1197 = arith.index_cast %get3A_1195 : i32 to index
        %get3A_1198 = arith.index_cast %scan3A_959 : i32 to index
        %get3A_1199 = arith.constant 32 : index
        %get3A_1200 = tpu.vector_load %arg10[%get3A_1196, %get3A_1197, %get3A_1198, %get3A_1199] {strides = array<i32>} : memref<2x10x50x64xf32, #tpu.memory_space<vmem>>, vector<1x1x1x16xf32>,
        %get3A_1201 = vector.shape_cast %get3A_1200 : vector<1x1x1x16xf32> to vector<16xf32>
        %get3A_1202 = arith.constant 1 : i32
        %get3A_1203 = arith.constant 4 : i32
        %get3A_1204 = arith.index_cast %get3A_1202 : i32 to index
        %get3A_1205 = arith.index_cast %get3A_1203 : i32 to index
        %get3A_1206 = arith.index_cast %scan3A_959 : i32 to index
        %get3A_1207 = arith.constant 32 : index
        %get3A_1208 = tpu.vector_load %arg10[%get3A_1204, %get3A_1205, %get3A_1206, %get3A_1207] {strides = array<i32>} : memref<2x10x50x64xf32, #tpu.memory_space<vmem>>, vector<1x1x1x16xf32>,
        %get3A_1209 = vector.shape_cast %get3A_1208 : vector<1x1x1x16xf32> to vector<16xf32>
        %get3A_1210 = arith.constant 1 : i32
        %get3A_1211 = arith.constant 5 : i32
        %get3A_1212 = arith.index_cast %get3A_1210 : i32 to index
        %get3A_1213 = arith.index_cast %get3A_1211 : i32 to index
        %get3A_1214 = arith.index_cast %scan3A_959 : i32 to index
        %get3A_1215 = arith.constant 32 : index
        %get3A_1216 = tpu.vector_load %arg10[%get3A_1212, %get3A_1213, %get3A_1214, %get3A_1215] {strides = array<i32>} : memref<2x10x50x64xf32, #tpu.memory_space<vmem>>, vector<1x1x1x16xf32>,
        %get3A_1217 = vector.shape_cast %get3A_1216 : vector<1x1x1x16xf32> to vector<16xf32>
        %get3A_1218 = arith.constant 1 : i32
        %get3A_1219 = arith.constant 6 : i32
        %get3A_1220 = arith.index_cast %get3A_1218 : i32 to index
        %get3A_1221 = arith.index_cast %get3A_1219 : i32 to index
        %get3A_1222 = arith.index_cast %scan3A_959 : i32 to index
        %get3A_1223 = arith.constant 32 : index
        %get3A_1224 = tpu.vector_load %arg10[%get3A_1220, %get3A_1221, %get3A_1222, %get3A_1223] {strides = array<i32>} : memref<2x10x50x64xf32, #tpu.memory_space<vmem>>, vector<1x1x1x16xf32>,
        %get3A_1225 = vector.shape_cast %get3A_1224 : vector<1x1x1x16xf32> to vector<16xf32>
        %get3A_1226 = arith.constant 1 : i32
        %get3A_1227 = arith.constant 7 : i32
        %get3A_1228 = arith.index_cast %get3A_1226 : i32 to index
        %get3A_1229 = arith.index_cast %get3A_1227 : i32 to index
        %get3A_1230 = arith.index_cast %scan3A_959 : i32 to index
        %get3A_1231 = arith.constant 32 : index
        %get3A_1232 = tpu.vector_load %arg10[%get3A_1228, %get3A_1229, %get3A_1230, %get3A_1231] {strides = array<i32>} : memref<2x10x50x64xf32, #tpu.memory_space<vmem>>, vector<1x1x1x16xf32>,
        %get3A_1233 = vector.shape_cast %get3A_1232 : vector<1x1x1x16xf32> to vector<16xf32>
        %get3A_1234 = arith.constant 1 : i32
        %get3A_1235 = arith.constant 8 : i32
        %get3A_1236 = arith.index_cast %get3A_1234 : i32 to index
        %get3A_1237 = arith.index_cast %get3A_1235 : i32 to index
        %get3A_1238 = arith.index_cast %scan3A_959 : i32 to index
        %get3A_1239 = arith.constant 32 : index
        %get3A_1240 = tpu.vector_load %arg10[%get3A_1236, %get3A_1237, %get3A_1238, %get3A_1239] {strides = array<i32>} : memref<2x10x50x64xf32, #tpu.memory_space<vmem>>, vector<1x1x1x16xf32>,
        %get3A_1241 = vector.shape_cast %get3A_1240 : vector<1x1x1x16xf32> to vector<16xf32>
        %get3A_1242 = arith.constant 1 : i32
        %get3A_1243 = arith.constant 9 : i32
        %get3A_1244 = arith.index_cast %get3A_1242 : i32 to index
        %get3A_1245 = arith.index_cast %get3A_1243 : i32 to index
        %get3A_1246 = arith.index_cast %scan3A_959 : i32 to index
        %get3A_1247 = arith.constant 32 : index
        %get3A_1248 = tpu.vector_load %arg10[%get3A_1244, %get3A_1245, %get3A_1246, %get3A_1247] {strides = array<i32>} : memref<2x10x50x64xf32, #tpu.memory_space<vmem>>, vector<1x1x1x16xf32>,
        %get3A_1249 = vector.shape_cast %get3A_1248 : vector<1x1x1x16xf32> to vector<16xf32>
        %add3A_1250 = arith.addf %get3A_1169, %get3A_1177 : vector<16xf32>
        %add3A_1251 = arith.addf %get3A_1185, %get3A_1193 : vector<16xf32>
        %add3A_1252 = arith.addf %get3A_1201, %get3A_1209 : vector<16xf32>
        %add3A_1253 = arith.addf %get3A_1217, %get3A_1225 : vector<16xf32>
        %add3A_1254 = arith.addf %get3A_1233, %get3A_1241 : vector<16xf32>
        %add3A_1255 = arith.addf %add3A_1250, %add3A_1251 : vector<16xf32>
        %add3A_1256 = arith.addf %add3A_1252, %add3A_1253 : vector<16xf32>
        %add3A_1257 = arith.addf %add3A_1254, %get3A_1249 : vector<16xf32>
        %add3A_1258 = arith.addf %add3A_1255, %add3A_1256 : vector<16xf32>
        %add3A_1259 = arith.addf %add3A_1258, %add3A_1257 : vector<16xf32>
        %swap3A_1260 = arith.constant 1 : i32
        %swap3A_1261 = arith.index_cast %swap3A_1260 : i32 to index
        %swap3A_1262 = arith.index_cast %scan3A_959 : i32 to index
        %swap3A_1263 = arith.constant 32 : index
        %swap3A_1264 = tpu.vector_load %arg11[%swap3A_1261, %swap3A_1262, %swap3A_1263] {strides = array<i32>} : memref<2x50x64xf32, #tpu.memory_space<vmem>>, vector<1x1x16xf32>,
        %swap3A_1265 = vector.shape_cast %swap3A_1264 : vector<1x1x16xf32> to vector<16xf32>
        %swap3A_1266 = vector.shape_cast %add3A_1259 : vector<16xf32> to vector<1x1x16xf32>
        tpu.vector_store %arg11[%swap3A_1261, %swap3A_1262, %swap3A_1263], %swap3A_1266 {strides = array<i32>} : memref<2x50x64xf32, #tpu.memory_space<vmem>>, vector<1x1x16xf32>,
        %get3A_1267 = arith.constant 1 : i32
        %get3A_1268 = arith.index_cast %get3A_1267 : i32 to index
        %get3A_1269 = arith.index_cast %scan3A_959 : i32 to index
        %get3A_1270 = arith.constant 48 : index
        %get3A_1271 = tpu.vector_load %arg11[%get3A_1268, %get3A_1269, %get3A_1270] {strides = array<i32>} : memref<2x50x64xf32, #tpu.memory_space<vmem>>, vector<1x1x16xf32>,
        %get3A_1272 = vector.shape_cast %get3A_1271 : vector<1x1x16xf32> to vector<16xf32>
        %get3A_1273 = arith.constant 1 : i32
        %get3A_1274 = arith.constant 0 : i32
        %get3A_1275 = arith.index_cast %get3A_1273 : i32 to index
        %get3A_1276 = arith.index_cast %get3A_1274 : i32 to index
        %get3A_1277 = arith.index_cast %scan3A_959 : i32 to index
        %get3A_1278 = arith.constant 48 : index
        %get3A_1279 = tpu.vector_load %arg10[%get3A_1275, %get3A_1276, %get3A_1277, %get3A_1278] {strides = array<i32>} : memref<2x10x50x64xf32, #tpu.memory_space<vmem>>, vector<1x1x1x16xf32>,
        %get3A_1280 = vector.shape_cast %get3A_1279 : vector<1x1x1x16xf32> to vector<16xf32>
        %get3A_1281 = arith.constant 1 : i32
        %get3A_1282 = arith.constant 1 : i32
        %get3A_1283 = arith.index_cast %get3A_1281 : i32 to index
        %get3A_1284 = arith.index_cast %get3A_1282 : i32 to index
        %get3A_1285 = arith.index_cast %scan3A_959 : i32 to index
        %get3A_1286 = arith.constant 48 : index
        %get3A_1287 = tpu.vector_load %arg10[%get3A_1283, %get3A_1284, %get3A_1285, %get3A_1286] {strides = array<i32>} : memref<2x10x50x64xf32, #tpu.memory_space<vmem>>, vector<1x1x1x16xf32>,
        %get3A_1288 = vector.shape_cast %get3A_1287 : vector<1x1x1x16xf32> to vector<16xf32>
        %get3A_1289 = arith.constant 1 : i32
        %get3A_1290 = arith.constant 2 : i32
        %get3A_1291 = arith.index_cast %get3A_1289 : i32 to index
        %get3A_1292 = arith.index_cast %get3A_1290 : i32 to index
        %get3A_1293 = arith.index_cast %scan3A_959 : i32 to index
        %get3A_1294 = arith.constant 48 : index
        %get3A_1295 = tpu.vector_load %arg10[%get3A_1291, %get3A_1292, %get3A_1293, %get3A_1294] {strides = array<i32>} : memref<2x10x50x64xf32, #tpu.memory_space<vmem>>, vector<1x1x1x16xf32>,
        %get3A_1296 = vector.shape_cast %get3A_1295 : vector<1x1x1x16xf32> to vector<16xf32>
        %get3A_1297 = arith.constant 1 : i32
        %get3A_1298 = arith.constant 3 : i32
        %get3A_1299 = arith.index_cast %get3A_1297 : i32 to index
        %get3A_1300 = arith.index_cast %get3A_1298 : i32 to index
        %get3A_1301 = arith.index_cast %scan3A_959 : i32 to index
        %get3A_1302 = arith.constant 48 : index
        %get3A_1303 = tpu.vector_load %arg10[%get3A_1299, %get3A_1300, %get3A_1301, %get3A_1302] {strides = array<i32>} : memref<2x10x50x64xf32, #tpu.memory_space<vmem>>, vector<1x1x1x16xf32>,
        %get3A_1304 = vector.shape_cast %get3A_1303 : vector<1x1x1x16xf32> to vector<16xf32>
        %get3A_1305 = arith.constant 1 : i32
        %get3A_1306 = arith.constant 4 : i32
        %get3A_1307 = arith.index_cast %get3A_1305 : i32 to index
        %get3A_1308 = arith.index_cast %get3A_1306 : i32 to index
        %get3A_1309 = arith.index_cast %scan3A_959 : i32 to index
        %get3A_1310 = arith.constant 48 : index
        %get3A_1311 = tpu.vector_load %arg10[%get3A_1307, %get3A_1308, %get3A_1309, %get3A_1310] {strides = array<i32>} : memref<2x10x50x64xf32, #tpu.memory_space<vmem>>, vector<1x1x1x16xf32>,
        %get3A_1312 = vector.shape_cast %get3A_1311 : vector<1x1x1x16xf32> to vector<16xf32>
        %get3A_1313 = arith.constant 1 : i32
        %get3A_1314 = arith.constant 5 : i32
        %get3A_1315 = arith.index_cast %get3A_1313 : i32 to index
        %get3A_1316 = arith.index_cast %get3A_1314 : i32 to index
        %get3A_1317 = arith.index_cast %scan3A_959 : i32 to index
        %get3A_1318 = arith.constant 48 : index
        %get3A_1319 = tpu.vector_load %arg10[%get3A_1315, %get3A_1316, %get3A_1317, %get3A_1318] {strides = array<i32>} : memref<2x10x50x64xf32, #tpu.memory_space<vmem>>, vector<1x1x1x16xf32>,
        %get3A_1320 = vector.shape_cast %get3A_1319 : vector<1x1x1x16xf32> to vector<16xf32>
        %get3A_1321 = arith.constant 1 : i32
        %get3A_1322 = arith.constant 6 : i32
        %get3A_1323 = arith.index_cast %get3A_1321 : i32 to index
        %get3A_1324 = arith.index_cast %get3A_1322 : i32 to index
        %get3A_1325 = arith.index_cast %scan3A_959 : i32 to index
        %get3A_1326 = arith.constant 48 : index
        %get3A_1327 = tpu.vector_load %arg10[%get3A_1323, %get3A_1324, %get3A_1325, %get3A_1326] {strides = array<i32>} : memref<2x10x50x64xf32, #tpu.memory_space<vmem>>, vector<1x1x1x16xf32>,
        %get3A_1328 = vector.shape_cast %get3A_1327 : vector<1x1x1x16xf32> to vector<16xf32>
        %get3A_1329 = arith.constant 1 : i32
        %get3A_1330 = arith.constant 7 : i32
        %get3A_1331 = arith.index_cast %get3A_1329 : i32 to index
        %get3A_1332 = arith.index_cast %get3A_1330 : i32 to index
        %get3A_1333 = arith.index_cast %scan3A_959 : i32 to index
        %get3A_1334 = arith.constant 48 : index
        %get3A_1335 = tpu.vector_load %arg10[%get3A_1331, %get3A_1332, %get3A_1333, %get3A_1334] {strides = array<i32>} : memref<2x10x50x64xf32, #tpu.memory_space<vmem>>, vector<1x1x1x16xf32>,
        %get3A_1336 = vector.shape_cast %get3A_1335 : vector<1x1x1x16xf32> to vector<16xf32>
        %get3A_1337 = arith.constant 1 : i32
        %get3A_1338 = arith.constant 8 : i32
        %get3A_1339 = arith.index_cast %get3A_1337 : i32 to index
        %get3A_1340 = arith.index_cast %get3A_1338 : i32 to index
        %get3A_1341 = arith.index_cast %scan3A_959 : i32 to index
        %get3A_1342 = arith.constant 48 : index
        %get3A_1343 = tpu.vector_load %arg10[%get3A_1339, %get3A_1340, %get3A_1341, %get3A_1342] {strides = array<i32>} : memref<2x10x50x64xf32, #tpu.memory_space<vmem>>, vector<1x1x1x16xf32>,
        %get3A_1344 = vector.shape_cast %get3A_1343 : vector<1x1x1x16xf32> to vector<16xf32>
        %get3A_1345 = arith.constant 1 : i32
        %get3A_1346 = arith.constant 9 : i32
        %get3A_1347 = arith.index_cast %get3A_1345 : i32 to index
        %get3A_1348 = arith.index_cast %get3A_1346 : i32 to index
        %get3A_1349 = arith.index_cast %scan3A_959 : i32 to index
        %get3A_1350 = arith.constant 48 : index
        %get3A_1351 = tpu.vector_load %arg10[%get3A_1347, %get3A_1348, %get3A_1349, %get3A_1350] {strides = array<i32>} : memref<2x10x50x64xf32, #tpu.memory_space<vmem>>, vector<1x1x1x16xf32>,
        %get3A_1352 = vector.shape_cast %get3A_1351 : vector<1x1x1x16xf32> to vector<16xf32>
        %add3A_1353 = arith.addf %get3A_1272, %get3A_1280 : vector<16xf32>
        %add3A_1354 = arith.addf %get3A_1288, %get3A_1296 : vector<16xf32>
        %add3A_1355 = arith.addf %get3A_1304, %get3A_1312 : vector<16xf32>
        %add3A_1356 = arith.addf %get3A_1320, %get3A_1328 : vector<16xf32>
        %add3A_1357 = arith.addf %get3A_1336, %get3A_1344 : vector<16xf32>
        %add3A_1358 = arith.addf %add3A_1353, %add3A_1354 : vector<16xf32>
        %add3A_1359 = arith.addf %add3A_1355, %add3A_1356 : vector<16xf32>
        %add3A_1360 = arith.addf %add3A_1357, %get3A_1352 : vector<16xf32>
        %add3A_1361 = arith.addf %add3A_1358, %add3A_1359 : vector<16xf32>
        %add3A_1362 = arith.addf %add3A_1361, %add3A_1360 : vector<16xf32>
        %swap3A_1363 = arith.constant 1 : i32
        %swap3A_1364 = arith.index_cast %swap3A_1363 : i32 to index
        %swap3A_1365 = arith.index_cast %scan3A_959 : i32 to index
        %swap3A_1366 = arith.constant 48 : index
        %swap3A_1367 = tpu.vector_load %arg11[%swap3A_1364, %swap3A_1365, %swap3A_1366] {strides = array<i32>} : memref<2x50x64xf32, #tpu.memory_space<vmem>>, vector<1x1x16xf32>,
        %swap3A_1368 = vector.shape_cast %swap3A_1367 : vector<1x1x16xf32> to vector<16xf32>
        %swap3A_1369 = vector.shape_cast %add3A_1362 : vector<16xf32> to vector<1x1x16xf32>
        tpu.vector_store %arg11[%swap3A_1364, %swap3A_1365, %swap3A_1366], %swap3A_1369 {strides = array<i32>} : memref<2x50x64xf32, #tpu.memory_space<vmem>>, vector<1x1x16xf32>,
      }
      %scan3A_940 = arith.constant 50 : i32
      %add3A_941 = arith.constant 1 : i32
      %add3A_942 = arith.addi %add3A_636, %add3A_941 : i32
      %lt3A_943 = arith.constant 32 : i32
      %lt3A_944 = arith.cmpi slt, %add3A_942, %lt3A_943 : i32
      %convert_element_type3A_945 = arith.extui %lt3A_944 : i1 to i32
      %cond3A_946 = arith.constant 0 : i32
      %cond3A_947 = arith.cmpi ne, %convert_element_type3A_945, %cond3A_946 : i32
      scf.if %cond3A_947 {
        %add3A_959 = arith.constant 1 : i32
        %add3A_960 = arith.addi %add3A_636, %add3A_959 : i32
        %dma_start3A_961 = arith.constant 10 : i32
        %dma_start3A_962 = arith.constant 1 : i32
        %dma_start3A_963 = arith.constant 0 : i32
        %dma_start3A_964 = arith.constant 0 : i32
        %dma_start3A_965 = arith.constant 0 : i32
        %dma_start3A_966 = tpu.memref_slice %arg10[%dma_start3A_962, %dma_start3A_963, %dma_start3A_964, %dma_start3A_965] : memref<2x10x50x64xf32, #tpu.memory_space<vmem>> -> memref<1x1x50x64xf32, #tpu.memory_space<vmem>>
        %dma_start3A_967 = tpu.memref_squeeze %dma_start3A_966 : memref<1x1x50x64xf32, #tpu.memory_space<vmem>> -> memref<50x64xf32, #tpu.memory_space<vmem>>
        %dma_start3A_968 = arith.constant 0 : i32
        %dma_start3A_969 = tpu.memref_slice %arg7[%add3A_960, %dma_start3A_961, %dma_start3A_968] : memref<32x20x50xi32, #tpu.memory_space<vmem>> -> memref<1x1x50xi32, #tpu.memory_space<vmem>>
        %dma_start3A_970 = tpu.memref_squeeze %dma_start3A_969 : memref<1x1x50xi32, #tpu.memory_space<vmem>> -> memref<50xi32, #tpu.memory_space<vmem>>
        %dma_start3A_971 = arith.constant 0 : i32
        %dma_start3A_972 = arith.constant 0 : i32
        %dma_start3A_973 = tpu.memref_slice %arg2[%dma_start3A_971, %dma_start3A_972] : memref<100000x64xf32, #tpu.memory_space<hbm>> -> memref<100000x64xf32, #tpu.memory_space<hbm>>
        tpu.enqueue_indirect_dma source(%dma_start3A_973 : memref<100000x64xf32, #tpu.memory_space<hbm>>) target(%dma_start3A_967 : memref<50x64xf32, #tpu.memory_space<vmem>>) offsets(%dma_start3A_970 : memref<50xi32, #tpu.memory_space<vmem>>) semaphore(%arg13 : memref<!tpu.dma_semaphore, #tpu.memory_space<semaphore_mem>>)
        %dma_start3A_974 = arith.constant 11 : i32
        %dma_start3A_975 = arith.constant 1 : i32
        %dma_start3A_976 = arith.constant 1 : i32
        %dma_start3A_977 = arith.constant 0 : i32
        %dma_start3A_978 = arith.constant 0 : i32
        %dma_start3A_979 = tpu.memref_slice %arg10[%dma_start3A_975, %dma_start3A_976, %dma_start3A_977, %dma_start3A_978] : memref<2x10x50x64xf32, #tpu.memory_space<vmem>> -> memref<1x1x50x64xf32, #tpu.memory_space<vmem>>
        %dma_start3A_980 = tpu.memref_squeeze %dma_start3A_979 : memref<1x1x50x64xf32, #tpu.memory_space<vmem>> -> memref<50x64xf32, #tpu.memory_space<vmem>>
        %dma_start3A_981 = arith.constant 0 : i32
        %dma_start3A_982 = tpu.memref_slice %arg7[%add3A_960, %dma_start3A_974, %dma_start3A_981] : memref<32x20x50xi32, #tpu.memory_space<vmem>> -> memref<1x1x50xi32, #tpu.memory_space<vmem>>
        %dma_start3A_983 = tpu.memref_squeeze %dma_start3A_982 : memref<1x1x50xi32, #tpu.memory_space<vmem>> -> memref<50xi32, #tpu.memory_space<vmem>>
        %dma_start3A_984 = arith.constant 0 : i32
        %dma_start3A_985 = arith.constant 0 : i32
        %dma_start3A_986 = tpu.memref_slice %arg2[%dma_start3A_984, %dma_start3A_985] : memref<100000x64xf32, #tpu.memory_space<hbm>> -> memref<100000x64xf32, #tpu.memory_space<hbm>>
        tpu.enqueue_indirect_dma source(%dma_start3A_986 : memref<100000x64xf32, #tpu.memory_space<hbm>>) target(%dma_start3A_980 : memref<50x64xf32, #tpu.memory_space<vmem>>) offsets(%dma_start3A_983 : memref<50xi32, #tpu.memory_space<vmem>>) semaphore(%arg13 : memref<!tpu.dma_semaphore, #tpu.memory_space<semaphore_mem>>)
        %dma_start3A_987 = arith.constant 12 : i32
        %dma_start3A_988 = arith.constant 1 : i32
        %dma_start3A_989 = arith.constant 2 : i32
        %dma_start3A_990 = arith.constant 0 : i32
        %dma_start3A_991 = arith.constant 0 : i32
        %dma_start3A_992 = tpu.memref_slice %arg10[%dma_start3A_988, %dma_start3A_989, %dma_start3A_990, %dma_start3A_991] : memref<2x10x50x64xf32, #tpu.memory_space<vmem>> -> memref<1x1x50x64xf32, #tpu.memory_space<vmem>>
        %dma_start3A_993 = tpu.memref_squeeze %dma_start3A_992 : memref<1x1x50x64xf32, #tpu.memory_space<vmem>> -> memref<50x64xf32, #tpu.memory_space<vmem>>
        %dma_start3A_994 = arith.constant 0 : i32
        %dma_start3A_995 = tpu.memref_slice %arg7[%add3A_960, %dma_start3A_987, %dma_start3A_994] : memref<32x20x50xi32, #tpu.memory_space<vmem>> -> memref<1x1x50xi32, #tpu.memory_space<vmem>>
        %dma_start3A_996 = tpu.memref_squeeze %dma_start3A_995 : memref<1x1x50xi32, #tpu.memory_space<vmem>> -> memref<50xi32, #tpu.memory_space<vmem>>
        %dma_start3A_997 = arith.constant 0 : i32
        %dma_start3A_998 = arith.constant 0 : i32
        %dma_start3A_999 = tpu.memref_slice %arg2[%dma_start3A_997, %dma_start3A_998] : memref<100000x64xf32, #tpu.memory_space<hbm>> -> memref<100000x64xf32, #tpu.memory_space<hbm>>
        tpu.enqueue_indirect_dma source(%dma_start3A_999 : memref<100000x64xf32, #tpu.memory_space<hbm>>) target(%dma_start3A_993 : memref<50x64xf32, #tpu.memory_space<vmem>>) offsets(%dma_start3A_996 : memref<50xi32, #tpu.memory_space<vmem>>) semaphore(%arg13 : memref<!tpu.dma_semaphore, #tpu.memory_space<semaphore_mem>>)
        %dma_start3A_1000 = arith.constant 13 : i32
        %dma_start3A_1001 = arith.constant 1 : i32
        %dma_start3A_1002 = arith.constant 3 : i32
        %dma_start3A_1003 = arith.constant 0 : i32
        %dma_start3A_1004 = arith.constant 0 : i32
        %dma_start3A_1005 = tpu.memref_slice %arg10[%dma_start3A_1001, %dma_start3A_1002, %dma_start3A_1003, %dma_start3A_1004] : memref<2x10x50x64xf32, #tpu.memory_space<vmem>> -> memref<1x1x50x64xf32, #tpu.memory_space<vmem>>
        %dma_start3A_1006 = tpu.memref_squeeze %dma_start3A_1005 : memref<1x1x50x64xf32, #tpu.memory_space<vmem>> -> memref<50x64xf32, #tpu.memory_space<vmem>>
        %dma_start3A_1007 = arith.constant 0 : i32
        %dma_start3A_1008 = tpu.memref_slice %arg7[%add3A_960, %dma_start3A_1000, %dma_start3A_1007] : memref<32x20x50xi32, #tpu.memory_space<vmem>> -> memref<1x1x50xi32, #tpu.memory_space<vmem>>
        %dma_start3A_1009 = tpu.memref_squeeze %dma_start3A_1008 : memref<1x1x50xi32, #tpu.memory_space<vmem>> -> memref<50xi32, #tpu.memory_space<vmem>>
        %dma_start3A_1010 = arith.constant 0 : i32
        %dma_start3A_1011 = arith.constant 0 : i32
        %dma_start3A_1012 = tpu.memref_slice %arg2[%dma_start3A_1010, %dma_start3A_1011] : memref<100000x64xf32, #tpu.memory_space<hbm>> -> memref<100000x64xf32, #tpu.memory_space<hbm>>
        tpu.enqueue_indirect_dma source(%dma_start3A_1012 : memref<100000x64xf32, #tpu.memory_space<hbm>>) target(%dma_start3A_1006 : memref<50x64xf32, #tpu.memory_space<vmem>>) offsets(%dma_start3A_1009 : memref<50xi32, #tpu.memory_space<vmem>>) semaphore(%arg13 : memref<!tpu.dma_semaphore, #tpu.memory_space<semaphore_mem>>)
        %dma_start3A_1013 = arith.constant 14 : i32
        %dma_start3A_1014 = arith.constant 1 : i32
        %dma_start3A_1015 = arith.constant 4 : i32
        %dma_start3A_1016 = arith.constant 0 : i32
        %dma_start3A_1017 = arith.constant 0 : i32
        %dma_start3A_1018 = tpu.memref_slice %arg10[%dma_start3A_1014, %dma_start3A_1015, %dma_start3A_1016, %dma_start3A_1017] : memref<2x10x50x64xf32, #tpu.memory_space<vmem>> -> memref<1x1x50x64xf32, #tpu.memory_space<vmem>>
        %dma_start3A_1019 = tpu.memref_squeeze %dma_start3A_1018 : memref<1x1x50x64xf32, #tpu.memory_space<vmem>> -> memref<50x64xf32, #tpu.memory_space<vmem>>
        %dma_start3A_1020 = arith.constant 0 : i32
        %dma_start3A_1021 = tpu.memref_slice %arg7[%add3A_960, %dma_start3A_1013, %dma_start3A_1020] : memref<32x20x50xi32, #tpu.memory_space<vmem>> -> memref<1x1x50xi32, #tpu.memory_space<vmem>>
        %dma_start3A_1022 = tpu.memref_squeeze %dma_start3A_1021 : memref<1x1x50xi32, #tpu.memory_space<vmem>> -> memref<50xi32, #tpu.memory_space<vmem>>
        %dma_start3A_1023 = arith.constant 0 : i32
        %dma_start3A_1024 = arith.constant 0 : i32
        %dma_start3A_1025 = tpu.memref_slice %arg2[%dma_start3A_1023, %dma_start3A_1024] : memref<100000x64xf32, #tpu.memory_space<hbm>> -> memref<100000x64xf32, #tpu.memory_space<hbm>>
        tpu.enqueue_indirect_dma source(%dma_start3A_1025 : memref<100000x64xf32, #tpu.memory_space<hbm>>) target(%dma_start3A_1019 : memref<50x64xf32, #tpu.memory_space<vmem>>) offsets(%dma_start3A_1022 : memref<50xi32, #tpu.memory_space<vmem>>) semaphore(%arg13 : memref<!tpu.dma_semaphore, #tpu.memory_space<semaphore_mem>>)
        %dma_start3A_1026 = arith.constant 15 : i32
        %dma_start3A_1027 = arith.constant 1 : i32
        %dma_start3A_1028 = arith.constant 5 : i32
        %dma_start3A_1029 = arith.constant 0 : i32
        %dma_start3A_1030 = arith.constant 0 : i32
        %dma_start3A_1031 = tpu.memref_slice %arg10[%dma_start3A_1027, %dma_start3A_1028, %dma_start3A_1029, %dma_start3A_1030] : memref<2x10x50x64xf32, #tpu.memory_space<vmem>> -> memref<1x1x50x64xf32, #tpu.memory_space<vmem>>
        %dma_start3A_1032 = tpu.memref_squeeze %dma_start3A_1031 : memref<1x1x50x64xf32, #tpu.memory_space<vmem>> -> memref<50x64xf32, #tpu.memory_space<vmem>>
        %dma_start3A_1033 = arith.constant 0 : i32
        %dma_start3A_1034 = tpu.memref_slice %arg7[%add3A_960, %dma_start3A_1026, %dma_start3A_1033] : memref<32x20x50xi32, #tpu.memory_space<vmem>> -> memref<1x1x50xi32, #tpu.memory_space<vmem>>
        %dma_start3A_1035 = tpu.memref_squeeze %dma_start3A_1034 : memref<1x1x50xi32, #tpu.memory_space<vmem>> -> memref<50xi32, #tpu.memory_space<vmem>>
        %dma_start3A_1036 = arith.constant 0 : i32
        %dma_start3A_1037 = arith.constant 0 : i32
        %dma_start3A_1038 = tpu.memref_slice %arg2[%dma_start3A_1036, %dma_start3A_1037] : memref<100000x64xf32, #tpu.memory_space<hbm>> -> memref<100000x64xf32, #tpu.memory_space<hbm>>
        tpu.enqueue_indirect_dma source(%dma_start3A_1038 : memref<100000x64xf32, #tpu.memory_space<hbm>>) target(%dma_start3A_1032 : memref<50x64xf32, #tpu.memory_space<vmem>>) offsets(%dma_start3A_1035 : memref<50xi32, #tpu.memory_space<vmem>>) semaphore(%arg13 : memref<!tpu.dma_semaphore, #tpu.memory_space<semaphore_mem>>)
        %dma_start3A_1039 = arith.constant 16 : i32
        %dma_start3A_1040 = arith.constant 1 : i32
        %dma_start3A_1041 = arith.constant 6 : i32
        %dma_start3A_1042 = arith.constant 0 : i32
        %dma_start3A_1043 = arith.constant 0 : i32
        %dma_start3A_1044 = tpu.memref_slice %arg10[%dma_start3A_1040, %dma_start3A_1041, %dma_start3A_1042, %dma_start3A_1043] : memref<2x10x50x64xf32, #tpu.memory_space<vmem>> -> memref<1x1x50x64xf32, #tpu.memory_space<vmem>>
        %dma_start3A_1045 = tpu.memref_squeeze %dma_start3A_1044 : memref<1x1x50x64xf32, #tpu.memory_space<vmem>> -> memref<50x64xf32, #tpu.memory_space<vmem>>
        %dma_start3A_1046 = arith.constant 0 : i32
        %dma_start3A_1047 = tpu.memref_slice %arg7[%add3A_960, %dma_start3A_1039, %dma_start3A_1046] : memref<32x20x50xi32, #tpu.memory_space<vmem>> -> memref<1x1x50xi32, #tpu.memory_space<vmem>>
        %dma_start3A_1048 = tpu.memref_squeeze %dma_start3A_1047 : memref<1x1x50xi32, #tpu.memory_space<vmem>> -> memref<50xi32, #tpu.memory_space<vmem>>
        %dma_start3A_1049 = arith.constant 0 : i32
        %dma_start3A_1050 = arith.constant 0 : i32
        %dma_start3A_1051 = tpu.memref_slice %arg2[%dma_start3A_1049, %dma_start3A_1050] : memref<100000x64xf32, #tpu.memory_space<hbm>> -> memref<100000x64xf32, #tpu.memory_space<hbm>>
        tpu.enqueue_indirect_dma source(%dma_start3A_1051 : memref<100000x64xf32, #tpu.memory_space<hbm>>) target(%dma_start3A_1045 : memref<50x64xf32, #tpu.memory_space<vmem>>) offsets(%dma_start3A_1048 : memref<50xi32, #tpu.memory_space<vmem>>) semaphore(%arg13 : memref<!tpu.dma_semaphore, #tpu.memory_space<semaphore_mem>>)
        %dma_start3A_1052 = arith.constant 17 : i32
        %dma_start3A_1053 = arith.constant 1 : i32
        %dma_start3A_1054 = arith.constant 7 : i32
        %dma_start3A_1055 = arith.constant 0 : i32
        %dma_start3A_1056 = arith.constant 0 : i32
        %dma_start3A_1057 = tpu.memref_slice %arg10[%dma_start3A_1053, %dma_start3A_1054, %dma_start3A_1055, %dma_start3A_1056] : memref<2x10x50x64xf32, #tpu.memory_space<vmem>> -> memref<1x1x50x64xf32, #tpu.memory_space<vmem>>
        %dma_start3A_1058 = tpu.memref_squeeze %dma_start3A_1057 : memref<1x1x50x64xf32, #tpu.memory_space<vmem>> -> memref<50x64xf32, #tpu.memory_space<vmem>>
        %dma_start3A_1059 = arith.constant 0 : i32
        %dma_start3A_1060 = tpu.memref_slice %arg7[%add3A_960, %dma_start3A_1052, %dma_start3A_1059] : memref<32x20x50xi32, #tpu.memory_space<vmem>> -> memref<1x1x50xi32, #tpu.memory_space<vmem>>
        %dma_start3A_1061 = tpu.memref_squeeze %dma_start3A_1060 : memref<1x1x50xi32, #tpu.memory_space<vmem>> -> memref<50xi32, #tpu.memory_space<vmem>>
        %dma_start3A_1062 = arith.constant 0 : i32
        %dma_start3A_1063 = arith.constant 0 : i32
        %dma_start3A_1064 = tpu.memref_slice %arg2[%dma_start3A_1062, %dma_start3A_1063] : memref<100000x64xf32, #tpu.memory_space<hbm>> -> memref<100000x64xf32, #tpu.memory_space<hbm>>
        tpu.enqueue_indirect_dma source(%dma_start3A_1064 : memref<100000x64xf32, #tpu.memory_space<hbm>>) target(%dma_start3A_1058 : memref<50x64xf32, #tpu.memory_space<vmem>>) offsets(%dma_start3A_1061 : memref<50xi32, #tpu.memory_space<vmem>>) semaphore(%arg13 : memref<!tpu.dma_semaphore, #tpu.memory_space<semaphore_mem>>)
        %dma_start3A_1065 = arith.constant 18 : i32
        %dma_start3A_1066 = arith.constant 1 : i32
        %dma_start3A_1067 = arith.constant 8 : i32
        %dma_start3A_1068 = arith.constant 0 : i32
        %dma_start3A_1069 = arith.constant 0 : i32
        %dma_start3A_1070 = tpu.memref_slice %arg10[%dma_start3A_1066, %dma_start3A_1067, %dma_start3A_1068, %dma_start3A_1069] : memref<2x10x50x64xf32, #tpu.memory_space<vmem>> -> memref<1x1x50x64xf32, #tpu.memory_space<vmem>>
        %dma_start3A_1071 = tpu.memref_squeeze %dma_start3A_1070 : memref<1x1x50x64xf32, #tpu.memory_space<vmem>> -> memref<50x64xf32, #tpu.memory_space<vmem>>
        %dma_start3A_1072 = arith.constant 0 : i32
        %dma_start3A_1073 = tpu.memref_slice %arg7[%add3A_960, %dma_start3A_1065, %dma_start3A_1072] : memref<32x20x50xi32, #tpu.memory_space<vmem>> -> memref<1x1x50xi32, #tpu.memory_space<vmem>>
        %dma_start3A_1074 = tpu.memref_squeeze %dma_start3A_1073 : memref<1x1x50xi32, #tpu.memory_space<vmem>> -> memref<50xi32, #tpu.memory_space<vmem>>
        %dma_start3A_1075 = arith.constant 0 : i32
        %dma_start3A_1076 = arith.constant 0 : i32
        %dma_start3A_1077 = tpu.memref_slice %arg2[%dma_start3A_1075, %dma_start3A_1076] : memref<100000x64xf32, #tpu.memory_space<hbm>> -> memref<100000x64xf32, #tpu.memory_space<hbm>>
        tpu.enqueue_indirect_dma source(%dma_start3A_1077 : memref<100000x64xf32, #tpu.memory_space<hbm>>) target(%dma_start3A_1071 : memref<50x64xf32, #tpu.memory_space<vmem>>) offsets(%dma_start3A_1074 : memref<50xi32, #tpu.memory_space<vmem>>) semaphore(%arg13 : memref<!tpu.dma_semaphore, #tpu.memory_space<semaphore_mem>>)
        %dma_start3A_1078 = arith.constant 19 : i32
        %dma_start3A_1079 = arith.constant 1 : i32
        %dma_start3A_1080 = arith.constant 9 : i32
        %dma_start3A_1081 = arith.constant 0 : i32
        %dma_start3A_1082 = arith.constant 0 : i32
        %dma_start3A_1083 = tpu.memref_slice %arg10[%dma_start3A_1079, %dma_start3A_1080, %dma_start3A_1081, %dma_start3A_1082] : memref<2x10x50x64xf32, #tpu.memory_space<vmem>> -> memref<1x1x50x64xf32, #tpu.memory_space<vmem>>
        %dma_start3A_1084 = tpu.memref_squeeze %dma_start3A_1083 : memref<1x1x50x64xf32, #tpu.memory_space<vmem>> -> memref<50x64xf32, #tpu.memory_space<vmem>>
        %dma_start3A_1085 = arith.constant 0 : i32
        %dma_start3A_1086 = tpu.memref_slice %arg7[%add3A_960, %dma_start3A_1078, %dma_start3A_1085] : memref<32x20x50xi32, #tpu.memory_space<vmem>> -> memref<1x1x50xi32, #tpu.memory_space<vmem>>
        %dma_start3A_1087 = tpu.memref_squeeze %dma_start3A_1086 : memref<1x1x50xi32, #tpu.memory_space<vmem>> -> memref<50xi32, #tpu.memory_space<vmem>>
        %dma_start3A_1088 = arith.constant 0 : i32
        %dma_start3A_1089 = arith.constant 0 : i32
        %dma_start3A_1090 = tpu.memref_slice %arg2[%dma_start3A_1088, %dma_start3A_1089] : memref<100000x64xf32, #tpu.memory_space<hbm>> -> memref<100000x64xf32, #tpu.memory_space<hbm>>
        tpu.enqueue_indirect_dma source(%dma_start3A_1090 : memref<100000x64xf32, #tpu.memory_space<hbm>>) target(%dma_start3A_1084 : memref<50x64xf32, #tpu.memory_space<vmem>>) offsets(%dma_start3A_1087 : memref<50xi32, #tpu.memory_space<vmem>>) semaphore(%arg13 : memref<!tpu.dma_semaphore, #tpu.memory_space<semaphore_mem>>)
      } else {
      }
      %dma_start3A_948 = arith.constant 1 : i32
      %dma_start3A_949 = arith.constant 0 : i32
      %dma_start3A_950 = arith.constant 0 : i32
      %dma_start3A_951 = tpu.memref_slice %arg11[%dma_start3A_948, %dma_start3A_949, %dma_start3A_950] : memref<2x50x64xf32, #tpu.memory_space<vmem>> -> memref<1x50x64xf32, #tpu.memory_space<vmem>>
      %dma_start3A_952 = tpu.memref_squeeze %dma_start3A_951 : memref<1x50x64xf32, #tpu.memory_space<vmem>> -> memref<50x64xf32, #tpu.memory_space<vmem>>
      %dma_start3A_953 = arith.constant 0 : i32
      %dma_start3A_954 = tpu.memref_slice %arg8[%add3A_636, %dma_start3A_953] : memref<32x50xi32, #tpu.memory_space<vmem>> -> memref<1x50xi32, #tpu.memory_space<vmem>>
      %dma_start3A_955 = tpu.memref_squeeze %dma_start3A_954 : memref<1x50xi32, #tpu.memory_space<vmem>> -> memref<50xi32, #tpu.memory_space<vmem>>
      %dma_start3A_956 = arith.constant 0 : i32
      %dma_start3A_957 = arith.constant 0 : i32
      %dma_start3A_958 = tpu.memref_slice %arg6[%dma_start3A_956, %dma_start3A_957] : memref<51200x64xf32, #tpu.memory_space<hbm>> -> memref<51200x64xf32, #tpu.memory_space<hbm>>
      tpu.enqueue_indirect_dma source(%dma_start3A_952 : memref<50x64xf32, #tpu.memory_space<vmem>>) target(%dma_start3A_958 : memref<51200x64xf32, #tpu.memory_space<hbm>>) offsets(%dma_start3A_955 : memref<50xi32, #tpu.memory_space<vmem>>) semaphore(%arg14 : memref<!tpu.dma_semaphore, #tpu.memory_space<semaphore_mem>>)
    }
    %scan3A_286 = arith.constant 16 : i32
    %dma_wait3A = arith.constant 0 : i32
    %dma_wait3A_287 = arith.constant 0 : i32
    %dma_wait3A_288 = arith.constant 0 : i32
    %dma_wait3A_289 = arith.constant 0 : i32
    %dma_wait3A_290 = tpu.memref_slice %arg11[%dma_wait3A, %dma_wait3A_288, %dma_wait3A_289] : memref<2x50x64xf32, #tpu.memory_space<vmem>> -> memref<1x50x64xf32, #tpu.memory_space<vmem>>
    %dma_wait3A_291 = tpu.memref_squeeze %dma_wait3A_290 : memref<1x50x64xf32, #tpu.memory_space<vmem>> -> memref<50x64xf32, #tpu.memory_space<vmem>>
    %dma_wait3A_292 = arith.constant 0 : i32
    %dma_wait3A_293 = tpu.memref_slice %arg8[%dma_wait3A_287, %dma_wait3A_292] : memref<32x50xi32, #tpu.memory_space<vmem>> -> memref<1x50xi32, #tpu.memory_space<vmem>>
    %dma_wait3A_294 = tpu.memref_squeeze %dma_wait3A_293 : memref<1x50xi32, #tpu.memory_space<vmem>> -> memref<50xi32, #tpu.memory_space<vmem>>
    %dma_wait3A_295 = arith.constant 0 : i32
    %dma_wait3A_296 = arith.constant 0 : i32
    %dma_wait3A_297 = tpu.memref_slice %arg6[%dma_wait3A_295, %dma_wait3A_296] : memref<51200x64xf32, #tpu.memory_space<hbm>> -> memref<51200x64xf32, #tpu.memory_space<hbm>>
    tpu.wait_indirect_dma semaphore(%arg14 : memref<!tpu.dma_semaphore, #tpu.memory_space<semaphore_mem>>) src(%dma_wait3A_291 : memref<50x64xf32, #tpu.memory_space<vmem>>) dst(%dma_wait3A_297 : memref<51200x64xf32, #tpu.memory_space<hbm>>)
    %dma_wait3A_298 = arith.constant 0 : i32
    %dma_wait3A_299 = arith.constant 0 : i32
    %dma_wait3A_300 = arith.constant 0 : i32
    %dma_wait3A_301 = arith.constant 0 : i32
    %dma_wait3A_302 = tpu.memref_slice %arg11[%dma_wait3A_298, %dma_wait3A_300, %dma_wait3A_301] : memref<2x50x64xf32, #tpu.memory_space<vmem>> -> memref<1x50x64xf32, #tpu.memory_space<vmem>>
    %dma_wait3A_303 = tpu.memref_squeeze %dma_wait3A_302 : memref<1x50x64xf32, #tpu.memory_space<vmem>> -> memref<50x64xf32, #tpu.memory_space<vmem>>
    %dma_wait3A_304 = arith.constant 0 : i32
    %dma_wait3A_305 = tpu.memref_slice %arg8[%dma_wait3A_299, %dma_wait3A_304] : memref<32x50xi32, #tpu.memory_space<vmem>> -> memref<1x50xi32, #tpu.memory_space<vmem>>
    %dma_wait3A_306 = tpu.memref_squeeze %dma_wait3A_305 : memref<1x50xi32, #tpu.memory_space<vmem>> -> memref<50xi32, #tpu.memory_space<vmem>>
    %dma_wait3A_307 = arith.constant 0 : i32
    %dma_wait3A_308 = arith.constant 0 : i32
    %dma_wait3A_309 = tpu.memref_slice %arg6[%dma_wait3A_307, %dma_wait3A_308] : memref<51200x64xf32, #tpu.memory_space<hbm>> -> memref<51200x64xf32, #tpu.memory_space<hbm>>
    tpu.wait_indirect_dma semaphore(%arg14 : memref<!tpu.dma_semaphore, #tpu.memory_space<semaphore_mem>>) src(%dma_wait3A_303 : memref<50x64xf32, #tpu.memory_space<vmem>>) dst(%dma_wait3A_309 : memref<51200x64xf32, #tpu.memory_space<hbm>>)
    return
  }
}

</mosaic_0001>

<sc_bundles>
// kernel: kernel.3.cloned.1.call-start
scs
__scs_entry_jumppad:
0x0: {  	(pc) =	sbr.rel $0x88, $3  }
0x1: {  	(tag) =	ssettag $0x0;
	lr =	simm.s32 $0x1  }
0x2: {  	[smem:$0x3F9E] =	sst lr;
	_ =	strace $0xD0000000  }
0x3: {  	_ = 	snop  }
0x4: {  	_ = 	snop  }
0x5: {  	_ = 	snop  }
0x6: {  	_ = 	snop  }
0x7: {  	_ = 	snop  }
__scs_overlays_trampoline_lowered:
0x8: {  	[smem:$0x3FAD] =	sst s0  }
0x9: {  	[smem:$0x3FAE] =	sst s1  }
0xa: {  	[smem:$0x3FAF] =	sst s2  }
0xb: {  	[smem:$0x3FB0] =	sst s3  }
0xc: {  	[smem:$0x3FB1] =	sst s4  }
0xd: {  	[smem:$0x3FB2] =	sst s5  }
0xe: {  	[smem:$0x3FB3] =	sst s6  }
0xf: {  	[smem:$0x3FB4] =	sst s7  }
0x10: {  	[smem:$0x3FB5] =	sst s8  }
0x11: {  	[smem:$0x3FB6] =	sst s9;
	s0 =	simm.s32 @!p0 $0x0  }
0x12: {  	s1 =	sld [smem:$0x3F9C];
	s0 =	simm.s32 @p0 $0x1  }
0x13: {  	[smem:$0x3FB7] =	sst s0;
	s0 =	simm.s32 @!p1 $0x0  }
0x14: {  	s2 =	sld [smem:$0x3F9B];
	s0 =	simm.s32 @p1 $0x1  }
0x15: {  	[smem:$0x3FB8] =	sst s0;
	s0 =	simm.s32 @!p2 $0x0  }
0x16: {  	s3 =	sld [smem:$0x3FDB];
	s0 =	simm.s32 @p2 $0x1  }
0x17: {  	s4 =	simm.s32 $0x1BF5;
	[smem:$0x3FBA] =	sst s0  }
0x18: {  	s0 =	sld [smem:$0x3F9D];
	_ =	swait.ge [sflag:s4], $0x0  }
0x19: {  	s7 =	sld [smem:$0x3F9E]  }
0x1a: {  	s8 =	sadd.s32 $0xFFFFE003, lr  }
0x1b: {  	s9 =	sadd.s32 $0xFFFFFEF7, lr;
	s5 =	simm.s32 $0xFFFFFFFF;
	p2 =	slt.u32 s8, $0xFFFFF086  }
0x1c: {  	p1 =	slt.u32 s9, $0xF7A;
	s5 =	simm.s32 @!p2 $0x0  }
0x1d: {  	s5 =	simm.s32 @p1 $0x1;
	p0 =	seq.s32 s7, s2  }
0x1e: {  	s7 =	smul.u32 @!p0 $0xF7A, s2;
	p2 =	seq.s32 @!p0 s5, $0x0  }
0x1f: {  	s9 =	smul.u32 $0xF7A, s1;
	s8 =	simm.s32 @!p0 $0x1BF5;
	p2 =	por !p2, p0  }
0x20: {  	[sflag:s8] =	ssyncset.s32 @!p0 $0xFFFFF086;
	s6 =	sadd.s32 @!p0 s3, s7;
	s7 =	simm.s32 @!p0 $0x108  }
0x21: {  	s3 =	sadd.s32 s3, s9;
	s6 =	sadd.s32 @!p0 $0x88, s6;
	s7 =	simm.s32 @p2 $0x1082  }
0x22: {  	[simem:s7], [sflag:s8] =	dma.local @!p0 [hbm:s6], $0xF7A  }
0x23: {  	s9 =	sor.u32 $0xD0000000, s2;
	s6 =	simm.s32 $0x108;
	_ =	swait.ge @!p0 [sflag:s8], $0x0  }
0x24: {  	s3 =	sadd.s32 $0x88, s3;
	s6 =	simm.s32 @!p1 $0x1082;
	[sflag:s4] =	ssyncset.s32 $0xFFFFF086  }
0x25: {  	[simem:s6], [sflag:s4] =	dma.local [hbm:s3], $0xF7A  }
0x26: {  	[smem:$0x3F9E] =	sst s1;
	(tag) =	ssettag s2;
	_ =	strace s9  }
0x27: {  	s1 =	sld [smem:$0x3FAE]  }
0x28: {  	s2 =	sld [smem:$0x3FAF]  }
0x29: {  	s4 =	sld [smem:$0x3FB1]  }
0x2a: {  	p0 =	seq.s32 s5, $0x0;
	s5 =	sld [smem:$0x3FB2]  }
0x2b: {  	s6 =	sld [smem:$0x3FB3]  }
0x2c: {  	s7 =	sld [smem:$0x3FB4]  }
0x2d: {  	s3 =	simm.s32 $0x108;
	s8 =	sld [smem:$0x3FB5]  }
0x2e: {  	s3 =	simm.s32 @!p0 $0x1082;
	s9 =	sld [smem:$0x3FB6]  }
0x2f: {  	lr =	sadd.s32 s0, s3;
	s0 =	sld [smem:$0x3FAD]  }
0x30: {  	s3 =	sld [smem:$0x3FB0]  }
0x31: {  	[smem:$0x3FB9] =	sst s10  }
0x32: {  	s10 =	sld [smem:$0x3FB7];
	_ =	sdelay $0x3  }
0x33: {  	p0 =	seq.s32 s10, $0x1;
	s10 =	sld [smem:$0x3FB9];
	_ =	sdelay $0x3  }
0x34: {  	[smem:$0x3FB9] =	sst s10  }
0x35: {  	s10 =	sld [smem:$0x3FB8];
	_ =	sdelay $0x3  }
0x36: {  	p1 =	seq.s32 s10, $0x1;
	s10 =	sld [smem:$0x3FB9];
	_ =	sdelay $0x3  }
0x37: {  	[smem:$0x3FB9] =	sst s10  }
0x38: {  	s10 =	sld [smem:$0x3FBA]  }
0x39: {  	_ = 	snop;
	(pc) =	sbr.ind lr, $3  }
0x3a: {  	_ = 	snop  }
0x3b: {  	_ = 	snop  }
0x3c: {  	p2 =	seq.s32 s10, $0x1;
	s10 =	sld [smem:$0x3FB9]  }
0x3d: {  	_ =	shalt  }
0x3e: {  	_ =	shalt  }
0x3f: {  	_ =	shalt  }
0x40: {  	_ =	shalt  }
0x41: {  	_ =	shalt  }
0x42: {  	_ =	shalt  }
0x43: {  	_ =	shalt  }
0x44: {  	_ =	shalt  }
0x45: {  	_ =	shalt  }
0x46: {  	_ =	shalt  }
0x47: {  	_ =	shalt  }
0x48: {  	_ =	shalt  }
0x49: {  	_ =	shalt  }
0x4a: {  	_ =	shalt  }
0x4b: {  	_ =	shalt  }
0x4c: {  	_ =	shalt  }
0x4d: {  	_ =	shalt  }
0x4e: {  	_ =	shalt  }
0x4f: {  	_ =	shalt  }
0x50: {  	_ =	shalt  }
0x51: {  	_ =	shalt  }
0x52: {  	_ =	shalt  }
0x53: {  	_ =	shalt  }
0x54: {  	_ =	shalt  }
0x55: {  	_ =	shalt  }
0x56: {  	_ =	shalt  }
0x57: {  	_ =	shalt  }
0x58: {  	_ =	shalt  }
0x59: {  	_ =	shalt  }
0x5a: {  	_ =	shalt  }
0x5b: {  	_ =	shalt  }
0x5c: {  	_ =	shalt  }
0x5d: {  	_ =	shalt  }
0x5e: {  	_ =	shalt  }
0x5f: {  	_ =	shalt  }
0x60: {  	_ =	shalt  }
0x61: {  	_ =	shalt  }
0x62: {  	_ =	shalt  }
0x63: {  	_ =	shalt  }
0x64: {  	_ =	shalt  }
0x65: {  	_ =	shalt  }
0x66: {  	_ =	shalt  }
0x67: {  	_ =	shalt  }
0x68: {  	_ =	shalt  }
0x69: {  	_ =	shalt  }
0x6a: {  	_ =	shalt  }
0x6b: {  	_ =	shalt  }
0x6c: {  	_ =	shalt  }
0x6d: {  	_ =	shalt  }
0x6e: {  	_ =	shalt  }
0x6f: {  	_ =	shalt  }
0x70: {  	_ =	shalt  }
0x71: {  	_ =	shalt  }
0x72: {  	_ =	shalt  }
0x73: {  	_ =	shalt  }
0x74: {  	_ =	shalt  }
0x75: {  	_ =	shalt  }
0x76: {  	_ =	shalt  }
0x77: {  	_ =	shalt  }
0x78: {  	_ =	shalt  }
0x79: {  	_ =	shalt  }
0x7a: {  	_ =	shalt  }
0x7b: {  	_ =	shalt  }
0x7c: {  	_ =	shalt  }
0x7d: {  	_ =	shalt  }
0x7e: {  	_ =	shalt  }
0x7f: {  	_ =	shalt  }
0x80: {  	_ =	shalt  }
0x81: {  	_ =	shalt  }
0x82: {  	_ =	shalt  }
0x83: {  	_ =	shalt  }
0x84: {  	_ =	shalt  }
0x85: {  	_ =	shalt  }
0x86: {  	_ =	shalt  }
0x87: {  	_ =	shalt  }
.Lfunc_end0:
.L_simem_size_0:
called_computation_lowered:
.L_overlay_start_0:
0x88: {  	s2 =	sld [smem:$0x3FD9]  }
0x89: {  	s3 =	sld [smem:$0x3FFE];
	_ =	sdelay $0x1  }
0x8a: {  	s1 =	srdreg.scid  }
0x8b: {  	s0 =	sand.u32 $0x1, s1  }
0x8c: {  	s17 =	sshll.u32 s0, $0xA;
	s2 =	sadd.s32 s3, s2  }
0x8d: {  	s2 =	sadd.s32 s2, s17  }
0x8e: {  	[smem:$0x3FC5] =	sst s2  }
0x8f: {  	_ = 	snop  }
0x90: {  	s2 =	sld [smem:$0x3FD0];
	(tm) =	ssettm $0x1  }
0x91: {  	s18 =	sld [smem:$0x3FFB];
	_ =	sdelay $0x3  }
0x92: {  	_ =	strace s18  }
0x93: {  	s3 =	sld [smem:$0x3FFC];
	_ =	sdelay $0x3  }
0x94: {  	_ =	strace s3  }
0x95: {  	s3 =	sld [smem:$0x3FFD];
	_ =	sdelay $0x3  }
0x96: {  	_ =	strace s3  }
0x97: {  	_ =	strace $0x8FFFFFFF  }
0x98: {  	s19 =	sld [smem:$0x3FDB];
	_ =	sdelay $0x1  }
0x99: {  	s4 =	simm.s32 $_scs_section_size  }
0x9a: {  	s5 =	simm.s32 $_size__tile_overlayer_lowered;
	s6 =	simm.s32 $_tile_overlayer_lowered  }
0x9b: {  	s22 =	simm.s32 $0x1BFF;
	s21 =	sshll.u32 s6, $0x1;
	s3 =	sadd.s32 s4, s19  }
0x9c: {  	s7 =	simm.s32 $0x0;
	s20 =	sshll.u32 s5, $0x1;
	s5 =	sadd.s32 s21, s3  }
0x9d: {  	[timem:s7], [sflag:s22] =	dma.local [hbm:s5], s20  }
0x9e: {  	_ =	swait.ge [sflag:s22], s20  }
0x9f: {  	s4 =	ssub.s32 $0x0, s20;
	[sflag:s22] =	ssyncset.done $0x0  }
0xa0: {  	[sflag:s22] =	ssyncadd.s32 s4;
	_ =	sdelay $0x1  }
0xa1: {  	s23 =	simm.s32 $0x1B8B  }
0xa2: {  	_ =	swait.ge [sflag:s23], $0x1  }
0xa3: {  	[sflag:s23] =	ssyncset.done $0x0  }
0xa4: {  	s25 =	simm.s32 $0x1B8E;
	s24 =	sld [smem:$0x3FFE];
	[sflag:s23] =	ssyncadd.s32 $0xFFFFFFFF  }
0xa5: {  	s26 =	simm.s32 $execute0_lowered;
	[smem:$0x3FD2] =	sst s25  }
0xa6: {  	s5 =	sshll.u32 s26, $0x1;
	_ =	strace $0x80000046;
	[dreg:$0x1] =	wrdreg $0xFFFFFFFF  }
0xa7: {  	s28 =	simm.s32 $_size_execute0_lowered;
	s3 =	sadd.s32 s3, s5;
	[dreg:$0x0] =	wrdreg $0x0  }
0xa8: {  	s5 =	sshll.u32 s28, $0x1;
	[dreg:$0x2] =	wrdreg s3  }
0xa9: {  	[dreg:$0x3] =	wrdreg s5  }
0xaa: {  	[dreg:$0x4] =	wrdreg $0xC0  }
0xab: {  	_ =	task [dreg:s7], $0x5FFFF  }
0xac: {  	[dreg:$0x1] =	wrdreg $0xFFFFFFFF  }
0xad: {  	[dreg:$0x0] =	wrdreg $0x60  }
0xae: {  	[dreg:$0x2] =	wrdreg s24  }
0xaf: {  	[dreg:$0x3] =	wrdreg s2  }
0xb0: {  	[dreg:$0x4] =	wrdreg $0x9  }
0xb1: {  	_ =	task.clear_ibuf [dreg:s7], $0x5FFFF;
	_ =	strace $0x90000046  }
0xb2: {  	s29 =	simm.s32 $0x9;
	_ =	strace $0x80000048  }
0xb3: {  	_ =	swait.ge [sflag:s29], $0x1  }
0xb4: {  	[sflag:s29] =	ssyncadd.s32 $0xFFFFFFFF  }
0xb5: {  	_ =	strace $0x90000048  }
0xb6: {  	_ =	sfence  }
0xb7: {  	s30 =	sld [smem:$0x0];
	_ =	sdelay $0x2  }
0xb8: {  	s31 =	sshll.u32 s1, $0xD;
	s1 =	sshrl.u32 s1, $0x2  }
0xb9: {  	s3 =	sand.u32 $0x4000, s31;
	s1 =	sadd.s32 s1, s30  }
0xba: {  	s0 =	sor.u32 s3, s0;
	s1 =	sshll.u32 s1, $0x11  }
0xbb: {  	s0 =	sor.u32 s1, s0  }
0xbc: {  	s0 =	sadd.s32 $0x8F2B, s0  }
0xbd: {  	[sflag:s0] =	ssyncadd.remote.s32 $0x1  }
0xbe: {  	_ =	sfence.sel $0xFFFF  }
0xbf: {  	[dreg:$0x0] =	wrdreg $0xFFFFFFFF;
	(pc) =	sbr.abs _section_cstart, $3  }
0xc0: {  	[dreg:$0x1] =	wrdreg $0xFFFFFFFF  }
0xc1: {  	_ =	task.clear_ibuf [dreg:s7], $0x2FFFF;
	_ =	strace $0x9FFFFFFF  }
0xc2: {  	(tm) =	ssettm $0x7FFFFFFF  }
0xc3: {  	_ =	shalt  }
tec
execute0_lowered:
.L_overlay_start_1:
0x0: {  	(tag) =	ssettag $0x1  }
0x1: {  	s0 =	rddreg [dreg:$0x0]  }
0x2: {  	s2 =	rddreg [dreg:$0x1];
	s1 =	srdreg.scid  }
0x3: {  	s3 =	stileid.u32;
	s5 =	simm.s32 $0x0;
	s12 =	simm.s32 $0x32  }
0x4: {  	s15 =	simm.s32 $0xAC00;
	s17 =	simm.s32 $0xB880;
	s19 =	simm.s32 $0xC500  }
0x5: {  	s21 =	simm.s32 $0xD180;
	s28 =	simm.s32 $0xF700;
	s30 =	simm.s32 $0x10380  }
0x6: {  	s10 =	simm.s32 $0x11C80;
	s14 =	simm.s32 $0x12900;
	s18 =	simm.s32 $0x13580  }
0x7: {  	s22 =	simm.s32 $0x14200;
	s31 =	simm.s32 $0x15B00;
	s11 =	simm.s32 $0x16780  }
0x8: {  	s20 =	simm.s32 $0x17400;
	s29 =	simm.s32 $0x18080;
	s16 =	simm.s32 $0x18D00  }
0x9: {  	s1 =	sand.u32 $0x1, s1;
	s3 =	sshll.u32 s3, $0x6;
	[smem:$0x7FF] =	sst s5  }
0xa: {  	s6 =	sadd.s32 $0x25600, s0;
	s4 =	sshll.u32 s1, $0x5;
	_ =	strace $0x80000047  }
0xb: {  	s1 =	ssub.s32 $0x2, s1;
	[dreg:$0x3] =	wrdreg s6;
	s3 =	sor.u32 s4, s3  }
0xc: {  	s6 =	simm.s32 $0x0;
	s24 =	sshrl.u32 s1, $0x1;
	s23 =	smul.u32 $0x8C, s3  }
0xd: {  	s4 =	sadd.s32 $0x187400, s0;
	s3 =	smul.u32 $0x7, s3;
	s1 =	ssub.s32 s1, s24  }
.Ltmp0:
0xe: {  	s24 =	simm.s32 $0x1;
	s26 =	smax.u32 s1, $0x1;
	(pc) =	sbr.rel .LBB2_1-.Ltmp0, $4  }
0xf: {  	s1 =	simm.s32 $0x2;
	s5 =	sadd.s32 s23, s0;
	s0 =	sadd.s32 s3, s0  }
0x10: {  	[dreg:$0x6] =	wrdreg s26;
	s23 =	simm.s32 $0xDE00;
	s25 =	sadd.s32 $0xA00, s5  }
0x11: {  	s26 =	simm.s32 $0x14E80;
	s0 =	sadd.s32 $0x23A00, s0;
	[dreg:$0x4] =	wrdreg s25  }
0x12: {  	[dreg:$0x5] =	wrdreg s0;
	s25 =	simm.s32 $0xEA80;
	s0 =	simm.s32 $0x11000  }
.LBB2_12:
0x13: {  	s3 =	sadd.s32 $0x8C00, s5;
	s8 =	simm.s32 $0x1A600;
	s9 =	simm.s32 $0x3  }
0x14: {  	[hbm4b:s2+s12] =	stream.indirect.scatter [tilespmem:s8], [sflag:$0x3], $0x40, s3, s12, $0xb8;
	[tilespmem:$0x1B280] =	vst v63  }
0x15: {  	_ =	swait.ge [sflag:s9], $0xC80  }
0x16: {  	[sflag:s9] =	ssyncset.done $0x0  }
0x17: {  	[sflag:s9] =	ssyncadd.s32 $0xFFFFF380  }
0x18: {  	_ =	swait.ge [sflag:s9], $0xC80  }
0x19: {  	s6 =	rddreg [dreg:$0x7]  }
0x1a: {  	s13 =	rddreg [dreg:$0x6];
	s6 =	sadd.s32 $0x1, s6  }
0x1b: {  	p0 =	sne.s32 s6, s13  }
.Ltmp1:
0x1c: {  	_ = 	snop;
	(pc) =	sbr.rel @!p0 .LBB2_13-.Ltmp1, $3  }
0x1d: {  	_ =	sdelay $0x1  }
0x1e: {  	[sflag:s9] =	ssyncset.done $0x0  }
0x1f: {  	[sflag:s9] =	ssyncadd.s32 $0xFFFFF380  }
.LBB2_1:
0x20: {  	[dreg:$0x7] =	wrdreg s6  }
0x21: {  	s3 =	simm.s32 $0x0;
	s5 =	rddreg [dreg:$0x4];
	s9 =	simm.s32 $0x4  }
0x22: {  	[tilespmem:s3], [sflag:$0x4] =	stream.linear.gather [hbm4b:s5+s3], $0x8C00, $0x38;
	[tilespmem:$0x1B280] =	vst v63  }
0x23: {  	_ =	swait.ge [sflag:s9], $0x8C00  }
0x24: {  	[sflag:s9] =	ssyncset.done $0x0  }
0x25: {  	s7 =	simm.s32 $0x8C00;
	s13 =	rddreg [dreg:$0x5];
	[sflag:s9] =	ssyncadd.s32 $0xFFFF7400  }
0x26: {  	[tilespmem:s7], [sflag:$0x4] =	stream.linear.gather [hbm4b:s13+s3], $0x700, $0x38;
	[tilespmem:$0x1B280] =	vst v63  }
0x27: {  	_ =	swait.ge [sflag:s9], $0x700  }
0x28: {  	[sflag:s9] =	ssyncset.done $0x0  }
0x29: {  	s8 =	simm.s32 $0x9300;
	s7 =	rddreg [dreg:$0x3];
	[sflag:s9] =	ssyncadd.s32 $0xFFFFF900  }
0x2a: {  	[tilespmem:s8], [sflag:$0x4] =	stream.linear.gather [hbm4b:s7+s3], $0xC80, $0x38;
	[tilespmem:$0x1B280] =	vst v63  }
0x2b: {  	_ =	swait.ge [sflag:s9], $0xC80  }
0x2c: {  	[sflag:s9] =	ssyncset.done $0x0  }
0x2d: {  	[sflag:s9] =	ssyncadd.s32 $0xFFFFF380;
	s9 =	simm.s32 $0x9F80  }
0x2e: {  	[tilespmem:s9], [sflag:$0x1] =	stream.indirect.gather [hbm4b:s4+s12], $0x40, s3, s12, $0xb8;
	[tilespmem:$0x1B280] =	vst v63  }
0x2f: {  	s13 =	simm.s32 $0x38  }
0x30: {  	[tilespmem:s15], [sflag:$0x1] =	stream.indirect.gather [hbm4b:s4+s12], $0x40, s13, s12, $0xb8;
	[tilespmem:$0x1B280] =	vst v63  }
0x31: {  	s5 =	simm.s32 $0x70  }
0x32: {  	[tilespmem:s17], [sflag:$0x1] =	stream.indirect.gather [hbm4b:s4+s12], $0x40, s5, s12, $0xb8;
	[tilespmem:$0x1B280] =	vst v63  }
0x33: {  	s6 =	simm.s32 $0xA8  }
0x34: {  	[tilespmem:s19], [sflag:$0x1] =	stream.indirect.gather [hbm4b:s4+s12], $0x40, s6, s12, $0xb8;
	[tilespmem:$0x1B280] =	vst v63  }
0x35: {  	s7 =	simm.s32 $0xE0  }
0x36: {  	[tilespmem:s21], [sflag:$0x1] =	stream.indirect.gather [hbm4b:s4+s12], $0x40, s7, s12, $0xb8;
	[tilespmem:$0x1B280] =	vst v63  }
0x37: {  	s8 =	simm.s32 $0x118  }
0x38: {  	[tilespmem:s23], [sflag:$0x1] =	stream.indirect.gather [hbm4b:s4+s12], $0x40, s8, s12, $0xb8;
	[tilespmem:$0x1B280] =	vst v63  }
0x39: {  	s9 =	simm.s32 $0x150  }
0x3a: {  	[tilespmem:s25], [sflag:$0x1] =	stream.indirect.gather [hbm4b:s4+s12], $0x40, s9, s12, $0xb8;
	[tilespmem:$0x1B280] =	vst v63  }
0x3b: {  	s13 =	simm.s32 $0x188  }
0x3c: {  	[tilespmem:s28], [sflag:$0x1] =	stream.indirect.gather [hbm4b:s4+s12], $0x40, s13, s12, $0xb8;
	[tilespmem:$0x1B280] =	vst v63  }
0x3d: {  	s5 =	simm.s32 $0x1C0  }
0x3e: {  	[tilespmem:s30], [sflag:$0x1] =	stream.indirect.gather [hbm4b:s4+s12], $0x40, s5, s12, $0xb8;
	[tilespmem:$0x1B280] =	vst v63  }
0x3f: {  	s6 =	simm.s32 $0x1F8  }
0x40: {  	[tilespmem:s0], [sflag:$0x1] =	stream.indirect.gather [hbm4b:s4+s12], $0x40, s6, s12, $0xb8;
	[tilespmem:$0x1B280] =	vst v63  }
0x41: {  	s7 =	simm.s32 $0x230  }
0x42: {  	[tilespmem:s10], [sflag:$0x2] =	stream.indirect.gather [hbm4b:s4+s12], $0x40, s7, s12, $0xb8;
	[tilespmem:$0x1B280] =	vst v63  }
0x43: {  	s8 =	simm.s32 $0x268  }
0x44: {  	[tilespmem:s14], [sflag:$0x2] =	stream.indirect.gather [hbm4b:s4+s12], $0x40, s8, s12, $0xb8;
	[tilespmem:$0x1B280] =	vst v63  }
0x45: {  	s9 =	simm.s32 $0x2A0  }
0x46: {  	[tilespmem:s18], [sflag:$0x2] =	stream.indirect.gather [hbm4b:s4+s12], $0x40, s9, s12, $0xb8;
	[tilespmem:$0x1B280] =	vst v63  }
0x47: {  	s13 =	simm.s32 $0x2D8  }
0x48: {  	[tilespmem:s22], [sflag:$0x2] =	stream.indirect.gather [hbm4b:s4+s12], $0x40, s13, s12, $0xb8;
	[tilespmem:$0x1B280] =	vst v63  }
0x49: {  	s5 =	simm.s32 $0x310  }
0x4a: {  	[tilespmem:s26], [sflag:$0x2] =	stream.indirect.gather [hbm4b:s4+s12], $0x40, s5, s12, $0xb8;
	[tilespmem:$0x1B280] =	vst v63  }
0x4b: {  	s6 =	simm.s32 $0x348  }
0x4c: {  	[tilespmem:s31], [sflag:$0x2] =	stream.indirect.gather [hbm4b:s4+s12], $0x40, s6, s12, $0xb8;
	[tilespmem:$0x1B280] =	vst v63  }
0x4d: {  	s7 =	simm.s32 $0x380  }
0x4e: {  	[tilespmem:s11], [sflag:$0x2] =	stream.indirect.gather [hbm4b:s4+s12], $0x40, s7, s12, $0xb8;
	[tilespmem:$0x1B280] =	vst v63  }
0x4f: {  	s8 =	simm.s32 $0x3B8  }
0x50: {  	[tilespmem:s20], [sflag:$0x2] =	stream.indirect.gather [hbm4b:s4+s12], $0x40, s8, s12, $0xb8;
	[tilespmem:$0x1B280] =	vst v63  }
0x51: {  	s9 =	simm.s32 $0x3F0  }
0x52: {  	[tilespmem:s29], [sflag:$0x2] =	stream.indirect.gather [hbm4b:s4+s12], $0x40, s9, s12, $0xb8;
	[tilespmem:$0x1B280] =	vst v63  }
0x53: {  	s3 =	simm.s32 $0x0;
	s13 =	simm.s32 $0x428  }
0x54: {  	[tilespmem:s16], [sflag:$0x2] =	stream.indirect.gather [hbm4b:s4+s12], $0x40, s13, s12, $0xb8;
	[tilespmem:$0x1B280] =	vst v63  }
.LBB2_2:
0x55: {  	_ =	swait.ge [sflag:s24], $0xC80  }
0x56: {  	[sflag:s24] =	ssyncset.done $0x0  }
0x57: {  	[sflag:s24] =	ssyncadd.s32 $0xFFFFF380  }
0x58: {  	_ =	swait.ge [sflag:s24], $0xC80  }
0x59: {  	[sflag:s24] =	ssyncset.done $0x0  }
0x5a: {  	[sflag:s24] =	ssyncadd.s32 $0xFFFFF380  }
0x5b: {  	_ =	swait.ge [sflag:s24], $0xC80  }
0x5c: {  	[sflag:s24] =	ssyncset.done $0x0  }
0x5d: {  	[sflag:s24] =	ssyncadd.s32 $0xFFFFF380  }
0x5e: {  	_ =	swait.ge [sflag:s24], $0xC80  }
0x5f: {  	[sflag:s24] =	ssyncset.done $0x0  }
0x60: {  	[sflag:s24] =	ssyncadd.s32 $0xFFFFF380  }
0x61: {  	_ =	swait.ge [sflag:s24], $0xC80  }
0x62: {  	[sflag:s24] =	ssyncset.done $0x0  }
0x63: {  	[sflag:s24] =	ssyncadd.s32 $0xFFFFF380  }
0x64: {  	_ =	swait.ge [sflag:s24], $0xC80  }
0x65: {  	[sflag:s24] =	ssyncset.done $0x0  }
0x66: {  	[sflag:s24] =	ssyncadd.s32 $0xFFFFF380  }
0x67: {  	_ =	swait.ge [sflag:s24], $0xC80  }
0x68: {  	[sflag:s24] =	ssyncset.done $0x0  }
0x69: {  	[sflag:s24] =	ssyncadd.s32 $0xFFFFF380  }
0x6a: {  	_ =	swait.ge [sflag:s24], $0xC80  }
0x6b: {  	[sflag:s24] =	ssyncset.done $0x0  }
0x6c: {  	[sflag:s24] =	ssyncadd.s32 $0xFFFFF380  }
0x6d: {  	_ =	swait.ge [sflag:s24], $0xC80  }
0x6e: {  	[sflag:s24] =	ssyncset.done $0x0  }
0x6f: {  	[sflag:s24] =	ssyncadd.s32 $0xFFFFF380  }
0x70: {  	_ =	swait.ge [sflag:s24], $0xC80  }
0x71: {  	p0 =	seq.s32 s3, $0x0;
	[sflag:s24] =	ssyncset.done $0x0  }
0x72: {  	s5 =	simm.s32 @!p0 $0x3;
	[sflag:s24] =	ssyncadd.s32 $0xFFFFF380  }
0x73: {  	_ =	swait.ge @!p0 [sflag:s5], $0xC80  }
0x74: {  	[sflag:s5] =	ssyncset.done @!p0 $0x0  }
0x75: {  	s7 =	simm.s32 $0x0;
	[sflag:s5] =	ssyncadd.s32 @!p0 $0xFFFFF380  }
0x76: {  	v0 =	vld [tilespmem:s7+$0xF730]  }
0x77: {  	v1 =	vld [tilespmem:s7+$0x9330]  }
0x78: {  	v2 =	vld [tilespmem:s7+$0x9FB0]  }
0x79: {  	v3 =	vld [tilespmem:s7+$0xAC30]  }
0x7a: {  	v4 =	vld [tilespmem:s7+$0xB8B0]  }
0x7b: {  	v5 =	vld [tilespmem:s7+$0xC530]  }
0x7c: {  	v6 =	vld [tilespmem:s7+$0xD1B0]  }
0x7d: {  	v7 =	vld [tilespmem:s7+$0xDE30]  }
0x7e: {  	v8 =	vld [tilespmem:s7+$0xEAB0]  }
0x7f: {  	v9 =	vld [tilespmem:s7+$0x103B0]  }
0x80: {  	v10 =	vld [tilespmem:s7+$0x9300]  }
0x81: {  	v11 =	vld [tilespmem:s7+$0x9F80]  }
0x82: {  	v12 =	vld [tilespmem:s7+$0x11030]  }
0x83: {  	v58 =	vld [tilespmem:s7+$0xC510]  }
0x84: {  	v13 =	vld [tilespmem:s7+$0xD190]  }
0x85: {  	v14 =	vld [tilespmem:s7+$0xDE10]  }
0x86: {  	v15 =	vld [tilespmem:s7+$0xEA90]  }
0x87: {  	v16 =	vld [tilespmem:s7+$0x9320]  }
0x88: {  	v17 =	vld [tilespmem:s7+$0x9FA0]  }
0x89: {  	v18 =	vld [tilespmem:s7+$0xAC20]  }
0x8a: {  	v20 =	vld [tilespmem:s7+$0xC520]  }
0x8b: {  	v21 =	vld [tilespmem:s7+$0xD1A0]  }
0x8c: {  	v22 =	vld [tilespmem:s7+$0xDE20]  }
0x8d: {  	v23 =	vld [tilespmem:s7+$0xEAA0]  }
0x8e: {  	v24 =	vld [tilespmem:s7+$0xF700]  }
0x8f: {  	v25 =	vld [tilespmem:s7+$0x10380]  }
0x90: {  	v1 =	vadd.f32 v2, v1;
	v2 =	vadd.f32 v4, v3;
	v3 =	vld [tilespmem:s7+$0xAC00]  }
0x91: {  	v4 =	vadd.f32 v6, v5;
	v6 =	vld [tilespmem:s7+$0xB880]  }
0x92: {  	v5 =	vadd.f32 v8, v7;
	v7 =	vld [tilespmem:s7+$0xC500]  }
0x93: {  	v0 =	vadd.f32 v9, v0;
	v8 =	vld [tilespmem:s7+$0x9310]  }
0x94: {  	v9 =	vld [tilespmem:s7+$0xAC10];
	v1 =	vadd.f32 v2, v1;
	v2 =	vadd.f32 v5, v4  }
0x95: {  	v5 =	vld [tilespmem:s7+$0xDE00]  }
0x96: {  	v0 =	vadd.f32 v12, v0;
	v1 =	vadd.f32 v2, v1;
	v2 =	vld [tilespmem:s7+$0xEA80]  }
0x97: {  	v4 =	vld [tilespmem:s7+$0xD180]  }
0x98: {  	v0 =	vadd.f32 v0, v1;
	v1 =	vld [tilespmem:s7+$0x9F90]  }
0x99: {  	v3 =	vadd.f32 v6, v3;
	v6 =	vld [tilespmem:s7+$0xF710]  }
0x9a: {  	v10 =	vadd.f32 v11, v10;
	[tilespmem:s7+$0x199B0] =	vst v0;
	v0 =	vld [tilespmem:s7+$0xB890]  }
0x9b: {  	v60 =	vadd.f32 v21, v20;
	v2 =	vadd.f32 v2, v5;
	v5 =	vld [tilespmem:s7+$0x10390]  }
0x9c: {  	v19 =	vld [tilespmem:s7+$0xB8A0];
	v61 =	vadd.f32 v25, v24;
	v4 =	vadd.f32 v4, v7  }
0x9d: {  	v11 =	vld [tilespmem:s7+$0x103A0];
	v63 =	vadd.f32 v23, v22;
	v1 =	vadd.f32 v1, v8  }
0x9e: {  	v8 =	vadd.f32 v13, v58;
	v2 =	vadd.f32 v2, v4;
	v4 =	vld [tilespmem:s7+$0x11000]  }
0x9f: {  	v7 =	vld [tilespmem:s7+$0xF720];
	v0 =	vadd.f32 v0, v9;
	v9 =	vadd.f32 v15, v14  }
0xa0: {  	v3 =	vadd.f32 v3, v10;
	v10 =	vld [tilespmem:s7+$0x11020];
	v5 =	vadd.f32 v5, v6  }
0xa1: {  	v0 =	vadd.f32 v0, v1;
	v1 =	vadd.f32 v9, v8;
	v8 =	vld [tilespmem:s7+$0x11010]  }
0xa2: {  	s5 =	simm.s32 $0x40;
	v9 =	vadd.f32 v2, v3;
	v2 =	vadd.f32 v17, v16  }
0xa3: {  	v3 =	vadd.f32 v19, v18;
	v6 =	vadd.f32 v4, v61;
	v4 =	vld [tilespmem:s5+$0xB8B0]  }
0xa4: {  	v7 =	vadd.f32 v11, v7;
	v59 =	vadd.f32 v1, v0;
	v0 =	vld [tilespmem:s5+$0xF730]  }
0xa5: {  	v13 =	vadd.f32 v63, v60;
	v1 =	vld [tilespmem:s5+$0x9330];
	v62 =	vadd.f32 v3, v2  }
0xa6: {  	v10 =	vadd.f32 v10, v7;
	v2 =	vld [tilespmem:s5+$0x9FB0];
	v8 =	vadd.f32 v8, v5  }
0xa7: {  	v3 =	vld [tilespmem:s5+$0xAC30];
	v9 =	vadd.f32 v6, v9;
	v11 =	vadd.f32 v13, v62  }
0xa8: {  	v6 =	vld [tilespmem:s5+$0xD1B0];
	v12 =	vadd.f32 v8, v59  }
0xa9: {  	v5 =	vld [tilespmem:s5+$0xC530];
	[tilespmem:s7+$0x19980] =	vst v9;
	v8 =	vadd.f32 v10, v11  }
0xaa: {  	s9 =	sshll.u32 s3, $0x1;
	s8 =	simm.s32 $0x200;
	v7 =	vld [tilespmem:s5+$0xDE30];
	[tilespmem:s7+$0x19990] =	vst v12  }
.LBB2_3:
0xab: {  	p1 =	sne.s32 s8, $0x3100;
	v9 =	vld [tilespmem:s5+$0xEAB0];
	[tilespmem:s7+$0x199A0] =	vst v8;
	s7 =	smov.u32 s5  }
0xac: {  	v8 =	vld [tilespmem:s7+$0x103B0]  }
0xad: {  	v10 =	vld [tilespmem:s7+$0x9300]  }
0xae: {  	v11 =	vld [tilespmem:s7+$0x9F80]  }
0xaf: {  	v1 =	vadd.f32 v2, v1;
	v2 =	vadd.f32 v4, v3;
	v12 =	vld [tilespmem:s7+$0x11030]  }
0xb0: {  	v4 =	vadd.f32 v6, v5;
	v3 =	vld [tilespmem:s7+$0xAC00];
	v5 =	vadd.f32 v9, v7  }
0xb1: {  	v6 =	vld [tilespmem:s7+$0xB880];
	v0 =	vadd.f32 v8, v0  }
0xb2: {  	v1 =	vadd.f32 v2, v1;
	v7 =	vld [tilespmem:s7+$0xC500];
	v2 =	vadd.f32 v5, v4  }
0xb3: {  	v4 =	vld [tilespmem:s7+$0xD180];
	v5 =	vadd.f32 v11, v10  }
0xb4: {  	v8 =	vld [tilespmem:s7+$0xDE00];
	v0 =	vadd.f32 v12, v0;
	v1 =	vadd.f32 v2, v1  }
0xb5: {  	v2 =	vld [tilespmem:s7+$0xEA80]  }
0xb6: {  	v3 =	vadd.f32 v6, v3;
	v6 =	vld [tilespmem:s7+$0x9310];
	v0 =	vadd.f32 v0, v1  }
0xb7: {  	v1 =	vld [tilespmem:s7+$0x9F90]  }
0xb8: {  	v4 =	vadd.f32 v4, v7;
	v3 =	vadd.f32 v3, v5;
	v5 =	vld [tilespmem:s7+$0xAC10];
	[tilespmem:s7+$0x199B0] =	vst v0  }
0xb9: {  	v0 =	vld [tilespmem:s7+$0xB890]  }
0xba: {  	v2 =	vadd.f32 v2, v8;
	v7 =	vld [tilespmem:s7+$0xC510]  }
0xbb: {  	v8 =	vld [tilespmem:s7+$0xD190]  }
0xbc: {  	v2 =	vadd.f32 v2, v4;
	v4 =	vld [tilespmem:s7+$0xDE10];
	v1 =	vadd.f32 v1, v6  }
0xbd: {  	v6 =	vld [tilespmem:s7+$0xEA90]  }
0xbe: {  	v9 =	vadd.f32 v2, v3;
	v0 =	vadd.f32 v0, v5;
	v2 =	vld [tilespmem:s7+$0x9320]  }
0xbf: {  	v3 =	vld [tilespmem:s7+$0x9FA0]  }
0xc0: {  	v5 =	vadd.f32 v8, v7;
	v0 =	vadd.f32 v0, v1;
	v1 =	vld [tilespmem:s7+$0xAC20]  }
0xc1: {  	v7 =	vld [tilespmem:s7+$0xB8A0]  }
0xc2: {  	v4 =	vadd.f32 v6, v4;
	v6 =	vld [tilespmem:s7+$0xC520]  }
0xc3: {  	v8 =	vld [tilespmem:s7+$0xD1A0]  }
0xc4: {  	v4 =	vadd.f32 v4, v5;
	v5 =	vld [tilespmem:s7+$0xDE20];
	v2 =	vadd.f32 v3, v2  }
0xc5: {  	v3 =	vld [tilespmem:s7+$0xEAA0]  }
0xc6: {  	v10 =	vld [tilespmem:s7+$0xF700];
	v11 =	vadd.f32 v4, v0;
	v0 =	vadd.f32 v7, v1  }
0xc7: {  	v1 =	vld [tilespmem:s7+$0x10380]  }
0xc8: {  	v4 =	vld [tilespmem:s7+$0xF710];
	v6 =	vadd.f32 v8, v6;
	v0 =	vadd.f32 v0, v2  }
0xc9: {  	v2 =	vld [tilespmem:s7+$0x10390]  }
0xca: {  	v7 =	vld [tilespmem:s7+$0xF720];
	v3 =	vadd.f32 v3, v5  }
0xcb: {  	v5 =	vld [tilespmem:s7+$0x103A0]  }
0xcc: {  	v8 =	vld [tilespmem:s7+$0x11000];
	v10 =	vadd.f32 v1, v10;
	v1 =	vadd.f32 v3, v6  }
0xcd: {  	v6 =	vld [tilespmem:s7+$0x11010]  }
0xce: {  	s5 =	sshra.s32 s8, $0x2;
	v4 =	vadd.f32 v2, v4;
	v12 =	vld [tilespmem:s7+$0x11020];
	v13 =	vadd.f32 v1, v0  }
0xcf: {  	v0 =	vld [tilespmem:s5+$0xF730]  }
0xd0: {  	v1 =	vld [tilespmem:s5+$0x9330];
	v5 =	vadd.f32 v5, v7  }
0xd1: {  	v2 =	vld [tilespmem:s5+$0x9FB0];
	v7 =	vadd.f32 v8, v10  }
.Ltmp2:
0xd2: {  	v3 =	vld [tilespmem:s5+$0xAC30];
	v6 =	vadd.f32 v6, v4;
	(pc) =	sbr.rel @p1 .LBB2_3-.Ltmp2, $4  }
0xd3: {  	v4 =	vld [tilespmem:s5+$0xB8B0];
	v7 =	vadd.f32 v7, v9;
	v8 =	vadd.f32 v12, v5  }
0xd4: {  	v5 =	vld [tilespmem:s5+$0xC530];
	v9 =	vadd.f32 v6, v11  }
0xd5: {  	v6 =	vld [tilespmem:s5+$0xD1B0];
	[tilespmem:s7+$0x19980] =	vst v7;
	v8 =	vadd.f32 v8, v13  }
0xd6: {  	s8 =	sadd.s32 $0x100, s8;
	v7 =	vld [tilespmem:s5+$0xDE30];
	[tilespmem:s7+$0x19990] =	vst v9  }
0xd7: {  	v9 =	vld [tilespmem:s5+$0xEAB0];
	[tilespmem:s7+$0x199A0] =	vst v8  }
0xd8: {  	v8 =	vld [tilespmem:s5+$0x103B0]  }
0xd9: {  	v10 =	vld [tilespmem:s5+$0x9300]  }
0xda: {  	v11 =	vld [tilespmem:s5+$0x9F80]  }
0xdb: {  	v12 =	vld [tilespmem:s5+$0x11030]  }
0xdc: {  	v1 =	vadd.f32 v2, v1;
	v2 =	vadd.f32 v4, v3;
	v3 =	vld [tilespmem:s5+$0xAC00]  }
0xdd: {  	v13 =	vld [tilespmem:s5+$0xD190]  }
0xde: {  	v14 =	vld [tilespmem:s5+$0xDE10]  }
0xdf: {  	v15 =	vld [tilespmem:s5+$0xEA90]  }
0xe0: {  	v16 =	vld [tilespmem:s5+$0x9320]  }
0xe1: {  	v17 =	vld [tilespmem:s5+$0x9FA0]  }
0xe2: {  	v18 =	vld [tilespmem:s5+$0xAC20]  }
0xe3: {  	v19 =	vld [tilespmem:s5+$0xB8A0]  }
0xe4: {  	v20 =	vld [tilespmem:s5+$0xC520]  }
0xe5: {  	v21 =	vld [tilespmem:s5+$0xD1A0]  }
0xe6: {  	v22 =	vld [tilespmem:s5+$0xDE20]  }
0xe7: {  	v4 =	vadd.f32 v6, v5;
	v6 =	vld [tilespmem:s5+$0xB880]  }
0xe8: {  	v5 =	vadd.f32 v9, v7;
	v7 =	vld [tilespmem:s5+$0xC500]  }
0xe9: {  	v1 =	vadd.f32 v2, v1;
	v9 =	vld [tilespmem:s5+$0xAC10]  }
0xea: {  	v0 =	vadd.f32 v8, v0;
	v8 =	vld [tilespmem:s5+$0x9310];
	v2 =	vadd.f32 v5, v4  }
0xeb: {  	v4 =	vld [tilespmem:s5+$0xD180]  }
0xec: {  	v5 =	vld [tilespmem:s5+$0xDE00];
	v0 =	vadd.f32 v12, v0;
	v1 =	vadd.f32 v2, v1  }
0xed: {  	v12 =	vld [tilespmem:s5+$0xC510]  }
0xee: {  	v2 =	vld [tilespmem:s5+$0xEA80];
	v0 =	vadd.f32 v0, v1  }
0xef: {  	v1 =	vld [tilespmem:s5+$0x9F90]  }
0xf0: {  	[tilespmem:s5+$0x199B0] =	vst v0;
	v0 =	vld [tilespmem:s5+$0xB890]  }
0xf1: {  	v23 =	vld [tilespmem:s5+$0xEAA0]  }
0xf2: {  	v10 =	vadd.f32 v11, v10;
	v11 =	vld [tilespmem:s5+$0x10390];
	v3 =	vadd.f32 v6, v3  }
0xf3: {  	v6 =	vld [tilespmem:s5+$0xF700];
	v4 =	vadd.f32 v4, v7;
	v2 =	vadd.f32 v2, v5  }
0xf4: {  	v7 =	vld [tilespmem:s5+$0xF710];
	v1 =	vadd.f32 v1, v8;
	v8 =	vadd.f32 v13, v12  }
0xf5: {  	v5 =	vld [tilespmem:s5+$0x10380];
	v0 =	vadd.f32 v0, v9;
	v9 =	vadd.f32 v15, v14  }
0xf6: {  	v3 =	vadd.f32 v3, v10;
	v2 =	vadd.f32 v2, v4;
	v4 =	vld [tilespmem:s5+$0xF720]  }
0xf7: {  	v0 =	vadd.f32 v0, v1;
	v1 =	vadd.f32 v9, v8;
	v8 =	vld [tilespmem:s5+$0x103A0]  }
0xf8: {  	v2 =	vadd.f32 v2, v3;
	v3 =	vadd.f32 v17, v16;
	v9 =	vld [tilespmem:s5+$0x11000]  }
0xf9: {  	v10 =	vld [tilespmem:s5+$0x11010];
	v0 =	vadd.f32 v1, v0;
	v1 =	vadd.f32 v19, v18  }
0xfa: {  	v12 =	vadd.f32 v21, v20;
	v13 =	vadd.f32 v23, v22;
	v14 =	vld [tilespmem:s5+$0x11020]  }
0xfb: {  	v1 =	vadd.f32 v1, v3;
	v3 =	vadd.f32 v5, v6  }
0xfc: {  	v5 =	vadd.f32 v13, v12;
	v6 =	vadd.f32 v11, v7  }
0xfd: {  	v4 =	vadd.f32 v8, v4;
	v3 =	vadd.f32 v9, v3  }
0xfe: {  	v1 =	vadd.f32 v5, v1;
	v5 =	vadd.f32 v10, v6  }
0xff: {  	v2 =	vadd.f32 v3, v2;
	v3 =	vadd.f32 v14, v4  }
0x100: {  	s7 =	sor.u32 $0x1, s9;
	v0 =	vadd.f32 v5, v0  }
0x101: {  	s6 =	smul.u32 $0x1180, s7;
	[tilespmem:s5+$0x19980] =	vst v2;
	v1 =	vadd.f32 v3, v1  }
0x102: {  	[tilespmem:s5+$0x19990] =	vst v0  }
0x103: {  	s8 =	sshra.s32 s6, $0x2;
	s6 =	simm.s32 $0x9F80;
	[tilespmem:s5+$0x199A0] =	vst v1  }
0x104: {  	[tilespmem:s6], [sflag:$0x1] =	stream.indirect.gather [hbm4b:s4+s12], $0x40, s8, s12, $0xb8;
	[tilespmem:$0x1B280] =	vst v63  }
0x105: {  	s13 =	sadd.s32 $0x38, s8  }
0x106: {  	[tilespmem:s15], [sflag:$0x1] =	stream.indirect.gather [hbm4b:s4+s12], $0x40, s13, s12, $0xb8;
	[tilespmem:$0x1B280] =	vst v63  }
0x107: {  	s6 =	sadd.s32 $0x70, s8  }
0x108: {  	[tilespmem:s17], [sflag:$0x1] =	stream.indirect.gather [hbm4b:s4+s12], $0x40, s6, s12, $0xb8;
	[tilespmem:$0x1B280] =	vst v63  }
0x109: {  	s13 =	sadd.s32 $0xA8, s8  }
0x10a: {  	[tilespmem:s19], [sflag:$0x1] =	stream.indirect.gather [hbm4b:s4+s12], $0x40, s13, s12, $0xb8;
	[tilespmem:$0x1B280] =	vst v63  }
0x10b: {  	s6 =	sadd.s32 $0xE0, s8  }
0x10c: {  	[tilespmem:s21], [sflag:$0x1] =	stream.indirect.gather [hbm4b:s4+s12], $0x40, s6, s12, $0xb8;
	[tilespmem:$0x1B280] =	vst v63  }
0x10d: {  	s13 =	sadd.s32 $0x118, s8  }
0x10e: {  	[tilespmem:s23], [sflag:$0x1] =	stream.indirect.gather [hbm4b:s4+s12], $0x40, s13, s12, $0xb8;
	[tilespmem:$0x1B280] =	vst v63  }
0x10f: {  	s6 =	sadd.s32 $0x150, s8  }
0x110: {  	[tilespmem:s25], [sflag:$0x1] =	stream.indirect.gather [hbm4b:s4+s12], $0x40, s6, s12, $0xb8;
	[tilespmem:$0x1B280] =	vst v63  }
0x111: {  	s13 =	sadd.s32 $0x188, s8  }
0x112: {  	[tilespmem:s28], [sflag:$0x1] =	stream.indirect.gather [hbm4b:s4+s12], $0x40, s13, s12, $0xb8;
	[tilespmem:$0x1B280] =	vst v63  }
0x113: {  	s6 =	sadd.s32 $0x1C0, s8  }
0x114: {  	[tilespmem:s30], [sflag:$0x1] =	stream.indirect.gather [hbm4b:s4+s12], $0x40, s6, s12, $0xb8;
	[tilespmem:$0x1B280] =	vst v63  }
0x115: {  	s13 =	sadd.s32 $0x1F8, s8  }
0x116: {  	[tilespmem:s0], [sflag:$0x1] =	stream.indirect.gather [hbm4b:s4+s12], $0x40, s13, s12, $0xb8;
	[tilespmem:$0x1B280] =	vst v63  }
0x117: {  	_ =	swait.ge [sflag:s1], $0xC80  }
0x118: {  	[sflag:s1] =	ssyncset.done $0x0  }
0x119: {  	[sflag:s1] =	ssyncadd.s32 $0xFFFFF380  }
0x11a: {  	_ =	swait.ge [sflag:s1], $0xC80  }
0x11b: {  	[sflag:s1] =	ssyncset.done $0x0  }
0x11c: {  	[sflag:s1] =	ssyncadd.s32 $0xFFFFF380  }
0x11d: {  	_ =	swait.ge [sflag:s1], $0xC80  }
0x11e: {  	[sflag:s1] =	ssyncset.done $0x0  }
0x11f: {  	[sflag:s1] =	ssyncadd.s32 $0xFFFFF380  }
0x120: {  	_ =	swait.ge [sflag:s1], $0xC80  }
0x121: {  	[sflag:s1] =	ssyncset.done $0x0  }
0x122: {  	[sflag:s1] =	ssyncadd.s32 $0xFFFFF380  }
0x123: {  	_ =	swait.ge [sflag:s1], $0xC80  }
0x124: {  	[sflag:s1] =	ssyncset.done $0x0  }
0x125: {  	[sflag:s1] =	ssyncadd.s32 $0xFFFFF380  }
0x126: {  	_ =	swait.ge [sflag:s1], $0xC80  }
0x127: {  	[sflag:s1] =	ssyncset.done $0x0  }
0x128: {  	[sflag:s1] =	ssyncadd.s32 $0xFFFFF380  }
0x129: {  	_ =	swait.ge [sflag:s1], $0xC80  }
0x12a: {  	[sflag:s1] =	ssyncset.done $0x0  }
0x12b: {  	[sflag:s1] =	ssyncadd.s32 $0xFFFFF380  }
0x12c: {  	_ =	swait.ge [sflag:s1], $0xC80  }
0x12d: {  	[sflag:s1] =	ssyncset.done $0x0  }
0x12e: {  	[sflag:s1] =	ssyncadd.s32 $0xFFFFF380  }
0x12f: {  	_ =	swait.ge [sflag:s1], $0xC80  }
0x130: {  	[sflag:s1] =	ssyncset.done $0x0  }
0x131: {  	[sflag:s1] =	ssyncadd.s32 $0xFFFFF380  }
0x132: {  	_ =	swait.ge [sflag:s1], $0xC80  }
0x133: {  	[sflag:s1] =	ssyncset.done $0x0  }
0x134: {  	s5 =	simm.s32 $0x0;
	[sflag:s1] =	ssyncadd.s32 $0xFFFFF380  }
0x135: {  	v7 =	vld [tilespmem:s5+$0x18D00]  }
0x136: {  	v24 =	vld [tilespmem:s5+$0x18D10]  }
0x137: {  	v0 =	vld [tilespmem:s5+$0x18D20]  }
0x138: {  	v1 =	vld [tilespmem:s5+$0x18D30]  }
0x139: {  	v3 =	vld [tilespmem:s5+$0x17400]  }
0x13a: {  	v4 =	vld [tilespmem:s5+$0x18080]  }
0x13b: {  	v5 =	vld [tilespmem:s5+$0x17410]  }
0x13c: {  	v6 =	vld [tilespmem:s5+$0x18090]  }
0x13d: {  	v8 =	vld [tilespmem:s5+$0x17420]  }
0x13e: {  	v9 =	vld [tilespmem:s5+$0x180A0]  }
0x13f: {  	v10 =	vld [tilespmem:s5+$0x17430]  }
0x140: {  	v11 =	vld [tilespmem:s5+$0x180B0]  }
0x141: {  	v2 =	vld [tilespmem:s5+$0x11C80]  }
0x142: {  	v14 =	vld [tilespmem:s5+$0x12900]  }
0x143: {  	v15 =	vld [tilespmem:s5+$0x13580]  }
0x144: {  	v16 =	vld [tilespmem:s5+$0x14200]  }
0x145: {  	v17 =	vld [tilespmem:s5+$0x14E80]  }
0x146: {  	v18 =	vld [tilespmem:s5+$0x15B00]  }
0x147: {  	v19 =	vld [tilespmem:s5+$0x16780]  }
0x148: {  	v20 =	vld [tilespmem:s5+$0x12910]  }
0x149: {  	v21 =	vld [tilespmem:s5+$0x13590]  }
0x14a: {  	v22 =	vld [tilespmem:s5+$0x14210]  }
0x14b: {  	v23 =	vld [tilespmem:s5+$0x14E90]  }
0x14c: {  	v25 =	vld [tilespmem:s5+$0x15B10]  }
0x14d: {  	v26 =	vld [tilespmem:s5+$0x16790]  }
0x14e: {  	v27 =	vld [tilespmem:s5+$0x12920]  }
0x14f: {  	v28 =	vld [tilespmem:s5+$0x135A0]  }
0x150: {  	v29 =	vld [tilespmem:s5+$0x14220]  }
0x151: {  	v30 =	vld [tilespmem:s5+$0x14EA0]  }
0x152: {  	v31 =	vld [tilespmem:s5+$0x15B20]  }
0x153: {  	v32 =	vld [tilespmem:s5+$0x167A0]  }
0x154: {  	v33 =	vld [tilespmem:s5+$0x12930]  }
0x155: {  	v34 =	vld [tilespmem:s5+$0x135B0]  }
0x156: {  	v35 =	vld [tilespmem:s5+$0x14230]  }
0x157: {  	v38 =	vld [tilespmem:s5+$0x14EB0];
	v36 =	vadd.f32 v4, v3;
	v37 =	vadd.f32 v6, v5  }
0x158: {  	v39 =	vld [tilespmem:s5+$0x15B30];
	v12 =	vadd.f32 v9, v8;
	v13 =	vadd.f32 v11, v10  }
0x159: {  	v3 =	vadd.f32 v15, v14;
	v14 =	vadd.f32 v17, v16;
	v11 =	vld [tilespmem:s5+$0x167B0]  }
0x15a: {  	v15 =	vadd.f32 v19, v18;
	v8 =	vld [tilespmem:s5+$0x11C90];
	v4 =	vadd.f32 v21, v20  }
0x15b: {  	v16 =	vadd.f32 v23, v22;
	v17 =	vadd.f32 v26, v25;
	v9 =	vld [tilespmem:s5+$0x11CA0]  }
0x15c: {  	v5 =	vadd.f32 v28, v27;
	v18 =	vadd.f32 v30, v29;
	v10 =	vld [tilespmem:s5+$0x11CB0]  }
0x15d: {  	v19 =	vld [tilespmem:s5+$0x19980];
	v20 =	vadd.f32 v32, v31;
	v6 =	vadd.f32 v34, v33  }
0x15e: {  	v21 =	vld [tilespmem:s5+$0x19990];
	v22 =	vadd.f32 v38, v35;
	v23 =	vadd.f32 v11, v39  }
0x15f: {  	s6 =	simm.s32 $0x100;
	v11 =	vadd.f32 v7, v36;
	v7 =	vadd.f32 v24, v37;
	v24 =	vld [tilespmem:s5+$0x199A0]  }
.LBB2_5:
0x160: {  	s13 =	sshra.s32 s6, $0x2;
	p1 =	sne.s32 s6, $0x3100;
	v12 =	vadd.f32 v0, v12;
	v25 =	vld [tilespmem:s5+$0x199B0];
	v13 =	vadd.f32 v1, v13  }
0x161: {  	v14 =	vadd.f32 v15, v14;
	v15 =	vadd.f32 v17, v16;
	v26 =	vld [tilespmem:s13+$0x18D00]  }
0x162: {  	v16 =	vadd.f32 v20, v18;
	v27 =	vld [tilespmem:s13+$0x18D10];
	v2 =	vadd.f32 v2, v19  }
0x163: {  	v17 =	vadd.f32 v23, v22;
	v0 =	vld [tilespmem:s13+$0x18D20];
	v8 =	vadd.f32 v8, v21  }
0x164: {  	v1 =	vld [tilespmem:s13+$0x18D30];
	v2 =	vadd.f32 v3, v2;
	v3 =	vadd.f32 v9, v24  }
0x165: {  	v9 =	vld [tilespmem:s13+$0x17400];
	v4 =	vadd.f32 v4, v8;
	v8 =	vadd.f32 v10, v25  }
0x166: {  	v10 =	vld [tilespmem:s13+$0x18080];
	v2 =	vadd.f32 v14, v2;
	v3 =	vadd.f32 v5, v3  }
0x167: {  	v5 =	vld [tilespmem:s13+$0x17410];
	v4 =	vadd.f32 v15, v4;
	v6 =	vadd.f32 v6, v8  }
0x168: {  	v8 =	vld [tilespmem:s13+$0x18090];
	v2 =	vadd.f32 v11, v2;
	v3 =	vadd.f32 v16, v3  }
0x169: {  	v11 =	vld [tilespmem:s13+$0x17420];
	v4 =	vadd.f32 v7, v4;
	v6 =	vadd.f32 v17, v6  }
0x16a: {  	v7 =	vld [tilespmem:s13+$0x180A0];
	[tilespmem:s5+$0x19980] =	vst v2;
	v2 =	vadd.f32 v12, v3  }
0x16b: {  	v3 =	vld [tilespmem:s13+$0x17430];
	[tilespmem:s5+$0x19990] =	vst v4;
	v4 =	vadd.f32 v13, v6  }
0x16c: {  	v6 =	vld [tilespmem:s13+$0x180B0];
	[tilespmem:s5+$0x199A0] =	vst v2  }
0x16d: {  	v2 =	vld [tilespmem:s13+$0x11C80];
	[tilespmem:s5+$0x199B0] =	vst v4;
	s5 =	smov.u32 s13  }
0x16e: {  	v4 =	vld [tilespmem:s5+$0x12900]  }
0x16f: {  	v14 =	vld [tilespmem:s5+$0x13580]  }
0x170: {  	v15 =	vld [tilespmem:s5+$0x14200]  }
0x171: {  	v16 =	vld [tilespmem:s5+$0x14E80]  }
0x172: {  	v17 =	vld [tilespmem:s5+$0x15B00]  }
0x173: {  	v18 =	vld [tilespmem:s5+$0x16780]  }
0x174: {  	v19 =	vld [tilespmem:s5+$0x12910]  }
0x175: {  	v20 =	vld [tilespmem:s5+$0x13590]  }
0x176: {  	v21 =	vld [tilespmem:s5+$0x14210]  }
0x177: {  	v22 =	vld [tilespmem:s5+$0x14E90]  }
0x178: {  	v23 =	vld [tilespmem:s5+$0x15B10]  }
0x179: {  	v24 =	vld [tilespmem:s5+$0x16790]  }
0x17a: {  	v25 =	vld [tilespmem:s5+$0x12920]  }
0x17b: {  	v28 =	vld [tilespmem:s5+$0x135A0]  }
0x17c: {  	v29 =	vld [tilespmem:s5+$0x14220]  }
0x17d: {  	v30 =	vld [tilespmem:s5+$0x14EA0]  }
0x17e: {  	v31 =	vld [tilespmem:s5+$0x15B20]  }
0x17f: {  	v32 =	vld [tilespmem:s5+$0x167A0]  }
0x180: {  	v33 =	vld [tilespmem:s5+$0x12930]  }
0x181: {  	v34 =	vld [tilespmem:s5+$0x135B0]  }
0x182: {  	v35 =	vld [tilespmem:s5+$0x14230]  }
0x183: {  	v36 =	vadd.f32 v10, v9;
	v37 =	vadd.f32 v8, v5;
	v38 =	vld [tilespmem:s5+$0x14EB0]  }
0x184: {  	v12 =	vadd.f32 v7, v11;
	v13 =	vadd.f32 v6, v3;
	v7 =	vld [tilespmem:s5+$0x15B30]  }
0x185: {  	v3 =	vadd.f32 v14, v4;
	v14 =	vadd.f32 v16, v15;
	v11 =	vld [tilespmem:s5+$0x167B0]  }
0x186: {  	v15 =	vadd.f32 v18, v17;
	v4 =	vadd.f32 v20, v19;
	v8 =	vld [tilespmem:s5+$0x11C90]  }
.Ltmp3:
0x187: {  	v16 =	vadd.f32 v22, v21;
	v17 =	vadd.f32 v24, v23;
	v9 =	vld [tilespmem:s5+$0x11CA0];
	(pc) =	sbr.rel @p1 .LBB2_5-.Ltmp3, $4  }
0x188: {  	v5 =	vadd.f32 v28, v25;
	v18 =	vadd.f32 v30, v29;
	v10 =	vld [tilespmem:s5+$0x11CB0]  }
0x189: {  	v20 =	vadd.f32 v32, v31;
	v6 =	vadd.f32 v34, v33;
	v19 =	vld [tilespmem:s5+$0x19980]  }
0x18a: {  	v22 =	vadd.f32 v38, v35;
	v21 =	vld [tilespmem:s5+$0x19990];
	v23 =	vadd.f32 v11, v7  }
0x18b: {  	s6 =	sadd.s32 $0x100, s6;
	v11 =	vadd.f32 v26, v36;
	v7 =	vadd.f32 v27, v37;
	v24 =	vld [tilespmem:s5+$0x199A0]  }
0x18c: {  	v0 =	vadd.f32 v0, v12;
	v40 =	vld [tilespmem:s5+$0x199B0];
	v1 =	vadd.f32 v1, v13  }
0x18d: {  	v41 =	vadd.f32 v15, v14;
	v42 =	vadd.f32 v17, v16  }
0x18e: {  	v43 =	vadd.f32 v20, v18;
	v2 =	vadd.f32 v2, v19  }
0x18f: {  	v44 =	vadd.f32 v23, v22;
	v8 =	vadd.f32 v8, v21  }
0x190: {  	v2 =	vadd.f32 v3, v2;
	v3 =	vadd.f32 v9, v24  }
0x191: {  	v4 =	vadd.f32 v4, v8;
	v8 =	vadd.f32 v10, v40  }
0x192: {  	v2 =	vadd.f32 v41, v2;
	v3 =	vadd.f32 v5, v3  }
0x193: {  	v4 =	vadd.f32 v42, v4;
	v5 =	vadd.f32 v6, v8  }
0x194: {  	v2 =	vadd.f32 v11, v2;
	v3 =	vadd.f32 v43, v3  }
0x195: {  	v4 =	vadd.f32 v7, v4;
	v5 =	vadd.f32 v44, v5  }
0x196: {  	[tilespmem:s5+$0x19980] =	vst v2;
	v0 =	vadd.f32 v0, v3  }
0x197: {  	[tilespmem:s5+$0x19990] =	vst v4;
	v1 =	vadd.f32 v1, v5  }
0x198: {  	[tilespmem:s5+$0x199A0] =	vst v0  }
0x199: {  	s6 =	sadd.s32 $0x230, s8;
	[tilespmem:s5+$0x199B0] =	vst v1  }
0x19a: {  	[tilespmem:s10], [sflag:$0x2] =	stream.indirect.gather [hbm4b:s4+s12], $0x40, s6, s12, $0xb8;
	[tilespmem:$0x1B280] =	vst v63  }
0x19b: {  	s13 =	sadd.s32 $0x268, s8  }
0x19c: {  	[tilespmem:s14], [sflag:$0x2] =	stream.indirect.gather [hbm4b:s4+s12], $0x40, s13, s12, $0xb8;
	[tilespmem:$0x1B280] =	vst v63  }
0x19d: {  	s6 =	sadd.s32 $0x2A0, s8  }
0x19e: {  	[tilespmem:s18], [sflag:$0x2] =	stream.indirect.gather [hbm4b:s4+s12], $0x40, s6, s12, $0xb8;
	[tilespmem:$0x1B280] =	vst v63  }
0x19f: {  	s13 =	sadd.s32 $0x2D8, s8  }
0x1a0: {  	[tilespmem:s22], [sflag:$0x2] =	stream.indirect.gather [hbm4b:s4+s12], $0x40, s13, s12, $0xb8;
	[tilespmem:$0x1B280] =	vst v63  }
0x1a1: {  	s6 =	sadd.s32 $0x310, s8  }
0x1a2: {  	[tilespmem:s26], [sflag:$0x2] =	stream.indirect.gather [hbm4b:s4+s12], $0x40, s6, s12, $0xb8;
	[tilespmem:$0x1B280] =	vst v63  }
0x1a3: {  	s13 =	sadd.s32 $0x348, s8  }
0x1a4: {  	[tilespmem:s31], [sflag:$0x2] =	stream.indirect.gather [hbm4b:s4+s12], $0x40, s13, s12, $0xb8;
	[tilespmem:$0x1B280] =	vst v63  }
0x1a5: {  	s6 =	sadd.s32 $0x380, s8  }
0x1a6: {  	[tilespmem:s11], [sflag:$0x2] =	stream.indirect.gather [hbm4b:s4+s12], $0x40, s6, s12, $0xb8;
	[tilespmem:$0x1B280] =	vst v63  }
0x1a7: {  	s13 =	sadd.s32 $0x3B8, s8  }
0x1a8: {  	[tilespmem:s20], [sflag:$0x2] =	stream.indirect.gather [hbm4b:s4+s12], $0x40, s13, s12, $0xb8;
	[tilespmem:$0x1B280] =	vst v63  }
0x1a9: {  	s6 =	sadd.s32 $0x3F0, s8  }
0x1aa: {  	[tilespmem:s29], [sflag:$0x2] =	stream.indirect.gather [hbm4b:s4+s12], $0x40, s6, s12, $0xb8;
	[tilespmem:$0x1B280] =	vst v63  }
0x1ab: {  	s13 =	sadd.s32 $0x428, s8;
	s6 =	smul.u32 $0x1C0, s3  }
0x1ac: {  	[tilespmem:s16], [sflag:$0x2] =	stream.indirect.gather [hbm4b:s4+s12], $0x40, s13, s12, $0xb8;
	[tilespmem:$0x1B280] =	vst v63  }
0x1ad: {  	s8 =	sshra.s32 s6, $0x2  }
0x1ae: {  	s13 =	simm.s32 $0x19980;
	s5 =	sadd.s32 $0x8C00, s8  }
0x1af: {  	[hbm4b:s2+s12] =	stream.indirect.scatter [tilespmem:s13], [sflag:$0x3], $0x40, s5, s12, $0xb8;
	[tilespmem:$0x1B280] =	vst v63  }
0x1b0: {  	_ =	swait.ge [sflag:s24], $0xC80  }
0x1b1: {  	[sflag:s24] =	ssyncset.done $0x0  }
0x1b2: {  	[sflag:s24] =	ssyncadd.s32 $0xFFFFF380  }
0x1b3: {  	_ =	swait.ge [sflag:s24], $0xC80  }
0x1b4: {  	[sflag:s24] =	ssyncset.done $0x0  }
0x1b5: {  	[sflag:s24] =	ssyncadd.s32 $0xFFFFF380  }
0x1b6: {  	_ =	swait.ge [sflag:s24], $0xC80  }
0x1b7: {  	[sflag:s24] =	ssyncset.done $0x0  }
0x1b8: {  	[sflag:s24] =	ssyncadd.s32 $0xFFFFF380  }
0x1b9: {  	_ =	swait.ge [sflag:s24], $0xC80  }
0x1ba: {  	[sflag:s24] =	ssyncset.done $0x0  }
0x1bb: {  	[sflag:s24] =	ssyncadd.s32 $0xFFFFF380  }
0x1bc: {  	_ =	swait.ge [sflag:s24], $0xC80  }
0x1bd: {  	[sflag:s24] =	ssyncset.done $0x0  }
0x1be: {  	[sflag:s24] =	ssyncadd.s32 $0xFFFFF380  }
0x1bf: {  	_ =	swait.ge [sflag:s24], $0xC80  }
0x1c0: {  	[sflag:s24] =	ssyncset.done $0x0  }
0x1c1: {  	[sflag:s24] =	ssyncadd.s32 $0xFFFFF380  }
0x1c2: {  	_ =	swait.ge [sflag:s24], $0xC80  }
0x1c3: {  	[sflag:s24] =	ssyncset.done $0x0  }
0x1c4: {  	[sflag:s24] =	ssyncadd.s32 $0xFFFFF380  }
0x1c5: {  	_ =	swait.ge [sflag:s24], $0xC80  }
0x1c6: {  	[sflag:s24] =	ssyncset.done $0x0  }
0x1c7: {  	[sflag:s24] =	ssyncadd.s32 $0xFFFFF380  }
0x1c8: {  	_ =	swait.ge [sflag:s24], $0xC80  }
0x1c9: {  	[sflag:s24] =	ssyncset.done $0x0  }
0x1ca: {  	[sflag:s24] =	ssyncadd.s32 $0xFFFFF380  }
0x1cb: {  	_ =	swait.ge [sflag:s24], $0xC80  }
0x1cc: {  	[sflag:s24] =	ssyncset.done $0x0  }
0x1cd: {  	s5 =	simm.s32 @!p0 $0x3;
	[sflag:s24] =	ssyncadd.s32 $0xFFFFF380  }
0x1ce: {  	_ =	swait.ge @!p0 [sflag:s5], $0xC80  }
0x1cf: {  	[sflag:s5] =	ssyncset.done @!p0 $0x0  }
0x1d0: {  	s8 =	simm.s32 $0x0;
	[sflag:s5] =	ssyncadd.s32 @!p0 $0xFFFFF380  }
0x1d1: {  	v0 =	vld [tilespmem:s8+$0xF730]  }
0x1d2: {  	v1 =	vld [tilespmem:s8+$0x9330]  }
0x1d3: {  	v2 =	vld [tilespmem:s8+$0x9FB0]  }
0x1d4: {  	v3 =	vld [tilespmem:s8+$0xAC30]  }
0x1d5: {  	v4 =	vld [tilespmem:s8+$0xB8B0]  }
0x1d6: {  	v5 =	vld [tilespmem:s8+$0xC530]  }
0x1d7: {  	v6 =	vld [tilespmem:s8+$0xD1B0]  }
0x1d8: {  	v7 =	vld [tilespmem:s8+$0xDE30]  }
0x1d9: {  	v8 =	vld [tilespmem:s8+$0xEAB0]  }
0x1da: {  	v9 =	vld [tilespmem:s8+$0x103B0]  }
0x1db: {  	v10 =	vld [tilespmem:s8+$0x9300]  }
0x1dc: {  	v11 =	vld [tilespmem:s8+$0x9F80]  }
0x1dd: {  	v45 =	vld [tilespmem:s8+$0x11030]  }
0x1de: {  	v46 =	vld [tilespmem:s8+$0xC510]  }
0x1df: {  	v47 =	vld [tilespmem:s8+$0xD190]  }
0x1e0: {  	v48 =	vld [tilespmem:s8+$0xDE10]  }
0x1e1: {  	v49 =	vld [tilespmem:s8+$0xEA90]  }
0x1e2: {  	v50 =	vld [tilespmem:s8+$0x9320]  }
0x1e3: {  	v51 =	vld [tilespmem:s8+$0x9FA0]  }
0x1e4: {  	v52 =	vld [tilespmem:s8+$0xAC20]  }
0x1e5: {  	v54 =	vld [tilespmem:s8+$0xC520]  }
0x1e6: {  	v55 =	vld [tilespmem:s8+$0xD1A0]  }
0x1e7: {  	v56 =	vld [tilespmem:s8+$0xDE20]  }
0x1e8: {  	v57 =	vld [tilespmem:s8+$0xEAA0]  }
0x1e9: {  	v58 =	vld [tilespmem:s8+$0xF700]  }
0x1ea: {  	v25 =	vld [tilespmem:s8+$0x10380]  }
0x1eb: {  	v1 =	vadd.f32 v2, v1;
	v2 =	vadd.f32 v4, v3;
	v3 =	vld [tilespmem:s8+$0xAC00]  }
0x1ec: {  	v4 =	vadd.f32 v6, v5;
	v6 =	vld [tilespmem:s8+$0xB880]  }
0x1ed: {  	v5 =	vadd.f32 v8, v7;
	v7 =	vld [tilespmem:s8+$0xC500]  }
0x1ee: {  	v0 =	vadd.f32 v9, v0;
	v8 =	vld [tilespmem:s8+$0x9310]  }
0x1ef: {  	v9 =	vld [tilespmem:s8+$0xAC10];
	v1 =	vadd.f32 v2, v1;
	v2 =	vadd.f32 v5, v4  }
0x1f0: {  	v5 =	vld [tilespmem:s8+$0xDE00]  }
0x1f1: {  	v0 =	vadd.f32 v45, v0;
	v1 =	vadd.f32 v2, v1;
	v2 =	vld [tilespmem:s8+$0xEA80]  }
0x1f2: {  	v4 =	vld [tilespmem:s8+$0xD180]  }
0x1f3: {  	v0 =	vadd.f32 v0, v1;
	v1 =	vld [tilespmem:s8+$0x9F90]  }
0x1f4: {  	v3 =	vadd.f32 v6, v3;
	v6 =	vld [tilespmem:s8+$0xF710]  }
0x1f5: {  	v10 =	vadd.f32 v11, v10;
	[tilespmem:s8+$0x1A630] =	vst v0;
	v0 =	vld [tilespmem:s8+$0xB890]  }
0x1f6: {  	v60 =	vadd.f32 v55, v54;
	v2 =	vadd.f32 v2, v5;
	v5 =	vld [tilespmem:s8+$0x10390]  }
0x1f7: {  	v53 =	vld [tilespmem:s8+$0xB8A0];
	v61 =	vadd.f32 v25, v58;
	v4 =	vadd.f32 v4, v7  }
0x1f8: {  	v11 =	vld [tilespmem:s8+$0x103A0];
	v63 =	vadd.f32 v57, v56;
	v1 =	vadd.f32 v1, v8  }
0x1f9: {  	v8 =	vadd.f32 v47, v46;
	v2 =	vadd.f32 v2, v4;
	v4 =	vld [tilespmem:s8+$0x11000]  }
0x1fa: {  	v7 =	vld [tilespmem:s8+$0xF720];
	v0 =	vadd.f32 v0, v9;
	v9 =	vadd.f32 v49, v48  }
0x1fb: {  	v3 =	vadd.f32 v3, v10;
	v10 =	vld [tilespmem:s8+$0x11020];
	v5 =	vadd.f32 v5, v6  }
0x1fc: {  	v0 =	vadd.f32 v0, v1;
	v1 =	vadd.f32 v9, v8;
	v8 =	vld [tilespmem:s8+$0x11010]  }
0x1fd: {  	s5 =	simm.s32 $0x40;
	v9 =	vadd.f32 v2, v3;
	v2 =	vadd.f32 v51, v50  }
0x1fe: {  	v3 =	vadd.f32 v53, v52;
	v6 =	vadd.f32 v4, v61;
	v4 =	vld [tilespmem:s5+$0xB8B0]  }
0x1ff: {  	v7 =	vadd.f32 v11, v7;
	v59 =	vadd.f32 v1, v0;
	v0 =	vld [tilespmem:s5+$0xF730]  }
0x200: {  	v13 =	vadd.f32 v63, v60;
	v1 =	vld [tilespmem:s5+$0x9330];
	v62 =	vadd.f32 v3, v2  }
0x201: {  	v10 =	vadd.f32 v10, v7;
	v2 =	vld [tilespmem:s5+$0x9FB0];
	v8 =	vadd.f32 v8, v5  }
0x202: {  	v3 =	vld [tilespmem:s5+$0xAC30];
	v9 =	vadd.f32 v6, v9;
	v11 =	vadd.f32 v13, v62  }
0x203: {  	v6 =	vld [tilespmem:s5+$0xD1B0];
	v12 =	vadd.f32 v8, v59  }
0x204: {  	v5 =	vld [tilespmem:s5+$0xC530];
	[tilespmem:s8+$0x1A600] =	vst v9;
	v8 =	vadd.f32 v10, v11  }
0x205: {  	s6 =	simm.s32 $0x200;
	v7 =	vld [tilespmem:s5+$0xDE30];
	[tilespmem:s8+$0x1A610] =	vst v12  }
.LBB2_7:
0x206: {  	p0 =	sne.s32 s6, $0x3100;
	v9 =	vld [tilespmem:s5+$0xEAB0];
	[tilespmem:s8+$0x1A620] =	vst v8;
	s8 =	smov.u32 s5  }
0x207: {  	v8 =	vld [tilespmem:s8+$0x103B0]  }
0x208: {  	v10 =	vld [tilespmem:s8+$0x9300]  }
0x209: {  	v11 =	vld [tilespmem:s8+$0x9F80]  }
0x20a: {  	v1 =	vadd.f32 v2, v1;
	v2 =	vadd.f32 v4, v3;
	v12 =	vld [tilespmem:s8+$0x11030]  }
0x20b: {  	v4 =	vadd.f32 v6, v5;
	v3 =	vld [tilespmem:s8+$0xAC00];
	v5 =	vadd.f32 v9, v7  }
0x20c: {  	v6 =	vld [tilespmem:s8+$0xB880];
	v0 =	vadd.f32 v8, v0  }
0x20d: {  	v1 =	vadd.f32 v2, v1;
	v7 =	vld [tilespmem:s8+$0xC500];
	v2 =	vadd.f32 v5, v4  }
0x20e: {  	v4 =	vld [tilespmem:s8+$0xD180];
	v5 =	vadd.f32 v11, v10  }
0x20f: {  	v8 =	vld [tilespmem:s8+$0xDE00];
	v0 =	vadd.f32 v12, v0;
	v1 =	vadd.f32 v2, v1  }
0x210: {  	v2 =	vld [tilespmem:s8+$0xEA80]  }
0x211: {  	v3 =	vadd.f32 v6, v3;
	v6 =	vld [tilespmem:s8+$0x9310];
	v0 =	vadd.f32 v0, v1  }
0x212: {  	v1 =	vld [tilespmem:s8+$0x9F90]  }
0x213: {  	v4 =	vadd.f32 v4, v7;
	v3 =	vadd.f32 v3, v5;
	v5 =	vld [tilespmem:s8+$0xAC10];
	[tilespmem:s8+$0x1A630] =	vst v0  }
0x214: {  	v0 =	vld [tilespmem:s8+$0xB890]  }
0x215: {  	v2 =	vadd.f32 v2, v8;
	v7 =	vld [tilespmem:s8+$0xC510]  }
0x216: {  	v8 =	vld [tilespmem:s8+$0xD190]  }
0x217: {  	v2 =	vadd.f32 v2, v4;
	v4 =	vld [tilespmem:s8+$0xDE10];
	v1 =	vadd.f32 v1, v6  }
0x218: {  	v6 =	vld [tilespmem:s8+$0xEA90]  }
0x219: {  	v9 =	vadd.f32 v2, v3;
	v0 =	vadd.f32 v0, v5;
	v2 =	vld [tilespmem:s8+$0x9320]  }
0x21a: {  	v3 =	vld [tilespmem:s8+$0x9FA0]  }
0x21b: {  	v5 =	vadd.f32 v8, v7;
	v0 =	vadd.f32 v0, v1;
	v1 =	vld [tilespmem:s8+$0xAC20]  }
0x21c: {  	v7 =	vld [tilespmem:s8+$0xB8A0]  }
0x21d: {  	v4 =	vadd.f32 v6, v4;
	v6 =	vld [tilespmem:s8+$0xC520]  }
0x21e: {  	v8 =	vld [tilespmem:s8+$0xD1A0]  }
0x21f: {  	v4 =	vadd.f32 v4, v5;
	v5 =	vld [tilespmem:s8+$0xDE20];
	v2 =	vadd.f32 v3, v2  }
0x220: {  	v3 =	vld [tilespmem:s8+$0xEAA0]  }
0x221: {  	v10 =	vld [tilespmem:s8+$0xF700];
	v11 =	vadd.f32 v4, v0;
	v0 =	vadd.f32 v7, v1  }
0x222: {  	v1 =	vld [tilespmem:s8+$0x10380]  }
0x223: {  	v4 =	vld [tilespmem:s8+$0xF710];
	v6 =	vadd.f32 v8, v6;
	v0 =	vadd.f32 v0, v2  }
0x224: {  	v2 =	vld [tilespmem:s8+$0x10390]  }
0x225: {  	v7 =	vld [tilespmem:s8+$0xF720];
	v3 =	vadd.f32 v3, v5  }
0x226: {  	v5 =	vld [tilespmem:s8+$0x103A0]  }
0x227: {  	v8 =	vld [tilespmem:s8+$0x11000];
	v10 =	vadd.f32 v1, v10;
	v1 =	vadd.f32 v3, v6  }
0x228: {  	v6 =	vld [tilespmem:s8+$0x11010]  }
0x229: {  	s5 =	sshra.s32 s6, $0x2;
	v4 =	vadd.f32 v2, v4;
	v12 =	vld [tilespmem:s8+$0x11020];
	v13 =	vadd.f32 v1, v0  }
0x22a: {  	v0 =	vld [tilespmem:s5+$0xF730]  }
0x22b: {  	v1 =	vld [tilespmem:s5+$0x9330];
	v5 =	vadd.f32 v5, v7  }
0x22c: {  	v2 =	vld [tilespmem:s5+$0x9FB0];
	v7 =	vadd.f32 v8, v10  }
.Ltmp4:
0x22d: {  	v3 =	vld [tilespmem:s5+$0xAC30];
	v6 =	vadd.f32 v6, v4;
	(pc) =	sbr.rel @p0 .LBB2_7-.Ltmp4, $4  }
0x22e: {  	v4 =	vld [tilespmem:s5+$0xB8B0];
	v7 =	vadd.f32 v7, v9;
	v8 =	vadd.f32 v12, v5  }
0x22f: {  	v5 =	vld [tilespmem:s5+$0xC530];
	v9 =	vadd.f32 v6, v11  }
0x230: {  	v6 =	vld [tilespmem:s5+$0xD1B0];
	[tilespmem:s8+$0x1A600] =	vst v7;
	v8 =	vadd.f32 v8, v13  }
0x231: {  	s6 =	sadd.s32 $0x100, s6;
	v7 =	vld [tilespmem:s5+$0xDE30];
	[tilespmem:s8+$0x1A610] =	vst v9  }
0x232: {  	v9 =	vld [tilespmem:s5+$0xEAB0];
	[tilespmem:s8+$0x1A620] =	vst v8  }
0x233: {  	v8 =	vld [tilespmem:s5+$0x103B0]  }
0x234: {  	v10 =	vld [tilespmem:s5+$0x9300]  }
0x235: {  	v11 =	vld [tilespmem:s5+$0x9F80]  }
0x236: {  	v12 =	vld [tilespmem:s5+$0x11030]  }
0x237: {  	v1 =	vadd.f32 v2, v1;
	v2 =	vadd.f32 v4, v3;
	v3 =	vld [tilespmem:s5+$0xAC00]  }
0x238: {  	v13 =	vld [tilespmem:s5+$0xD190]  }
0x239: {  	v14 =	vld [tilespmem:s5+$0xDE10]  }
0x23a: {  	v15 =	vld [tilespmem:s5+$0xEA90]  }
0x23b: {  	v16 =	vld [tilespmem:s5+$0x9320]  }
0x23c: {  	v17 =	vld [tilespmem:s5+$0x9FA0]  }
0x23d: {  	v18 =	vld [tilespmem:s5+$0xAC20]  }
0x23e: {  	v19 =	vld [tilespmem:s5+$0xB8A0]  }
0x23f: {  	v20 =	vld [tilespmem:s5+$0xC520]  }
0x240: {  	v21 =	vld [tilespmem:s5+$0xD1A0]  }
0x241: {  	v22 =	vld [tilespmem:s5+$0xDE20]  }
0x242: {  	v4 =	vadd.f32 v6, v5;
	v6 =	vld [tilespmem:s5+$0xB880]  }
0x243: {  	v5 =	vadd.f32 v9, v7;
	v7 =	vld [tilespmem:s5+$0xC500]  }
0x244: {  	v1 =	vadd.f32 v2, v1;
	v9 =	vld [tilespmem:s5+$0xAC10]  }
0x245: {  	v0 =	vadd.f32 v8, v0;
	v8 =	vld [tilespmem:s5+$0x9310];
	v2 =	vadd.f32 v5, v4  }
0x246: {  	v4 =	vld [tilespmem:s5+$0xD180]  }
0x247: {  	v5 =	vld [tilespmem:s5+$0xDE00];
	v0 =	vadd.f32 v12, v0;
	v1 =	vadd.f32 v2, v1  }
0x248: {  	v12 =	vld [tilespmem:s5+$0xC510]  }
0x249: {  	v2 =	vld [tilespmem:s5+$0xEA80];
	v0 =	vadd.f32 v0, v1  }
0x24a: {  	v1 =	vld [tilespmem:s5+$0x9F90]  }
0x24b: {  	[tilespmem:s5+$0x1A630] =	vst v0;
	v0 =	vld [tilespmem:s5+$0xB890]  }
0x24c: {  	v23 =	vld [tilespmem:s5+$0xEAA0]  }
0x24d: {  	v10 =	vadd.f32 v11, v10;
	v11 =	vld [tilespmem:s5+$0x10390];
	v3 =	vadd.f32 v6, v3  }
0x24e: {  	v6 =	vld [tilespmem:s5+$0xF700];
	v4 =	vadd.f32 v4, v7;
	v2 =	vadd.f32 v2, v5  }
0x24f: {  	v7 =	vld [tilespmem:s5+$0xF710];
	v1 =	vadd.f32 v1, v8;
	v8 =	vadd.f32 v13, v12  }
0x250: {  	v5 =	vld [tilespmem:s5+$0x10380];
	v0 =	vadd.f32 v0, v9;
	v9 =	vadd.f32 v15, v14  }
0x251: {  	v3 =	vadd.f32 v3, v10;
	v2 =	vadd.f32 v2, v4;
	v4 =	vld [tilespmem:s5+$0xF720]  }
0x252: {  	v0 =	vadd.f32 v0, v1;
	v1 =	vadd.f32 v9, v8;
	v8 =	vld [tilespmem:s5+$0x103A0]  }
0x253: {  	v2 =	vadd.f32 v2, v3;
	v3 =	vadd.f32 v17, v16;
	v9 =	vld [tilespmem:s5+$0x11000]  }
0x254: {  	v10 =	vld [tilespmem:s5+$0x11010];
	v0 =	vadd.f32 v1, v0;
	v1 =	vadd.f32 v19, v18  }
0x255: {  	v12 =	vadd.f32 v21, v20;
	v13 =	vadd.f32 v23, v22;
	v14 =	vld [tilespmem:s5+$0x11020]  }
0x256: {  	v1 =	vadd.f32 v1, v3;
	v3 =	vadd.f32 v5, v6  }
0x257: {  	v5 =	vadd.f32 v13, v12;
	v6 =	vadd.f32 v11, v7  }
0x258: {  	v4 =	vadd.f32 v8, v4;
	v3 =	vadd.f32 v9, v3  }
0x259: {  	v1 =	vadd.f32 v5, v1;
	v5 =	vadd.f32 v10, v6  }
0x25a: {  	v2 =	vadd.f32 v3, v2;
	v3 =	vadd.f32 v14, v4  }
0x25b: {  	s9 =	sadd.s32 $0x2, s9;
	p0 =	seq.s32 s3, $0xF;
	v0 =	vadd.f32 v5, v0  }
0x25c: {  	s6 =	smul.u32 @!p0 $0x1180, s9;
	[tilespmem:s5+$0x1A600] =	vst v2;
	v1 =	vadd.f32 v3, v1  }
0x25d: {  	[tilespmem:s5+$0x1A610] =	vst v0  }
0x25e: {  	s8 =	simm.s32 @!p0 $0x9F80;
	[tilespmem:s5+$0x1A620] =	vst v1;
	s5 =	sshra.s32 @!p0 s6, $0x2;
	s6 =	simm.s32 @!p0 $0x32  }
0x25f: {  	[tilespmem:s8], [sflag:$0x1] =	stream.indirect.gather @!p0 [hbm4b:s4+s6], $0x40, s5, s6, $0xb8;
	[tilespmem:$0x1B280] =	vst v63  }
0x260: {  	s13 =	simm.s32 @!p0 $0xAC00;
	s8 =	sadd.s32 @!p0 $0x38, s5  }
0x261: {  	[tilespmem:s13], [sflag:$0x1] =	stream.indirect.gather @!p0 [hbm4b:s4+s6], $0x40, s8, s6, $0xb8;
	[tilespmem:$0x1B280] =	vst v63  }
0x262: {  	s8 =	sadd.s32 @!p0 $0x70, s5;
	s13 =	simm.s32 @!p0 $0xB880  }
0x263: {  	[tilespmem:s13], [sflag:$0x1] =	stream.indirect.gather @!p0 [hbm4b:s4+s6], $0x40, s8, s6, $0xb8;
	[tilespmem:$0x1B280] =	vst v63  }
0x264: {  	s8 =	sadd.s32 @!p0 $0xA8, s5;
	s13 =	simm.s32 @!p0 $0xC500  }
0x265: {  	[tilespmem:s13], [sflag:$0x1] =	stream.indirect.gather @!p0 [hbm4b:s4+s6], $0x40, s8, s6, $0xb8;
	[tilespmem:$0x1B280] =	vst v63  }
0x266: {  	s8 =	sadd.s32 @!p0 $0xE0, s5;
	s13 =	simm.s32 @!p0 $0xD180  }
0x267: {  	[tilespmem:s13], [sflag:$0x1] =	stream.indirect.gather @!p0 [hbm4b:s4+s6], $0x40, s8, s6, $0xb8;
	[tilespmem:$0x1B280] =	vst v63  }
0x268: {  	s8 =	sadd.s32 @!p0 $0x118, s5;
	s13 =	simm.s32 @!p0 $0xDE00  }
0x269: {  	[tilespmem:s13], [sflag:$0x1] =	stream.indirect.gather @!p0 [hbm4b:s4+s6], $0x40, s8, s6, $0xb8;
	[tilespmem:$0x1B280] =	vst v63  }
0x26a: {  	s8 =	sadd.s32 @!p0 $0x150, s5;
	s13 =	simm.s32 @!p0 $0xEA80  }
0x26b: {  	[tilespmem:s13], [sflag:$0x1] =	stream.indirect.gather @!p0 [hbm4b:s4+s6], $0x40, s8, s6, $0xb8;
	[tilespmem:$0x1B280] =	vst v63  }
0x26c: {  	s8 =	sadd.s32 @!p0 $0x188, s5;
	s13 =	simm.s32 @!p0 $0xF700  }
0x26d: {  	[tilespmem:s13], [sflag:$0x1] =	stream.indirect.gather @!p0 [hbm4b:s4+s6], $0x40, s8, s6, $0xb8;
	[tilespmem:$0x1B280] =	vst v63  }
0x26e: {  	s8 =	sadd.s32 @!p0 $0x1C0, s5;
	s13 =	simm.s32 @!p0 $0x10380  }
0x26f: {  	[tilespmem:s13], [sflag:$0x1] =	stream.indirect.gather @!p0 [hbm4b:s4+s6], $0x40, s8, s6, $0xb8;
	[tilespmem:$0x1B280] =	vst v63  }
0x270: {  	s5 =	sadd.s32 @!p0 $0x1F8, s5;
	s8 =	simm.s32 @!p0 $0x11000  }
0x271: {  	[tilespmem:s8], [sflag:$0x1] =	stream.indirect.gather @!p0 [hbm4b:s4+s6], $0x40, s5, s6, $0xb8;
	[tilespmem:$0x1B280] =	vst v63  }
0x272: {  	_ =	swait.ge [sflag:s1], $0xC80  }
0x273: {  	[sflag:s1] =	ssyncset.done $0x0  }
0x274: {  	[sflag:s1] =	ssyncadd.s32 $0xFFFFF380  }
0x275: {  	_ =	swait.ge [sflag:s1], $0xC80  }
0x276: {  	[sflag:s1] =	ssyncset.done $0x0  }
0x277: {  	[sflag:s1] =	ssyncadd.s32 $0xFFFFF380  }
0x278: {  	_ =	swait.ge [sflag:s1], $0xC80  }
0x279: {  	[sflag:s1] =	ssyncset.done $0x0  }
0x27a: {  	[sflag:s1] =	ssyncadd.s32 $0xFFFFF380  }
0x27b: {  	_ =	swait.ge [sflag:s1], $0xC80  }
0x27c: {  	[sflag:s1] =	ssyncset.done $0x0  }
0x27d: {  	[sflag:s1] =	ssyncadd.s32 $0xFFFFF380  }
0x27e: {  	_ =	swait.ge [sflag:s1], $0xC80  }
0x27f: {  	[sflag:s1] =	ssyncset.done $0x0  }
0x280: {  	[sflag:s1] =	ssyncadd.s32 $0xFFFFF380  }
0x281: {  	_ =	swait.ge [sflag:s1], $0xC80  }
0x282: {  	[sflag:s1] =	ssyncset.done $0x0  }
0x283: {  	[sflag:s1] =	ssyncadd.s32 $0xFFFFF380  }
0x284: {  	_ =	swait.ge [sflag:s1], $0xC80  }
0x285: {  	[sflag:s1] =	ssyncset.done $0x0  }
0x286: {  	[sflag:s1] =	ssyncadd.s32 $0xFFFFF380  }
0x287: {  	_ =	swait.ge [sflag:s1], $0xC80  }
0x288: {  	[sflag:s1] =	ssyncset.done $0x0  }
0x289: {  	[sflag:s1] =	ssyncadd.s32 $0xFFFFF380  }
0x28a: {  	_ =	swait.ge [sflag:s1], $0xC80  }
0x28b: {  	[sflag:s1] =	ssyncset.done $0x0  }
0x28c: {  	[sflag:s1] =	ssyncadd.s32 $0xFFFFF380  }
0x28d: {  	_ =	swait.ge [sflag:s1], $0xC80  }
0x28e: {  	[sflag:s1] =	ssyncset.done $0x0  }
0x28f: {  	s8 =	simm.s32 $0x0;
	[sflag:s1] =	ssyncadd.s32 $0xFFFFF380  }
0x290: {  	v7 =	vld [tilespmem:s8+$0x18D00]  }
0x291: {  	v24 =	vld [tilespmem:s8+$0x18D10]  }
0x292: {  	v0 =	vld [tilespmem:s8+$0x18D20]  }
0x293: {  	v1 =	vld [tilespmem:s8+$0x18D30]  }
0x294: {  	v3 =	vld [tilespmem:s8+$0x17400]  }
0x295: {  	v4 =	vld [tilespmem:s8+$0x18080]  }
0x296: {  	v5 =	vld [tilespmem:s8+$0x17410]  }
0x297: {  	v6 =	vld [tilespmem:s8+$0x18090]  }
0x298: {  	v8 =	vld [tilespmem:s8+$0x17420]  }
0x299: {  	v9 =	vld [tilespmem:s8+$0x180A0]  }
0x29a: {  	v10 =	vld [tilespmem:s8+$0x17430]  }
0x29b: {  	v11 =	vld [tilespmem:s8+$0x180B0]  }
0x29c: {  	v2 =	vld [tilespmem:s8+$0x11C80]  }
0x29d: {  	v14 =	vld [tilespmem:s8+$0x12900]  }
0x29e: {  	v15 =	vld [tilespmem:s8+$0x13580]  }
0x29f: {  	v16 =	vld [tilespmem:s8+$0x14200]  }
0x2a0: {  	v17 =	vld [tilespmem:s8+$0x14E80]  }
0x2a1: {  	v18 =	vld [tilespmem:s8+$0x15B00]  }
0x2a2: {  	v19 =	vld [tilespmem:s8+$0x16780]  }
0x2a3: {  	v20 =	vld [tilespmem:s8+$0x12910]  }
0x2a4: {  	v21 =	vld [tilespmem:s8+$0x13590]  }
0x2a5: {  	v22 =	vld [tilespmem:s8+$0x14210]  }
0x2a6: {  	v23 =	vld [tilespmem:s8+$0x14E90]  }
0x2a7: {  	v25 =	vld [tilespmem:s8+$0x15B10]  }
0x2a8: {  	v26 =	vld [tilespmem:s8+$0x16790]  }
0x2a9: {  	v27 =	vld [tilespmem:s8+$0x12920]  }
0x2aa: {  	v28 =	vld [tilespmem:s8+$0x135A0]  }
0x2ab: {  	v29 =	vld [tilespmem:s8+$0x14220]  }
0x2ac: {  	v30 =	vld [tilespmem:s8+$0x14EA0]  }
0x2ad: {  	v31 =	vld [tilespmem:s8+$0x15B20]  }
0x2ae: {  	v32 =	vld [tilespmem:s8+$0x167A0]  }
0x2af: {  	v33 =	vld [tilespmem:s8+$0x12930]  }
0x2b0: {  	v34 =	vld [tilespmem:s8+$0x135B0]  }
0x2b1: {  	v35 =	vld [tilespmem:s8+$0x14230]  }
0x2b2: {  	v38 =	vld [tilespmem:s8+$0x14EB0];
	v36 =	vadd.f32 v4, v3;
	v37 =	vadd.f32 v6, v5  }
0x2b3: {  	v39 =	vld [tilespmem:s8+$0x15B30];
	v12 =	vadd.f32 v9, v8;
	v13 =	vadd.f32 v11, v10  }
0x2b4: {  	v3 =	vadd.f32 v15, v14;
	v14 =	vadd.f32 v17, v16;
	v11 =	vld [tilespmem:s8+$0x167B0]  }
0x2b5: {  	v15 =	vadd.f32 v19, v18;
	v8 =	vld [tilespmem:s8+$0x11C90];
	v4 =	vadd.f32 v21, v20  }
0x2b6: {  	v16 =	vadd.f32 v23, v22;
	v17 =	vadd.f32 v26, v25;
	v9 =	vld [tilespmem:s8+$0x11CA0]  }
0x2b7: {  	v5 =	vadd.f32 v28, v27;
	v18 =	vadd.f32 v30, v29;
	v10 =	vld [tilespmem:s8+$0x11CB0]  }
0x2b8: {  	v19 =	vld [tilespmem:s8+$0x1A600];
	v20 =	vadd.f32 v32, v31;
	v6 =	vadd.f32 v34, v33  }
0x2b9: {  	v21 =	vld [tilespmem:s8+$0x1A610];
	v22 =	vadd.f32 v38, v35;
	v23 =	vadd.f32 v11, v39  }
0x2ba: {  	s5 =	simm.s32 $0x100;
	v11 =	vadd.f32 v7, v36;
	v7 =	vadd.f32 v24, v37;
	v24 =	vld [tilespmem:s8+$0x1A620]  }
.LBB2_9:
0x2bb: {  	s6 =	sshra.s32 s5, $0x2;
	p1 =	sne.s32 s5, $0x3100;
	v12 =	vadd.f32 v0, v12;
	v25 =	vld [tilespmem:s8+$0x1A630];
	v13 =	vadd.f32 v1, v13  }
0x2bc: {  	v14 =	vadd.f32 v15, v14;
	v15 =	vadd.f32 v17, v16;
	v26 =	vld [tilespmem:s6+$0x18D00]  }
0x2bd: {  	v16 =	vadd.f32 v20, v18;
	v27 =	vld [tilespmem:s6+$0x18D10];
	v2 =	vadd.f32 v2, v19  }
0x2be: {  	v17 =	vadd.f32 v23, v22;
	v0 =	vld [tilespmem:s6+$0x18D20];
	v8 =	vadd.f32 v8, v21  }
0x2bf: {  	v1 =	vld [tilespmem:s6+$0x18D30];
	v2 =	vadd.f32 v3, v2;
	v3 =	vadd.f32 v9, v24  }
0x2c0: {  	v9 =	vld [tilespmem:s6+$0x17400];
	v4 =	vadd.f32 v4, v8;
	v8 =	vadd.f32 v10, v25  }
0x2c1: {  	v10 =	vld [tilespmem:s6+$0x18080];
	v2 =	vadd.f32 v14, v2;
	v3 =	vadd.f32 v5, v3  }
0x2c2: {  	v5 =	vld [tilespmem:s6+$0x17410];
	v4 =	vadd.f32 v15, v4;
	v6 =	vadd.f32 v6, v8  }
0x2c3: {  	v8 =	vld [tilespmem:s6+$0x18090];
	v2 =	vadd.f32 v11, v2;
	v3 =	vadd.f32 v16, v3  }
0x2c4: {  	v11 =	vld [tilespmem:s6+$0x17420];
	v4 =	vadd.f32 v7, v4;
	v6 =	vadd.f32 v17, v6  }
0x2c5: {  	v7 =	vld [tilespmem:s6+$0x180A0];
	[tilespmem:s8+$0x1A600] =	vst v2;
	v2 =	vadd.f32 v12, v3  }
0x2c6: {  	v3 =	vld [tilespmem:s6+$0x17430];
	[tilespmem:s8+$0x1A610] =	vst v4;
	v4 =	vadd.f32 v13, v6  }
0x2c7: {  	v6 =	vld [tilespmem:s6+$0x180B0];
	[tilespmem:s8+$0x1A620] =	vst v2  }
0x2c8: {  	v2 =	vld [tilespmem:s6+$0x11C80];
	[tilespmem:s8+$0x1A630] =	vst v4;
	s8 =	smov.u32 s6  }
0x2c9: {  	v4 =	vld [tilespmem:s8+$0x12900]  }
0x2ca: {  	v14 =	vld [tilespmem:s8+$0x13580]  }
0x2cb: {  	v15 =	vld [tilespmem:s8+$0x14200]  }
0x2cc: {  	v16 =	vld [tilespmem:s8+$0x14E80]  }
0x2cd: {  	v17 =	vld [tilespmem:s8+$0x15B00]  }
0x2ce: {  	v18 =	vld [tilespmem:s8+$0x16780]  }
0x2cf: {  	v19 =	vld [tilespmem:s8+$0x12910]  }
0x2d0: {  	v20 =	vld [tilespmem:s8+$0x13590]  }
0x2d1: {  	v21 =	vld [tilespmem:s8+$0x14210]  }
0x2d2: {  	v22 =	vld [tilespmem:s8+$0x14E90]  }
0x2d3: {  	v23 =	vld [tilespmem:s8+$0x15B10]  }
0x2d4: {  	v24 =	vld [tilespmem:s8+$0x16790]  }
0x2d5: {  	v25 =	vld [tilespmem:s8+$0x12920]  }
0x2d6: {  	v28 =	vld [tilespmem:s8+$0x135A0]  }
0x2d7: {  	v29 =	vld [tilespmem:s8+$0x14220]  }
0x2d8: {  	v30 =	vld [tilespmem:s8+$0x14EA0]  }
0x2d9: {  	v31 =	vld [tilespmem:s8+$0x15B20]  }
0x2da: {  	v32 =	vld [tilespmem:s8+$0x167A0]  }
0x2db: {  	v33 =	vld [tilespmem:s8+$0x12930]  }
0x2dc: {  	v34 =	vld [tilespmem:s8+$0x135B0]  }
0x2dd: {  	v35 =	vld [tilespmem:s8+$0x14230]  }
0x2de: {  	v36 =	vadd.f32 v10, v9;
	v37 =	vadd.f32 v8, v5;
	v38 =	vld [tilespmem:s8+$0x14EB0]  }
0x2df: {  	v12 =	vadd.f32 v7, v11;
	v13 =	vadd.f32 v6, v3;
	v7 =	vld [tilespmem:s8+$0x15B30]  }
0x2e0: {  	v3 =	vadd.f32 v14, v4;
	v14 =	vadd.f32 v16, v15;
	v11 =	vld [tilespmem:s8+$0x167B0]  }
0x2e1: {  	v15 =	vadd.f32 v18, v17;
	v4 =	vadd.f32 v20, v19;
	v8 =	vld [tilespmem:s8+$0x11C90]  }
.Ltmp5:
0x2e2: {  	v16 =	vadd.f32 v22, v21;
	v17 =	vadd.f32 v24, v23;
	v9 =	vld [tilespmem:s8+$0x11CA0];
	(pc) =	sbr.rel @p1 .LBB2_9-.Ltmp5, $4  }
0x2e3: {  	v5 =	vadd.f32 v28, v25;
	v18 =	vadd.f32 v30, v29;
	v10 =	vld [tilespmem:s8+$0x11CB0]  }
0x2e4: {  	v20 =	vadd.f32 v32, v31;
	v6 =	vadd.f32 v34, v33;
	v19 =	vld [tilespmem:s8+$0x1A600]  }
0x2e5: {  	v22 =	vadd.f32 v38, v35;
	v21 =	vld [tilespmem:s8+$0x1A610];
	v23 =	vadd.f32 v11, v7  }
0x2e6: {  	s5 =	sadd.s32 $0x100, s5;
	v11 =	vadd.f32 v26, v36;
	v7 =	vadd.f32 v27, v37;
	v24 =	vld [tilespmem:s8+$0x1A620]  }
0x2e7: {  	v0 =	vadd.f32 v0, v12;
	v56 =	vld [tilespmem:s8+$0x1A630];
	v1 =	vadd.f32 v1, v13  }
0x2e8: {  	v57 =	vadd.f32 v15, v14;
	v58 =	vadd.f32 v17, v16  }
0x2e9: {  	v59 =	vadd.f32 v20, v18;
	v2 =	vadd.f32 v2, v19  }
0x2ea: {  	v60 =	vadd.f32 v23, v22;
	v8 =	vadd.f32 v8, v21  }
0x2eb: {  	v2 =	vadd.f32 v3, v2;
	v61 =	vadd.f32 v9, v24  }
0x2ec: {  	v4 =	vadd.f32 v4, v8;
	v62 =	vadd.f32 v10, v56  }
0x2ed: {  	v2 =	vadd.f32 v57, v2;
	v3 =	vadd.f32 v5, v61  }
0x2ee: {  	v4 =	vadd.f32 v58, v4;
	v63 =	vadd.f32 v6, v62  }
0x2ef: {  	v2 =	vadd.f32 v11, v2;
	v3 =	vadd.f32 v59, v3  }
.Ltmp6:
0x2f0: {  	v4 =	vadd.f32 v7, v4;
	v5 =	vadd.f32 v60, v63;
	(pc) =	sbr.rel @p0 .LBB2_12-.Ltmp6, $4  }
0x2f1: {  	[tilespmem:s8+$0x1A600] =	vst v2;
	v0 =	vadd.f32 v0, v3  }
0x2f2: {  	s5 =	smul.u32 $0xE0, s7;
	[tilespmem:s8+$0x1A610] =	vst v4;
	v1 =	vadd.f32 v1, v5  }
0x2f3: {  	[tilespmem:s8+$0x1A620] =	vst v0  }
0x2f4: {  	s5 =	sshra.s32 s5, $0x2;
	[tilespmem:s8+$0x1A630] =	vst v1  }
0x2f5: {  	s6 =	smul.u32 $0x1180, s9;
	_ =	sdelay $0x1  }
0x2f6: {  	s6 =	sshra.s32 s6, $0x2  }
0x2f7: {  	s7 =	sadd.s32 $0x230, s6  }
0x2f8: {  	[tilespmem:s10], [sflag:$0x2] =	stream.indirect.gather [hbm4b:s4+s12], $0x40, s7, s12, $0xb8;
	[tilespmem:$0x1B280] =	vst v63  }
0x2f9: {  	s8 =	sadd.s32 $0x268, s6  }
0x2fa: {  	[tilespmem:s14], [sflag:$0x2] =	stream.indirect.gather [hbm4b:s4+s12], $0x40, s8, s12, $0xb8;
	[tilespmem:$0x1B280] =	vst v63  }
0x2fb: {  	s9 =	sadd.s32 $0x2A0, s6  }
0x2fc: {  	[tilespmem:s18], [sflag:$0x2] =	stream.indirect.gather [hbm4b:s4+s12], $0x40, s9, s12, $0xb8;
	[tilespmem:$0x1B280] =	vst v63  }
0x2fd: {  	s13 =	sadd.s32 $0x2D8, s6  }
0x2fe: {  	[tilespmem:s22], [sflag:$0x2] =	stream.indirect.gather [hbm4b:s4+s12], $0x40, s13, s12, $0xb8;
	[tilespmem:$0x1B280] =	vst v63  }
0x2ff: {  	s8 =	sadd.s32 $0x310, s6  }
0x300: {  	[tilespmem:s26], [sflag:$0x2] =	stream.indirect.gather [hbm4b:s4+s12], $0x40, s8, s12, $0xb8;
	[tilespmem:$0x1B280] =	vst v63  }
0x301: {  	s9 =	sadd.s32 $0x348, s6  }
0x302: {  	[tilespmem:s31], [sflag:$0x2] =	stream.indirect.gather [hbm4b:s4+s12], $0x40, s9, s12, $0xb8;
	[tilespmem:$0x1B280] =	vst v63  }
0x303: {  	s13 =	sadd.s32 $0x380, s6  }
0x304: {  	[tilespmem:s11], [sflag:$0x2] =	stream.indirect.gather [hbm4b:s4+s12], $0x40, s13, s12, $0xb8;
	[tilespmem:$0x1B280] =	vst v63  }
0x305: {  	s8 =	sadd.s32 $0x3B8, s6  }
0x306: {  	[tilespmem:s20], [sflag:$0x2] =	stream.indirect.gather [hbm4b:s4+s12], $0x40, s8, s12, $0xb8;
	[tilespmem:$0x1B280] =	vst v63  }
0x307: {  	s9 =	sadd.s32 $0x3F0, s6  }
0x308: {  	[tilespmem:s29], [sflag:$0x2] =	stream.indirect.gather [hbm4b:s4+s12], $0x40, s9, s12, $0xb8;
	[tilespmem:$0x1B280] =	vst v63  }
.Ltmp7:
0x309: {  	_ = 	snop;
	(pc) =	sbr.rel .LBB2_2-.Ltmp7, $4  }
0x30a: {  	s6 =	sadd.s32 $0x428, s6  }
0x30b: {  	[tilespmem:s16], [sflag:$0x2] =	stream.indirect.gather [hbm4b:s4+s12], $0x40, s6, s12, $0xb8;
	[tilespmem:$0x1B280] =	vst v63  }
0x30c: {  	s5 =	sadd.s32 $0x8C00, s5;
	s3 =	sadd.s32 $0x1, s3;
	s13 =	simm.s32 $0x1A600  }
0x30d: {  	[hbm4b:s2+s12] =	stream.indirect.scatter [tilespmem:s13], [sflag:$0x3], $0x40, s5, s12, $0xb8;
	[tilespmem:$0x1B280] =	vst v63  }
.LBB2_13:
0x30e: {  	_ =	sfence.sel $0x180000  }
0x30f: {  	[bflag:$0x0] =	sbarrier.arrive $0xFFFF  }
0x310: {  	_ =	strace $0x90000047  }
0x311: {  	s0 =	stileid.u32;
	[bflag:$0x2] =	sbarrier.arrive $0xFFFF  }
0x312: {  	p0 =	sne.s32 s0, $0x0;
	s0 =	rddreg [dreg:$0x2]  }
0x313: {  	s0 =	sadd.s32 @!p0 $0x100000, s0  }
0x314: {  	[sflag:s0] =	ssyncadd.tile.s32 @!p0 $0x1;
	_ =	shalt  }
.Lfunc_end2:
_tile_overlayer_lowered:
.L_overlay_start_2:
0x315: {  	(tag) =	ssettag $0x2  }
0x316: {  	s0 =	rddreg [dreg:$0x0];
	s2 =	stileid.u32  }
0x317: {  	s1 =	rddreg [dreg:$0x1];
	p0 =	sne.s32 s2, $0x0  }
0x318: {  	s3 =	rddreg [dreg:$0x2];
	[bflag:$0x3] =	sbarrier.arrive $0xFFFF;
	s2 =	simm.s32 @!p0 $0x1C04  }
0x319: {  	[timem:s3], [sflag:s2] =	dma.local @!p0 [hbm:s0], s1  }
0x31a: {  	s0 =	simm.s32 @!p0 $0x4  }
0x31b: {  	_ =	swait.ge @!p0 [sflag:s0], s1  }
0x31c: {  	s1 =	ssub.s32 @!p0 $0x0, s1;
	[sflag:s0] =	ssyncset.done @!p0 $0x0  }
0x31d: {  	[sflag:s0] =	ssyncadd.s32 @!p0 s1  }
0x31e: {  	[bflag:$0x3] =	sbarrier.arrive $0xFFFF  }
0x31f: {  	_ =	shalt  }

</sc_bundles>
